<compile_context>
chip_gen: v7x
topology: tpu7x:2x2x1
jax: 0.10.2.dev20260603
libtpu: 0.0.44.dev20260713+nightly
codegen_flags: <defaults>
</compile_context>

<pallas_src>
import functools
import jax
import jax.numpy as jnp
from jax import lax
from jax.experimental import pallas as pl
from jax.experimental.pallas import tpu as pltpu
from jax.experimental.pallas import tpu_sc as plsc

N = 10000
E = 160000
IN_CH = 256
HID_CH = 512
OUT_CH = 256

NC, NS = 2, 16
LANES = 128
NPAD = 10240
ROWS_PER_TILE = NPAD // NS
EPAD = 163840
EROWS = EPAD // 128
TROWS_ALL = EROWS // NS
TROWS_HALF = EROWS // (NS * NC)
DEGW = 128
NBUF = 2
RB = 1000
GIDX = 40

_mesh = plsc.VectorSubcoreMesh(core_axis_name="c", subcore_axis_name="s")
_f32 = jnp.float32



def _sc_degree(dst2, ones, zeros16):

    @functools.partial(
        pl.kernel,
        out_type=jax.ShapeDtypeStruct((NC, NPAD, DEGW), _f32),
        mesh=_mesh,
        scratch_types=[
            pltpu.VMEM((TROWS_HALF, 128), jnp.int32),
            pltpu.VMEM((128, DEGW), _f32),
            pltpu.VMEM_SHARED((NPAD, DEGW), _f32),
            pltpu.SemaphoreType.DMA,
        ],
    )
    def deg_kernel(dst_hbm, ones_hbm, zeros_hbm, out, idx_v, ones_v,
                   acc_sh, sem):
        c = lax.axis_index("c")
        s = lax.axis_index("s")
        pltpu.sync_copy(ones_hbm, ones_v)
        pltpu.sync_copy(zeros_hbm.at[pl.ds(s * ROWS_PER_TILE, ROWS_PER_TILE)],
                        acc_sh.at[pl.ds(s * ROWS_PER_TILE, ROWS_PER_TILE)])
        base = (c * NS + s) * TROWS_HALF
        pltpu.sync_copy(dst_hbm.at[pl.ds(base, TROWS_HALF)], idx_v)
        plsc.subcore_barrier()

        def step(j, carry):
            pltpu.sync_copy(ones_v, acc_sh.at[idx_v.at[j]], add=True)
            return carry
        lax.fori_loop(0, TROWS_HALF, step, 0)
        plsc.subcore_barrier()

        sl = pl.ds(s * ROWS_PER_TILE, ROWS_PER_TILE)
        pltpu.sync_copy(acc_sh.at[sl], out.at[c].at[sl])

    return deg_kernel(dst2, ones, zeros16)


def _sc_segsum(y_chunks, src2, dst2, zeros):
    nchunks = len(y_chunks)
    npc = nchunks // NC

    @functools.partial(
        pl.kernel,
        out_type=(jax.ShapeDtypeStruct((NPAD, LANES), _f32),) * nchunks,
        mesh=_mesh,
        scratch_types=[
            pltpu.VMEM((GIDX, 128), jnp.int32),
            pltpu.VMEM((GIDX, 128), jnp.int32),
        ] + [
            pltpu.VMEM((128, LANES), _f32)
            for _ in range(NBUF)
        ] + [
            pltpu.VMEM_SHARED((NPAD, LANES), _f32),
            pltpu.SemaphoreType.DMA,
        ],
    )
    def seg_kernel(*refs):
        y_refs = refs[:nchunks]
        src_hbm, dst_hbm, zeros_hbm = refs[nchunks:nchunks + 3]
        out_refs = refs[nchunks + 3:2 * nchunks + 3]
        rest = refs[2 * nchunks + 3:]
        src_v, dst_v = rest[0], rest[1]
        rows = rest[2:2 + NBUF]
        acc_sh, sem = rest[2 + NBUF], rest[3 + NBUF]

        c = lax.axis_index("c")
        s = lax.axis_index("s")
        sl = pl.ds(s * ROWS_PER_TILE, ROWS_PER_TILE)

        for k in range(npc):
            pltpu.sync_copy(zeros_hbm.at[sl], acc_sh.at[sl])
            plsc.subcore_barrier()

            for ci in range(NC):
                chunk = ci * npc + k
                y_ref = y_refs[chunk]

                @pl.when(c == ci)
                def _():
                    for st in range(TROWS_ALL // GIDX):
                        base = s * TROWS_ALL + st * GIDX
                        pltpu.sync_copy(src_hbm.at[pl.ds(base, GIDX)], src_v)
                        pltpu.sync_copy(dst_hbm.at[pl.ds(base, GIDX)], dst_v)
                        for b in range(NBUF):
                            pltpu.async_copy(y_ref.at[src_v.at[b]],
                                             rows[b], sem)

                        def grp(g, carry):
                            for b in range(NBUF):
                                j = g * NBUF + b
                                pltpu.make_async_copy(
                                    y_ref.at[src_v.at[j]], rows[b],
                                    sem).wait()
                                pltpu.sync_copy(rows[b],
                                                acc_sh.at[dst_v.at[j]],
                                                add=True)
                                pltpu.async_copy(
                                    y_ref.at[src_v.at[j + NBUF]],
                                    rows[b], sem)
                            return carry
                        lax.fori_loop(0, GIDX // NBUF - 1, grp, 0)

                        for b in range(NBUF):
                            j = GIDX - NBUF + b
                            pltpu.make_async_copy(
                                y_ref.at[src_v.at[j]], rows[b], sem).wait()
                            pltpu.sync_copy(rows[b],
                                            acc_sh.at[dst_v.at[j]], add=True)
            plsc.subcore_barrier()

            for ci in range(NC):
                chunk = ci * npc + k
                out_ref = out_refs[chunk]

                @pl.when(c == ci)
                def _():
                    pltpu.sync_copy(acc_sh.at[sl], out_ref.at[sl])
            if k + 1 < npc:
                plsc.subcore_barrier()

    return seg_kernel(*y_chunks, src2, dst2, zeros)



def _dinv_block(dp0_ref, dp1_ref):
    deg = dp0_ref[:, 0:1] + dp1_ref[:, 0:1] + 1.0
    return lax.rsqrt(deg)


def _scale_kernel(x_ref, dp0_ref, dp1_ref, y0_ref, y1_ref):
    dinv = _dinv_block(dp0_ref, dp1_ref)
    y0_ref[...] = dinv * x_ref[:, :LANES]
    y1_ref[...] = dinv * x_ref[:, LANES:]


def _tc_scale(x, dp0, dp1):
    return pl.pallas_call(
        _scale_kernel,
        grid=(N // RB,),
        in_specs=[
            pl.BlockSpec((RB, IN_CH), lambda i: (i, 0)),
            pl.BlockSpec((RB, DEGW), lambda i: (i, 0)),
            pl.BlockSpec((RB, DEGW), lambda i: (i, 0)),
        ],
        out_specs=[pl.BlockSpec((RB, LANES), lambda i: (i, 0))] * 2,
        out_shape=[jax.ShapeDtypeStruct((N, LANES), _f32)] * 2,
    )(x, dp0, dp1)


def _hidden_kernel(a0_ref, a1_ref, y0_ref, y1_ref, dp0_ref, dp1_ref,
                   w_ref, b_ref, *out_refs):
    dinv = _dinv_block(dp0_ref, dp1_ref)
    pre = jnp.concatenate(
        [dinv * (a0_ref[...] + y0_ref[...]),
         dinv * (a1_ref[...] + y1_ref[...])], axis=1)
    h = jnp.dot(pre, w_ref[...], preferred_element_type=_f32)
    h = jnp.maximum(h + b_ref[0:1, :], 0.0)
    for k, o_ref in enumerate(out_refs):
        o_ref[...] = dinv * h[:, k * LANES:(k + 1) * LANES]


def _tc_hidden(a0, a1, y0, y1, dp0, dp1, W1, b1):
    return pl.pallas_call(
        _hidden_kernel,
        grid=(N // RB,),
        in_specs=[
            pl.BlockSpec((RB, LANES), lambda i: (i, 0)),
            pl.BlockSpec((RB, LANES), lambda i: (i, 0)),
            pl.BlockSpec((RB, LANES), lambda i: (i, 0)),
            pl.BlockSpec((RB, LANES), lambda i: (i, 0)),
            pl.BlockSpec((RB, DEGW), lambda i: (i, 0)),
            pl.BlockSpec((RB, DEGW), lambda i: (i, 0)),
            pl.BlockSpec((IN_CH, HID_CH), lambda i: (0, 0)),
            pl.BlockSpec((8, HID_CH), lambda i: (0, 0)),
        ],
        out_specs=[pl.BlockSpec((RB, LANES), lambda i: (i, 0))] * 4,
        out_shape=[jax.ShapeDtypeStruct((N, LANES), _f32)] * 4,
    )(a0, a1, y0, y1, dp0, dp1, W1, b1)


def _head_kernel(a0, a1, a2, a3, y0, y1, y2, y3, dp0_ref, dp1_ref,
                 w_ref, b_ref, out_ref):
    dinv = _dinv_block(dp0_ref, dp1_ref)
    pre = jnp.concatenate(
        [dinv * (a0[...] + y0[...]), dinv * (a1[...] + y1[...]),
         dinv * (a2[...] + y2[...]), dinv * (a3[...] + y3[...])], axis=1)
    out = jnp.dot(pre, w_ref[...], preferred_element_type=_f32)
    out_ref[...] = out + b_ref[0:1, :]


def _tc_heads(aggs, ys, dp0, dp1, Wcat, bcat):
    return pl.pallas_call(
        _head_kernel,
        grid=(N // RB,),
        in_specs=(
            [pl.BlockSpec((RB, LANES), lambda i: (i, 0))] * 8
            + [pl.BlockSpec((RB, DEGW), lambda i: (i, 0))] * 2
            + [pl.BlockSpec((HID_CH, 2 * OUT_CH), lambda i: (0, 0)),
               pl.BlockSpec((8, 2 * OUT_CH), lambda i: (0, 0))]),
        out_specs=pl.BlockSpec((RB, 2 * OUT_CH), lambda i: (i, 0)),
        out_shape=jax.ShapeDtypeStruct((N, 2 * OUT_CH), _f32),
    )(*aggs, *ys, dp0, dp1, Wcat, bcat)



def kernel(x, edge_index, W1, b1, W_mu, b_mu, W_ls, b_ls):
    src = edge_index[0].astype(jnp.int32)
    dst = edge_index[1].astype(jnp.int32)
    pad = EPAD - E
    src2 = jnp.concatenate([src, jnp.zeros((pad,), jnp.int32)]).reshape(
        EROWS, 128)
    dst2 = jnp.concatenate([dst, jnp.full((pad,), N, jnp.int32)]).reshape(
        EROWS, 128)

    zeros = jnp.zeros((NPAD, LANES), _f32)
    ones = jnp.ones((128, DEGW), _f32)

    dp = _sc_degree(dst2, ones, zeros)
    dp0, dp1 = dp[0], dp[1]

    y1_0, y1_1 = _tc_scale(x, dp0, dp1)
    a1_0, a1_1 = _sc_segsum((y1_0, y1_1), src2, dst2, zeros)
    a1_0, a1_1 = a1_0[:N], a1_1[:N]

    y2 = _tc_hidden(a1_0, a1_1, y1_0, y1_1, dp0, dp1,
                    W1, jnp.broadcast_to(b1[None, :], (8, HID_CH)))
    a2 = _sc_segsum(tuple(y2), src2, dst2, zeros)
    a2 = tuple(a[:N] for a in a2)

    Wcat = jnp.concatenate([W_mu, W_ls], axis=1)
    bcat = jnp.broadcast_to(jnp.concatenate([b_mu, b_ls])[None, :],
                            (8, 2 * OUT_CH))
    out = _tc_heads(a2, y2, dp0, dp1, Wcat, bcat)
    return out[:, :OUT_CH], out[:, OUT_CH:]

# --- scband reference (transcript-rebuilt; emitter-appended) ---
"""Pipeline reference for scband-encoder-27049704030765 (READ-ONLY COPY).

The authoritative reference and input builder live on the scoring server;
editing this copy changes nothing except your own understanding.
"""

import jax, jax.numpy as jnp
import numpy as np

N_NODES = 10000
IN_CH = 256
HID_CH = 512
OUT_CH = 256
N_EDGES = 160000


def _gcn_conv(x, src, dst, W, b, n_nodes):
    # PyG GCNConv: out = D^{-1/2} (A + I) D^{-1/2} X W + b
    loop = jnp.arange(n_nodes, dtype=src.dtype)
    src_l = jnp.concatenate([src, loop])
    dst_l = jnp.concatenate([dst, loop])
    ones = jnp.ones(src_l.shape[0], dtype=x.dtype)
    deg = jnp.zeros((n_nodes,), dtype=x.dtype).at[dst_l].add(ones)
    dinv = jnp.where(deg > 0, jax.lax.rsqrt(deg), 0.0)
    norm = dinv[src_l] * dinv[dst_l]
    xw = x @ W
    msg = xw[src_l] * norm[:, None]
    out = jnp.zeros((n_nodes, W.shape[1]), dtype=x.dtype).at[dst_l].add(msg)
    return out + b


def setup_inputs(seed: int = 0) -> dict:
    key = jax.random.key(seed)
    ks = jax.random.split(key, 8)
    x = jax.random.normal(ks[0], (N_NODES, IN_CH), dtype=jnp.float32)
    edge_index = jax.random.randint(ks[1], (2, N_EDGES), 0, N_NODES, dtype=jnp.int64)
    s1 = 1.0 / np.sqrt(IN_CH)
    s2 = 1.0 / np.sqrt(HID_CH)
    W1 = jax.random.uniform(ks[2], (IN_CH, HID_CH), jnp.float32, -s1, s1)
    b1 = jnp.zeros((HID_CH,), jnp.float32)
    W_mu = jax.random.uniform(ks[3], (HID_CH, OUT_CH), jnp.float32, -s2, s2)
    b_mu = jnp.zeros((OUT_CH,), jnp.float32)
    W_ls = jax.random.uniform(ks[4], (HID_CH, OUT_CH), jnp.float32, -s2, s2)
    b_ls = jnp.zeros((OUT_CH,), jnp.float32)
    return {"x": x, "edge_index": edge_index, "W1": W1, "b1": b1,
            "W_mu": W_mu, "b_mu": b_mu, "W_ls": W_ls, "b_ls": b_ls}


def reference(x, edge_index, W1, b1, W_mu, b_mu, W_ls, b_ls):
    src, dst = edge_index[0], edge_index[1]
    h = _gcn_conv(x, src, dst, W1, b1, N_NODES)
    h = jax.nn.relu(h)
    mu = _gcn_conv(h, src, dst, W_mu, b_mu, N_NODES)
    logstd = _gcn_conv(h, src, dst, W_ls, b_ls, N_NODES)
    return (mu, logstd)

if __name__ == "__main__":
    import jax
    _d = setup_inputs()
    print(jax.jit(kernel)(*tuple(_d.values())))

</pallas_src>

<mosaic_0001>
#map = affine_map<(d0, d1) -> (0, 0)>
#map1 = affine_map<(d0, d1) -> (0, 0, 0)>
module attributes {stable_mosaic.version = 14 : i64} {
  func.func @deg_kernel(%arg0: i32, %arg1: i32, %arg2: memref<1280x128xi32, #tpu.memory_space<hbm>>, %arg3: memref<128x128xf32, #tpu.memory_space<hbm>>, %arg4: memref<10240x128xf32, #tpu.memory_space<hbm>>, %arg5: memref<2x10240x128xf32, #tpu.memory_space<hbm>>, %arg6: memref<40x128xi32, #tpu.memory_space<vmem>>, %arg7: memref<128x128xf32, #tpu.memory_space<vmem>>, %arg8: memref<10240x128xf32, #tpu.memory_space<vmem_shared>>, %arg9: memref<!tpu.dma_semaphore, #tpu.memory_space<semaphore_mem>>) attributes {dimension_semantics = [#tpu.dimension_semantics<core_parallel>, #tpu.dimension_semantics<subcore_parallel>], iteration_bounds = array<i64: 2, 16>, scalar_prefetch = 0 : i64, scratch_operands = 4 : i64, tpu.core_type = #tpu.core_type<sc_vector_subcore>, window_params = [{transform_indices = #map}, {transform_indices = #map}, {transform_indices = #map}, {transform_indices = #map1}]} {
    "tpu.region"() ({
      %run_scoped3A = tpu.sem_alloc : memref<!tpu.dma_semaphore, #tpu.memory_space<semaphore_mem>>
      tpu.enqueue_dma source(%arg3 : memref<128x128xf32, #tpu.memory_space<hbm>>) target(%arg7 : memref<128x128xf32, #tpu.memory_space<vmem>>) target_semaphore(%run_scoped3A : memref<!tpu.dma_semaphore, #tpu.memory_space<semaphore_mem>>)
      tpu.wait_dma2 semaphore(%run_scoped3A : memref<!tpu.dma_semaphore, #tpu.memory_space<semaphore_mem>>) src(%arg3 : memref<128x128xf32, #tpu.memory_space<hbm>>) dst(%arg7 : memref<128x128xf32, #tpu.memory_space<vmem>>)
      tpu.yield
    }) : () -> ()
    %mul3A = arith.constant 640 : i32
    %mul3A_0 = arith.muli %arg1, %mul3A : i32
    %mul3A_1 = arith.constant 640 : i32
    %mul3A_2 = arith.muli %arg1, %mul3A_1 : i32
    "tpu.region"() ({
      %run_scoped3A = tpu.sem_alloc : memref<!tpu.dma_semaphore, #tpu.memory_space<semaphore_mem>>
      %dma_start3A = arith.constant 0 : i32
      %dma_start3A_15 = tpu.memref_slice %arg8[%mul3A_2, %dma_start3A] : memref<10240x128xf32, #tpu.memory_space<vmem_shared>> -> memref<640x128xf32, #tpu.memory_space<vmem_shared>>
      %dma_start3A_16 = arith.constant 0 : i32
      %dma_start3A_17 = tpu.memref_slice %arg4[%mul3A_0, %dma_start3A_16] : memref<10240x128xf32, #tpu.memory_space<hbm>> -> memref<640x128xf32, #tpu.memory_space<hbm>>
      tpu.enqueue_dma source(%dma_start3A_17 : memref<640x128xf32, #tpu.memory_space<hbm>>) target(%dma_start3A_15 : memref<640x128xf32, #tpu.memory_space<vmem_shared>>) target_semaphore(%run_scoped3A : memref<!tpu.dma_semaphore, #tpu.memory_space<semaphore_mem>>)
      %dma_wait3A = arith.constant 0 : i32
      %dma_wait3A_18 = tpu.memref_slice %arg8[%mul3A_2, %dma_wait3A] : memref<10240x128xf32, #tpu.memory_space<vmem_shared>> -> memref<640x128xf32, #tpu.memory_space<vmem_shared>>
      %dma_wait3A_19 = arith.constant 0 : i32
      %dma_wait3A_20 = tpu.memref_slice %arg4[%mul3A_0, %dma_wait3A_19] : memref<10240x128xf32, #tpu.memory_space<hbm>> -> memref<640x128xf32, #tpu.memory_space<hbm>>
      tpu.wait_dma2 semaphore(%run_scoped3A : memref<!tpu.dma_semaphore, #tpu.memory_space<semaphore_mem>>) src(%dma_wait3A_20 : memref<640x128xf32, #tpu.memory_space<hbm>>) dst(%dma_wait3A_18 : memref<640x128xf32, #tpu.memory_space<vmem_shared>>)
      tpu.yield
    }) : () -> ()
    %mul3A_3 = arith.constant 16 : i32
    %mul3A_4 = arith.muli %arg0, %mul3A_3 : i32
    %add3A = arith.addi %mul3A_4, %arg1 : i32
    %mul3A_5 = arith.constant 40 : i32
    %mul3A_6 = arith.muli %add3A, %mul3A_5 : i32
    "tpu.region"() ({
      %run_scoped3A = tpu.sem_alloc : memref<!tpu.dma_semaphore, #tpu.memory_space<semaphore_mem>>
      %dma_start3A = arith.constant 0 : i32
      %dma_start3A_15 = tpu.memref_slice %arg2[%mul3A_6, %dma_start3A] : memref<1280x128xi32, #tpu.memory_space<hbm>> -> memref<40x128xi32, #tpu.memory_space<hbm>>
      %dma_start3A_16 = arith.constant 0 : i32
      %dma_start3A_17 = tpu.memref_slice %arg2[%mul3A_6, %dma_start3A_16] : memref<1280x128xi32, #tpu.memory_space<hbm>> -> memref<40x128xi32, #tpu.memory_space<hbm>>
      tpu.enqueue_dma source(%dma_start3A_17 : memref<40x128xi32, #tpu.memory_space<hbm>>) target(%arg6 : memref<40x128xi32, #tpu.memory_space<vmem>>) target_semaphore(%run_scoped3A : memref<!tpu.dma_semaphore, #tpu.memory_space<semaphore_mem>>)
      %dma_wait3A = arith.constant 0 : i32
      %dma_wait3A_18 = tpu.memref_slice %arg2[%mul3A_6, %dma_wait3A] : memref<1280x128xi32, #tpu.memory_space<hbm>> -> memref<40x128xi32, #tpu.memory_space<hbm>>
      %dma_wait3A_19 = arith.constant 0 : i32
      %dma_wait3A_20 = tpu.memref_slice %arg2[%mul3A_6, %dma_wait3A_19] : memref<1280x128xi32, #tpu.memory_space<hbm>> -> memref<40x128xi32, #tpu.memory_space<hbm>>
      tpu.wait_dma2 semaphore(%run_scoped3A : memref<!tpu.dma_semaphore, #tpu.memory_space<semaphore_mem>>) src(%dma_wait3A_20 : memref<40x128xi32, #tpu.memory_space<hbm>>) dst(%arg6 : memref<40x128xi32, #tpu.memory_space<vmem>>)
      tpu.yield
    }) : () -> ()
    %barrier3A = arith.constant 0 : index
    tpu.barrier barrier_id(%barrier3A)
    %scan3A = arith.constant 0 : i32
    %scan3A_7 = arith.constant 0 : i32
    %scan3A_8 = arith.constant 40 : i32
    %scan3A_9 = arith.addi %scan3A_7, %scan3A_8 : i32
    %scan3A_10 = arith.constant 1 : i32
    scf.for %scan3A_15 = %scan3A_7 to %scan3A_9 step %scan3A_10  : i32 {
      "tpu.region"() ({
        %run_scoped3A = tpu.sem_alloc : memref<!tpu.dma_semaphore, #tpu.memory_space<semaphore_mem>>
        %dma_start3A = arith.constant 0 : i32
        %dma_start3A_16 = tpu.memref_slice %arg6[%scan3A_15, %dma_start3A] : memref<40x128xi32, #tpu.memory_space<vmem>> -> memref<1x128xi32, #tpu.memory_space<vmem>>
        %dma_start3A_17 = tpu.memref_squeeze %dma_start3A_16 : memref<1x128xi32, #tpu.memory_space<vmem>> -> memref<128xi32, #tpu.memory_space<vmem>>
        %dma_start3A_18 = arith.constant 0 : i32
        %dma_start3A_19 = arith.constant 0 : i32
        %dma_start3A_20 = tpu.memref_slice %arg8[%dma_start3A_18, %dma_start3A_19] : memref<10240x128xf32, #tpu.memory_space<vmem_shared>> -> memref<10240x128xf32, #tpu.memory_space<vmem_shared>>
        tpu.enqueue_indirect_dma source(%arg7 : memref<128x128xf32, #tpu.memory_space<vmem>>) target(%dma_start3A_20 : memref<10240x128xf32, #tpu.memory_space<vmem_shared>>) offsets(%dma_start3A_17 : memref<128xi32, #tpu.memory_space<vmem>>) semaphore(%run_scoped3A : memref<!tpu.dma_semaphore, #tpu.memory_space<semaphore_mem>>) {add = true}
        %dma_wait3A = arith.constant 0 : i32
        %dma_wait3A_21 = tpu.memref_slice %arg6[%scan3A_15, %dma_wait3A] : memref<40x128xi32, #tpu.memory_space<vmem>> -> memref<1x128xi32, #tpu.memory_space<vmem>>
        %dma_wait3A_22 = tpu.memref_squeeze %dma_wait3A_21 : memref<1x128xi32, #tpu.memory_space<vmem>> -> memref<128xi32, #tpu.memory_space<vmem>>
        %dma_wait3A_23 = arith.constant 0 : i32
        %dma_wait3A_24 = arith.constant 0 : i32
        %dma_wait3A_25 = tpu.memref_slice %arg8[%dma_wait3A_23, %dma_wait3A_24] : memref<10240x128xf32, #tpu.memory_space<vmem_shared>> -> memref<10240x128xf32, #tpu.memory_space<vmem_shared>>
        tpu.wait_indirect_dma semaphore(%run_scoped3A : memref<!tpu.dma_semaphore, #tpu.memory_space<semaphore_mem>>) src(%arg7 : memref<128x128xf32, #tpu.memory_space<vmem>>) dst(%dma_wait3A_25 : memref<10240x128xf32, #tpu.memory_space<vmem_shared>>)
        tpu.yield
      }) : () -> ()
    }
    %scan3A_11 = arith.constant 40 : i32
    %barrier3A_12 = arith.constant 0 : index
    tpu.barrier barrier_id(%barrier3A_12)
    %mul3A_13 = arith.constant 640 : i32
    %mul3A_14 = arith.muli %arg1, %mul3A_13 : i32
    "tpu.region"() ({
      %run_scoped3A = tpu.sem_alloc : memref<!tpu.dma_semaphore, #tpu.memory_space<semaphore_mem>>
      %dma_start3A = arith.constant 0 : i32
      %dma_start3A_15 = arith.constant 0 : i32
      %dma_start3A_16 = tpu.memref_slice %arg5[%arg0, %dma_start3A, %dma_start3A_15] : memref<2x10240x128xf32, #tpu.memory_space<hbm>> -> memref<1x10240x128xf32, #tpu.memory_space<hbm>>
      %dma_start3A_17 = tpu.memref_squeeze %dma_start3A_16 : memref<1x10240x128xf32, #tpu.memory_space<hbm>> -> memref<10240x128xf32, #tpu.memory_space<hbm>>
      %dma_start3A_18 = arith.constant 0 : i32
      %dma_start3A_19 = tpu.memref_slice %dma_start3A_17[%mul3A_14, %dma_start3A_18] : memref<10240x128xf32, #tpu.memory_space<hbm>> -> memref<640x128xf32, #tpu.memory_space<hbm>>
      %dma_start3A_20 = arith.constant 0 : i32
      %dma_start3A_21 = tpu.memref_slice %arg8[%mul3A_14, %dma_start3A_20] : memref<10240x128xf32, #tpu.memory_space<vmem_shared>> -> memref<640x128xf32, #tpu.memory_space<vmem_shared>>
      tpu.enqueue_dma source(%dma_start3A_21 : memref<640x128xf32, #tpu.memory_space<vmem_shared>>) target(%dma_start3A_19 : memref<640x128xf32, #tpu.memory_space<hbm>>) target_semaphore(%run_scoped3A : memref<!tpu.dma_semaphore, #tpu.memory_space<semaphore_mem>>)
      %dma_wait3A = arith.constant 0 : i32
      %dma_wait3A_22 = arith.constant 0 : i32
      %dma_wait3A_23 = tpu.memref_slice %arg5[%arg0, %dma_wait3A, %dma_wait3A_22] : memref<2x10240x128xf32, #tpu.memory_space<hbm>> -> memref<1x10240x128xf32, #tpu.memory_space<hbm>>
      %dma_wait3A_24 = tpu.memref_squeeze %dma_wait3A_23 : memref<1x10240x128xf32, #tpu.memory_space<hbm>> -> memref<10240x128xf32, #tpu.memory_space<hbm>>
      %dma_wait3A_25 = arith.constant 0 : i32
      %dma_wait3A_26 = tpu.memref_slice %dma_wait3A_24[%mul3A_14, %dma_wait3A_25] : memref<10240x128xf32, #tpu.memory_space<hbm>> -> memref<640x128xf32, #tpu.memory_space<hbm>>
      %dma_wait3A_27 = arith.constant 0 : i32
      %dma_wait3A_28 = tpu.memref_slice %arg8[%mul3A_14, %dma_wait3A_27] : memref<10240x128xf32, #tpu.memory_space<vmem_shared>> -> memref<640x128xf32, #tpu.memory_space<vmem_shared>>
      tpu.wait_dma2 semaphore(%run_scoped3A : memref<!tpu.dma_semaphore, #tpu.memory_space<semaphore_mem>>) src(%dma_wait3A_28 : memref<640x128xf32, #tpu.memory_space<vmem_shared>>) dst(%dma_wait3A_26 : memref<640x128xf32, #tpu.memory_space<hbm>>)
      tpu.yield
    }) : () -> ()
    return
  }
}

#map = affine_map<(d0, d1) -> (0, 0)>
module attributes {stable_mosaic.version = 14 : i64} {
  func.func @seg_kernel(%arg0: i32, %arg1: i32, %arg2: memref<10000x128xf32, #tpu.memory_space<hbm>>, %arg3: memref<10000x128xf32, #tpu.memory_space<hbm>>, %arg4: memref<1280x128xi32, #tpu.memory_space<hbm>>, %arg5: memref<1280x128xi32, #tpu.memory_space<hbm>>, %arg6: memref<10240x128xf32, #tpu.memory_space<hbm>>, %arg7: memref<10240x128xf32, #tpu.memory_space<hbm>>, %arg8: memref<10240x128xf32, #tpu.memory_space<hbm>>, %arg9: memref<40x128xi32, #tpu.memory_space<vmem>>, %arg10: memref<40x128xi32, #tpu.memory_space<vmem>>, %arg11: memref<128x128xf32, #tpu.memory_space<vmem>>, %arg12: memref<128x128xf32, #tpu.memory_space<vmem>>, %arg13: memref<10240x128xf32, #tpu.memory_space<vmem_shared>>, %arg14: memref<!tpu.dma_semaphore, #tpu.memory_space<semaphore_mem>>) attributes {dimension_semantics = [#tpu.dimension_semantics<core_parallel>, #tpu.dimension_semantics<subcore_parallel>], iteration_bounds = array<i64: 2, 16>, scalar_prefetch = 0 : i64, scratch_operands = 6 : i64, tpu.core_type = #tpu.core_type<sc_vector_subcore>, window_params = [{transform_indices = #map}, {transform_indices = #map}, {transform_indices = #map}, {transform_indices = #map}, {transform_indices = #map}, {transform_indices = #map}, {transform_indices = #map}]} {
    %mul3A = arith.constant 640 : i32
    %mul3A_0 = arith.muli %arg1, %mul3A : i32
    "tpu.region"() ({
      %run_scoped3A = tpu.sem_alloc : memref<!tpu.dma_semaphore, #tpu.memory_space<semaphore_mem>>
      %dma_start3A = arith.constant 0 : i32
      %dma_start3A_19 = tpu.memref_slice %arg13[%mul3A_0, %dma_start3A] : memref<10240x128xf32, #tpu.memory_space<vmem_shared>> -> memref<640x128xf32, #tpu.memory_space<vmem_shared>>
      %dma_start3A_20 = arith.constant 0 : i32
      %dma_start3A_21 = tpu.memref_slice %arg6[%mul3A_0, %dma_start3A_20] : memref<10240x128xf32, #tpu.memory_space<hbm>> -> memref<640x128xf32, #tpu.memory_space<hbm>>
      tpu.enqueue_dma source(%dma_start3A_21 : memref<640x128xf32, #tpu.memory_space<hbm>>) target(%dma_start3A_19 : memref<640x128xf32, #tpu.memory_space<vmem_shared>>) target_semaphore(%run_scoped3A : memref<!tpu.dma_semaphore, #tpu.memory_space<semaphore_mem>>)
      %dma_wait3A = arith.constant 0 : i32
      %dma_wait3A_22 = tpu.memref_slice %arg13[%mul3A_0, %dma_wait3A] : memref<10240x128xf32, #tpu.memory_space<vmem_shared>> -> memref<640x128xf32, #tpu.memory_space<vmem_shared>>
      %dma_wait3A_23 = arith.constant 0 : i32
      %dma_wait3A_24 = tpu.memref_slice %arg6[%mul3A_0, %dma_wait3A_23] : memref<10240x128xf32, #tpu.memory_space<hbm>> -> memref<640x128xf32, #tpu.memory_space<hbm>>
      tpu.wait_dma2 semaphore(%run_scoped3A : memref<!tpu.dma_semaphore, #tpu.memory_space<semaphore_mem>>) src(%dma_wait3A_24 : memref<640x128xf32, #tpu.memory_space<hbm>>) dst(%dma_wait3A_22 : memref<640x128xf32, #tpu.memory_space<vmem_shared>>)
      tpu.yield
    }) : () -> ()
    %barrier3A = arith.constant 0 : index
    tpu.barrier barrier_id(%barrier3A)
    %eq3A = arith.constant 0 : i32
    %eq3A_1 = arith.cmpi eq, %arg0, %eq3A : i32
    %convert_element_type3A = arith.extui %eq3A_1 : i1 to i32
    %cond3A = arith.constant 0 : i32
    %cond3A_2 = arith.cmpi ne, %convert_element_type3A, %cond3A : i32
    scf.if %cond3A_2 {
      %mul3A_19 = arith.constant 80 : i32
      %mul3A_20 = arith.muli %arg1, %mul3A_19 : i32
      %add3A = arith.constant 0 : i32
      %add3A_21 = arith.addi %mul3A_20, %add3A : i32
      "tpu.region"() ({
        %run_scoped3A_94 = tpu.sem_alloc : memref<!tpu.dma_semaphore, #tpu.memory_space<semaphore_mem>>
        %dma_start3A_95 = arith.constant 0 : i32
        %dma_start3A_96 = tpu.memref_slice %arg4[%add3A_21, %dma_start3A_95] : memref<1280x128xi32, #tpu.memory_space<hbm>> -> memref<40x128xi32, #tpu.memory_space<hbm>>
        %dma_start3A_97 = arith.constant 0 : i32
        %dma_start3A_98 = tpu.memref_slice %arg4[%add3A_21, %dma_start3A_97] : memref<1280x128xi32, #tpu.memory_space<hbm>> -> memref<40x128xi32, #tpu.memory_space<hbm>>
        tpu.enqueue_dma source(%dma_start3A_98 : memref<40x128xi32, #tpu.memory_space<hbm>>) target(%arg9 : memref<40x128xi32, #tpu.memory_space<vmem>>) target_semaphore(%run_scoped3A_94 : memref<!tpu.dma_semaphore, #tpu.memory_space<semaphore_mem>>)
        %dma_wait3A_99 = arith.constant 0 : i32
        %dma_wait3A_100 = tpu.memref_slice %arg4[%add3A_21, %dma_wait3A_99] : memref<1280x128xi32, #tpu.memory_space<hbm>> -> memref<40x128xi32, #tpu.memory_space<hbm>>
        %dma_wait3A_101 = arith.constant 0 : i32
        %dma_wait3A_102 = tpu.memref_slice %arg4[%add3A_21, %dma_wait3A_101] : memref<1280x128xi32, #tpu.memory_space<hbm>> -> memref<40x128xi32, #tpu.memory_space<hbm>>
        tpu.wait_dma2 semaphore(%run_scoped3A_94 : memref<!tpu.dma_semaphore, #tpu.memory_space<semaphore_mem>>) src(%dma_wait3A_102 : memref<40x128xi32, #tpu.memory_space<hbm>>) dst(%arg9 : memref<40x128xi32, #tpu.memory_space<vmem>>)
        tpu.yield
      }) : () -> ()
      "tpu.region"() ({
        %run_scoped3A_94 = tpu.sem_alloc : memref<!tpu.dma_semaphore, #tpu.memory_space<semaphore_mem>>
        %dma_start3A_95 = arith.constant 0 : i32
        %dma_start3A_96 = tpu.memref_slice %arg5[%add3A_21, %dma_start3A_95] : memref<1280x128xi32, #tpu.memory_space<hbm>> -> memref<40x128xi32, #tpu.memory_space<hbm>>
        %dma_start3A_97 = arith.constant 0 : i32
        %dma_start3A_98 = tpu.memref_slice %arg5[%add3A_21, %dma_start3A_97] : memref<1280x128xi32, #tpu.memory_space<hbm>> -> memref<40x128xi32, #tpu.memory_space<hbm>>
        tpu.enqueue_dma source(%dma_start3A_98 : memref<40x128xi32, #tpu.memory_space<hbm>>) target(%arg10 : memref<40x128xi32, #tpu.memory_space<vmem>>) target_semaphore(%run_scoped3A_94 : memref<!tpu.dma_semaphore, #tpu.memory_space<semaphore_mem>>)
        %dma_wait3A_99 = arith.constant 0 : i32
        %dma_wait3A_100 = tpu.memref_slice %arg5[%add3A_21, %dma_wait3A_99] : memref<1280x128xi32, #tpu.memory_space<hbm>> -> memref<40x128xi32, #tpu.memory_space<hbm>>
        %dma_wait3A_101 = arith.constant 0 : i32
        %dma_wait3A_102 = tpu.memref_slice %arg5[%add3A_21, %dma_wait3A_101] : memref<1280x128xi32, #tpu.memory_space<hbm>> -> memref<40x128xi32, #tpu.memory_space<hbm>>
        tpu.wait_dma2 semaphore(%run_scoped3A_94 : memref<!tpu.dma_semaphore, #tpu.memory_space<semaphore_mem>>) src(%dma_wait3A_102 : memref<40x128xi32, #tpu.memory_space<hbm>>) dst(%arg10 : memref<40x128xi32, #tpu.memory_space<vmem>>)
        tpu.yield
      }) : () -> ()
      %dma_start3A = arith.constant 0 : i32
      %dma_start3A_22 = arith.constant 0 : i32
      %dma_start3A_23 = tpu.memref_slice %arg9[%dma_start3A, %dma_start3A_22] : memref<40x128xi32, #tpu.memory_space<vmem>> -> memref<1x128xi32, #tpu.memory_space<vmem>>
      %dma_start3A_24 = tpu.memref_squeeze %dma_start3A_23 : memref<1x128xi32, #tpu.memory_space<vmem>> -> memref<128xi32, #tpu.memory_space<vmem>>
      %dma_start3A_25 = arith.constant 0 : i32
      %dma_start3A_26 = arith.constant 0 : i32
      %dma_start3A_27 = tpu.memref_slice %arg2[%dma_start3A_25, %dma_start3A_26] : memref<10000x128xf32, #tpu.memory_space<hbm>> -> memref<10000x128xf32, #tpu.memory_space<hbm>>
      tpu.enqueue_indirect_dma source(%dma_start3A_27 : memref<10000x128xf32, #tpu.memory_space<hbm>>) target(%arg11 : memref<128x128xf32, #tpu.memory_space<vmem>>) offsets(%dma_start3A_24 : memref<128xi32, #tpu.memory_space<vmem>>) semaphore(%arg14 : memref<!tpu.dma_semaphore, #tpu.memory_space<semaphore_mem>>)
      %dma_start3A_28 = arith.constant 1 : i32
      %dma_start3A_29 = arith.constant 0 : i32
      %dma_start3A_30 = tpu.memref_slice %arg9[%dma_start3A_28, %dma_start3A_29] : memref<40x128xi32, #tpu.memory_space<vmem>> -> memref<1x128xi32, #tpu.memory_space<vmem>>
      %dma_start3A_31 = tpu.memref_squeeze %dma_start3A_30 : memref<1x128xi32, #tpu.memory_space<vmem>> -> memref<128xi32, #tpu.memory_space<vmem>>
      %dma_start3A_32 = arith.constant 0 : i32
      %dma_start3A_33 = arith.constant 0 : i32
      %dma_start3A_34 = tpu.memref_slice %arg2[%dma_start3A_32, %dma_start3A_33] : memref<10000x128xf32, #tpu.memory_space<hbm>> -> memref<10000x128xf32, #tpu.memory_space<hbm>>
      tpu.enqueue_indirect_dma source(%dma_start3A_34 : memref<10000x128xf32, #tpu.memory_space<hbm>>) target(%arg12 : memref<128x128xf32, #tpu.memory_space<vmem>>) offsets(%dma_start3A_31 : memref<128xi32, #tpu.memory_space<vmem>>) semaphore(%arg14 : memref<!tpu.dma_semaphore, #tpu.memory_space<semaphore_mem>>)
      %scan3A = arith.constant 0 : i32
      %scan3A_35 = arith.constant 0 : i32
      %scan3A_36 = arith.constant 19 : i32
      %scan3A_37 = arith.addi %scan3A_35, %scan3A_36 : i32
      %scan3A_38 = arith.constant 1 : i32
      scf.for %scan3A_94 = %scan3A_35 to %scan3A_37 step %scan3A_38  : i32 {
        %mul3A_95 = arith.constant 2 : i32
        %mul3A_96 = arith.muli %scan3A_94, %mul3A_95 : i32
        %add3A_97 = arith.constant 0 : i32
        %add3A_98 = arith.addi %mul3A_96, %add3A_97 : i32
        %dma_wait3A_99 = arith.constant 0 : i32
        %dma_wait3A_100 = tpu.memref_slice %arg9[%add3A_98, %dma_wait3A_99] : memref<40x128xi32, #tpu.memory_space<vmem>> -> memref<1x128xi32, #tpu.memory_space<vmem>>
        %dma_wait3A_101 = tpu.memref_squeeze %dma_wait3A_100 : memref<1x128xi32, #tpu.memory_space<vmem>> -> memref<128xi32, #tpu.memory_space<vmem>>
        %dma_wait3A_102 = arith.constant 0 : i32
        %dma_wait3A_103 = arith.constant 0 : i32
        %dma_wait3A_104 = tpu.memref_slice %arg2[%dma_wait3A_102, %dma_wait3A_103] : memref<10000x128xf32, #tpu.memory_space<hbm>> -> memref<10000x128xf32, #tpu.memory_space<hbm>>
        tpu.wait_indirect_dma semaphore(%arg14 : memref<!tpu.dma_semaphore, #tpu.memory_space<semaphore_mem>>) src(%dma_wait3A_104 : memref<10000x128xf32, #tpu.memory_space<hbm>>) dst(%arg11 : memref<128x128xf32, #tpu.memory_space<vmem>>)
        "tpu.region"() ({
          %run_scoped3A_131 = tpu.sem_alloc : memref<!tpu.dma_semaphore, #tpu.memory_space<semaphore_mem>>
          %dma_start3A_132 = arith.constant 0 : i32
          %dma_start3A_133 = tpu.memref_slice %arg10[%add3A_98, %dma_start3A_132] : memref<40x128xi32, #tpu.memory_space<vmem>> -> memref<1x128xi32, #tpu.memory_space<vmem>>
          %dma_start3A_134 = tpu.memref_squeeze %dma_start3A_133 : memref<1x128xi32, #tpu.memory_space<vmem>> -> memref<128xi32, #tpu.memory_space<vmem>>
          %dma_start3A_135 = arith.constant 0 : i32
          %dma_start3A_136 = arith.constant 0 : i32
          %dma_start3A_137 = tpu.memref_slice %arg13[%dma_start3A_135, %dma_start3A_136] : memref<10240x128xf32, #tpu.memory_space<vmem_shared>> -> memref<10240x128xf32, #tpu.memory_space<vmem_shared>>
          tpu.enqueue_indirect_dma source(%arg11 : memref<128x128xf32, #tpu.memory_space<vmem>>) target(%dma_start3A_137 : memref<10240x128xf32, #tpu.memory_space<vmem_shared>>) offsets(%dma_start3A_134 : memref<128xi32, #tpu.memory_space<vmem>>) semaphore(%run_scoped3A_131 : memref<!tpu.dma_semaphore, #tpu.memory_space<semaphore_mem>>) {add = true}
          %dma_wait3A_138 = arith.constant 0 : i32
          %dma_wait3A_139 = tpu.memref_slice %arg10[%add3A_98, %dma_wait3A_138] : memref<40x128xi32, #tpu.memory_space<vmem>> -> memref<1x128xi32, #tpu.memory_space<vmem>>
          %dma_wait3A_140 = tpu.memref_squeeze %dma_wait3A_139 : memref<1x128xi32, #tpu.memory_space<vmem>> -> memref<128xi32, #tpu.memory_space<vmem>>
          %dma_wait3A_141 = arith.constant 0 : i32
          %dma_wait3A_142 = arith.constant 0 : i32
          %dma_wait3A_143 = tpu.memref_slice %arg13[%dma_wait3A_141, %dma_wait3A_142] : memref<10240x128xf32, #tpu.memory_space<vmem_shared>> -> memref<10240x128xf32, #tpu.memory_space<vmem_shared>>
          tpu.wait_indirect_dma semaphore(%run_scoped3A_131 : memref<!tpu.dma_semaphore, #tpu.memory_space<semaphore_mem>>) src(%arg11 : memref<128x128xf32, #tpu.memory_space<vmem>>) dst(%dma_wait3A_143 : memref<10240x128xf32, #tpu.memory_space<vmem_shared>>)
          tpu.yield
        }) : () -> ()
        %add3A_105 = arith.constant 2 : i32
        %add3A_106 = arith.addi %add3A_98, %add3A_105 : i32
        %dma_start3A_107 = arith.constant 0 : i32
        %dma_start3A_108 = tpu.memref_slice %arg9[%add3A_106, %dma_start3A_107] : memref<40x128xi32, #tpu.memory_space<vmem>> -> memref<1x128xi32, #tpu.memory_space<vmem>>
        %dma_start3A_109 = tpu.memref_squeeze %dma_start3A_108 : memref<1x128xi32, #tpu.memory_space<vmem>> -> memref<128xi32, #tpu.memory_space<vmem>>
        %dma_start3A_110 = arith.constant 0 : i32
        %dma_start3A_111 = arith.constant 0 : i32
        %dma_start3A_112 = tpu.memref_slice %arg2[%dma_start3A_110, %dma_start3A_111] : memref<10000x128xf32, #tpu.memory_space<hbm>> -> memref<10000x128xf32, #tpu.memory_space<hbm>>
        tpu.enqueue_indirect_dma source(%dma_start3A_112 : memref<10000x128xf32, #tpu.memory_space<hbm>>) target(%arg11 : memref<128x128xf32, #tpu.memory_space<vmem>>) offsets(%dma_start3A_109 : memref<128xi32, #tpu.memory_space<vmem>>) semaphore(%arg14 : memref<!tpu.dma_semaphore, #tpu.memory_space<semaphore_mem>>)
        %mul3A_113 = arith.constant 2 : i32
        %mul3A_114 = arith.muli %scan3A_94, %mul3A_113 : i32
        %add3A_115 = arith.constant 1 : i32
        %add3A_116 = arith.addi %mul3A_114, %add3A_115 : i32
        %dma_wait3A_117 = arith.constant 0 : i32
        %dma_wait3A_118 = tpu.memref_slice %arg9[%add3A_116, %dma_wait3A_117] : memref<40x128xi32, #tpu.memory_space<vmem>> -> memref<1x128xi32, #tpu.memory_space<vmem>>
        %dma_wait3A_119 = tpu.memref_squeeze %dma_wait3A_118 : memref<1x128xi32, #tpu.memory_space<vmem>> -> memref<128xi32, #tpu.memory_space<vmem>>
        %dma_wait3A_120 = arith.constant 0 : i32
        %dma_wait3A_121 = arith.constant 0 : i32
        %dma_wait3A_122 = tpu.memref_slice %arg2[%dma_wait3A_120, %dma_wait3A_121] : memref<10000x128xf32, #tpu.memory_space<hbm>> -> memref<10000x128xf32, #tpu.memory_space<hbm>>
        tpu.wait_indirect_dma semaphore(%arg14 : memref<!tpu.dma_semaphore, #tpu.memory_space<semaphore_mem>>) src(%dma_wait3A_122 : memref<10000x128xf32, #tpu.memory_space<hbm>>) dst(%arg12 : memref<128x128xf32, #tpu.memory_space<vmem>>)
        "tpu.region"() ({
          %run_scoped3A_131 = tpu.sem_alloc : memref<!tpu.dma_semaphore, #tpu.memory_space<semaphore_mem>>
          %dma_start3A_132 = arith.constant 0 : i32
          %dma_start3A_133 = tpu.memref_slice %arg10[%add3A_116, %dma_start3A_132] : memref<40x128xi32, #tpu.memory_space<vmem>> -> memref<1x128xi32, #tpu.memory_space<vmem>>
          %dma_start3A_134 = tpu.memref_squeeze %dma_start3A_133 : memref<1x128xi32, #tpu.memory_space<vmem>> -> memref<128xi32, #tpu.memory_space<vmem>>
          %dma_start3A_135 = arith.constant 0 : i32
          %dma_start3A_136 = arith.constant 0 : i32
          %dma_start3A_137 = tpu.memref_slice %arg13[%dma_start3A_135, %dma_start3A_136] : memref<10240x128xf32, #tpu.memory_space<vmem_shared>> -> memref<10240x128xf32, #tpu.memory_space<vmem_shared>>
          tpu.enqueue_indirect_dma source(%arg12 : memref<128x128xf32, #tpu.memory_space<vmem>>) target(%dma_start3A_137 : memref<10240x128xf32, #tpu.memory_space<vmem_shared>>) offsets(%dma_start3A_134 : memref<128xi32, #tpu.memory_space<vmem>>) semaphore(%run_scoped3A_131 : memref<!tpu.dma_semaphore, #tpu.memory_space<semaphore_mem>>) {add = true}
          %dma_wait3A_138 = arith.constant 0 : i32
          %dma_wait3A_139 = tpu.memref_slice %arg10[%add3A_116, %dma_wait3A_138] : memref<40x128xi32, #tpu.memory_space<vmem>> -> memref<1x128xi32, #tpu.memory_space<vmem>>
          %dma_wait3A_140 = tpu.memref_squeeze %dma_wait3A_139 : memref<1x128xi32, #tpu.memory_space<vmem>> -> memref<128xi32, #tpu.memory_space<vmem>>
          %dma_wait3A_141 = arith.constant 0 : i32
          %dma_wait3A_142 = arith.constant 0 : i32
          %dma_wait3A_143 = tpu.memref_slice %arg13[%dma_wait3A_141, %dma_wait3A_142] : memref<10240x128xf32, #tpu.memory_space<vmem_shared>> -> memref<10240x128xf32, #tpu.memory_space<vmem_shared>>
          tpu.wait_indirect_dma semaphore(%run_scoped3A_131 : memref<!tpu.dma_semaphore, #tpu.memory_space<semaphore_mem>>) src(%arg12 : memref<128x128xf32, #tpu.memory_space<vmem>>) dst(%dma_wait3A_143 : memref<10240x128xf32, #tpu.memory_space<vmem_shared>>)
          tpu.yield
        }) : () -> ()
        %add3A_123 = arith.constant 2 : i32
        %add3A_124 = arith.addi %add3A_116, %add3A_123 : i32
        %dma_start3A_125 = arith.constant 0 : i32
        %dma_start3A_126 = tpu.memref_slice %arg9[%add3A_124, %dma_start3A_125] : memref<40x128xi32, #tpu.memory_space<vmem>> -> memref<1x128xi32, #tpu.memory_space<vmem>>
        %dma_start3A_127 = tpu.memref_squeeze %dma_start3A_126 : memref<1x128xi32, #tpu.memory_space<vmem>> -> memref<128xi32, #tpu.memory_space<vmem>>
        %dma_start3A_128 = arith.constant 0 : i32
        %dma_start3A_129 = arith.constant 0 : i32
        %dma_start3A_130 = tpu.memref_slice %arg2[%dma_start3A_128, %dma_start3A_129] : memref<10000x128xf32, #tpu.memory_space<hbm>> -> memref<10000x128xf32, #tpu.memory_space<hbm>>
        tpu.enqueue_indirect_dma source(%dma_start3A_130 : memref<10000x128xf32, #tpu.memory_space<hbm>>) target(%arg12 : memref<128x128xf32, #tpu.memory_space<vmem>>) offsets(%dma_start3A_127 : memref<128xi32, #tpu.memory_space<vmem>>) semaphore(%arg14 : memref<!tpu.dma_semaphore, #tpu.memory_space<semaphore_mem>>)
      }
      %scan3A_39 = arith.constant 19 : i32
      %dma_wait3A = arith.constant 38 : i32
      %dma_wait3A_40 = arith.constant 0 : i32
      %dma_wait3A_41 = tpu.memref_slice %arg9[%dma_wait3A, %dma_wait3A_40] : memref<40x128xi32, #tpu.memory_space<vmem>> -> memref<1x128xi32, #tpu.memory_space<vmem>>
      %dma_wait3A_42 = tpu.memref_squeeze %dma_wait3A_41 : memref<1x128xi32, #tpu.memory_space<vmem>> -> memref<128xi32, #tpu.memory_space<vmem>>
      %dma_wait3A_43 = arith.constant 0 : i32
      %dma_wait3A_44 = arith.constant 0 : i32
      %dma_wait3A_45 = tpu.memref_slice %arg2[%dma_wait3A_43, %dma_wait3A_44] : memref<10000x128xf32, #tpu.memory_space<hbm>> -> memref<10000x128xf32, #tpu.memory_space<hbm>>
      tpu.wait_indirect_dma semaphore(%arg14 : memref<!tpu.dma_semaphore, #tpu.memory_space<semaphore_mem>>) src(%dma_wait3A_45 : memref<10000x128xf32, #tpu.memory_space<hbm>>) dst(%arg11 : memref<128x128xf32, #tpu.memory_space<vmem>>)
      %run_scoped3A = arith.constant 38 : i32
      "tpu.region"() ({
        %run_scoped3A_94 = tpu.sem_alloc : memref<!tpu.dma_semaphore, #tpu.memory_space<semaphore_mem>>
        %dma_start3A_95 = arith.constant 0 : i32
        %dma_start3A_96 = tpu.memref_slice %arg10[%run_scoped3A, %dma_start3A_95] : memref<40x128xi32, #tpu.memory_space<vmem>> -> memref<1x128xi32, #tpu.memory_space<vmem>>
        %dma_start3A_97 = tpu.memref_squeeze %dma_start3A_96 : memref<1x128xi32, #tpu.memory_space<vmem>> -> memref<128xi32, #tpu.memory_space<vmem>>
        %dma_start3A_98 = arith.constant 0 : i32
        %dma_start3A_99 = arith.constant 0 : i32
        %dma_start3A_100 = tpu.memref_slice %arg13[%dma_start3A_98, %dma_start3A_99] : memref<10240x128xf32, #tpu.memory_space<vmem_shared>> -> memref<10240x128xf32, #tpu.memory_space<vmem_shared>>
        tpu.enqueue_indirect_dma source(%arg11 : memref<128x128xf32, #tpu.memory_space<vmem>>) target(%dma_start3A_100 : memref<10240x128xf32, #tpu.memory_space<vmem_shared>>) offsets(%dma_start3A_97 : memref<128xi32, #tpu.memory_space<vmem>>) semaphore(%run_scoped3A_94 : memref<!tpu.dma_semaphore, #tpu.memory_space<semaphore_mem>>) {add = true}
        %dma_wait3A_101 = arith.constant 0 : i32
        %dma_wait3A_102 = tpu.memref_slice %arg10[%run_scoped3A, %dma_wait3A_101] : memref<40x128xi32, #tpu.memory_space<vmem>> -> memref<1x128xi32, #tpu.memory_space<vmem>>
        %dma_wait3A_103 = tpu.memref_squeeze %dma_wait3A_102 : memref<1x128xi32, #tpu.memory_space<vmem>> -> memref<128xi32, #tpu.memory_space<vmem>>
        %dma_wait3A_104 = arith.constant 0 : i32
        %dma_wait3A_105 = arith.constant 0 : i32
        %dma_wait3A_106 = tpu.memref_slice %arg13[%dma_wait3A_104, %dma_wait3A_105] : memref<10240x128xf32, #tpu.memory_space<vmem_shared>> -> memref<10240x128xf32, #tpu.memory_space<vmem_shared>>
        tpu.wait_indirect_dma semaphore(%run_scoped3A_94 : memref<!tpu.dma_semaphore, #tpu.memory_space<semaphore_mem>>) src(%arg11 : memref<128x128xf32, #tpu.memory_space<vmem>>) dst(%dma_wait3A_106 : memref<10240x128xf32, #tpu.memory_space<vmem_shared>>)
        tpu.yield
      }) : () -> ()
      %dma_wait3A_46 = arith.constant 39 : i32
      %dma_wait3A_47 = arith.constant 0 : i32
      %dma_wait3A_48 = tpu.memref_slice %arg9[%dma_wait3A_46, %dma_wait3A_47] : memref<40x128xi32, #tpu.memory_space<vmem>> -> memref<1x128xi32, #tpu.memory_space<vmem>>
      %dma_wait3A_49 = tpu.memref_squeeze %dma_wait3A_48 : memref<1x128xi32, #tpu.memory_space<vmem>> -> memref<128xi32, #tpu.memory_space<vmem>>
      %dma_wait3A_50 = arith.constant 0 : i32
      %dma_wait3A_51 = arith.constant 0 : i32
      %dma_wait3A_52 = tpu.memref_slice %arg2[%dma_wait3A_50, %dma_wait3A_51] : memref<10000x128xf32, #tpu.memory_space<hbm>> -> memref<10000x128xf32, #tpu.memory_space<hbm>>
      tpu.wait_indirect_dma semaphore(%arg14 : memref<!tpu.dma_semaphore, #tpu.memory_space<semaphore_mem>>) src(%dma_wait3A_52 : memref<10000x128xf32, #tpu.memory_space<hbm>>) dst(%arg12 : memref<128x128xf32, #tpu.memory_space<vmem>>)
      %run_scoped3A_53 = arith.constant 39 : i32
      "tpu.region"() ({
        %run_scoped3A_94 = tpu.sem_alloc : memref<!tpu.dma_semaphore, #tpu.memory_space<semaphore_mem>>
        %dma_start3A_95 = arith.constant 0 : i32
        %dma_start3A_96 = tpu.memref_slice %arg10[%run_scoped3A_53, %dma_start3A_95] : memref<40x128xi32, #tpu.memory_space<vmem>> -> memref<1x128xi32, #tpu.memory_space<vmem>>
        %dma_start3A_97 = tpu.memref_squeeze %dma_start3A_96 : memref<1x128xi32, #tpu.memory_space<vmem>> -> memref<128xi32, #tpu.memory_space<vmem>>
        %dma_start3A_98 = arith.constant 0 : i32
        %dma_start3A_99 = arith.constant 0 : i32
        %dma_start3A_100 = tpu.memref_slice %arg13[%dma_start3A_98, %dma_start3A_99] : memref<10240x128xf32, #tpu.memory_space<vmem_shared>> -> memref<10240x128xf32, #tpu.memory_space<vmem_shared>>
        tpu.enqueue_indirect_dma source(%arg12 : memref<128x128xf32, #tpu.memory_space<vmem>>) target(%dma_start3A_100 : memref<10240x128xf32, #tpu.memory_space<vmem_shared>>) offsets(%dma_start3A_97 : memref<128xi32, #tpu.memory_space<vmem>>) semaphore(%run_scoped3A_94 : memref<!tpu.dma_semaphore, #tpu.memory_space<semaphore_mem>>) {add = true}
        %dma_wait3A_101 = arith.constant 0 : i32
        %dma_wait3A_102 = tpu.memref_slice %arg10[%run_scoped3A_53, %dma_wait3A_101] : memref<40x128xi32, #tpu.memory_space<vmem>> -> memref<1x128xi32, #tpu.memory_space<vmem>>
        %dma_wait3A_103 = tpu.memref_squeeze %dma_wait3A_102 : memref<1x128xi32, #tpu.memory_space<vmem>> -> memref<128xi32, #tpu.memory_space<vmem>>
        %dma_wait3A_104 = arith.constant 0 : i32
        %dma_wait3A_105 = arith.constant 0 : i32
        %dma_wait3A_106 = tpu.memref_slice %arg13[%dma_wait3A_104, %dma_wait3A_105] : memref<10240x128xf32, #tpu.memory_space<vmem_shared>> -> memref<10240x128xf32, #tpu.memory_space<vmem_shared>>
        tpu.wait_indirect_dma semaphore(%run_scoped3A_94 : memref<!tpu.dma_semaphore, #tpu.memory_space<semaphore_mem>>) src(%arg12 : memref<128x128xf32, #tpu.memory_space<vmem>>) dst(%dma_wait3A_106 : memref<10240x128xf32, #tpu.memory_space<vmem_shared>>)
        tpu.yield
      }) : () -> ()
      %mul3A_54 = arith.constant 80 : i32
      %mul3A_55 = arith.muli %arg1, %mul3A_54 : i32
      %add3A_56 = arith.constant 40 : i32
      %add3A_57 = arith.addi %mul3A_55, %add3A_56 : i32
      "tpu.region"() ({
        %run_scoped3A_94 = tpu.sem_alloc : memref<!tpu.dma_semaphore, #tpu.memory_space<semaphore_mem>>
        %dma_start3A_95 = arith.constant 0 : i32
        %dma_start3A_96 = tpu.memref_slice %arg4[%add3A_57, %dma_start3A_95] : memref<1280x128xi32, #tpu.memory_space<hbm>> -> memref<40x128xi32, #tpu.memory_space<hbm>>
        %dma_start3A_97 = arith.constant 0 : i32
        %dma_start3A_98 = tpu.memref_slice %arg4[%add3A_57, %dma_start3A_97] : memref<1280x128xi32, #tpu.memory_space<hbm>> -> memref<40x128xi32, #tpu.memory_space<hbm>>
        tpu.enqueue_dma source(%dma_start3A_98 : memref<40x128xi32, #tpu.memory_space<hbm>>) target(%arg9 : memref<40x128xi32, #tpu.memory_space<vmem>>) target_semaphore(%run_scoped3A_94 : memref<!tpu.dma_semaphore, #tpu.memory_space<semaphore_mem>>)
        %dma_wait3A_99 = arith.constant 0 : i32
        %dma_wait3A_100 = tpu.memref_slice %arg4[%add3A_57, %dma_wait3A_99] : memref<1280x128xi32, #tpu.memory_space<hbm>> -> memref<40x128xi32, #tpu.memory_space<hbm>>
        %dma_wait3A_101 = arith.constant 0 : i32
        %dma_wait3A_102 = tpu.memref_slice %arg4[%add3A_57, %dma_wait3A_101] : memref<1280x128xi32, #tpu.memory_space<hbm>> -> memref<40x128xi32, #tpu.memory_space<hbm>>
        tpu.wait_dma2 semaphore(%run_scoped3A_94 : memref<!tpu.dma_semaphore, #tpu.memory_space<semaphore_mem>>) src(%dma_wait3A_102 : memref<40x128xi32, #tpu.memory_space<hbm>>) dst(%arg9 : memref<40x128xi32, #tpu.memory_space<vmem>>)
        tpu.yield
      }) : () -> ()
      "tpu.region"() ({
        %run_scoped3A_94 = tpu.sem_alloc : memref<!tpu.dma_semaphore, #tpu.memory_space<semaphore_mem>>
        %dma_start3A_95 = arith.constant 0 : i32
        %dma_start3A_96 = tpu.memref_slice %arg5[%add3A_57, %dma_start3A_95] : memref<1280x128xi32, #tpu.memory_space<hbm>> -> memref<40x128xi32, #tpu.memory_space<hbm>>
        %dma_start3A_97 = arith.constant 0 : i32
        %dma_start3A_98 = tpu.memref_slice %arg5[%add3A_57, %dma_start3A_97] : memref<1280x128xi32, #tpu.memory_space<hbm>> -> memref<40x128xi32, #tpu.memory_space<hbm>>
        tpu.enqueue_dma source(%dma_start3A_98 : memref<40x128xi32, #tpu.memory_space<hbm>>) target(%arg10 : memref<40x128xi32, #tpu.memory_space<vmem>>) target_semaphore(%run_scoped3A_94 : memref<!tpu.dma_semaphore, #tpu.memory_space<semaphore_mem>>)
        %dma_wait3A_99 = arith.constant 0 : i32
        %dma_wait3A_100 = tpu.memref_slice %arg5[%add3A_57, %dma_wait3A_99] : memref<1280x128xi32, #tpu.memory_space<hbm>> -> memref<40x128xi32, #tpu.memory_space<hbm>>
        %dma_wait3A_101 = arith.constant 0 : i32
        %dma_wait3A_102 = tpu.memref_slice %arg5[%add3A_57, %dma_wait3A_101] : memref<1280x128xi32, #tpu.memory_space<hbm>> -> memref<40x128xi32, #tpu.memory_space<hbm>>
        tpu.wait_dma2 semaphore(%run_scoped3A_94 : memref<!tpu.dma_semaphore, #tpu.memory_space<semaphore_mem>>) src(%dma_wait3A_102 : memref<40x128xi32, #tpu.memory_space<hbm>>) dst(%arg10 : memref<40x128xi32, #tpu.memory_space<vmem>>)
        tpu.yield
      }) : () -> ()
      %dma_start3A_58 = arith.constant 0 : i32
      %dma_start3A_59 = arith.constant 0 : i32
      %dma_start3A_60 = tpu.memref_slice %arg9[%dma_start3A_58, %dma_start3A_59] : memref<40x128xi32, #tpu.memory_space<vmem>> -> memref<1x128xi32, #tpu.memory_space<vmem>>
      %dma_start3A_61 = tpu.memref_squeeze %dma_start3A_60 : memref<1x128xi32, #tpu.memory_space<vmem>> -> memref<128xi32, #tpu.memory_space<vmem>>
      %dma_start3A_62 = arith.constant 0 : i32
      %dma_start3A_63 = arith.constant 0 : i32
      %dma_start3A_64 = tpu.memref_slice %arg2[%dma_start3A_62, %dma_start3A_63] : memref<10000x128xf32, #tpu.memory_space<hbm>> -> memref<10000x128xf32, #tpu.memory_space<hbm>>
      tpu.enqueue_indirect_dma source(%dma_start3A_64 : memref<10000x128xf32, #tpu.memory_space<hbm>>) target(%arg11 : memref<128x128xf32, #tpu.memory_space<vmem>>) offsets(%dma_start3A_61 : memref<128xi32, #tpu.memory_space<vmem>>) semaphore(%arg14 : memref<!tpu.dma_semaphore, #tpu.memory_space<semaphore_mem>>)
      %dma_start3A_65 = arith.constant 1 : i32
      %dma_start3A_66 = arith.constant 0 : i32
      %dma_start3A_67 = tpu.memref_slice %arg9[%dma_start3A_65, %dma_start3A_66] : memref<40x128xi32, #tpu.memory_space<vmem>> -> memref<1x128xi32, #tpu.memory_space<vmem>>
      %dma_start3A_68 = tpu.memref_squeeze %dma_start3A_67 : memref<1x128xi32, #tpu.memory_space<vmem>> -> memref<128xi32, #tpu.memory_space<vmem>>
      %dma_start3A_69 = arith.constant 0 : i32
      %dma_start3A_70 = arith.constant 0 : i32
      %dma_start3A_71 = tpu.memref_slice %arg2[%dma_start3A_69, %dma_start3A_70] : memref<10000x128xf32, #tpu.memory_space<hbm>> -> memref<10000x128xf32, #tpu.memory_space<hbm>>
      tpu.enqueue_indirect_dma source(%dma_start3A_71 : memref<10000x128xf32, #tpu.memory_space<hbm>>) target(%arg12 : memref<128x128xf32, #tpu.memory_space<vmem>>) offsets(%dma_start3A_68 : memref<128xi32, #tpu.memory_space<vmem>>) semaphore(%arg14 : memref<!tpu.dma_semaphore, #tpu.memory_space<semaphore_mem>>)
      %scan3A_72 = arith.constant 0 : i32
      %scan3A_73 = arith.constant 0 : i32
      %scan3A_74 = arith.constant 19 : i32
      %scan3A_75 = arith.addi %scan3A_73, %scan3A_74 : i32
      %scan3A_76 = arith.constant 1 : i32
      scf.for %scan3A_94 = %scan3A_73 to %scan3A_75 step %scan3A_76  : i32 {
        %mul3A_95 = arith.constant 2 : i32
        %mul3A_96 = arith.muli %scan3A_94, %mul3A_95 : i32
        %add3A_97 = arith.constant 0 : i32
        %add3A_98 = arith.addi %mul3A_96, %add3A_97 : i32
        %dma_wait3A_99 = arith.constant 0 : i32
        %dma_wait3A_100 = tpu.memref_slice %arg9[%add3A_98, %dma_wait3A_99] : memref<40x128xi32, #tpu.memory_space<vmem>> -> memref<1x128xi32, #tpu.memory_space<vmem>>
        %dma_wait3A_101 = tpu.memref_squeeze %dma_wait3A_100 : memref<1x128xi32, #tpu.memory_space<vmem>> -> memref<128xi32, #tpu.memory_space<vmem>>
        %dma_wait3A_102 = arith.constant 0 : i32
        %dma_wait3A_103 = arith.constant 0 : i32
        %dma_wait3A_104 = tpu.memref_slice %arg2[%dma_wait3A_102, %dma_wait3A_103] : memref<10000x128xf32, #tpu.memory_space<hbm>> -> memref<10000x128xf32, #tpu.memory_space<hbm>>
        tpu.wait_indirect_dma semaphore(%arg14 : memref<!tpu.dma_semaphore, #tpu.memory_space<semaphore_mem>>) src(%dma_wait3A_104 : memref<10000x128xf32, #tpu.memory_space<hbm>>) dst(%arg11 : memref<128x128xf32, #tpu.memory_space<vmem>>)
        "tpu.region"() ({
          %run_scoped3A_131 = tpu.sem_alloc : memref<!tpu.dma_semaphore, #tpu.memory_space<semaphore_mem>>
          %dma_start3A_132 = arith.constant 0 : i32
          %dma_start3A_133 = tpu.memref_slice %arg10[%add3A_98, %dma_start3A_132] : memref<40x128xi32, #tpu.memory_space<vmem>> -> memref<1x128xi32, #tpu.memory_space<vmem>>
          %dma_start3A_134 = tpu.memref_squeeze %dma_start3A_133 : memref<1x128xi32, #tpu.memory_space<vmem>> -> memref<128xi32, #tpu.memory_space<vmem>>
          %dma_start3A_135 = arith.constant 0 : i32
          %dma_start3A_136 = arith.constant 0 : i32
          %dma_start3A_137 = tpu.memref_slice %arg13[%dma_start3A_135, %dma_start3A_136] : memref<10240x128xf32, #tpu.memory_space<vmem_shared>> -> memref<10240x128xf32, #tpu.memory_space<vmem_shared>>
          tpu.enqueue_indirect_dma source(%arg11 : memref<128x128xf32, #tpu.memory_space<vmem>>) target(%dma_start3A_137 : memref<10240x128xf32, #tpu.memory_space<vmem_shared>>) offsets(%dma_start3A_134 : memref<128xi32, #tpu.memory_space<vmem>>) semaphore(%run_scoped3A_131 : memref<!tpu.dma_semaphore, #tpu.memory_space<semaphore_mem>>) {add = true}
          %dma_wait3A_138 = arith.constant 0 : i32
          %dma_wait3A_139 = tpu.memref_slice %arg10[%add3A_98, %dma_wait3A_138] : memref<40x128xi32, #tpu.memory_space<vmem>> -> memref<1x128xi32, #tpu.memory_space<vmem>>
          %dma_wait3A_140 = tpu.memref_squeeze %dma_wait3A_139 : memref<1x128xi32, #tpu.memory_space<vmem>> -> memref<128xi32, #tpu.memory_space<vmem>>
          %dma_wait3A_141 = arith.constant 0 : i32
          %dma_wait3A_142 = arith.constant 0 : i32
          %dma_wait3A_143 = tpu.memref_slice %arg13[%dma_wait3A_141, %dma_wait3A_142] : memref<10240x128xf32, #tpu.memory_space<vmem_shared>> -> memref<10240x128xf32, #tpu.memory_space<vmem_shared>>
          tpu.wait_indirect_dma semaphore(%run_scoped3A_131 : memref<!tpu.dma_semaphore, #tpu.memory_space<semaphore_mem>>) src(%arg11 : memref<128x128xf32, #tpu.memory_space<vmem>>) dst(%dma_wait3A_143 : memref<10240x128xf32, #tpu.memory_space<vmem_shared>>)
          tpu.yield
        }) : () -> ()
        %add3A_105 = arith.constant 2 : i32
        %add3A_106 = arith.addi %add3A_98, %add3A_105 : i32
        %dma_start3A_107 = arith.constant 0 : i32
        %dma_start3A_108 = tpu.memref_slice %arg9[%add3A_106, %dma_start3A_107] : memref<40x128xi32, #tpu.memory_space<vmem>> -> memref<1x128xi32, #tpu.memory_space<vmem>>
        %dma_start3A_109 = tpu.memref_squeeze %dma_start3A_108 : memref<1x128xi32, #tpu.memory_space<vmem>> -> memref<128xi32, #tpu.memory_space<vmem>>
        %dma_start3A_110 = arith.constant 0 : i32
        %dma_start3A_111 = arith.constant 0 : i32
        %dma_start3A_112 = tpu.memref_slice %arg2[%dma_start3A_110, %dma_start3A_111] : memref<10000x128xf32, #tpu.memory_space<hbm>> -> memref<10000x128xf32, #tpu.memory_space<hbm>>
        tpu.enqueue_indirect_dma source(%dma_start3A_112 : memref<10000x128xf32, #tpu.memory_space<hbm>>) target(%arg11 : memref<128x128xf32, #tpu.memory_space<vmem>>) offsets(%dma_start3A_109 : memref<128xi32, #tpu.memory_space<vmem>>) semaphore(%arg14 : memref<!tpu.dma_semaphore, #tpu.memory_space<semaphore_mem>>)
        %mul3A_113 = arith.constant 2 : i32
        %mul3A_114 = arith.muli %scan3A_94, %mul3A_113 : i32
        %add3A_115 = arith.constant 1 : i32
        %add3A_116 = arith.addi %mul3A_114, %add3A_115 : i32
        %dma_wait3A_117 = arith.constant 0 : i32
        %dma_wait3A_118 = tpu.memref_slice %arg9[%add3A_116, %dma_wait3A_117] : memref<40x128xi32, #tpu.memory_space<vmem>> -> memref<1x128xi32, #tpu.memory_space<vmem>>
        %dma_wait3A_119 = tpu.memref_squeeze %dma_wait3A_118 : memref<1x128xi32, #tpu.memory_space<vmem>> -> memref<128xi32, #tpu.memory_space<vmem>>
        %dma_wait3A_120 = arith.constant 0 : i32
        %dma_wait3A_121 = arith.constant 0 : i32
        %dma_wait3A_122 = tpu.memref_slice %arg2[%dma_wait3A_120, %dma_wait3A_121] : memref<10000x128xf32, #tpu.memory_space<hbm>> -> memref<10000x128xf32, #tpu.memory_space<hbm>>
        tpu.wait_indirect_dma semaphore(%arg14 : memref<!tpu.dma_semaphore, #tpu.memory_space<semaphore_mem>>) src(%dma_wait3A_122 : memref<10000x128xf32, #tpu.memory_space<hbm>>) dst(%arg12 : memref<128x128xf32, #tpu.memory_space<vmem>>)
        "tpu.region"() ({
          %run_scoped3A_131 = tpu.sem_alloc : memref<!tpu.dma_semaphore, #tpu.memory_space<semaphore_mem>>
          %dma_start3A_132 = arith.constant 0 : i32
          %dma_start3A_133 = tpu.memref_slice %arg10[%add3A_116, %dma_start3A_132] : memref<40x128xi32, #tpu.memory_space<vmem>> -> memref<1x128xi32, #tpu.memory_space<vmem>>
          %dma_start3A_134 = tpu.memref_squeeze %dma_start3A_133 : memref<1x128xi32, #tpu.memory_space<vmem>> -> memref<128xi32, #tpu.memory_space<vmem>>
          %dma_start3A_135 = arith.constant 0 : i32
          %dma_start3A_136 = arith.constant 0 : i32
          %dma_start3A_137 = tpu.memref_slice %arg13[%dma_start3A_135, %dma_start3A_136] : memref<10240x128xf32, #tpu.memory_space<vmem_shared>> -> memref<10240x128xf32, #tpu.memory_space<vmem_shared>>
          tpu.enqueue_indirect_dma source(%arg12 : memref<128x128xf32, #tpu.memory_space<vmem>>) target(%dma_start3A_137 : memref<10240x128xf32, #tpu.memory_space<vmem_shared>>) offsets(%dma_start3A_134 : memref<128xi32, #tpu.memory_space<vmem>>) semaphore(%run_scoped3A_131 : memref<!tpu.dma_semaphore, #tpu.memory_space<semaphore_mem>>) {add = true}
          %dma_wait3A_138 = arith.constant 0 : i32
          %dma_wait3A_139 = tpu.memref_slice %arg10[%add3A_116, %dma_wait3A_138] : memref<40x128xi32, #tpu.memory_space<vmem>> -> memref<1x128xi32, #tpu.memory_space<vmem>>
          %dma_wait3A_140 = tpu.memref_squeeze %dma_wait3A_139 : memref<1x128xi32, #tpu.memory_space<vmem>> -> memref<128xi32, #tpu.memory_space<vmem>>
          %dma_wait3A_141 = arith.constant 0 : i32
          %dma_wait3A_142 = arith.constant 0 : i32
          %dma_wait3A_143 = tpu.memref_slice %arg13[%dma_wait3A_141, %dma_wait3A_142] : memref<10240x128xf32, #tpu.memory_space<vmem_shared>> -> memref<10240x128xf32, #tpu.memory_space<vmem_shared>>
          tpu.wait_indirect_dma semaphore(%run_scoped3A_131 : memref<!tpu.dma_semaphore, #tpu.memory_space<semaphore_mem>>) src(%arg12 : memref<128x128xf32, #tpu.memory_space<vmem>>) dst(%dma_wait3A_143 : memref<10240x128xf32, #tpu.memory_space<vmem_shared>>)
          tpu.yield
        }) : () -> ()
        %add3A_123 = arith.constant 2 : i32
        %add3A_124 = arith.addi %add3A_116, %add3A_123 : i32
        %dma_start3A_125 = arith.constant 0 : i32
        %dma_start3A_126 = tpu.memref_slice %arg9[%add3A_124, %dma_start3A_125] : memref<40x128xi32, #tpu.memory_space<vmem>> -> memref<1x128xi32, #tpu.memory_space<vmem>>
        %dma_start3A_127 = tpu.memref_squeeze %dma_start3A_126 : memref<1x128xi32, #tpu.memory_space<vmem>> -> memref<128xi32, #tpu.memory_space<vmem>>
        %dma_start3A_128 = arith.constant 0 : i32
        %dma_start3A_129 = arith.constant 0 : i32
        %dma_start3A_130 = tpu.memref_slice %arg2[%dma_start3A_128, %dma_start3A_129] : memref<10000x128xf32, #tpu.memory_space<hbm>> -> memref<10000x128xf32, #tpu.memory_space<hbm>>
        tpu.enqueue_indirect_dma source(%dma_start3A_130 : memref<10000x128xf32, #tpu.memory_space<hbm>>) target(%arg12 : memref<128x128xf32, #tpu.memory_space<vmem>>) offsets(%dma_start3A_127 : memref<128xi32, #tpu.memory_space<vmem>>) semaphore(%arg14 : memref<!tpu.dma_semaphore, #tpu.memory_space<semaphore_mem>>)
      }
      %scan3A_77 = arith.constant 19 : i32
      %dma_wait3A_78 = arith.constant 38 : i32
      %dma_wait3A_79 = arith.constant 0 : i32
      %dma_wait3A_80 = tpu.memref_slice %arg9[%dma_wait3A_78, %dma_wait3A_79] : memref<40x128xi32, #tpu.memory_space<vmem>> -> memref<1x128xi32, #tpu.memory_space<vmem>>
      %dma_wait3A_81 = tpu.memref_squeeze %dma_wait3A_80 : memref<1x128xi32, #tpu.memory_space<vmem>> -> memref<128xi32, #tpu.memory_space<vmem>>
      %dma_wait3A_82 = arith.constant 0 : i32
      %dma_wait3A_83 = arith.constant 0 : i32
      %dma_wait3A_84 = tpu.memref_slice %arg2[%dma_wait3A_82, %dma_wait3A_83] : memref<10000x128xf32, #tpu.memory_space<hbm>> -> memref<10000x128xf32, #tpu.memory_space<hbm>>
      tpu.wait_indirect_dma semaphore(%arg14 : memref<!tpu.dma_semaphore, #tpu.memory_space<semaphore_mem>>) src(%dma_wait3A_84 : memref<10000x128xf32, #tpu.memory_space<hbm>>) dst(%arg11 : memref<128x128xf32, #tpu.memory_space<vmem>>)
      %run_scoped3A_85 = arith.constant 38 : i32
      "tpu.region"() ({
        %run_scoped3A_94 = tpu.sem_alloc : memref<!tpu.dma_semaphore, #tpu.memory_space<semaphore_mem>>
        %dma_start3A_95 = arith.constant 0 : i32
        %dma_start3A_96 = tpu.memref_slice %arg10[%run_scoped3A_85, %dma_start3A_95] : memref<40x128xi32, #tpu.memory_space<vmem>> -> memref<1x128xi32, #tpu.memory_space<vmem>>
        %dma_start3A_97 = tpu.memref_squeeze %dma_start3A_96 : memref<1x128xi32, #tpu.memory_space<vmem>> -> memref<128xi32, #tpu.memory_space<vmem>>
        %dma_start3A_98 = arith.constant 0 : i32
        %dma_start3A_99 = arith.constant 0 : i32
        %dma_start3A_100 = tpu.memref_slice %arg13[%dma_start3A_98, %dma_start3A_99] : memref<10240x128xf32, #tpu.memory_space<vmem_shared>> -> memref<10240x128xf32, #tpu.memory_space<vmem_shared>>
        tpu.enqueue_indirect_dma source(%arg11 : memref<128x128xf32, #tpu.memory_space<vmem>>) target(%dma_start3A_100 : memref<10240x128xf32, #tpu.memory_space<vmem_shared>>) offsets(%dma_start3A_97 : memref<128xi32, #tpu.memory_space<vmem>>) semaphore(%run_scoped3A_94 : memref<!tpu.dma_semaphore, #tpu.memory_space<semaphore_mem>>) {add = true}
        %dma_wait3A_101 = arith.constant 0 : i32
        %dma_wait3A_102 = tpu.memref_slice %arg10[%run_scoped3A_85, %dma_wait3A_101] : memref<40x128xi32, #tpu.memory_space<vmem>> -> memref<1x128xi32, #tpu.memory_space<vmem>>
        %dma_wait3A_103 = tpu.memref_squeeze %dma_wait3A_102 : memref<1x128xi32, #tpu.memory_space<vmem>> -> memref<128xi32, #tpu.memory_space<vmem>>
        %dma_wait3A_104 = arith.constant 0 : i32
        %dma_wait3A_105 = arith.constant 0 : i32
        %dma_wait3A_106 = tpu.memref_slice %arg13[%dma_wait3A_104, %dma_wait3A_105] : memref<10240x128xf32, #tpu.memory_space<vmem_shared>> -> memref<10240x128xf32, #tpu.memory_space<vmem_shared>>
        tpu.wait_indirect_dma semaphore(%run_scoped3A_94 : memref<!tpu.dma_semaphore, #tpu.memory_space<semaphore_mem>>) src(%arg11 : memref<128x128xf32, #tpu.memory_space<vmem>>) dst(%dma_wait3A_106 : memref<10240x128xf32, #tpu.memory_space<vmem_shared>>)
        tpu.yield
      }) : () -> ()
      %dma_wait3A_86 = arith.constant 39 : i32
      %dma_wait3A_87 = arith.constant 0 : i32
      %dma_wait3A_88 = tpu.memref_slice %arg9[%dma_wait3A_86, %dma_wait3A_87] : memref<40x128xi32, #tpu.memory_space<vmem>> -> memref<1x128xi32, #tpu.memory_space<vmem>>
      %dma_wait3A_89 = tpu.memref_squeeze %dma_wait3A_88 : memref<1x128xi32, #tpu.memory_space<vmem>> -> memref<128xi32, #tpu.memory_space<vmem>>
      %dma_wait3A_90 = arith.constant 0 : i32
      %dma_wait3A_91 = arith.constant 0 : i32
      %dma_wait3A_92 = tpu.memref_slice %arg2[%dma_wait3A_90, %dma_wait3A_91] : memref<10000x128xf32, #tpu.memory_space<hbm>> -> memref<10000x128xf32, #tpu.memory_space<hbm>>
      tpu.wait_indirect_dma semaphore(%arg14 : memref<!tpu.dma_semaphore, #tpu.memory_space<semaphore_mem>>) src(%dma_wait3A_92 : memref<10000x128xf32, #tpu.memory_space<hbm>>) dst(%arg12 : memref<128x128xf32, #tpu.memory_space<vmem>>)
      %run_scoped3A_93 = arith.constant 39 : i32
      "tpu.region"() ({
        %run_scoped3A_94 = tpu.sem_alloc : memref<!tpu.dma_semaphore, #tpu.memory_space<semaphore_mem>>
        %dma_start3A_95 = arith.constant 0 : i32
        %dma_start3A_96 = tpu.memref_slice %arg10[%run_scoped3A_93, %dma_start3A_95] : memref<40x128xi32, #tpu.memory_space<vmem>> -> memref<1x128xi32, #tpu.memory_space<vmem>>
        %dma_start3A_97 = tpu.memref_squeeze %dma_start3A_96 : memref<1x128xi32, #tpu.memory_space<vmem>> -> memref<128xi32, #tpu.memory_space<vmem>>
        %dma_start3A_98 = arith.constant 0 : i32
        %dma_start3A_99 = arith.constant 0 : i32
        %dma_start3A_100 = tpu.memref_slice %arg13[%dma_start3A_98, %dma_start3A_99] : memref<10240x128xf32, #tpu.memory_space<vmem_shared>> -> memref<10240x128xf32, #tpu.memory_space<vmem_shared>>
        tpu.enqueue_indirect_dma source(%arg12 : memref<128x128xf32, #tpu.memory_space<vmem>>) target(%dma_start3A_100 : memref<10240x128xf32, #tpu.memory_space<vmem_shared>>) offsets(%dma_start3A_97 : memref<128xi32, #tpu.memory_space<vmem>>) semaphore(%run_scoped3A_94 : memref<!tpu.dma_semaphore, #tpu.memory_space<semaphore_mem>>) {add = true}
        %dma_wait3A_101 = arith.constant 0 : i32
        %dma_wait3A_102 = tpu.memref_slice %arg10[%run_scoped3A_93, %dma_wait3A_101] : memref<40x128xi32, #tpu.memory_space<vmem>> -> memref<1x128xi32, #tpu.memory_space<vmem>>
        %dma_wait3A_103 = tpu.memref_squeeze %dma_wait3A_102 : memref<1x128xi32, #tpu.memory_space<vmem>> -> memref<128xi32, #tpu.memory_space<vmem>>
        %dma_wait3A_104 = arith.constant 0 : i32
        %dma_wait3A_105 = arith.constant 0 : i32
        %dma_wait3A_106 = tpu.memref_slice %arg13[%dma_wait3A_104, %dma_wait3A_105] : memref<10240x128xf32, #tpu.memory_space<vmem_shared>> -> memref<10240x128xf32, #tpu.memory_space<vmem_shared>>
        tpu.wait_indirect_dma semaphore(%run_scoped3A_94 : memref<!tpu.dma_semaphore, #tpu.memory_space<semaphore_mem>>) src(%arg12 : memref<128x128xf32, #tpu.memory_space<vmem>>) dst(%dma_wait3A_106 : memref<10240x128xf32, #tpu.memory_space<vmem_shared>>)
        tpu.yield
      }) : () -> ()
    } else {
    }
    %eq3A_3 = arith.constant 1 : i32
    %eq3A_4 = arith.cmpi eq, %arg0, %eq3A_3 : i32
    %convert_element_type3A_5 = arith.extui %eq3A_4 : i1 to i32
    %cond3A_6 = arith.constant 0 : i32
    %cond3A_7 = arith.cmpi ne, %convert_element_type3A_5, %cond3A_6 : i32
    scf.if %cond3A_7 {
      %mul3A_19 = arith.constant 80 : i32
      %mul3A_20 = arith.muli %arg1, %mul3A_19 : i32
      %add3A = arith.constant 0 : i32
      %add3A_21 = arith.addi %mul3A_20, %add3A : i32
      "tpu.region"() ({
        %run_scoped3A_94 = tpu.sem_alloc : memref<!tpu.dma_semaphore, #tpu.memory_space<semaphore_mem>>
        %dma_start3A_95 = arith.constant 0 : i32
        %dma_start3A_96 = tpu.memref_slice %arg4[%add3A_21, %dma_start3A_95] : memref<1280x128xi32, #tpu.memory_space<hbm>> -> memref<40x128xi32, #tpu.memory_space<hbm>>
        %dma_start3A_97 = arith.constant 0 : i32
        %dma_start3A_98 = tpu.memref_slice %arg4[%add3A_21, %dma_start3A_97] : memref<1280x128xi32, #tpu.memory_space<hbm>> -> memref<40x128xi32, #tpu.memory_space<hbm>>
        tpu.enqueue_dma source(%dma_start3A_98 : memref<40x128xi32, #tpu.memory_space<hbm>>) target(%arg9 : memref<40x128xi32, #tpu.memory_space<vmem>>) target_semaphore(%run_scoped3A_94 : memref<!tpu.dma_semaphore, #tpu.memory_space<semaphore_mem>>)
        %dma_wait3A_99 = arith.constant 0 : i32
        %dma_wait3A_100 = tpu.memref_slice %arg4[%add3A_21, %dma_wait3A_99] : memref<1280x128xi32, #tpu.memory_space<hbm>> -> memref<40x128xi32, #tpu.memory_space<hbm>>
        %dma_wait3A_101 = arith.constant 0 : i32
        %dma_wait3A_102 = tpu.memref_slice %arg4[%add3A_21, %dma_wait3A_101] : memref<1280x128xi32, #tpu.memory_space<hbm>> -> memref<40x128xi32, #tpu.memory_space<hbm>>
        tpu.wait_dma2 semaphore(%run_scoped3A_94 : memref<!tpu.dma_semaphore, #tpu.memory_space<semaphore_mem>>) src(%dma_wait3A_102 : memref<40x128xi32, #tpu.memory_space<hbm>>) dst(%arg9 : memref<40x128xi32, #tpu.memory_space<vmem>>)
        tpu.yield
      }) : () -> ()
      "tpu.region"() ({
        %run_scoped3A_94 = tpu.sem_alloc : memref<!tpu.dma_semaphore, #tpu.memory_space<semaphore_mem>>
        %dma_start3A_95 = arith.constant 0 : i32
        %dma_start3A_96 = tpu.memref_slice %arg5[%add3A_21, %dma_start3A_95] : memref<1280x128xi32, #tpu.memory_space<hbm>> -> memref<40x128xi32, #tpu.memory_space<hbm>>
        %dma_start3A_97 = arith.constant 0 : i32
        %dma_start3A_98 = tpu.memref_slice %arg5[%add3A_21, %dma_start3A_97] : memref<1280x128xi32, #tpu.memory_space<hbm>> -> memref<40x128xi32, #tpu.memory_space<hbm>>
        tpu.enqueue_dma source(%dma_start3A_98 : memref<40x128xi32, #tpu.memory_space<hbm>>) target(%arg10 : memref<40x128xi32, #tpu.memory_space<vmem>>) target_semaphore(%run_scoped3A_94 : memref<!tpu.dma_semaphore, #tpu.memory_space<semaphore_mem>>)
        %dma_wait3A_99 = arith.constant 0 : i32
        %dma_wait3A_100 = tpu.memref_slice %arg5[%add3A_21, %dma_wait3A_99] : memref<1280x128xi32, #tpu.memory_space<hbm>> -> memref<40x128xi32, #tpu.memory_space<hbm>>
        %dma_wait3A_101 = arith.constant 0 : i32
        %dma_wait3A_102 = tpu.memref_slice %arg5[%add3A_21, %dma_wait3A_101] : memref<1280x128xi32, #tpu.memory_space<hbm>> -> memref<40x128xi32, #tpu.memory_space<hbm>>
        tpu.wait_dma2 semaphore(%run_scoped3A_94 : memref<!tpu.dma_semaphore, #tpu.memory_space<semaphore_mem>>) src(%dma_wait3A_102 : memref<40x128xi32, #tpu.memory_space<hbm>>) dst(%arg10 : memref<40x128xi32, #tpu.memory_space<vmem>>)
        tpu.yield
      }) : () -> ()
      %dma_start3A = arith.constant 0 : i32
      %dma_start3A_22 = arith.constant 0 : i32
      %dma_start3A_23 = tpu.memref_slice %arg9[%dma_start3A, %dma_start3A_22] : memref<40x128xi32, #tpu.memory_space<vmem>> -> memref<1x128xi32, #tpu.memory_space<vmem>>
      %dma_start3A_24 = tpu.memref_squeeze %dma_start3A_23 : memref<1x128xi32, #tpu.memory_space<vmem>> -> memref<128xi32, #tpu.memory_space<vmem>>
      %dma_start3A_25 = arith.constant 0 : i32
      %dma_start3A_26 = arith.constant 0 : i32
      %dma_start3A_27 = tpu.memref_slice %arg3[%dma_start3A_25, %dma_start3A_26] : memref<10000x128xf32, #tpu.memory_space<hbm>> -> memref<10000x128xf32, #tpu.memory_space<hbm>>
      tpu.enqueue_indirect_dma source(%dma_start3A_27 : memref<10000x128xf32, #tpu.memory_space<hbm>>) target(%arg11 : memref<128x128xf32, #tpu.memory_space<vmem>>) offsets(%dma_start3A_24 : memref<128xi32, #tpu.memory_space<vmem>>) semaphore(%arg14 : memref<!tpu.dma_semaphore, #tpu.memory_space<semaphore_mem>>)
      %dma_start3A_28 = arith.constant 1 : i32
      %dma_start3A_29 = arith.constant 0 : i32
      %dma_start3A_30 = tpu.memref_slice %arg9[%dma_start3A_28, %dma_start3A_29] : memref<40x128xi32, #tpu.memory_space<vmem>> -> memref<1x128xi32, #tpu.memory_space<vmem>>
      %dma_start3A_31 = tpu.memref_squeeze %dma_start3A_30 : memref<1x128xi32, #tpu.memory_space<vmem>> -> memref<128xi32, #tpu.memory_space<vmem>>
      %dma_start3A_32 = arith.constant 0 : i32
      %dma_start3A_33 = arith.constant 0 : i32
      %dma_start3A_34 = tpu.memref_slice %arg3[%dma_start3A_32, %dma_start3A_33] : memref<10000x128xf32, #tpu.memory_space<hbm>> -> memref<10000x128xf32, #tpu.memory_space<hbm>>
      tpu.enqueue_indirect_dma source(%dma_start3A_34 : memref<10000x128xf32, #tpu.memory_space<hbm>>) target(%arg12 : memref<128x128xf32, #tpu.memory_space<vmem>>) offsets(%dma_start3A_31 : memref<128xi32, #tpu.memory_space<vmem>>) semaphore(%arg14 : memref<!tpu.dma_semaphore, #tpu.memory_space<semaphore_mem>>)
      %scan3A = arith.constant 0 : i32
      %scan3A_35 = arith.constant 0 : i32
      %scan3A_36 = arith.constant 19 : i32
      %scan3A_37 = arith.addi %scan3A_35, %scan3A_36 : i32
      %scan3A_38 = arith.constant 1 : i32
      scf.for %scan3A_94 = %scan3A_35 to %scan3A_37 step %scan3A_38  : i32 {
        %mul3A_95 = arith.constant 2 : i32
        %mul3A_96 = arith.muli %scan3A_94, %mul3A_95 : i32
        %add3A_97 = arith.constant 0 : i32
        %add3A_98 = arith.addi %mul3A_96, %add3A_97 : i32
        %dma_wait3A_99 = arith.constant 0 : i32
        %dma_wait3A_100 = tpu.memref_slice %arg9[%add3A_98, %dma_wait3A_99] : memref<40x128xi32, #tpu.memory_space<vmem>> -> memref<1x128xi32, #tpu.memory_space<vmem>>
        %dma_wait3A_101 = tpu.memref_squeeze %dma_wait3A_100 : memref<1x128xi32, #tpu.memory_space<vmem>> -> memref<128xi32, #tpu.memory_space<vmem>>
        %dma_wait3A_102 = arith.constant 0 : i32
        %dma_wait3A_103 = arith.constant 0 : i32
        %dma_wait3A_104 = tpu.memref_slice %arg3[%dma_wait3A_102, %dma_wait3A_103] : memref<10000x128xf32, #tpu.memory_space<hbm>> -> memref<10000x128xf32, #tpu.memory_space<hbm>>
        tpu.wait_indirect_dma semaphore(%arg14 : memref<!tpu.dma_semaphore, #tpu.memory_space<semaphore_mem>>) src(%dma_wait3A_104 : memref<10000x128xf32, #tpu.memory_space<hbm>>) dst(%arg11 : memref<128x128xf32, #tpu.memory_space<vmem>>)
        "tpu.region"() ({
          %run_scoped3A_131 = tpu.sem_alloc : memref<!tpu.dma_semaphore, #tpu.memory_space<semaphore_mem>>
          %dma_start3A_132 = arith.constant 0 : i32
          %dma_start3A_133 = tpu.memref_slice %arg10[%add3A_98, %dma_start3A_132] : memref<40x128xi32, #tpu.memory_space<vmem>> -> memref<1x128xi32, #tpu.memory_space<vmem>>
          %dma_start3A_134 = tpu.memref_squeeze %dma_start3A_133 : memref<1x128xi32, #tpu.memory_space<vmem>> -> memref<128xi32, #tpu.memory_space<vmem>>
          %dma_start3A_135 = arith.constant 0 : i32
          %dma_start3A_136 = arith.constant 0 : i32
          %dma_start3A_137 = tpu.memref_slice %arg13[%dma_start3A_135, %dma_start3A_136] : memref<10240x128xf32, #tpu.memory_space<vmem_shared>> -> memref<10240x128xf32, #tpu.memory_space<vmem_shared>>
          tpu.enqueue_indirect_dma source(%arg11 : memref<128x128xf32, #tpu.memory_space<vmem>>) target(%dma_start3A_137 : memref<10240x128xf32, #tpu.memory_space<vmem_shared>>) offsets(%dma_start3A_134 : memref<128xi32, #tpu.memory_space<vmem>>) semaphore(%run_scoped3A_131 : memref<!tpu.dma_semaphore, #tpu.memory_space<semaphore_mem>>) {add = true}
          %dma_wait3A_138 = arith.constant 0 : i32
          %dma_wait3A_139 = tpu.memref_slice %arg10[%add3A_98, %dma_wait3A_138] : memref<40x128xi32, #tpu.memory_space<vmem>> -> memref<1x128xi32, #tpu.memory_space<vmem>>
          %dma_wait3A_140 = tpu.memref_squeeze %dma_wait3A_139 : memref<1x128xi32, #tpu.memory_space<vmem>> -> memref<128xi32, #tpu.memory_space<vmem>>
          %dma_wait3A_141 = arith.constant 0 : i32
          %dma_wait3A_142 = arith.constant 0 : i32
          %dma_wait3A_143 = tpu.memref_slice %arg13[%dma_wait3A_141, %dma_wait3A_142] : memref<10240x128xf32, #tpu.memory_space<vmem_shared>> -> memref<10240x128xf32, #tpu.memory_space<vmem_shared>>
          tpu.wait_indirect_dma semaphore(%run_scoped3A_131 : memref<!tpu.dma_semaphore, #tpu.memory_space<semaphore_mem>>) src(%arg11 : memref<128x128xf32, #tpu.memory_space<vmem>>) dst(%dma_wait3A_143 : memref<10240x128xf32, #tpu.memory_space<vmem_shared>>)
          tpu.yield
        }) : () -> ()
        %add3A_105 = arith.constant 2 : i32
        %add3A_106 = arith.addi %add3A_98, %add3A_105 : i32
        %dma_start3A_107 = arith.constant 0 : i32
        %dma_start3A_108 = tpu.memref_slice %arg9[%add3A_106, %dma_start3A_107] : memref<40x128xi32, #tpu.memory_space<vmem>> -> memref<1x128xi32, #tpu.memory_space<vmem>>
        %dma_start3A_109 = tpu.memref_squeeze %dma_start3A_108 : memref<1x128xi32, #tpu.memory_space<vmem>> -> memref<128xi32, #tpu.memory_space<vmem>>
        %dma_start3A_110 = arith.constant 0 : i32
        %dma_start3A_111 = arith.constant 0 : i32
        %dma_start3A_112 = tpu.memref_slice %arg3[%dma_start3A_110, %dma_start3A_111] : memref<10000x128xf32, #tpu.memory_space<hbm>> -> memref<10000x128xf32, #tpu.memory_space<hbm>>
        tpu.enqueue_indirect_dma source(%dma_start3A_112 : memref<10000x128xf32, #tpu.memory_space<hbm>>) target(%arg11 : memref<128x128xf32, #tpu.memory_space<vmem>>) offsets(%dma_start3A_109 : memref<128xi32, #tpu.memory_space<vmem>>) semaphore(%arg14 : memref<!tpu.dma_semaphore, #tpu.memory_space<semaphore_mem>>)
        %mul3A_113 = arith.constant 2 : i32
        %mul3A_114 = arith.muli %scan3A_94, %mul3A_113 : i32
        %add3A_115 = arith.constant 1 : i32
        %add3A_116 = arith.addi %mul3A_114, %add3A_115 : i32
        %dma_wait3A_117 = arith.constant 0 : i32
        %dma_wait3A_118 = tpu.memref_slice %arg9[%add3A_116, %dma_wait3A_117] : memref<40x128xi32, #tpu.memory_space<vmem>> -> memref<1x128xi32, #tpu.memory_space<vmem>>
        %dma_wait3A_119 = tpu.memref_squeeze %dma_wait3A_118 : memref<1x128xi32, #tpu.memory_space<vmem>> -> memref<128xi32, #tpu.memory_space<vmem>>
        %dma_wait3A_120 = arith.constant 0 : i32
        %dma_wait3A_121 = arith.constant 0 : i32
        %dma_wait3A_122 = tpu.memref_slice %arg3[%dma_wait3A_120, %dma_wait3A_121] : memref<10000x128xf32, #tpu.memory_space<hbm>> -> memref<10000x128xf32, #tpu.memory_space<hbm>>
        tpu.wait_indirect_dma semaphore(%arg14 : memref<!tpu.dma_semaphore, #tpu.memory_space<semaphore_mem>>) src(%dma_wait3A_122 : memref<10000x128xf32, #tpu.memory_space<hbm>>) dst(%arg12 : memref<128x128xf32, #tpu.memory_space<vmem>>)
        "tpu.region"() ({
          %run_scoped3A_131 = tpu.sem_alloc : memref<!tpu.dma_semaphore, #tpu.memory_space<semaphore_mem>>
          %dma_start3A_132 = arith.constant 0 : i32
          %dma_start3A_133 = tpu.memref_slice %arg10[%add3A_116, %dma_start3A_132] : memref<40x128xi32, #tpu.memory_space<vmem>> -> memref<1x128xi32, #tpu.memory_space<vmem>>
          %dma_start3A_134 = tpu.memref_squeeze %dma_start3A_133 : memref<1x128xi32, #tpu.memory_space<vmem>> -> memref<128xi32, #tpu.memory_space<vmem>>
          %dma_start3A_135 = arith.constant 0 : i32
          %dma_start3A_136 = arith.constant 0 : i32
          %dma_start3A_137 = tpu.memref_slice %arg13[%dma_start3A_135, %dma_start3A_136] : memref<10240x128xf32, #tpu.memory_space<vmem_shared>> -> memref<10240x128xf32, #tpu.memory_space<vmem_shared>>
          tpu.enqueue_indirect_dma source(%arg12 : memref<128x128xf32, #tpu.memory_space<vmem>>) target(%dma_start3A_137 : memref<10240x128xf32, #tpu.memory_space<vmem_shared>>) offsets(%dma_start3A_134 : memref<128xi32, #tpu.memory_space<vmem>>) semaphore(%run_scoped3A_131 : memref<!tpu.dma_semaphore, #tpu.memory_space<semaphore_mem>>) {add = true}
          %dma_wait3A_138 = arith.constant 0 : i32
          %dma_wait3A_139 = tpu.memref_slice %arg10[%add3A_116, %dma_wait3A_138] : memref<40x128xi32, #tpu.memory_space<vmem>> -> memref<1x128xi32, #tpu.memory_space<vmem>>
          %dma_wait3A_140 = tpu.memref_squeeze %dma_wait3A_139 : memref<1x128xi32, #tpu.memory_space<vmem>> -> memref<128xi32, #tpu.memory_space<vmem>>
          %dma_wait3A_141 = arith.constant 0 : i32
          %dma_wait3A_142 = arith.constant 0 : i32
          %dma_wait3A_143 = tpu.memref_slice %arg13[%dma_wait3A_141, %dma_wait3A_142] : memref<10240x128xf32, #tpu.memory_space<vmem_shared>> -> memref<10240x128xf32, #tpu.memory_space<vmem_shared>>
          tpu.wait_indirect_dma semaphore(%run_scoped3A_131 : memref<!tpu.dma_semaphore, #tpu.memory_space<semaphore_mem>>) src(%arg12 : memref<128x128xf32, #tpu.memory_space<vmem>>) dst(%dma_wait3A_143 : memref<10240x128xf32, #tpu.memory_space<vmem_shared>>)
          tpu.yield
        }) : () -> ()
        %add3A_123 = arith.constant 2 : i32
        %add3A_124 = arith.addi %add3A_116, %add3A_123 : i32
        %dma_start3A_125 = arith.constant 0 : i32
        %dma_start3A_126 = tpu.memref_slice %arg9[%add3A_124, %dma_start3A_125] : memref<40x128xi32, #tpu.memory_space<vmem>> -> memref<1x128xi32, #tpu.memory_space<vmem>>
        %dma_start3A_127 = tpu.memref_squeeze %dma_start3A_126 : memref<1x128xi32, #tpu.memory_space<vmem>> -> memref<128xi32, #tpu.memory_space<vmem>>
        %dma_start3A_128 = arith.constant 0 : i32
        %dma_start3A_129 = arith.constant 0 : i32
        %dma_start3A_130 = tpu.memref_slice %arg3[%dma_start3A_128, %dma_start3A_129] : memref<10000x128xf32, #tpu.memory_space<hbm>> -> memref<10000x128xf32, #tpu.memory_space<hbm>>
        tpu.enqueue_indirect_dma source(%dma_start3A_130 : memref<10000x128xf32, #tpu.memory_space<hbm>>) target(%arg12 : memref<128x128xf32, #tpu.memory_space<vmem>>) offsets(%dma_start3A_127 : memref<128xi32, #tpu.memory_space<vmem>>) semaphore(%arg14 : memref<!tpu.dma_semaphore, #tpu.memory_space<semaphore_mem>>)
      }
      %scan3A_39 = arith.constant 19 : i32
      %dma_wait3A = arith.constant 38 : i32
      %dma_wait3A_40 = arith.constant 0 : i32
      %dma_wait3A_41 = tpu.memref_slice %arg9[%dma_wait3A, %dma_wait3A_40] : memref<40x128xi32, #tpu.memory_space<vmem>> -> memref<1x128xi32, #tpu.memory_space<vmem>>
      %dma_wait3A_42 = tpu.memref_squeeze %dma_wait3A_41 : memref<1x128xi32, #tpu.memory_space<vmem>> -> memref<128xi32, #tpu.memory_space<vmem>>
      %dma_wait3A_43 = arith.constant 0 : i32
      %dma_wait3A_44 = arith.constant 0 : i32
      %dma_wait3A_45 = tpu.memref_slice %arg3[%dma_wait3A_43, %dma_wait3A_44] : memref<10000x128xf32, #tpu.memory_space<hbm>> -> memref<10000x128xf32, #tpu.memory_space<hbm>>
      tpu.wait_indirect_dma semaphore(%arg14 : memref<!tpu.dma_semaphore, #tpu.memory_space<semaphore_mem>>) src(%dma_wait3A_45 : memref<10000x128xf32, #tpu.memory_space<hbm>>) dst(%arg11 : memref<128x128xf32, #tpu.memory_space<vmem>>)
      %run_scoped3A = arith.constant 38 : i32
      "tpu.region"() ({
        %run_scoped3A_94 = tpu.sem_alloc : memref<!tpu.dma_semaphore, #tpu.memory_space<semaphore_mem>>
        %dma_start3A_95 = arith.constant 0 : i32
        %dma_start3A_96 = tpu.memref_slice %arg10[%run_scoped3A, %dma_start3A_95] : memref<40x128xi32, #tpu.memory_space<vmem>> -> memref<1x128xi32, #tpu.memory_space<vmem>>
        %dma_start3A_97 = tpu.memref_squeeze %dma_start3A_96 : memref<1x128xi32, #tpu.memory_space<vmem>> -> memref<128xi32, #tpu.memory_space<vmem>>
        %dma_start3A_98 = arith.constant 0 : i32
        %dma_start3A_99 = arith.constant 0 : i32
        %dma_start3A_100 = tpu.memref_slice %arg13[%dma_start3A_98, %dma_start3A_99] : memref<10240x128xf32, #tpu.memory_space<vmem_shared>> -> memref<10240x128xf32, #tpu.memory_space<vmem_shared>>
        tpu.enqueue_indirect_dma source(%arg11 : memref<128x128xf32, #tpu.memory_space<vmem>>) target(%dma_start3A_100 : memref<10240x128xf32, #tpu.memory_space<vmem_shared>>) offsets(%dma_start3A_97 : memref<128xi32, #tpu.memory_space<vmem>>) semaphore(%run_scoped3A_94 : memref<!tpu.dma_semaphore, #tpu.memory_space<semaphore_mem>>) {add = true}
        %dma_wait3A_101 = arith.constant 0 : i32
        %dma_wait3A_102 = tpu.memref_slice %arg10[%run_scoped3A, %dma_wait3A_101] : memref<40x128xi32, #tpu.memory_space<vmem>> -> memref<1x128xi32, #tpu.memory_space<vmem>>
        %dma_wait3A_103 = tpu.memref_squeeze %dma_wait3A_102 : memref<1x128xi32, #tpu.memory_space<vmem>> -> memref<128xi32, #tpu.memory_space<vmem>>
        %dma_wait3A_104 = arith.constant 0 : i32
        %dma_wait3A_105 = arith.constant 0 : i32
        %dma_wait3A_106 = tpu.memref_slice %arg13[%dma_wait3A_104, %dma_wait3A_105] : memref<10240x128xf32, #tpu.memory_space<vmem_shared>> -> memref<10240x128xf32, #tpu.memory_space<vmem_shared>>
        tpu.wait_indirect_dma semaphore(%run_scoped3A_94 : memref<!tpu.dma_semaphore, #tpu.memory_space<semaphore_mem>>) src(%arg11 : memref<128x128xf32, #tpu.memory_space<vmem>>) dst(%dma_wait3A_106 : memref<10240x128xf32, #tpu.memory_space<vmem_shared>>)
        tpu.yield
      }) : () -> ()
      %dma_wait3A_46 = arith.constant 39 : i32
      %dma_wait3A_47 = arith.constant 0 : i32
      %dma_wait3A_48 = tpu.memref_slice %arg9[%dma_wait3A_46, %dma_wait3A_47] : memref<40x128xi32, #tpu.memory_space<vmem>> -> memref<1x128xi32, #tpu.memory_space<vmem>>
      %dma_wait3A_49 = tpu.memref_squeeze %dma_wait3A_48 : memref<1x128xi32, #tpu.memory_space<vmem>> -> memref<128xi32, #tpu.memory_space<vmem>>
      %dma_wait3A_50 = arith.constant 0 : i32
      %dma_wait3A_51 = arith.constant 0 : i32
      %dma_wait3A_52 = tpu.memref_slice %arg3[%dma_wait3A_50, %dma_wait3A_51] : memref<10000x128xf32, #tpu.memory_space<hbm>> -> memref<10000x128xf32, #tpu.memory_space<hbm>>
      tpu.wait_indirect_dma semaphore(%arg14 : memref<!tpu.dma_semaphore, #tpu.memory_space<semaphore_mem>>) src(%dma_wait3A_52 : memref<10000x128xf32, #tpu.memory_space<hbm>>) dst(%arg12 : memref<128x128xf32, #tpu.memory_space<vmem>>)
      %run_scoped3A_53 = arith.constant 39 : i32
      "tpu.region"() ({
        %run_scoped3A_94 = tpu.sem_alloc : memref<!tpu.dma_semaphore, #tpu.memory_space<semaphore_mem>>
        %dma_start3A_95 = arith.constant 0 : i32
        %dma_start3A_96 = tpu.memref_slice %arg10[%run_scoped3A_53, %dma_start3A_95] : memref<40x128xi32, #tpu.memory_space<vmem>> -> memref<1x128xi32, #tpu.memory_space<vmem>>
        %dma_start3A_97 = tpu.memref_squeeze %dma_start3A_96 : memref<1x128xi32, #tpu.memory_space<vmem>> -> memref<128xi32, #tpu.memory_space<vmem>>
        %dma_start3A_98 = arith.constant 0 : i32
        %dma_start3A_99 = arith.constant 0 : i32
        %dma_start3A_100 = tpu.memref_slice %arg13[%dma_start3A_98, %dma_start3A_99] : memref<10240x128xf32, #tpu.memory_space<vmem_shared>> -> memref<10240x128xf32, #tpu.memory_space<vmem_shared>>
        tpu.enqueue_indirect_dma source(%arg12 : memref<128x128xf32, #tpu.memory_space<vmem>>) target(%dma_start3A_100 : memref<10240x128xf32, #tpu.memory_space<vmem_shared>>) offsets(%dma_start3A_97 : memref<128xi32, #tpu.memory_space<vmem>>) semaphore(%run_scoped3A_94 : memref<!tpu.dma_semaphore, #tpu.memory_space<semaphore_mem>>) {add = true}
        %dma_wait3A_101 = arith.constant 0 : i32
        %dma_wait3A_102 = tpu.memref_slice %arg10[%run_scoped3A_53, %dma_wait3A_101] : memref<40x128xi32, #tpu.memory_space<vmem>> -> memref<1x128xi32, #tpu.memory_space<vmem>>
        %dma_wait3A_103 = tpu.memref_squeeze %dma_wait3A_102 : memref<1x128xi32, #tpu.memory_space<vmem>> -> memref<128xi32, #tpu.memory_space<vmem>>
        %dma_wait3A_104 = arith.constant 0 : i32
        %dma_wait3A_105 = arith.constant 0 : i32
        %dma_wait3A_106 = tpu.memref_slice %arg13[%dma_wait3A_104, %dma_wait3A_105] : memref<10240x128xf32, #tpu.memory_space<vmem_shared>> -> memref<10240x128xf32, #tpu.memory_space<vmem_shared>>
        tpu.wait_indirect_dma semaphore(%run_scoped3A_94 : memref<!tpu.dma_semaphore, #tpu.memory_space<semaphore_mem>>) src(%arg12 : memref<128x128xf32, #tpu.memory_space<vmem>>) dst(%dma_wait3A_106 : memref<10240x128xf32, #tpu.memory_space<vmem_shared>>)
        tpu.yield
      }) : () -> ()
      %mul3A_54 = arith.constant 80 : i32
      %mul3A_55 = arith.muli %arg1, %mul3A_54 : i32
      %add3A_56 = arith.constant 40 : i32
      %add3A_57 = arith.addi %mul3A_55, %add3A_56 : i32
      "tpu.region"() ({
        %run_scoped3A_94 = tpu.sem_alloc : memref<!tpu.dma_semaphore, #tpu.memory_space<semaphore_mem>>
        %dma_start3A_95 = arith.constant 0 : i32
        %dma_start3A_96 = tpu.memref_slice %arg4[%add3A_57, %dma_start3A_95] : memref<1280x128xi32, #tpu.memory_space<hbm>> -> memref<40x128xi32, #tpu.memory_space<hbm>>
        %dma_start3A_97 = arith.constant 0 : i32
        %dma_start3A_98 = tpu.memref_slice %arg4[%add3A_57, %dma_start3A_97] : memref<1280x128xi32, #tpu.memory_space<hbm>> -> memref<40x128xi32, #tpu.memory_space<hbm>>
        tpu.enqueue_dma source(%dma_start3A_98 : memref<40x128xi32, #tpu.memory_space<hbm>>) target(%arg9 : memref<40x128xi32, #tpu.memory_space<vmem>>) target_semaphore(%run_scoped3A_94 : memref<!tpu.dma_semaphore, #tpu.memory_space<semaphore_mem>>)
        %dma_wait3A_99 = arith.constant 0 : i32
        %dma_wait3A_100 = tpu.memref_slice %arg4[%add3A_57, %dma_wait3A_99] : memref<1280x128xi32, #tpu.memory_space<hbm>> -> memref<40x128xi32, #tpu.memory_space<hbm>>
        %dma_wait3A_101 = arith.constant 0 : i32
        %dma_wait3A_102 = tpu.memref_slice %arg4[%add3A_57, %dma_wait3A_101] : memref<1280x128xi32, #tpu.memory_space<hbm>> -> memref<40x128xi32, #tpu.memory_space<hbm>>
        tpu.wait_dma2 semaphore(%run_scoped3A_94 : memref<!tpu.dma_semaphore, #tpu.memory_space<semaphore_mem>>) src(%dma_wait3A_102 : memref<40x128xi32, #tpu.memory_space<hbm>>) dst(%arg9 : memref<40x128xi32, #tpu.memory_space<vmem>>)
        tpu.yield
      }) : () -> ()
      "tpu.region"() ({
        %run_scoped3A_94 = tpu.sem_alloc : memref<!tpu.dma_semaphore, #tpu.memory_space<semaphore_mem>>
        %dma_start3A_95 = arith.constant 0 : i32
        %dma_start3A_96 = tpu.memref_slice %arg5[%add3A_57, %dma_start3A_95] : memref<1280x128xi32, #tpu.memory_space<hbm>> -> memref<40x128xi32, #tpu.memory_space<hbm>>
        %dma_start3A_97 = arith.constant 0 : i32
        %dma_start3A_98 = tpu.memref_slice %arg5[%add3A_57, %dma_start3A_97] : memref<1280x128xi32, #tpu.memory_space<hbm>> -> memref<40x128xi32, #tpu.memory_space<hbm>>
        tpu.enqueue_dma source(%dma_start3A_98 : memref<40x128xi32, #tpu.memory_space<hbm>>) target(%arg10 : memref<40x128xi32, #tpu.memory_space<vmem>>) target_semaphore(%run_scoped3A_94 : memref<!tpu.dma_semaphore, #tpu.memory_space<semaphore_mem>>)
        %dma_wait3A_99 = arith.constant 0 : i32
        %dma_wait3A_100 = tpu.memref_slice %arg5[%add3A_57, %dma_wait3A_99] : memref<1280x128xi32, #tpu.memory_space<hbm>> -> memref<40x128xi32, #tpu.memory_space<hbm>>
        %dma_wait3A_101 = arith.constant 0 : i32
        %dma_wait3A_102 = tpu.memref_slice %arg5[%add3A_57, %dma_wait3A_101] : memref<1280x128xi32, #tpu.memory_space<hbm>> -> memref<40x128xi32, #tpu.memory_space<hbm>>
        tpu.wait_dma2 semaphore(%run_scoped3A_94 : memref<!tpu.dma_semaphore, #tpu.memory_space<semaphore_mem>>) src(%dma_wait3A_102 : memref<40x128xi32, #tpu.memory_space<hbm>>) dst(%arg10 : memref<40x128xi32, #tpu.memory_space<vmem>>)
        tpu.yield
      }) : () -> ()
      %dma_start3A_58 = arith.constant 0 : i32
      %dma_start3A_59 = arith.constant 0 : i32
      %dma_start3A_60 = tpu.memref_slice %arg9[%dma_start3A_58, %dma_start3A_59] : memref<40x128xi32, #tpu.memory_space<vmem>> -> memref<1x128xi32, #tpu.memory_space<vmem>>
      %dma_start3A_61 = tpu.memref_squeeze %dma_start3A_60 : memref<1x128xi32, #tpu.memory_space<vmem>> -> memref<128xi32, #tpu.memory_space<vmem>>
      %dma_start3A_62 = arith.constant 0 : i32
      %dma_start3A_63 = arith.constant 0 : i32
      %dma_start3A_64 = tpu.memref_slice %arg3[%dma_start3A_62, %dma_start3A_63] : memref<10000x128xf32, #tpu.memory_space<hbm>> -> memref<10000x128xf32, #tpu.memory_space<hbm>>
      tpu.enqueue_indirect_dma source(%dma_start3A_64 : memref<10000x128xf32, #tpu.memory_space<hbm>>) target(%arg11 : memref<128x128xf32, #tpu.memory_space<vmem>>) offsets(%dma_start3A_61 : memref<128xi32, #tpu.memory_space<vmem>>) semaphore(%arg14 : memref<!tpu.dma_semaphore, #tpu.memory_space<semaphore_mem>>)
      %dma_start3A_65 = arith.constant 1 : i32
      %dma_start3A_66 = arith.constant 0 : i32
      %dma_start3A_67 = tpu.memref_slice %arg9[%dma_start3A_65, %dma_start3A_66] : memref<40x128xi32, #tpu.memory_space<vmem>> -> memref<1x128xi32, #tpu.memory_space<vmem>>
      %dma_start3A_68 = tpu.memref_squeeze %dma_start3A_67 : memref<1x128xi32, #tpu.memory_space<vmem>> -> memref<128xi32, #tpu.memory_space<vmem>>
      %dma_start3A_69 = arith.constant 0 : i32
      %dma_start3A_70 = arith.constant 0 : i32
      %dma_start3A_71 = tpu.memref_slice %arg3[%dma_start3A_69, %dma_start3A_70] : memref<10000x128xf32, #tpu.memory_space<hbm>> -> memref<10000x128xf32, #tpu.memory_space<hbm>>
      tpu.enqueue_indirect_dma source(%dma_start3A_71 : memref<10000x128xf32, #tpu.memory_space<hbm>>) target(%arg12 : memref<128x128xf32, #tpu.memory_space<vmem>>) offsets(%dma_start3A_68 : memref<128xi32, #tpu.memory_space<vmem>>) semaphore(%arg14 : memref<!tpu.dma_semaphore, #tpu.memory_space<semaphore_mem>>)
      %scan3A_72 = arith.constant 0 : i32
      %scan3A_73 = arith.constant 0 : i32
      %scan3A_74 = arith.constant 19 : i32
      %scan3A_75 = arith.addi %scan3A_73, %scan3A_74 : i32
      %scan3A_76 = arith.constant 1 : i32
      scf.for %scan3A_94 = %scan3A_73 to %scan3A_75 step %scan3A_76  : i32 {
        %mul3A_95 = arith.constant 2 : i32
        %mul3A_96 = arith.muli %scan3A_94, %mul3A_95 : i32
        %add3A_97 = arith.constant 0 : i32
        %add3A_98 = arith.addi %mul3A_96, %add3A_97 : i32
        %dma_wait3A_99 = arith.constant 0 : i32
        %dma_wait3A_100 = tpu.memref_slice %arg9[%add3A_98, %dma_wait3A_99] : memref<40x128xi32, #tpu.memory_space<vmem>> -> memref<1x128xi32, #tpu.memory_space<vmem>>
        %dma_wait3A_101 = tpu.memref_squeeze %dma_wait3A_100 : memref<1x128xi32, #tpu.memory_space<vmem>> -> memref<128xi32, #tpu.memory_space<vmem>>
        %dma_wait3A_102 = arith.constant 0 : i32
        %dma_wait3A_103 = arith.constant 0 : i32
        %dma_wait3A_104 = tpu.memref_slice %arg3[%dma_wait3A_102, %dma_wait3A_103] : memref<10000x128xf32, #tpu.memory_space<hbm>> -> memref<10000x128xf32, #tpu.memory_space<hbm>>
        tpu.wait_indirect_dma semaphore(%arg14 : memref<!tpu.dma_semaphore, #tpu.memory_space<semaphore_mem>>) src(%dma_wait3A_104 : memref<10000x128xf32, #tpu.memory_space<hbm>>) dst(%arg11 : memref<128x128xf32, #tpu.memory_space<vmem>>)
        "tpu.region"() ({
          %run_scoped3A_131 = tpu.sem_alloc : memref<!tpu.dma_semaphore, #tpu.memory_space<semaphore_mem>>
          %dma_start3A_132 = arith.constant 0 : i32
          %dma_start3A_133 = tpu.memref_slice %arg10[%add3A_98, %dma_start3A_132] : memref<40x128xi32, #tpu.memory_space<vmem>> -> memref<1x128xi32, #tpu.memory_space<vmem>>
          %dma_start3A_134 = tpu.memref_squeeze %dma_start3A_133 : memref<1x128xi32, #tpu.memory_space<vmem>> -> memref<128xi32, #tpu.memory_space<vmem>>
          %dma_start3A_135 = arith.constant 0 : i32
          %dma_start3A_136 = arith.constant 0 : i32
          %dma_start3A_137 = tpu.memref_slice %arg13[%dma_start3A_135, %dma_start3A_136] : memref<10240x128xf32, #tpu.memory_space<vmem_shared>> -> memref<10240x128xf32, #tpu.memory_space<vmem_shared>>
          tpu.enqueue_indirect_dma source(%arg11 : memref<128x128xf32, #tpu.memory_space<vmem>>) target(%dma_start3A_137 : memref<10240x128xf32, #tpu.memory_space<vmem_shared>>) offsets(%dma_start3A_134 : memref<128xi32, #tpu.memory_space<vmem>>) semaphore(%run_scoped3A_131 : memref<!tpu.dma_semaphore, #tpu.memory_space<semaphore_mem>>) {add = true}
          %dma_wait3A_138 = arith.constant 0 : i32
          %dma_wait3A_139 = tpu.memref_slice %arg10[%add3A_98, %dma_wait3A_138] : memref<40x128xi32, #tpu.memory_space<vmem>> -> memref<1x128xi32, #tpu.memory_space<vmem>>
          %dma_wait3A_140 = tpu.memref_squeeze %dma_wait3A_139 : memref<1x128xi32, #tpu.memory_space<vmem>> -> memref<128xi32, #tpu.memory_space<vmem>>
          %dma_wait3A_141 = arith.constant 0 : i32
          %dma_wait3A_142 = arith.constant 0 : i32
          %dma_wait3A_143 = tpu.memref_slice %arg13[%dma_wait3A_141, %dma_wait3A_142] : memref<10240x128xf32, #tpu.memory_space<vmem_shared>> -> memref<10240x128xf32, #tpu.memory_space<vmem_shared>>
          tpu.wait_indirect_dma semaphore(%run_scoped3A_131 : memref<!tpu.dma_semaphore, #tpu.memory_space<semaphore_mem>>) src(%arg11 : memref<128x128xf32, #tpu.memory_space<vmem>>) dst(%dma_wait3A_143 : memref<10240x128xf32, #tpu.memory_space<vmem_shared>>)
          tpu.yield
        }) : () -> ()
        %add3A_105 = arith.constant 2 : i32
        %add3A_106 = arith.addi %add3A_98, %add3A_105 : i32
        %dma_start3A_107 = arith.constant 0 : i32
        %dma_start3A_108 = tpu.memref_slice %arg9[%add3A_106, %dma_start3A_107] : memref<40x128xi32, #tpu.memory_space<vmem>> -> memref<1x128xi32, #tpu.memory_space<vmem>>
        %dma_start3A_109 = tpu.memref_squeeze %dma_start3A_108 : memref<1x128xi32, #tpu.memory_space<vmem>> -> memref<128xi32, #tpu.memory_space<vmem>>
        %dma_start3A_110 = arith.constant 0 : i32
        %dma_start3A_111 = arith.constant 0 : i32
        %dma_start3A_112 = tpu.memref_slice %arg3[%dma_start3A_110, %dma_start3A_111] : memref<10000x128xf32, #tpu.memory_space<hbm>> -> memref<10000x128xf32, #tpu.memory_space<hbm>>
        tpu.enqueue_indirect_dma source(%dma_start3A_112 : memref<10000x128xf32, #tpu.memory_space<hbm>>) target(%arg11 : memref<128x128xf32, #tpu.memory_space<vmem>>) offsets(%dma_start3A_109 : memref<128xi32, #tpu.memory_space<vmem>>) semaphore(%arg14 : memref<!tpu.dma_semaphore, #tpu.memory_space<semaphore_mem>>)
        %mul3A_113 = arith.constant 2 : i32
        %mul3A_114 = arith.muli %scan3A_94, %mul3A_113 : i32
        %add3A_115 = arith.constant 1 : i32
        %add3A_116 = arith.addi %mul3A_114, %add3A_115 : i32
        %dma_wait3A_117 = arith.constant 0 : i32
        %dma_wait3A_118 = tpu.memref_slice %arg9[%add3A_116, %dma_wait3A_117] : memref<40x128xi32, #tpu.memory_space<vmem>> -> memref<1x128xi32, #tpu.memory_space<vmem>>
        %dma_wait3A_119 = tpu.memref_squeeze %dma_wait3A_118 : memref<1x128xi32, #tpu.memory_space<vmem>> -> memref<128xi32, #tpu.memory_space<vmem>>
        %dma_wait3A_120 = arith.constant 0 : i32
        %dma_wait3A_121 = arith.constant 0 : i32
        %dma_wait3A_122 = tpu.memref_slice %arg3[%dma_wait3A_120, %dma_wait3A_121] : memref<10000x128xf32, #tpu.memory_space<hbm>> -> memref<10000x128xf32, #tpu.memory_space<hbm>>
        tpu.wait_indirect_dma semaphore(%arg14 : memref<!tpu.dma_semaphore, #tpu.memory_space<semaphore_mem>>) src(%dma_wait3A_122 : memref<10000x128xf32, #tpu.memory_space<hbm>>) dst(%arg12 : memref<128x128xf32, #tpu.memory_space<vmem>>)
        "tpu.region"() ({
          %run_scoped3A_131 = tpu.sem_alloc : memref<!tpu.dma_semaphore, #tpu.memory_space<semaphore_mem>>
          %dma_start3A_132 = arith.constant 0 : i32
          %dma_start3A_133 = tpu.memref_slice %arg10[%add3A_116, %dma_start3A_132] : memref<40x128xi32, #tpu.memory_space<vmem>> -> memref<1x128xi32, #tpu.memory_space<vmem>>
          %dma_start3A_134 = tpu.memref_squeeze %dma_start3A_133 : memref<1x128xi32, #tpu.memory_space<vmem>> -> memref<128xi32, #tpu.memory_space<vmem>>
          %dma_start3A_135 = arith.constant 0 : i32
          %dma_start3A_136 = arith.constant 0 : i32
          %dma_start3A_137 = tpu.memref_slice %arg13[%dma_start3A_135, %dma_start3A_136] : memref<10240x128xf32, #tpu.memory_space<vmem_shared>> -> memref<10240x128xf32, #tpu.memory_space<vmem_shared>>
          tpu.enqueue_indirect_dma source(%arg12 : memref<128x128xf32, #tpu.memory_space<vmem>>) target(%dma_start3A_137 : memref<10240x128xf32, #tpu.memory_space<vmem_shared>>) offsets(%dma_start3A_134 : memref<128xi32, #tpu.memory_space<vmem>>) semaphore(%run_scoped3A_131 : memref<!tpu.dma_semaphore, #tpu.memory_space<semaphore_mem>>) {add = true}
          %dma_wait3A_138 = arith.constant 0 : i32
          %dma_wait3A_139 = tpu.memref_slice %arg10[%add3A_116, %dma_wait3A_138] : memref<40x128xi32, #tpu.memory_space<vmem>> -> memref<1x128xi32, #tpu.memory_space<vmem>>
          %dma_wait3A_140 = tpu.memref_squeeze %dma_wait3A_139 : memref<1x128xi32, #tpu.memory_space<vmem>> -> memref<128xi32, #tpu.memory_space<vmem>>
          %dma_wait3A_141 = arith.constant 0 : i32
          %dma_wait3A_142 = arith.constant 0 : i32
          %dma_wait3A_143 = tpu.memref_slice %arg13[%dma_wait3A_141, %dma_wait3A_142] : memref<10240x128xf32, #tpu.memory_space<vmem_shared>> -> memref<10240x128xf32, #tpu.memory_space<vmem_shared>>
          tpu.wait_indirect_dma semaphore(%run_scoped3A_131 : memref<!tpu.dma_semaphore, #tpu.memory_space<semaphore_mem>>) src(%arg12 : memref<128x128xf32, #tpu.memory_space<vmem>>) dst(%dma_wait3A_143 : memref<10240x128xf32, #tpu.memory_space<vmem_shared>>)
          tpu.yield
        }) : () -> ()
        %add3A_123 = arith.constant 2 : i32
        %add3A_124 = arith.addi %add3A_116, %add3A_123 : i32
        %dma_start3A_125 = arith.constant 0 : i32
        %dma_start3A_126 = tpu.memref_slice %arg9[%add3A_124, %dma_start3A_125] : memref<40x128xi32, #tpu.memory_space<vmem>> -> memref<1x128xi32, #tpu.memory_space<vmem>>
        %dma_start3A_127 = tpu.memref_squeeze %dma_start3A_126 : memref<1x128xi32, #tpu.memory_space<vmem>> -> memref<128xi32, #tpu.memory_space<vmem>>
        %dma_start3A_128 = arith.constant 0 : i32
        %dma_start3A_129 = arith.constant 0 : i32
        %dma_start3A_130 = tpu.memref_slice %arg3[%dma_start3A_128, %dma_start3A_129] : memref<10000x128xf32, #tpu.memory_space<hbm>> -> memref<10000x128xf32, #tpu.memory_space<hbm>>
        tpu.enqueue_indirect_dma source(%dma_start3A_130 : memref<10000x128xf32, #tpu.memory_space<hbm>>) target(%arg12 : memref<128x128xf32, #tpu.memory_space<vmem>>) offsets(%dma_start3A_127 : memref<128xi32, #tpu.memory_space<vmem>>) semaphore(%arg14 : memref<!tpu.dma_semaphore, #tpu.memory_space<semaphore_mem>>)
      }
      %scan3A_77 = arith.constant 19 : i32
      %dma_wait3A_78 = arith.constant 38 : i32
      %dma_wait3A_79 = arith.constant 0 : i32
      %dma_wait3A_80 = tpu.memref_slice %arg9[%dma_wait3A_78, %dma_wait3A_79] : memref<40x128xi32, #tpu.memory_space<vmem>> -> memref<1x128xi32, #tpu.memory_space<vmem>>
      %dma_wait3A_81 = tpu.memref_squeeze %dma_wait3A_80 : memref<1x128xi32, #tpu.memory_space<vmem>> -> memref<128xi32, #tpu.memory_space<vmem>>
      %dma_wait3A_82 = arith.constant 0 : i32
      %dma_wait3A_83 = arith.constant 0 : i32
      %dma_wait3A_84 = tpu.memref_slice %arg3[%dma_wait3A_82, %dma_wait3A_83] : memref<10000x128xf32, #tpu.memory_space<hbm>> -> memref<10000x128xf32, #tpu.memory_space<hbm>>
      tpu.wait_indirect_dma semaphore(%arg14 : memref<!tpu.dma_semaphore, #tpu.memory_space<semaphore_mem>>) src(%dma_wait3A_84 : memref<10000x128xf32, #tpu.memory_space<hbm>>) dst(%arg11 : memref<128x128xf32, #tpu.memory_space<vmem>>)
      %run_scoped3A_85 = arith.constant 38 : i32
      "tpu.region"() ({
        %run_scoped3A_94 = tpu.sem_alloc : memref<!tpu.dma_semaphore, #tpu.memory_space<semaphore_mem>>
        %dma_start3A_95 = arith.constant 0 : i32
        %dma_start3A_96 = tpu.memref_slice %arg10[%run_scoped3A_85, %dma_start3A_95] : memref<40x128xi32, #tpu.memory_space<vmem>> -> memref<1x128xi32, #tpu.memory_space<vmem>>
        %dma_start3A_97 = tpu.memref_squeeze %dma_start3A_96 : memref<1x128xi32, #tpu.memory_space<vmem>> -> memref<128xi32, #tpu.memory_space<vmem>>
        %dma_start3A_98 = arith.constant 0 : i32
        %dma_start3A_99 = arith.constant 0 : i32
        %dma_start3A_100 = tpu.memref_slice %arg13[%dma_start3A_98, %dma_start3A_99] : memref<10240x128xf32, #tpu.memory_space<vmem_shared>> -> memref<10240x128xf32, #tpu.memory_space<vmem_shared>>
        tpu.enqueue_indirect_dma source(%arg11 : memref<128x128xf32, #tpu.memory_space<vmem>>) target(%dma_start3A_100 : memref<10240x128xf32, #tpu.memory_space<vmem_shared>>) offsets(%dma_start3A_97 : memref<128xi32, #tpu.memory_space<vmem>>) semaphore(%run_scoped3A_94 : memref<!tpu.dma_semaphore, #tpu.memory_space<semaphore_mem>>) {add = true}
        %dma_wait3A_101 = arith.constant 0 : i32
        %dma_wait3A_102 = tpu.memref_slice %arg10[%run_scoped3A_85, %dma_wait3A_101] : memref<40x128xi32, #tpu.memory_space<vmem>> -> memref<1x128xi32, #tpu.memory_space<vmem>>
        %dma_wait3A_103 = tpu.memref_squeeze %dma_wait3A_102 : memref<1x128xi32, #tpu.memory_space<vmem>> -> memref<128xi32, #tpu.memory_space<vmem>>
        %dma_wait3A_104 = arith.constant 0 : i32
        %dma_wait3A_105 = arith.constant 0 : i32
        %dma_wait3A_106 = tpu.memref_slice %arg13[%dma_wait3A_104, %dma_wait3A_105] : memref<10240x128xf32, #tpu.memory_space<vmem_shared>> -> memref<10240x128xf32, #tpu.memory_space<vmem_shared>>
        tpu.wait_indirect_dma semaphore(%run_scoped3A_94 : memref<!tpu.dma_semaphore, #tpu.memory_space<semaphore_mem>>) src(%arg11 : memref<128x128xf32, #tpu.memory_space<vmem>>) dst(%dma_wait3A_106 : memref<10240x128xf32, #tpu.memory_space<vmem_shared>>)
        tpu.yield
      }) : () -> ()
      %dma_wait3A_86 = arith.constant 39 : i32
      %dma_wait3A_87 = arith.constant 0 : i32
      %dma_wait3A_88 = tpu.memref_slice %arg9[%dma_wait3A_86, %dma_wait3A_87] : memref<40x128xi32, #tpu.memory_space<vmem>> -> memref<1x128xi32, #tpu.memory_space<vmem>>
      %dma_wait3A_89 = tpu.memref_squeeze %dma_wait3A_88 : memref<1x128xi32, #tpu.memory_space<vmem>> -> memref<128xi32, #tpu.memory_space<vmem>>
      %dma_wait3A_90 = arith.constant 0 : i32
      %dma_wait3A_91 = arith.constant 0 : i32
      %dma_wait3A_92 = tpu.memref_slice %arg3[%dma_wait3A_90, %dma_wait3A_91] : memref<10000x128xf32, #tpu.memory_space<hbm>> -> memref<10000x128xf32, #tpu.memory_space<hbm>>
      tpu.wait_indirect_dma semaphore(%arg14 : memref<!tpu.dma_semaphore, #tpu.memory_space<semaphore_mem>>) src(%dma_wait3A_92 : memref<10000x128xf32, #tpu.memory_space<hbm>>) dst(%arg12 : memref<128x128xf32, #tpu.memory_space<vmem>>)
      %run_scoped3A_93 = arith.constant 39 : i32
      "tpu.region"() ({
        %run_scoped3A_94 = tpu.sem_alloc : memref<!tpu.dma_semaphore, #tpu.memory_space<semaphore_mem>>
        %dma_start3A_95 = arith.constant 0 : i32
        %dma_start3A_96 = tpu.memref_slice %arg10[%run_scoped3A_93, %dma_start3A_95] : memref<40x128xi32, #tpu.memory_space<vmem>> -> memref<1x128xi32, #tpu.memory_space<vmem>>
        %dma_start3A_97 = tpu.memref_squeeze %dma_start3A_96 : memref<1x128xi32, #tpu.memory_space<vmem>> -> memref<128xi32, #tpu.memory_space<vmem>>
        %dma_start3A_98 = arith.constant 0 : i32
        %dma_start3A_99 = arith.constant 0 : i32
        %dma_start3A_100 = tpu.memref_slice %arg13[%dma_start3A_98, %dma_start3A_99] : memref<10240x128xf32, #tpu.memory_space<vmem_shared>> -> memref<10240x128xf32, #tpu.memory_space<vmem_shared>>
        tpu.enqueue_indirect_dma source(%arg12 : memref<128x128xf32, #tpu.memory_space<vmem>>) target(%dma_start3A_100 : memref<10240x128xf32, #tpu.memory_space<vmem_shared>>) offsets(%dma_start3A_97 : memref<128xi32, #tpu.memory_space<vmem>>) semaphore(%run_scoped3A_94 : memref<!tpu.dma_semaphore, #tpu.memory_space<semaphore_mem>>) {add = true}
        %dma_wait3A_101 = arith.constant 0 : i32
        %dma_wait3A_102 = tpu.memref_slice %arg10[%run_scoped3A_93, %dma_wait3A_101] : memref<40x128xi32, #tpu.memory_space<vmem>> -> memref<1x128xi32, #tpu.memory_space<vmem>>
        %dma_wait3A_103 = tpu.memref_squeeze %dma_wait3A_102 : memref<1x128xi32, #tpu.memory_space<vmem>> -> memref<128xi32, #tpu.memory_space<vmem>>
        %dma_wait3A_104 = arith.constant 0 : i32
        %dma_wait3A_105 = arith.constant 0 : i32
        %dma_wait3A_106 = tpu.memref_slice %arg13[%dma_wait3A_104, %dma_wait3A_105] : memref<10240x128xf32, #tpu.memory_space<vmem_shared>> -> memref<10240x128xf32, #tpu.memory_space<vmem_shared>>
        tpu.wait_indirect_dma semaphore(%run_scoped3A_94 : memref<!tpu.dma_semaphore, #tpu.memory_space<semaphore_mem>>) src(%arg12 : memref<128x128xf32, #tpu.memory_space<vmem>>) dst(%dma_wait3A_106 : memref<10240x128xf32, #tpu.memory_space<vmem_shared>>)
        tpu.yield
      }) : () -> ()
    } else {
    }
    %barrier3A_8 = arith.constant 0 : index
    tpu.barrier barrier_id(%barrier3A_8)
    %eq3A_9 = arith.constant 0 : i32
    %eq3A_10 = arith.cmpi eq, %arg0, %eq3A_9 : i32
    %convert_element_type3A_11 = arith.extui %eq3A_10 : i1 to i32
    %cond3A_12 = arith.constant 0 : i32
    %cond3A_13 = arith.cmpi ne, %convert_element_type3A_11, %cond3A_12 : i32
    scf.if %cond3A_13 {
      "tpu.region"() ({
        %run_scoped3A = tpu.sem_alloc : memref<!tpu.dma_semaphore, #tpu.memory_space<semaphore_mem>>
        %dma_start3A = arith.constant 0 : i32
        %dma_start3A_19 = tpu.memref_slice %arg7[%mul3A_0, %dma_start3A] : memref<10240x128xf32, #tpu.memory_space<hbm>> -> memref<640x128xf32, #tpu.memory_space<hbm>>
        %dma_start3A_20 = arith.constant 0 : i32
        %dma_start3A_21 = tpu.memref_slice %arg13[%mul3A_0, %dma_start3A_20] : memref<10240x128xf32, #tpu.memory_space<vmem_shared>> -> memref<640x128xf32, #tpu.memory_space<vmem_shared>>
        tpu.enqueue_dma source(%dma_start3A_21 : memref<640x128xf32, #tpu.memory_space<vmem_shared>>) target(%dma_start3A_19 : memref<640x128xf32, #tpu.memory_space<hbm>>) target_semaphore(%run_scoped3A : memref<!tpu.dma_semaphore, #tpu.memory_space<semaphore_mem>>)
        %dma_wait3A = arith.constant 0 : i32
        %dma_wait3A_22 = tpu.memref_slice %arg7[%mul3A_0, %dma_wait3A] : memref<10240x128xf32, #tpu.memory_space<hbm>> -> memref<640x128xf32, #tpu.memory_space<hbm>>
        %dma_wait3A_23 = arith.constant 0 : i32
        %dma_wait3A_24 = tpu.memref_slice %arg13[%mul3A_0, %dma_wait3A_23] : memref<10240x128xf32, #tpu.memory_space<vmem_shared>> -> memref<640x128xf32, #tpu.memory_space<vmem_shared>>
        tpu.wait_dma2 semaphore(%run_scoped3A : memref<!tpu.dma_semaphore, #tpu.memory_space<semaphore_mem>>) src(%dma_wait3A_24 : memref<640x128xf32, #tpu.memory_space<vmem_shared>>) dst(%dma_wait3A_22 : memref<640x128xf32, #tpu.memory_space<hbm>>)
        tpu.yield
      }) : () -> ()
    } else {
    }
    %eq3A_14 = arith.constant 1 : i32
    %eq3A_15 = arith.cmpi eq, %arg0, %eq3A_14 : i32
    %convert_element_type3A_16 = arith.extui %eq3A_15 : i1 to i32
    %cond3A_17 = arith.constant 0 : i32
    %cond3A_18 = arith.cmpi ne, %convert_element_type3A_16, %cond3A_17 : i32
    scf.if %cond3A_18 {
      "tpu.region"() ({
        %run_scoped3A = tpu.sem_alloc : memref<!tpu.dma_semaphore, #tpu.memory_space<semaphore_mem>>
        %dma_start3A = arith.constant 0 : i32
        %dma_start3A_19 = tpu.memref_slice %arg8[%mul3A_0, %dma_start3A] : memref<10240x128xf32, #tpu.memory_space<hbm>> -> memref<640x128xf32, #tpu.memory_space<hbm>>
        %dma_start3A_20 = arith.constant 0 : i32
        %dma_start3A_21 = tpu.memref_slice %arg13[%mul3A_0, %dma_start3A_20] : memref<10240x128xf32, #tpu.memory_space<vmem_shared>> -> memref<640x128xf32, #tpu.memory_space<vmem_shared>>
        tpu.enqueue_dma source(%dma_start3A_21 : memref<640x128xf32, #tpu.memory_space<vmem_shared>>) target(%dma_start3A_19 : memref<640x128xf32, #tpu.memory_space<hbm>>) target_semaphore(%run_scoped3A : memref<!tpu.dma_semaphore, #tpu.memory_space<semaphore_mem>>)
        %dma_wait3A = arith.constant 0 : i32
        %dma_wait3A_22 = tpu.memref_slice %arg8[%mul3A_0, %dma_wait3A] : memref<10240x128xf32, #tpu.memory_space<hbm>> -> memref<640x128xf32, #tpu.memory_space<hbm>>
        %dma_wait3A_23 = arith.constant 0 : i32
        %dma_wait3A_24 = tpu.memref_slice %arg13[%mul3A_0, %dma_wait3A_23] : memref<10240x128xf32, #tpu.memory_space<vmem_shared>> -> memref<640x128xf32, #tpu.memory_space<vmem_shared>>
        tpu.wait_dma2 semaphore(%run_scoped3A : memref<!tpu.dma_semaphore, #tpu.memory_space<semaphore_mem>>) src(%dma_wait3A_24 : memref<640x128xf32, #tpu.memory_space<vmem_shared>>) dst(%dma_wait3A_22 : memref<640x128xf32, #tpu.memory_space<hbm>>)
        tpu.yield
      }) : () -> ()
    } else {
    }
    return
  }
}

#map = affine_map<(d0, d1) -> (0, 0)>
module attributes {stable_mosaic.version = 14 : i64} {
  func.func @seg_kernel(%arg0: i32, %arg1: i32, %arg2: memref<10000x128xf32, #tpu.memory_space<hbm>>, %arg3: memref<10000x128xf32, #tpu.memory_space<hbm>>, %arg4: memref<10000x128xf32, #tpu.memory_space<hbm>>, %arg5: memref<10000x128xf32, #tpu.memory_space<hbm>>, %arg6: memref<1280x128xi32, #tpu.memory_space<hbm>>, %arg7: memref<1280x128xi32, #tpu.memory_space<hbm>>, %arg8: memref<10240x128xf32, #tpu.memory_space<hbm>>, %arg9: memref<10240x128xf32, #tpu.memory_space<hbm>>, %arg10: memref<10240x128xf32, #tpu.memory_space<hbm>>, %arg11: memref<10240x128xf32, #tpu.memory_space<hbm>>, %arg12: memref<10240x128xf32, #tpu.memory_space<hbm>>, %arg13: memref<40x128xi32, #tpu.memory_space<vmem>>, %arg14: memref<40x128xi32, #tpu.memory_space<vmem>>, %arg15: memref<128x128xf32, #tpu.memory_space<vmem>>, %arg16: memref<128x128xf32, #tpu.memory_space<vmem>>, %arg17: memref<10240x128xf32, #tpu.memory_space<vmem_shared>>, %arg18: memref<!tpu.dma_semaphore, #tpu.memory_space<semaphore_mem>>) attributes {dimension_semantics = [#tpu.dimension_semantics<core_parallel>, #tpu.dimension_semantics<subcore_parallel>], iteration_bounds = array<i64: 2, 16>, scalar_prefetch = 0 : i64, scratch_operands = 6 : i64, tpu.core_type = #tpu.core_type<sc_vector_subcore>, window_params = [{transform_indices = #map}, {transform_indices = #map}, {transform_indices = #map}, {transform_indices = #map}, {transform_indices = #map}, {transform_indices = #map}, {transform_indices = #map}, {transform_indices = #map}, {transform_indices = #map}, {transform_indices = #map}, {transform_indices = #map}]} {
    %mul3A = arith.constant 640 : i32
    %mul3A_0 = arith.muli %arg1, %mul3A : i32
    "tpu.region"() ({
      %run_scoped3A = tpu.sem_alloc : memref<!tpu.dma_semaphore, #tpu.memory_space<semaphore_mem>>
      %dma_start3A = arith.constant 0 : i32
      %dma_start3A_42 = tpu.memref_slice %arg17[%mul3A_0, %dma_start3A] : memref<10240x128xf32, #tpu.memory_space<vmem_shared>> -> memref<640x128xf32, #tpu.memory_space<vmem_shared>>
      %dma_start3A_43 = arith.constant 0 : i32
      %dma_start3A_44 = tpu.memref_slice %arg8[%mul3A_0, %dma_start3A_43] : memref<10240x128xf32, #tpu.memory_space<hbm>> -> memref<640x128xf32, #tpu.memory_space<hbm>>
      tpu.enqueue_dma source(%dma_start3A_44 : memref<640x128xf32, #tpu.memory_space<hbm>>) target(%dma_start3A_42 : memref<640x128xf32, #tpu.memory_space<vmem_shared>>) target_semaphore(%run_scoped3A : memref<!tpu.dma_semaphore, #tpu.memory_space<semaphore_mem>>)
      %dma_wait3A = arith.constant 0 : i32
      %dma_wait3A_45 = tpu.memref_slice %arg17[%mul3A_0, %dma_wait3A] : memref<10240x128xf32, #tpu.memory_space<vmem_shared>> -> memref<640x128xf32, #tpu.memory_space<vmem_shared>>
      %dma_wait3A_46 = arith.constant 0 : i32
      %dma_wait3A_47 = tpu.memref_slice %arg8[%mul3A_0, %dma_wait3A_46] : memref<10240x128xf32, #tpu.memory_space<hbm>> -> memref<640x128xf32, #tpu.memory_space<hbm>>
      tpu.wait_dma2 semaphore(%run_scoped3A : memref<!tpu.dma_semaphore, #tpu.memory_space<semaphore_mem>>) src(%dma_wait3A_47 : memref<640x128xf32, #tpu.memory_space<hbm>>) dst(%dma_wait3A_45 : memref<640x128xf32, #tpu.memory_space<vmem_shared>>)
      tpu.yield
    }) : () -> ()
    %barrier3A = arith.constant 0 : index
    tpu.barrier barrier_id(%barrier3A)
    %eq3A = arith.constant 0 : i32
    %eq3A_1 = arith.cmpi eq, %arg0, %eq3A : i32
    %convert_element_type3A = arith.extui %eq3A_1 : i1 to i32
    %cond3A = arith.constant 0 : i32
    %cond3A_2 = arith.cmpi ne, %convert_element_type3A, %cond3A : i32
    scf.if %cond3A_2 {
      %mul3A_42 = arith.constant 80 : i32
      %mul3A_43 = arith.muli %arg1, %mul3A_42 : i32
      %add3A = arith.constant 0 : i32
      %add3A_44 = arith.addi %mul3A_43, %add3A : i32
      "tpu.region"() ({
        %run_scoped3A_117 = tpu.sem_alloc : memref<!tpu.dma_semaphore, #tpu.memory_space<semaphore_mem>>
        %dma_start3A_118 = arith.constant 0 : i32
        %dma_start3A_119 = tpu.memref_slice %arg6[%add3A_44, %dma_start3A_118] : memref<1280x128xi32, #tpu.memory_space<hbm>> -> memref<40x128xi32, #tpu.memory_space<hbm>>
        %dma_start3A_120 = arith.constant 0 : i32
        %dma_start3A_121 = tpu.memref_slice %arg6[%add3A_44, %dma_start3A_120] : memref<1280x128xi32, #tpu.memory_space<hbm>> -> memref<40x128xi32, #tpu.memory_space<hbm>>
        tpu.enqueue_dma source(%dma_start3A_121 : memref<40x128xi32, #tpu.memory_space<hbm>>) target(%arg13 : memref<40x128xi32, #tpu.memory_space<vmem>>) target_semaphore(%run_scoped3A_117 : memref<!tpu.dma_semaphore, #tpu.memory_space<semaphore_mem>>)
        %dma_wait3A_122 = arith.constant 0 : i32
        %dma_wait3A_123 = tpu.memref_slice %arg6[%add3A_44, %dma_wait3A_122] : memref<1280x128xi32, #tpu.memory_space<hbm>> -> memref<40x128xi32, #tpu.memory_space<hbm>>
        %dma_wait3A_124 = arith.constant 0 : i32
        %dma_wait3A_125 = tpu.memref_slice %arg6[%add3A_44, %dma_wait3A_124] : memref<1280x128xi32, #tpu.memory_space<hbm>> -> memref<40x128xi32, #tpu.memory_space<hbm>>
        tpu.wait_dma2 semaphore(%run_scoped3A_117 : memref<!tpu.dma_semaphore, #tpu.memory_space<semaphore_mem>>) src(%dma_wait3A_125 : memref<40x128xi32, #tpu.memory_space<hbm>>) dst(%arg13 : memref<40x128xi32, #tpu.memory_space<vmem>>)
        tpu.yield
      }) : () -> ()
      "tpu.region"() ({
        %run_scoped3A_117 = tpu.sem_alloc : memref<!tpu.dma_semaphore, #tpu.memory_space<semaphore_mem>>
        %dma_start3A_118 = arith.constant 0 : i32
        %dma_start3A_119 = tpu.memref_slice %arg7[%add3A_44, %dma_start3A_118] : memref<1280x128xi32, #tpu.memory_space<hbm>> -> memref<40x128xi32, #tpu.memory_space<hbm>>
        %dma_start3A_120 = arith.constant 0 : i32
        %dma_start3A_121 = tpu.memref_slice %arg7[%add3A_44, %dma_start3A_120] : memref<1280x128xi32, #tpu.memory_space<hbm>> -> memref<40x128xi32, #tpu.memory_space<hbm>>
        tpu.enqueue_dma source(%dma_start3A_121 : memref<40x128xi32, #tpu.memory_space<hbm>>) target(%arg14 : memref<40x128xi32, #tpu.memory_space<vmem>>) target_semaphore(%run_scoped3A_117 : memref<!tpu.dma_semaphore, #tpu.memory_space<semaphore_mem>>)
        %dma_wait3A_122 = arith.constant 0 : i32
        %dma_wait3A_123 = tpu.memref_slice %arg7[%add3A_44, %dma_wait3A_122] : memref<1280x128xi32, #tpu.memory_space<hbm>> -> memref<40x128xi32, #tpu.memory_space<hbm>>
        %dma_wait3A_124 = arith.constant 0 : i32
        %dma_wait3A_125 = tpu.memref_slice %arg7[%add3A_44, %dma_wait3A_124] : memref<1280x128xi32, #tpu.memory_space<hbm>> -> memref<40x128xi32, #tpu.memory_space<hbm>>
        tpu.wait_dma2 semaphore(%run_scoped3A_117 : memref<!tpu.dma_semaphore, #tpu.memory_space<semaphore_mem>>) src(%dma_wait3A_125 : memref<40x128xi32, #tpu.memory_space<hbm>>) dst(%arg14 : memref<40x128xi32, #tpu.memory_space<vmem>>)
        tpu.yield
      }) : () -> ()
      %dma_start3A = arith.constant 0 : i32
      %dma_start3A_45 = arith.constant 0 : i32
      %dma_start3A_46 = tpu.memref_slice %arg13[%dma_start3A, %dma_start3A_45] : memref<40x128xi32, #tpu.memory_space<vmem>> -> memref<1x128xi32, #tpu.memory_space<vmem>>
      %dma_start3A_47 = tpu.memref_squeeze %dma_start3A_46 : memref<1x128xi32, #tpu.memory_space<vmem>> -> memref<128xi32, #tpu.memory_space<vmem>>
      %dma_start3A_48 = arith.constant 0 : i32
      %dma_start3A_49 = arith.constant 0 : i32
      %dma_start3A_50 = tpu.memref_slice %arg2[%dma_start3A_48, %dma_start3A_49] : memref<10000x128xf32, #tpu.memory_space<hbm>> -> memref<10000x128xf32, #tpu.memory_space<hbm>>
      tpu.enqueue_indirect_dma source(%dma_start3A_50 : memref<10000x128xf32, #tpu.memory_space<hbm>>) target(%arg15 : memref<128x128xf32, #tpu.memory_space<vmem>>) offsets(%dma_start3A_47 : memref<128xi32, #tpu.memory_space<vmem>>) semaphore(%arg18 : memref<!tpu.dma_semaphore, #tpu.memory_space<semaphore_mem>>)
      %dma_start3A_51 = arith.constant 1 : i32
      %dma_start3A_52 = arith.constant 0 : i32
      %dma_start3A_53 = tpu.memref_slice %arg13[%dma_start3A_51, %dma_start3A_52] : memref<40x128xi32, #tpu.memory_space<vmem>> -> memref<1x128xi32, #tpu.memory_space<vmem>>
      %dma_start3A_54 = tpu.memref_squeeze %dma_start3A_53 : memref<1x128xi32, #tpu.memory_space<vmem>> -> memref<128xi32, #tpu.memory_space<vmem>>
      %dma_start3A_55 = arith.constant 0 : i32
      %dma_start3A_56 = arith.constant 0 : i32
      %dma_start3A_57 = tpu.memref_slice %arg2[%dma_start3A_55, %dma_start3A_56] : memref<10000x128xf32, #tpu.memory_space<hbm>> -> memref<10000x128xf32, #tpu.memory_space<hbm>>
      tpu.enqueue_indirect_dma source(%dma_start3A_57 : memref<10000x128xf32, #tpu.memory_space<hbm>>) target(%arg16 : memref<128x128xf32, #tpu.memory_space<vmem>>) offsets(%dma_start3A_54 : memref<128xi32, #tpu.memory_space<vmem>>) semaphore(%arg18 : memref<!tpu.dma_semaphore, #tpu.memory_space<semaphore_mem>>)
      %scan3A = arith.constant 0 : i32
      %scan3A_58 = arith.constant 0 : i32
      %scan3A_59 = arith.constant 19 : i32
      %scan3A_60 = arith.addi %scan3A_58, %scan3A_59 : i32
      %scan3A_61 = arith.constant 1 : i32
      scf.for %scan3A_117 = %scan3A_58 to %scan3A_60 step %scan3A_61  : i32 {
        %mul3A_118 = arith.constant 2 : i32
        %mul3A_119 = arith.muli %scan3A_117, %mul3A_118 : i32
        %add3A_120 = arith.constant 0 : i32
        %add3A_121 = arith.addi %mul3A_119, %add3A_120 : i32
        %dma_wait3A_122 = arith.constant 0 : i32
        %dma_wait3A_123 = tpu.memref_slice %arg13[%add3A_121, %dma_wait3A_122] : memref<40x128xi32, #tpu.memory_space<vmem>> -> memref<1x128xi32, #tpu.memory_space<vmem>>
        %dma_wait3A_124 = tpu.memref_squeeze %dma_wait3A_123 : memref<1x128xi32, #tpu.memory_space<vmem>> -> memref<128xi32, #tpu.memory_space<vmem>>
        %dma_wait3A_125 = arith.constant 0 : i32
        %dma_wait3A_126 = arith.constant 0 : i32
        %dma_wait3A_127 = tpu.memref_slice %arg2[%dma_wait3A_125, %dma_wait3A_126] : memref<10000x128xf32, #tpu.memory_space<hbm>> -> memref<10000x128xf32, #tpu.memory_space<hbm>>
        tpu.wait_indirect_dma semaphore(%arg18 : memref<!tpu.dma_semaphore, #tpu.memory_space<semaphore_mem>>) src(%dma_wait3A_127 : memref<10000x128xf32, #tpu.memory_space<hbm>>) dst(%arg15 : memref<128x128xf32, #tpu.memory_space<vmem>>)
        "tpu.region"() ({
          %run_scoped3A_154 = tpu.sem_alloc : memref<!tpu.dma_semaphore, #tpu.memory_space<semaphore_mem>>
          %dma_start3A_155 = arith.constant 0 : i32
          %dma_start3A_156 = tpu.memref_slice %arg14[%add3A_121, %dma_start3A_155] : memref<40x128xi32, #tpu.memory_space<vmem>> -> memref<1x128xi32, #tpu.memory_space<vmem>>
          %dma_start3A_157 = tpu.memref_squeeze %dma_start3A_156 : memref<1x128xi32, #tpu.memory_space<vmem>> -> memref<128xi32, #tpu.memory_space<vmem>>
          %dma_start3A_158 = arith.constant 0 : i32
          %dma_start3A_159 = arith.constant 0 : i32
          %dma_start3A_160 = tpu.memref_slice %arg17[%dma_start3A_158, %dma_start3A_159] : memref<10240x128xf32, #tpu.memory_space<vmem_shared>> -> memref<10240x128xf32, #tpu.memory_space<vmem_shared>>
          tpu.enqueue_indirect_dma source(%arg15 : memref<128x128xf32, #tpu.memory_space<vmem>>) target(%dma_start3A_160 : memref<10240x128xf32, #tpu.memory_space<vmem_shared>>) offsets(%dma_start3A_157 : memref<128xi32, #tpu.memory_space<vmem>>) semaphore(%run_scoped3A_154 : memref<!tpu.dma_semaphore, #tpu.memory_space<semaphore_mem>>) {add = true}
          %dma_wait3A_161 = arith.constant 0 : i32
          %dma_wait3A_162 = tpu.memref_slice %arg14[%add3A_121, %dma_wait3A_161] : memref<40x128xi32, #tpu.memory_space<vmem>> -> memref<1x128xi32, #tpu.memory_space<vmem>>
          %dma_wait3A_163 = tpu.memref_squeeze %dma_wait3A_162 : memref<1x128xi32, #tpu.memory_space<vmem>> -> memref<128xi32, #tpu.memory_space<vmem>>
          %dma_wait3A_164 = arith.constant 0 : i32
          %dma_wait3A_165 = arith.constant 0 : i32
          %dma_wait3A_166 = tpu.memref_slice %arg17[%dma_wait3A_164, %dma_wait3A_165] : memref<10240x128xf32, #tpu.memory_space<vmem_shared>> -> memref<10240x128xf32, #tpu.memory_space<vmem_shared>>
          tpu.wait_indirect_dma semaphore(%run_scoped3A_154 : memref<!tpu.dma_semaphore, #tpu.memory_space<semaphore_mem>>) src(%arg15 : memref<128x128xf32, #tpu.memory_space<vmem>>) dst(%dma_wait3A_166 : memref<10240x128xf32, #tpu.memory_space<vmem_shared>>)
          tpu.yield
        }) : () -> ()
        %add3A_128 = arith.constant 2 : i32
        %add3A_129 = arith.addi %add3A_121, %add3A_128 : i32
        %dma_start3A_130 = arith.constant 0 : i32
        %dma_start3A_131 = tpu.memref_slice %arg13[%add3A_129, %dma_start3A_130] : memref<40x128xi32, #tpu.memory_space<vmem>> -> memref<1x128xi32, #tpu.memory_space<vmem>>
        %dma_start3A_132 = tpu.memref_squeeze %dma_start3A_131 : memref<1x128xi32, #tpu.memory_space<vmem>> -> memref<128xi32, #tpu.memory_space<vmem>>
        %dma_start3A_133 = arith.constant 0 : i32
        %dma_start3A_134 = arith.constant 0 : i32
        %dma_start3A_135 = tpu.memref_slice %arg2[%dma_start3A_133, %dma_start3A_134] : memref<10000x128xf32, #tpu.memory_space<hbm>> -> memref<10000x128xf32, #tpu.memory_space<hbm>>
        tpu.enqueue_indirect_dma source(%dma_start3A_135 : memref<10000x128xf32, #tpu.memory_space<hbm>>) target(%arg15 : memref<128x128xf32, #tpu.memory_space<vmem>>) offsets(%dma_start3A_132 : memref<128xi32, #tpu.memory_space<vmem>>) semaphore(%arg18 : memref<!tpu.dma_semaphore, #tpu.memory_space<semaphore_mem>>)
        %mul3A_136 = arith.constant 2 : i32
        %mul3A_137 = arith.muli %scan3A_117, %mul3A_136 : i32
        %add3A_138 = arith.constant 1 : i32
        %add3A_139 = arith.addi %mul3A_137, %add3A_138 : i32
        %dma_wait3A_140 = arith.constant 0 : i32
        %dma_wait3A_141 = tpu.memref_slice %arg13[%add3A_139, %dma_wait3A_140] : memref<40x128xi32, #tpu.memory_space<vmem>> -> memref<1x128xi32, #tpu.memory_space<vmem>>
        %dma_wait3A_142 = tpu.memref_squeeze %dma_wait3A_141 : memref<1x128xi32, #tpu.memory_space<vmem>> -> memref<128xi32, #tpu.memory_space<vmem>>
        %dma_wait3A_143 = arith.constant 0 : i32
        %dma_wait3A_144 = arith.constant 0 : i32
        %dma_wait3A_145 = tpu.memref_slice %arg2[%dma_wait3A_143, %dma_wait3A_144] : memref<10000x128xf32, #tpu.memory_space<hbm>> -> memref<10000x128xf32, #tpu.memory_space<hbm>>
        tpu.wait_indirect_dma semaphore(%arg18 : memref<!tpu.dma_semaphore, #tpu.memory_space<semaphore_mem>>) src(%dma_wait3A_145 : memref<10000x128xf32, #tpu.memory_space<hbm>>) dst(%arg16 : memref<128x128xf32, #tpu.memory_space<vmem>>)
        "tpu.region"() ({
          %run_scoped3A_154 = tpu.sem_alloc : memref<!tpu.dma_semaphore, #tpu.memory_space<semaphore_mem>>
          %dma_start3A_155 = arith.constant 0 : i32
          %dma_start3A_156 = tpu.memref_slice %arg14[%add3A_139, %dma_start3A_155] : memref<40x128xi32, #tpu.memory_space<vmem>> -> memref<1x128xi32, #tpu.memory_space<vmem>>
          %dma_start3A_157 = tpu.memref_squeeze %dma_start3A_156 : memref<1x128xi32, #tpu.memory_space<vmem>> -> memref<128xi32, #tpu.memory_space<vmem>>
          %dma_start3A_158 = arith.constant 0 : i32
          %dma_start3A_159 = arith.constant 0 : i32
          %dma_start3A_160 = tpu.memref_slice %arg17[%dma_start3A_158, %dma_start3A_159] : memref<10240x128xf32, #tpu.memory_space<vmem_shared>> -> memref<10240x128xf32, #tpu.memory_space<vmem_shared>>
          tpu.enqueue_indirect_dma source(%arg16 : memref<128x128xf32, #tpu.memory_space<vmem>>) target(%dma_start3A_160 : memref<10240x128xf32, #tpu.memory_space<vmem_shared>>) offsets(%dma_start3A_157 : memref<128xi32, #tpu.memory_space<vmem>>) semaphore(%run_scoped3A_154 : memref<!tpu.dma_semaphore, #tpu.memory_space<semaphore_mem>>) {add = true}
          %dma_wait3A_161 = arith.constant 0 : i32
          %dma_wait3A_162 = tpu.memref_slice %arg14[%add3A_139, %dma_wait3A_161] : memref<40x128xi32, #tpu.memory_space<vmem>> -> memref<1x128xi32, #tpu.memory_space<vmem>>
          %dma_wait3A_163 = tpu.memref_squeeze %dma_wait3A_162 : memref<1x128xi32, #tpu.memory_space<vmem>> -> memref<128xi32, #tpu.memory_space<vmem>>
          %dma_wait3A_164 = arith.constant 0 : i32
          %dma_wait3A_165 = arith.constant 0 : i32
          %dma_wait3A_166 = tpu.memref_slice %arg17[%dma_wait3A_164, %dma_wait3A_165] : memref<10240x128xf32, #tpu.memory_space<vmem_shared>> -> memref<10240x128xf32, #tpu.memory_space<vmem_shared>>
          tpu.wait_indirect_dma semaphore(%run_scoped3A_154 : memref<!tpu.dma_semaphore, #tpu.memory_space<semaphore_mem>>) src(%arg16 : memref<128x128xf32, #tpu.memory_space<vmem>>) dst(%dma_wait3A_166 : memref<10240x128xf32, #tpu.memory_space<vmem_shared>>)
          tpu.yield
        }) : () -> ()
        %add3A_146 = arith.constant 2 : i32
        %add3A_147 = arith.addi %add3A_139, %add3A_146 : i32
        %dma_start3A_148 = arith.constant 0 : i32
        %dma_start3A_149 = tpu.memref_slice %arg13[%add3A_147, %dma_start3A_148] : memref<40x128xi32, #tpu.memory_space<vmem>> -> memref<1x128xi32, #tpu.memory_space<vmem>>
        %dma_start3A_150 = tpu.memref_squeeze %dma_start3A_149 : memref<1x128xi32, #tpu.memory_space<vmem>> -> memref<128xi32, #tpu.memory_space<vmem>>
        %dma_start3A_151 = arith.constant 0 : i32
        %dma_start3A_152 = arith.constant 0 : i32
        %dma_start3A_153 = tpu.memref_slice %arg2[%dma_start3A_151, %dma_start3A_152] : memref<10000x128xf32, #tpu.memory_space<hbm>> -> memref<10000x128xf32, #tpu.memory_space<hbm>>
        tpu.enqueue_indirect_dma source(%dma_start3A_153 : memref<10000x128xf32, #tpu.memory_space<hbm>>) target(%arg16 : memref<128x128xf32, #tpu.memory_space<vmem>>) offsets(%dma_start3A_150 : memref<128xi32, #tpu.memory_space<vmem>>) semaphore(%arg18 : memref<!tpu.dma_semaphore, #tpu.memory_space<semaphore_mem>>)
      }
      %scan3A_62 = arith.constant 19 : i32
      %dma_wait3A = arith.constant 38 : i32
      %dma_wait3A_63 = arith.constant 0 : i32
      %dma_wait3A_64 = tpu.memref_slice %arg13[%dma_wait3A, %dma_wait3A_63] : memref<40x128xi32, #tpu.memory_space<vmem>> -> memref<1x128xi32, #tpu.memory_space<vmem>>
      %dma_wait3A_65 = tpu.memref_squeeze %dma_wait3A_64 : memref<1x128xi32, #tpu.memory_space<vmem>> -> memref<128xi32, #tpu.memory_space<vmem>>
      %dma_wait3A_66 = arith.constant 0 : i32
      %dma_wait3A_67 = arith.constant 0 : i32
      %dma_wait3A_68 = tpu.memref_slice %arg2[%dma_wait3A_66, %dma_wait3A_67] : memref<10000x128xf32, #tpu.memory_space<hbm>> -> memref<10000x128xf32, #tpu.memory_space<hbm>>
      tpu.wait_indirect_dma semaphore(%arg18 : memref<!tpu.dma_semaphore, #tpu.memory_space<semaphore_mem>>) src(%dma_wait3A_68 : memref<10000x128xf32, #tpu.memory_space<hbm>>) dst(%arg15 : memref<128x128xf32, #tpu.memory_space<vmem>>)
      %run_scoped3A = arith.constant 38 : i32
      "tpu.region"() ({
        %run_scoped3A_117 = tpu.sem_alloc : memref<!tpu.dma_semaphore, #tpu.memory_space<semaphore_mem>>
        %dma_start3A_118 = arith.constant 0 : i32
        %dma_start3A_119 = tpu.memref_slice %arg14[%run_scoped3A, %dma_start3A_118] : memref<40x128xi32, #tpu.memory_space<vmem>> -> memref<1x128xi32, #tpu.memory_space<vmem>>
        %dma_start3A_120 = tpu.memref_squeeze %dma_start3A_119 : memref<1x128xi32, #tpu.memory_space<vmem>> -> memref<128xi32, #tpu.memory_space<vmem>>
        %dma_start3A_121 = arith.constant 0 : i32
        %dma_start3A_122 = arith.constant 0 : i32
        %dma_start3A_123 = tpu.memref_slice %arg17[%dma_start3A_121, %dma_start3A_122] : memref<10240x128xf32, #tpu.memory_space<vmem_shared>> -> memref<10240x128xf32, #tpu.memory_space<vmem_shared>>
        tpu.enqueue_indirect_dma source(%arg15 : memref<128x128xf32, #tpu.memory_space<vmem>>) target(%dma_start3A_123 : memref<10240x128xf32, #tpu.memory_space<vmem_shared>>) offsets(%dma_start3A_120 : memref<128xi32, #tpu.memory_space<vmem>>) semaphore(%run_scoped3A_117 : memref<!tpu.dma_semaphore, #tpu.memory_space<semaphore_mem>>) {add = true}
        %dma_wait3A_124 = arith.constant 0 : i32
        %dma_wait3A_125 = tpu.memref_slice %arg14[%run_scoped3A, %dma_wait3A_124] : memref<40x128xi32, #tpu.memory_space<vmem>> -> memref<1x128xi32, #tpu.memory_space<vmem>>
        %dma_wait3A_126 = tpu.memref_squeeze %dma_wait3A_125 : memref<1x128xi32, #tpu.memory_space<vmem>> -> memref<128xi32, #tpu.memory_space<vmem>>
        %dma_wait3A_127 = arith.constant 0 : i32
        %dma_wait3A_128 = arith.constant 0 : i32
        %dma_wait3A_129 = tpu.memref_slice %arg17[%dma_wait3A_127, %dma_wait3A_128] : memref<10240x128xf32, #tpu.memory_space<vmem_shared>> -> memref<10240x128xf32, #tpu.memory_space<vmem_shared>>
        tpu.wait_indirect_dma semaphore(%run_scoped3A_117 : memref<!tpu.dma_semaphore, #tpu.memory_space<semaphore_mem>>) src(%arg15 : memref<128x128xf32, #tpu.memory_space<vmem>>) dst(%dma_wait3A_129 : memref<10240x128xf32, #tpu.memory_space<vmem_shared>>)
        tpu.yield
      }) : () -> ()
      %dma_wait3A_69 = arith.constant 39 : i32
      %dma_wait3A_70 = arith.constant 0 : i32
      %dma_wait3A_71 = tpu.memref_slice %arg13[%dma_wait3A_69, %dma_wait3A_70] : memref<40x128xi32, #tpu.memory_space<vmem>> -> memref<1x128xi32, #tpu.memory_space<vmem>>
      %dma_wait3A_72 = tpu.memref_squeeze %dma_wait3A_71 : memref<1x128xi32, #tpu.memory_space<vmem>> -> memref<128xi32, #tpu.memory_space<vmem>>
      %dma_wait3A_73 = arith.constant 0 : i32
      %dma_wait3A_74 = arith.constant 0 : i32
      %dma_wait3A_75 = tpu.memref_slice %arg2[%dma_wait3A_73, %dma_wait3A_74] : memref<10000x128xf32, #tpu.memory_space<hbm>> -> memref<10000x128xf32, #tpu.memory_space<hbm>>
      tpu.wait_indirect_dma semaphore(%arg18 : memref<!tpu.dma_semaphore, #tpu.memory_space<semaphore_mem>>) src(%dma_wait3A_75 : memref<10000x128xf32, #tpu.memory_space<hbm>>) dst(%arg16 : memref<128x128xf32, #tpu.memory_space<vmem>>)
      %run_scoped3A_76 = arith.constant 39 : i32
      "tpu.region"() ({
        %run_scoped3A_117 = tpu.sem_alloc : memref<!tpu.dma_semaphore, #tpu.memory_space<semaphore_mem>>
        %dma_start3A_118 = arith.constant 0 : i32
        %dma_start3A_119 = tpu.memref_slice %arg14[%run_scoped3A_76, %dma_start3A_118] : memref<40x128xi32, #tpu.memory_space<vmem>> -> memref<1x128xi32, #tpu.memory_space<vmem>>
        %dma_start3A_120 = tpu.memref_squeeze %dma_start3A_119 : memref<1x128xi32, #tpu.memory_space<vmem>> -> memref<128xi32, #tpu.memory_space<vmem>>
        %dma_start3A_121 = arith.constant 0 : i32
        %dma_start3A_122 = arith.constant 0 : i32
        %dma_start3A_123 = tpu.memref_slice %arg17[%dma_start3A_121, %dma_start3A_122] : memref<10240x128xf32, #tpu.memory_space<vmem_shared>> -> memref<10240x128xf32, #tpu.memory_space<vmem_shared>>
        tpu.enqueue_indirect_dma source(%arg16 : memref<128x128xf32, #tpu.memory_space<vmem>>) target(%dma_start3A_123 : memref<10240x128xf32, #tpu.memory_space<vmem_shared>>) offsets(%dma_start3A_120 : memref<128xi32, #tpu.memory_space<vmem>>) semaphore(%run_scoped3A_117 : memref<!tpu.dma_semaphore, #tpu.memory_space<semaphore_mem>>) {add = true}
        %dma_wait3A_124 = arith.constant 0 : i32
        %dma_wait3A_125 = tpu.memref_slice %arg14[%run_scoped3A_76, %dma_wait3A_124] : memref<40x128xi32, #tpu.memory_space<vmem>> -> memref<1x128xi32, #tpu.memory_space<vmem>>
        %dma_wait3A_126 = tpu.memref_squeeze %dma_wait3A_125 : memref<1x128xi32, #tpu.memory_space<vmem>> -> memref<128xi32, #tpu.memory_space<vmem>>
        %dma_wait3A_127 = arith.constant 0 : i32
        %dma_wait3A_128 = arith.constant 0 : i32
        %dma_wait3A_129 = tpu.memref_slice %arg17[%dma_wait3A_127, %dma_wait3A_128] : memref<10240x128xf32, #tpu.memory_space<vmem_shared>> -> memref<10240x128xf32, #tpu.memory_space<vmem_shared>>
        tpu.wait_indirect_dma semaphore(%run_scoped3A_117 : memref<!tpu.dma_semaphore, #tpu.memory_space<semaphore_mem>>) src(%arg16 : memref<128x128xf32, #tpu.memory_space<vmem>>) dst(%dma_wait3A_129 : memref<10240x128xf32, #tpu.memory_space<vmem_shared>>)
        tpu.yield
      }) : () -> ()
      %mul3A_77 = arith.constant 80 : i32
      %mul3A_78 = arith.muli %arg1, %mul3A_77 : i32
      %add3A_79 = arith.constant 40 : i32
      %add3A_80 = arith.addi %mul3A_78, %add3A_79 : i32
      "tpu.region"() ({
        %run_scoped3A_117 = tpu.sem_alloc : memref<!tpu.dma_semaphore, #tpu.memory_space<semaphore_mem>>
        %dma_start3A_118 = arith.constant 0 : i32
        %dma_start3A_119 = tpu.memref_slice %arg6[%add3A_80, %dma_start3A_118] : memref<1280x128xi32, #tpu.memory_space<hbm>> -> memref<40x128xi32, #tpu.memory_space<hbm>>
        %dma_start3A_120 = arith.constant 0 : i32
        %dma_start3A_121 = tpu.memref_slice %arg6[%add3A_80, %dma_start3A_120] : memref<1280x128xi32, #tpu.memory_space<hbm>> -> memref<40x128xi32, #tpu.memory_space<hbm>>
        tpu.enqueue_dma source(%dma_start3A_121 : memref<40x128xi32, #tpu.memory_space<hbm>>) target(%arg13 : memref<40x128xi32, #tpu.memory_space<vmem>>) target_semaphore(%run_scoped3A_117 : memref<!tpu.dma_semaphore, #tpu.memory_space<semaphore_mem>>)
        %dma_wait3A_122 = arith.constant 0 : i32
        %dma_wait3A_123 = tpu.memref_slice %arg6[%add3A_80, %dma_wait3A_122] : memref<1280x128xi32, #tpu.memory_space<hbm>> -> memref<40x128xi32, #tpu.memory_space<hbm>>
        %dma_wait3A_124 = arith.constant 0 : i32
        %dma_wait3A_125 = tpu.memref_slice %arg6[%add3A_80, %dma_wait3A_124] : memref<1280x128xi32, #tpu.memory_space<hbm>> -> memref<40x128xi32, #tpu.memory_space<hbm>>
        tpu.wait_dma2 semaphore(%run_scoped3A_117 : memref<!tpu.dma_semaphore, #tpu.memory_space<semaphore_mem>>) src(%dma_wait3A_125 : memref<40x128xi32, #tpu.memory_space<hbm>>) dst(%arg13 : memref<40x128xi32, #tpu.memory_space<vmem>>)
        tpu.yield
      }) : () -> ()
      "tpu.region"() ({
        %run_scoped3A_117 = tpu.sem_alloc : memref<!tpu.dma_semaphore, #tpu.memory_space<semaphore_mem>>
        %dma_start3A_118 = arith.constant 0 : i32
        %dma_start3A_119 = tpu.memref_slice %arg7[%add3A_80, %dma_start3A_118] : memref<1280x128xi32, #tpu.memory_space<hbm>> -> memref<40x128xi32, #tpu.memory_space<hbm>>
        %dma_start3A_120 = arith.constant 0 : i32
        %dma_start3A_121 = tpu.memref_slice %arg7[%add3A_80, %dma_start3A_120] : memref<1280x128xi32, #tpu.memory_space<hbm>> -> memref<40x128xi32, #tpu.memory_space<hbm>>
        tpu.enqueue_dma source(%dma_start3A_121 : memref<40x128xi32, #tpu.memory_space<hbm>>) target(%arg14 : memref<40x128xi32, #tpu.memory_space<vmem>>) target_semaphore(%run_scoped3A_117 : memref<!tpu.dma_semaphore, #tpu.memory_space<semaphore_mem>>)
        %dma_wait3A_122 = arith.constant 0 : i32
        %dma_wait3A_123 = tpu.memref_slice %arg7[%add3A_80, %dma_wait3A_122] : memref<1280x128xi32, #tpu.memory_space<hbm>> -> memref<40x128xi32, #tpu.memory_space<hbm>>
        %dma_wait3A_124 = arith.constant 0 : i32
        %dma_wait3A_125 = tpu.memref_slice %arg7[%add3A_80, %dma_wait3A_124] : memref<1280x128xi32, #tpu.memory_space<hbm>> -> memref<40x128xi32, #tpu.memory_space<hbm>>
        tpu.wait_dma2 semaphore(%run_scoped3A_117 : memref<!tpu.dma_semaphore, #tpu.memory_space<semaphore_mem>>) src(%dma_wait3A_125 : memref<40x128xi32, #tpu.memory_space<hbm>>) dst(%arg14 : memref<40x128xi32, #tpu.memory_space<vmem>>)
        tpu.yield
      }) : () -> ()
      %dma_start3A_81 = arith.constant 0 : i32
      %dma_start3A_82 = arith.constant 0 : i32
      %dma_start3A_83 = tpu.memref_slice %arg13[%dma_start3A_81, %dma_start3A_82] : memref<40x128xi32, #tpu.memory_space<vmem>> -> memref<1x128xi32, #tpu.memory_space<vmem>>
      %dma_start3A_84 = tpu.memref_squeeze %dma_start3A_83 : memref<1x128xi32, #tpu.memory_space<vmem>> -> memref<128xi32, #tpu.memory_space<vmem>>
      %dma_start3A_85 = arith.constant 0 : i32
      %dma_start3A_86 = arith.constant 0 : i32
      %dma_start3A_87 = tpu.memref_slice %arg2[%dma_start3A_85, %dma_start3A_86] : memref<10000x128xf32, #tpu.memory_space<hbm>> -> memref<10000x128xf32, #tpu.memory_space<hbm>>
      tpu.enqueue_indirect_dma source(%dma_start3A_87 : memref<10000x128xf32, #tpu.memory_space<hbm>>) target(%arg15 : memref<128x128xf32, #tpu.memory_space<vmem>>) offsets(%dma_start3A_84 : memref<128xi32, #tpu.memory_space<vmem>>) semaphore(%arg18 : memref<!tpu.dma_semaphore, #tpu.memory_space<semaphore_mem>>)
      %dma_start3A_88 = arith.constant 1 : i32
      %dma_start3A_89 = arith.constant 0 : i32
      %dma_start3A_90 = tpu.memref_slice %arg13[%dma_start3A_88, %dma_start3A_89] : memref<40x128xi32, #tpu.memory_space<vmem>> -> memref<1x128xi32, #tpu.memory_space<vmem>>
      %dma_start3A_91 = tpu.memref_squeeze %dma_start3A_90 : memref<1x128xi32, #tpu.memory_space<vmem>> -> memref<128xi32, #tpu.memory_space<vmem>>
      %dma_start3A_92 = arith.constant 0 : i32
      %dma_start3A_93 = arith.constant 0 : i32
      %dma_start3A_94 = tpu.memref_slice %arg2[%dma_start3A_92, %dma_start3A_93] : memref<10000x128xf32, #tpu.memory_space<hbm>> -> memref<10000x128xf32, #tpu.memory_space<hbm>>
      tpu.enqueue_indirect_dma source(%dma_start3A_94 : memref<10000x128xf32, #tpu.memory_space<hbm>>) target(%arg16 : memref<128x128xf32, #tpu.memory_space<vmem>>) offsets(%dma_start3A_91 : memref<128xi32, #tpu.memory_space<vmem>>) semaphore(%arg18 : memref<!tpu.dma_semaphore, #tpu.memory_space<semaphore_mem>>)
      %scan3A_95 = arith.constant 0 : i32
      %scan3A_96 = arith.constant 0 : i32
      %scan3A_97 = arith.constant 19 : i32
      %scan3A_98 = arith.addi %scan3A_96, %scan3A_97 : i32
      %scan3A_99 = arith.constant 1 : i32
      scf.for %scan3A_117 = %scan3A_96 to %scan3A_98 step %scan3A_99  : i32 {
        %mul3A_118 = arith.constant 2 : i32
        %mul3A_119 = arith.muli %scan3A_117, %mul3A_118 : i32
        %add3A_120 = arith.constant 0 : i32
        %add3A_121 = arith.addi %mul3A_119, %add3A_120 : i32
        %dma_wait3A_122 = arith.constant 0 : i32
        %dma_wait3A_123 = tpu.memref_slice %arg13[%add3A_121, %dma_wait3A_122] : memref<40x128xi32, #tpu.memory_space<vmem>> -> memref<1x128xi32, #tpu.memory_space<vmem>>
        %dma_wait3A_124 = tpu.memref_squeeze %dma_wait3A_123 : memref<1x128xi32, #tpu.memory_space<vmem>> -> memref<128xi32, #tpu.memory_space<vmem>>
        %dma_wait3A_125 = arith.constant 0 : i32
        %dma_wait3A_126 = arith.constant 0 : i32
        %dma_wait3A_127 = tpu.memref_slice %arg2[%dma_wait3A_125, %dma_wait3A_126] : memref<10000x128xf32, #tpu.memory_space<hbm>> -> memref<10000x128xf32, #tpu.memory_space<hbm>>
        tpu.wait_indirect_dma semaphore(%arg18 : memref<!tpu.dma_semaphore, #tpu.memory_space<semaphore_mem>>) src(%dma_wait3A_127 : memref<10000x128xf32, #tpu.memory_space<hbm>>) dst(%arg15 : memref<128x128xf32, #tpu.memory_space<vmem>>)
        "tpu.region"() ({
          %run_scoped3A_154 = tpu.sem_alloc : memref<!tpu.dma_semaphore, #tpu.memory_space<semaphore_mem>>
          %dma_start3A_155 = arith.constant 0 : i32
          %dma_start3A_156 = tpu.memref_slice %arg14[%add3A_121, %dma_start3A_155] : memref<40x128xi32, #tpu.memory_space<vmem>> -> memref<1x128xi32, #tpu.memory_space<vmem>>
          %dma_start3A_157 = tpu.memref_squeeze %dma_start3A_156 : memref<1x128xi32, #tpu.memory_space<vmem>> -> memref<128xi32, #tpu.memory_space<vmem>>
          %dma_start3A_158 = arith.constant 0 : i32
          %dma_start3A_159 = arith.constant 0 : i32
          %dma_start3A_160 = tpu.memref_slice %arg17[%dma_start3A_158, %dma_start3A_159] : memref<10240x128xf32, #tpu.memory_space<vmem_shared>> -> memref<10240x128xf32, #tpu.memory_space<vmem_shared>>
          tpu.enqueue_indirect_dma source(%arg15 : memref<128x128xf32, #tpu.memory_space<vmem>>) target(%dma_start3A_160 : memref<10240x128xf32, #tpu.memory_space<vmem_shared>>) offsets(%dma_start3A_157 : memref<128xi32, #tpu.memory_space<vmem>>) semaphore(%run_scoped3A_154 : memref<!tpu.dma_semaphore, #tpu.memory_space<semaphore_mem>>) {add = true}
          %dma_wait3A_161 = arith.constant 0 : i32
          %dma_wait3A_162 = tpu.memref_slice %arg14[%add3A_121, %dma_wait3A_161] : memref<40x128xi32, #tpu.memory_space<vmem>> -> memref<1x128xi32, #tpu.memory_space<vmem>>
          %dma_wait3A_163 = tpu.memref_squeeze %dma_wait3A_162 : memref<1x128xi32, #tpu.memory_space<vmem>> -> memref<128xi32, #tpu.memory_space<vmem>>
          %dma_wait3A_164 = arith.constant 0 : i32
          %dma_wait3A_165 = arith.constant 0 : i32
          %dma_wait3A_166 = tpu.memref_slice %arg17[%dma_wait3A_164, %dma_wait3A_165] : memref<10240x128xf32, #tpu.memory_space<vmem_shared>> -> memref<10240x128xf32, #tpu.memory_space<vmem_shared>>
          tpu.wait_indirect_dma semaphore(%run_scoped3A_154 : memref<!tpu.dma_semaphore, #tpu.memory_space<semaphore_mem>>) src(%arg15 : memref<128x128xf32, #tpu.memory_space<vmem>>) dst(%dma_wait3A_166 : memref<10240x128xf32, #tpu.memory_space<vmem_shared>>)
          tpu.yield
        }) : () -> ()
        %add3A_128 = arith.constant 2 : i32
        %add3A_129 = arith.addi %add3A_121, %add3A_128 : i32
        %dma_start3A_130 = arith.constant 0 : i32
        %dma_start3A_131 = tpu.memref_slice %arg13[%add3A_129, %dma_start3A_130] : memref<40x128xi32, #tpu.memory_space<vmem>> -> memref<1x128xi32, #tpu.memory_space<vmem>>
        %dma_start3A_132 = tpu.memref_squeeze %dma_start3A_131 : memref<1x128xi32, #tpu.memory_space<vmem>> -> memref<128xi32, #tpu.memory_space<vmem>>
        %dma_start3A_133 = arith.constant 0 : i32
        %dma_start3A_134 = arith.constant 0 : i32
        %dma_start3A_135 = tpu.memref_slice %arg2[%dma_start3A_133, %dma_start3A_134] : memref<10000x128xf32, #tpu.memory_space<hbm>> -> memref<10000x128xf32, #tpu.memory_space<hbm>>
        tpu.enqueue_indirect_dma source(%dma_start3A_135 : memref<10000x128xf32, #tpu.memory_space<hbm>>) target(%arg15 : memref<128x128xf32, #tpu.memory_space<vmem>>) offsets(%dma_start3A_132 : memref<128xi32, #tpu.memory_space<vmem>>) semaphore(%arg18 : memref<!tpu.dma_semaphore, #tpu.memory_space<semaphore_mem>>)
        %mul3A_136 = arith.constant 2 : i32
        %mul3A_137 = arith.muli %scan3A_117, %mul3A_136 : i32
        %add3A_138 = arith.constant 1 : i32
        %add3A_139 = arith.addi %mul3A_137, %add3A_138 : i32
        %dma_wait3A_140 = arith.constant 0 : i32
        %dma_wait3A_141 = tpu.memref_slice %arg13[%add3A_139, %dma_wait3A_140] : memref<40x128xi32, #tpu.memory_space<vmem>> -> memref<1x128xi32, #tpu.memory_space<vmem>>
        %dma_wait3A_142 = tpu.memref_squeeze %dma_wait3A_141 : memref<1x128xi32, #tpu.memory_space<vmem>> -> memref<128xi32, #tpu.memory_space<vmem>>
        %dma_wait3A_143 = arith.constant 0 : i32
        %dma_wait3A_144 = arith.constant 0 : i32
        %dma_wait3A_145 = tpu.memref_slice %arg2[%dma_wait3A_143, %dma_wait3A_144] : memref<10000x128xf32, #tpu.memory_space<hbm>> -> memref<10000x128xf32, #tpu.memory_space<hbm>>
        tpu.wait_indirect_dma semaphore(%arg18 : memref<!tpu.dma_semaphore, #tpu.memory_space<semaphore_mem>>) src(%dma_wait3A_145 : memref<10000x128xf32, #tpu.memory_space<hbm>>) dst(%arg16 : memref<128x128xf32, #tpu.memory_space<vmem>>)
        "tpu.region"() ({
          %run_scoped3A_154 = tpu.sem_alloc : memref<!tpu.dma_semaphore, #tpu.memory_space<semaphore_mem>>
          %dma_start3A_155 = arith.constant 0 : i32
          %dma_start3A_156 = tpu.memref_slice %arg14[%add3A_139, %dma_start3A_155] : memref<40x128xi32, #tpu.memory_space<vmem>> -> memref<1x128xi32, #tpu.memory_space<vmem>>
          %dma_start3A_157 = tpu.memref_squeeze %dma_start3A_156 : memref<1x128xi32, #tpu.memory_space<vmem>> -> memref<128xi32, #tpu.memory_space<vmem>>
          %dma_start3A_158 = arith.constant 0 : i32
          %dma_start3A_159 = arith.constant 0 : i32
          %dma_start3A_160 = tpu.memref_slice %arg17[%dma_start3A_158, %dma_start3A_159] : memref<10240x128xf32, #tpu.memory_space<vmem_shared>> -> memref<10240x128xf32, #tpu.memory_space<vmem_shared>>
          tpu.enqueue_indirect_dma source(%arg16 : memref<128x128xf32, #tpu.memory_space<vmem>>) target(%dma_start3A_160 : memref<10240x128xf32, #tpu.memory_space<vmem_shared>>) offsets(%dma_start3A_157 : memref<128xi32, #tpu.memory_space<vmem>>) semaphore(%run_scoped3A_154 : memref<!tpu.dma_semaphore, #tpu.memory_space<semaphore_mem>>) {add = true}
          %dma_wait3A_161 = arith.constant 0 : i32
          %dma_wait3A_162 = tpu.memref_slice %arg14[%add3A_139, %dma_wait3A_161] : memref<40x128xi32, #tpu.memory_space<vmem>> -> memref<1x128xi32, #tpu.memory_space<vmem>>
          %dma_wait3A_163 = tpu.memref_squeeze %dma_wait3A_162 : memref<1x128xi32, #tpu.memory_space<vmem>> -> memref<128xi32, #tpu.memory_space<vmem>>
          %dma_wait3A_164 = arith.constant 0 : i32
          %dma_wait3A_165 = arith.constant 0 : i32
          %dma_wait3A_166 = tpu.memref_slice %arg17[%dma_wait3A_164, %dma_wait3A_165] : memref<10240x128xf32, #tpu.memory_space<vmem_shared>> -> memref<10240x128xf32, #tpu.memory_space<vmem_shared>>
          tpu.wait_indirect_dma semaphore(%run_scoped3A_154 : memref<!tpu.dma_semaphore, #tpu.memory_space<semaphore_mem>>) src(%arg16 : memref<128x128xf32, #tpu.memory_space<vmem>>) dst(%dma_wait3A_166 : memref<10240x128xf32, #tpu.memory_space<vmem_shared>>)
          tpu.yield
        }) : () -> ()
        %add3A_146 = arith.constant 2 : i32
        %add3A_147 = arith.addi %add3A_139, %add3A_146 : i32
        %dma_start3A_148 = arith.constant 0 : i32
        %dma_start3A_149 = tpu.memref_slice %arg13[%add3A_147, %dma_start3A_148] : memref<40x128xi32, #tpu.memory_space<vmem>> -> memref<1x128xi32, #tpu.memory_space<vmem>>
        %dma_start3A_150 = tpu.memref_squeeze %dma_start3A_149 : memref<1x128xi32, #tpu.memory_space<vmem>> -> memref<128xi32, #tpu.memory_space<vmem>>
        %dma_start3A_151 = arith.constant 0 : i32
        %dma_start3A_152 = arith.constant 0 : i32
        %dma_start3A_153 = tpu.memref_slice %arg2[%dma_start3A_151, %dma_start3A_152] : memref<10000x128xf32, #tpu.memory_space<hbm>> -> memref<10000x128xf32, #tpu.memory_space<hbm>>
        tpu.enqueue_indirect_dma source(%dma_start3A_153 : memref<10000x128xf32, #tpu.memory_space<hbm>>) target(%arg16 : memref<128x128xf32, #tpu.memory_space<vmem>>) offsets(%dma_start3A_150 : memref<128xi32, #tpu.memory_space<vmem>>) semaphore(%arg18 : memref<!tpu.dma_semaphore, #tpu.memory_space<semaphore_mem>>)
      }
      %scan3A_100 = arith.constant 19 : i32
      %dma_wait3A_101 = arith.constant 38 : i32
      %dma_wait3A_102 = arith.constant 0 : i32
      %dma_wait3A_103 = tpu.memref_slice %arg13[%dma_wait3A_101, %dma_wait3A_102] : memref<40x128xi32, #tpu.memory_space<vmem>> -> memref<1x128xi32, #tpu.memory_space<vmem>>
      %dma_wait3A_104 = tpu.memref_squeeze %dma_wait3A_103 : memref<1x128xi32, #tpu.memory_space<vmem>> -> memref<128xi32, #tpu.memory_space<vmem>>
      %dma_wait3A_105 = arith.constant 0 : i32
      %dma_wait3A_106 = arith.constant 0 : i32
      %dma_wait3A_107 = tpu.memref_slice %arg2[%dma_wait3A_105, %dma_wait3A_106] : memref<10000x128xf32, #tpu.memory_space<hbm>> -> memref<10000x128xf32, #tpu.memory_space<hbm>>
      tpu.wait_indirect_dma semaphore(%arg18 : memref<!tpu.dma_semaphore, #tpu.memory_space<semaphore_mem>>) src(%dma_wait3A_107 : memref<10000x128xf32, #tpu.memory_space<hbm>>) dst(%arg15 : memref<128x128xf32, #tpu.memory_space<vmem>>)
      %run_scoped3A_108 = arith.constant 38 : i32
      "tpu.region"() ({
        %run_scoped3A_117 = tpu.sem_alloc : memref<!tpu.dma_semaphore, #tpu.memory_space<semaphore_mem>>
        %dma_start3A_118 = arith.constant 0 : i32
        %dma_start3A_119 = tpu.memref_slice %arg14[%run_scoped3A_108, %dma_start3A_118] : memref<40x128xi32, #tpu.memory_space<vmem>> -> memref<1x128xi32, #tpu.memory_space<vmem>>
        %dma_start3A_120 = tpu.memref_squeeze %dma_start3A_119 : memref<1x128xi32, #tpu.memory_space<vmem>> -> memref<128xi32, #tpu.memory_space<vmem>>
        %dma_start3A_121 = arith.constant 0 : i32
        %dma_start3A_122 = arith.constant 0 : i32
        %dma_start3A_123 = tpu.memref_slice %arg17[%dma_start3A_121, %dma_start3A_122] : memref<10240x128xf32, #tpu.memory_space<vmem_shared>> -> memref<10240x128xf32, #tpu.memory_space<vmem_shared>>
        tpu.enqueue_indirect_dma source(%arg15 : memref<128x128xf32, #tpu.memory_space<vmem>>) target(%dma_start3A_123 : memref<10240x128xf32, #tpu.memory_space<vmem_shared>>) offsets(%dma_start3A_120 : memref<128xi32, #tpu.memory_space<vmem>>) semaphore(%run_scoped3A_117 : memref<!tpu.dma_semaphore, #tpu.memory_space<semaphore_mem>>) {add = true}
        %dma_wait3A_124 = arith.constant 0 : i32
        %dma_wait3A_125 = tpu.memref_slice %arg14[%run_scoped3A_108, %dma_wait3A_124] : memref<40x128xi32, #tpu.memory_space<vmem>> -> memref<1x128xi32, #tpu.memory_space<vmem>>
        %dma_wait3A_126 = tpu.memref_squeeze %dma_wait3A_125 : memref<1x128xi32, #tpu.memory_space<vmem>> -> memref<128xi32, #tpu.memory_space<vmem>>
        %dma_wait3A_127 = arith.constant 0 : i32
        %dma_wait3A_128 = arith.constant 0 : i32
        %dma_wait3A_129 = tpu.memref_slice %arg17[%dma_wait3A_127, %dma_wait3A_128] : memref<10240x128xf32, #tpu.memory_space<vmem_shared>> -> memref<10240x128xf32, #tpu.memory_space<vmem_shared>>
        tpu.wait_indirect_dma semaphore(%run_scoped3A_117 : memref<!tpu.dma_semaphore, #tpu.memory_space<semaphore_mem>>) src(%arg15 : memref<128x128xf32, #tpu.memory_space<vmem>>) dst(%dma_wait3A_129 : memref<10240x128xf32, #tpu.memory_space<vmem_shared>>)
        tpu.yield
      }) : () -> ()
      %dma_wait3A_109 = arith.constant 39 : i32
      %dma_wait3A_110 = arith.constant 0 : i32
      %dma_wait3A_111 = tpu.memref_slice %arg13[%dma_wait3A_109, %dma_wait3A_110] : memref<40x128xi32, #tpu.memory_space<vmem>> -> memref<1x128xi32, #tpu.memory_space<vmem>>
      %dma_wait3A_112 = tpu.memref_squeeze %dma_wait3A_111 : memref<1x128xi32, #tpu.memory_space<vmem>> -> memref<128xi32, #tpu.memory_space<vmem>>
      %dma_wait3A_113 = arith.constant 0 : i32
      %dma_wait3A_114 = arith.constant 0 : i32
      %dma_wait3A_115 = tpu.memref_slice %arg2[%dma_wait3A_113, %dma_wait3A_114] : memref<10000x128xf32, #tpu.memory_space<hbm>> -> memref<10000x128xf32, #tpu.memory_space<hbm>>
      tpu.wait_indirect_dma semaphore(%arg18 : memref<!tpu.dma_semaphore, #tpu.memory_space<semaphore_mem>>) src(%dma_wait3A_115 : memref<10000x128xf32, #tpu.memory_space<hbm>>) dst(%arg16 : memref<128x128xf32, #tpu.memory_space<vmem>>)
      %run_scoped3A_116 = arith.constant 39 : i32
      "tpu.region"() ({
        %run_scoped3A_117 = tpu.sem_alloc : memref<!tpu.dma_semaphore, #tpu.memory_space<semaphore_mem>>
        %dma_start3A_118 = arith.constant 0 : i32
        %dma_start3A_119 = tpu.memref_slice %arg14[%run_scoped3A_116, %dma_start3A_118] : memref<40x128xi32, #tpu.memory_space<vmem>> -> memref<1x128xi32, #tpu.memory_space<vmem>>
        %dma_start3A_120 = tpu.memref_squeeze %dma_start3A_119 : memref<1x128xi32, #tpu.memory_space<vmem>> -> memref<128xi32, #tpu.memory_space<vmem>>
        %dma_start3A_121 = arith.constant 0 : i32
        %dma_start3A_122 = arith.constant 0 : i32
        %dma_start3A_123 = tpu.memref_slice %arg17[%dma_start3A_121, %dma_start3A_122] : memref<10240x128xf32, #tpu.memory_space<vmem_shared>> -> memref<10240x128xf32, #tpu.memory_space<vmem_shared>>
        tpu.enqueue_indirect_dma source(%arg16 : memref<128x128xf32, #tpu.memory_space<vmem>>) target(%dma_start3A_123 : memref<10240x128xf32, #tpu.memory_space<vmem_shared>>) offsets(%dma_start3A_120 : memref<128xi32, #tpu.memory_space<vmem>>) semaphore(%run_scoped3A_117 : memref<!tpu.dma_semaphore, #tpu.memory_space<semaphore_mem>>) {add = true}
        %dma_wait3A_124 = arith.constant 0 : i32
        %dma_wait3A_125 = tpu.memref_slice %arg14[%run_scoped3A_116, %dma_wait3A_124] : memref<40x128xi32, #tpu.memory_space<vmem>> -> memref<1x128xi32, #tpu.memory_space<vmem>>
        %dma_wait3A_126 = tpu.memref_squeeze %dma_wait3A_125 : memref<1x128xi32, #tpu.memory_space<vmem>> -> memref<128xi32, #tpu.memory_space<vmem>>
        %dma_wait3A_127 = arith.constant 0 : i32
        %dma_wait3A_128 = arith.constant 0 : i32
        %dma_wait3A_129 = tpu.memref_slice %arg17[%dma_wait3A_127, %dma_wait3A_128] : memref<10240x128xf32, #tpu.memory_space<vmem_shared>> -> memref<10240x128xf32, #tpu.memory_space<vmem_shared>>
        tpu.wait_indirect_dma semaphore(%run_scoped3A_117 : memref<!tpu.dma_semaphore, #tpu.memory_space<semaphore_mem>>) src(%arg16 : memref<128x128xf32, #tpu.memory_space<vmem>>) dst(%dma_wait3A_129 : memref<10240x128xf32, #tpu.memory_space<vmem_shared>>)
        tpu.yield
      }) : () -> ()
    } else {
    }
    %eq3A_3 = arith.constant 1 : i32
    %eq3A_4 = arith.cmpi eq, %arg0, %eq3A_3 : i32
    %convert_element_type3A_5 = arith.extui %eq3A_4 : i1 to i32
    %cond3A_6 = arith.constant 0 : i32
    %cond3A_7 = arith.cmpi ne, %convert_element_type3A_5, %cond3A_6 : i32
    scf.if %cond3A_7 {
      %mul3A_42 = arith.constant 80 : i32
      %mul3A_43 = arith.muli %arg1, %mul3A_42 : i32
      %add3A = arith.constant 0 : i32
      %add3A_44 = arith.addi %mul3A_43, %add3A : i32
      "tpu.region"() ({
        %run_scoped3A_117 = tpu.sem_alloc : memref<!tpu.dma_semaphore, #tpu.memory_space<semaphore_mem>>
        %dma_start3A_118 = arith.constant 0 : i32
        %dma_start3A_119 = tpu.memref_slice %arg6[%add3A_44, %dma_start3A_118] : memref<1280x128xi32, #tpu.memory_space<hbm>> -> memref<40x128xi32, #tpu.memory_space<hbm>>
        %dma_start3A_120 = arith.constant 0 : i32
        %dma_start3A_121 = tpu.memref_slice %arg6[%add3A_44, %dma_start3A_120] : memref<1280x128xi32, #tpu.memory_space<hbm>> -> memref<40x128xi32, #tpu.memory_space<hbm>>
        tpu.enqueue_dma source(%dma_start3A_121 : memref<40x128xi32, #tpu.memory_space<hbm>>) target(%arg13 : memref<40x128xi32, #tpu.memory_space<vmem>>) target_semaphore(%run_scoped3A_117 : memref<!tpu.dma_semaphore, #tpu.memory_space<semaphore_mem>>)
        %dma_wait3A_122 = arith.constant 0 : i32
        %dma_wait3A_123 = tpu.memref_slice %arg6[%add3A_44, %dma_wait3A_122] : memref<1280x128xi32, #tpu.memory_space<hbm>> -> memref<40x128xi32, #tpu.memory_space<hbm>>
        %dma_wait3A_124 = arith.constant 0 : i32
        %dma_wait3A_125 = tpu.memref_slice %arg6[%add3A_44, %dma_wait3A_124] : memref<1280x128xi32, #tpu.memory_space<hbm>> -> memref<40x128xi32, #tpu.memory_space<hbm>>
        tpu.wait_dma2 semaphore(%run_scoped3A_117 : memref<!tpu.dma_semaphore, #tpu.memory_space<semaphore_mem>>) src(%dma_wait3A_125 : memref<40x128xi32, #tpu.memory_space<hbm>>) dst(%arg13 : memref<40x128xi32, #tpu.memory_space<vmem>>)
        tpu.yield
      }) : () -> ()
      "tpu.region"() ({
        %run_scoped3A_117 = tpu.sem_alloc : memref<!tpu.dma_semaphore, #tpu.memory_space<semaphore_mem>>
        %dma_start3A_118 = arith.constant 0 : i32
        %dma_start3A_119 = tpu.memref_slice %arg7[%add3A_44, %dma_start3A_118] : memref<1280x128xi32, #tpu.memory_space<hbm>> -> memref<40x128xi32, #tpu.memory_space<hbm>>
        %dma_start3A_120 = arith.constant 0 : i32
        %dma_start3A_121 = tpu.memref_slice %arg7[%add3A_44, %dma_start3A_120] : memref<1280x128xi32, #tpu.memory_space<hbm>> -> memref<40x128xi32, #tpu.memory_space<hbm>>
        tpu.enqueue_dma source(%dma_start3A_121 : memref<40x128xi32, #tpu.memory_space<hbm>>) target(%arg14 : memref<40x128xi32, #tpu.memory_space<vmem>>) target_semaphore(%run_scoped3A_117 : memref<!tpu.dma_semaphore, #tpu.memory_space<semaphore_mem>>)
        %dma_wait3A_122 = arith.constant 0 : i32
        %dma_wait3A_123 = tpu.memref_slice %arg7[%add3A_44, %dma_wait3A_122] : memref<1280x128xi32, #tpu.memory_space<hbm>> -> memref<40x128xi32, #tpu.memory_space<hbm>>
        %dma_wait3A_124 = arith.constant 0 : i32
        %dma_wait3A_125 = tpu.memref_slice %arg7[%add3A_44, %dma_wait3A_124] : memref<1280x128xi32, #tpu.memory_space<hbm>> -> memref<40x128xi32, #tpu.memory_space<hbm>>
        tpu.wait_dma2 semaphore(%run_scoped3A_117 : memref<!tpu.dma_semaphore, #tpu.memory_space<semaphore_mem>>) src(%dma_wait3A_125 : memref<40x128xi32, #tpu.memory_space<hbm>>) dst(%arg14 : memref<40x128xi32, #tpu.memory_space<vmem>>)
        tpu.yield
      }) : () -> ()
      %dma_start3A = arith.constant 0 : i32
      %dma_start3A_45 = arith.constant 0 : i32
      %dma_start3A_46 = tpu.memref_slice %arg13[%dma_start3A, %dma_start3A_45] : memref<40x128xi32, #tpu.memory_space<vmem>> -> memref<1x128xi32, #tpu.memory_space<vmem>>
      %dma_start3A_47 = tpu.memref_squeeze %dma_start3A_46 : memref<1x128xi32, #tpu.memory_space<vmem>> -> memref<128xi32, #tpu.memory_space<vmem>>
      %dma_start3A_48 = arith.constant 0 : i32
      %dma_start3A_49 = arith.constant 0 : i32
      %dma_start3A_50 = tpu.memref_slice %arg4[%dma_start3A_48, %dma_start3A_49] : memref<10000x128xf32, #tpu.memory_space<hbm>> -> memref<10000x128xf32, #tpu.memory_space<hbm>>
      tpu.enqueue_indirect_dma source(%dma_start3A_50 : memref<10000x128xf32, #tpu.memory_space<hbm>>) target(%arg15 : memref<128x128xf32, #tpu.memory_space<vmem>>) offsets(%dma_start3A_47 : memref<128xi32, #tpu.memory_space<vmem>>) semaphore(%arg18 : memref<!tpu.dma_semaphore, #tpu.memory_space<semaphore_mem>>)
      %dma_start3A_51 = arith.constant 1 : i32
      %dma_start3A_52 = arith.constant 0 : i32
      %dma_start3A_53 = tpu.memref_slice %arg13[%dma_start3A_51, %dma_start3A_52] : memref<40x128xi32, #tpu.memory_space<vmem>> -> memref<1x128xi32, #tpu.memory_space<vmem>>
      %dma_start3A_54 = tpu.memref_squeeze %dma_start3A_53 : memref<1x128xi32, #tpu.memory_space<vmem>> -> memref<128xi32, #tpu.memory_space<vmem>>
      %dma_start3A_55 = arith.constant 0 : i32
      %dma_start3A_56 = arith.constant 0 : i32
      %dma_start3A_57 = tpu.memref_slice %arg4[%dma_start3A_55, %dma_start3A_56] : memref<10000x128xf32, #tpu.memory_space<hbm>> -> memref<10000x128xf32, #tpu.memory_space<hbm>>
      tpu.enqueue_indirect_dma source(%dma_start3A_57 : memref<10000x128xf32, #tpu.memory_space<hbm>>) target(%arg16 : memref<128x128xf32, #tpu.memory_space<vmem>>) offsets(%dma_start3A_54 : memref<128xi32, #tpu.memory_space<vmem>>) semaphore(%arg18 : memref<!tpu.dma_semaphore, #tpu.memory_space<semaphore_mem>>)
      %scan3A = arith.constant 0 : i32
      %scan3A_58 = arith.constant 0 : i32
      %scan3A_59 = arith.constant 19 : i32
      %scan3A_60 = arith.addi %scan3A_58, %scan3A_59 : i32
      %scan3A_61 = arith.constant 1 : i32
      scf.for %scan3A_117 = %scan3A_58 to %scan3A_60 step %scan3A_61  : i32 {
        %mul3A_118 = arith.constant 2 : i32
        %mul3A_119 = arith.muli %scan3A_117, %mul3A_118 : i32
        %add3A_120 = arith.constant 0 : i32
        %add3A_121 = arith.addi %mul3A_119, %add3A_120 : i32
        %dma_wait3A_122 = arith.constant 0 : i32
        %dma_wait3A_123 = tpu.memref_slice %arg13[%add3A_121, %dma_wait3A_122] : memref<40x128xi32, #tpu.memory_space<vmem>> -> memref<1x128xi32, #tpu.memory_space<vmem>>
        %dma_wait3A_124 = tpu.memref_squeeze %dma_wait3A_123 : memref<1x128xi32, #tpu.memory_space<vmem>> -> memref<128xi32, #tpu.memory_space<vmem>>
        %dma_wait3A_125 = arith.constant 0 : i32
        %dma_wait3A_126 = arith.constant 0 : i32
        %dma_wait3A_127 = tpu.memref_slice %arg4[%dma_wait3A_125, %dma_wait3A_126] : memref<10000x128xf32, #tpu.memory_space<hbm>> -> memref<10000x128xf32, #tpu.memory_space<hbm>>
        tpu.wait_indirect_dma semaphore(%arg18 : memref<!tpu.dma_semaphore, #tpu.memory_space<semaphore_mem>>) src(%dma_wait3A_127 : memref<10000x128xf32, #tpu.memory_space<hbm>>) dst(%arg15 : memref<128x128xf32, #tpu.memory_space<vmem>>)
        "tpu.region"() ({
          %run_scoped3A_154 = tpu.sem_alloc : memref<!tpu.dma_semaphore, #tpu.memory_space<semaphore_mem>>
          %dma_start3A_155 = arith.constant 0 : i32
          %dma_start3A_156 = tpu.memref_slice %arg14[%add3A_121, %dma_start3A_155] : memref<40x128xi32, #tpu.memory_space<vmem>> -> memref<1x128xi32, #tpu.memory_space<vmem>>
          %dma_start3A_157 = tpu.memref_squeeze %dma_start3A_156 : memref<1x128xi32, #tpu.memory_space<vmem>> -> memref<128xi32, #tpu.memory_space<vmem>>
          %dma_start3A_158 = arith.constant 0 : i32
          %dma_start3A_159 = arith.constant 0 : i32
          %dma_start3A_160 = tpu.memref_slice %arg17[%dma_start3A_158, %dma_start3A_159] : memref<10240x128xf32, #tpu.memory_space<vmem_shared>> -> memref<10240x128xf32, #tpu.memory_space<vmem_shared>>
          tpu.enqueue_indirect_dma source(%arg15 : memref<128x128xf32, #tpu.memory_space<vmem>>) target(%dma_start3A_160 : memref<10240x128xf32, #tpu.memory_space<vmem_shared>>) offsets(%dma_start3A_157 : memref<128xi32, #tpu.memory_space<vmem>>) semaphore(%run_scoped3A_154 : memref<!tpu.dma_semaphore, #tpu.memory_space<semaphore_mem>>) {add = true}
          %dma_wait3A_161 = arith.constant 0 : i32
          %dma_wait3A_162 = tpu.memref_slice %arg14[%add3A_121, %dma_wait3A_161] : memref<40x128xi32, #tpu.memory_space<vmem>> -> memref<1x128xi32, #tpu.memory_space<vmem>>
          %dma_wait3A_163 = tpu.memref_squeeze %dma_wait3A_162 : memref<1x128xi32, #tpu.memory_space<vmem>> -> memref<128xi32, #tpu.memory_space<vmem>>
          %dma_wait3A_164 = arith.constant 0 : i32
          %dma_wait3A_165 = arith.constant 0 : i32
          %dma_wait3A_166 = tpu.memref_slice %arg17[%dma_wait3A_164, %dma_wait3A_165] : memref<10240x128xf32, #tpu.memory_space<vmem_shared>> -> memref<10240x128xf32, #tpu.memory_space<vmem_shared>>
          tpu.wait_indirect_dma semaphore(%run_scoped3A_154 : memref<!tpu.dma_semaphore, #tpu.memory_space<semaphore_mem>>) src(%arg15 : memref<128x128xf32, #tpu.memory_space<vmem>>) dst(%dma_wait3A_166 : memref<10240x128xf32, #tpu.memory_space<vmem_shared>>)
          tpu.yield
        }) : () -> ()
        %add3A_128 = arith.constant 2 : i32
        %add3A_129 = arith.addi %add3A_121, %add3A_128 : i32
        %dma_start3A_130 = arith.constant 0 : i32
        %dma_start3A_131 = tpu.memref_slice %arg13[%add3A_129, %dma_start3A_130] : memref<40x128xi32, #tpu.memory_space<vmem>> -> memref<1x128xi32, #tpu.memory_space<vmem>>
        %dma_start3A_132 = tpu.memref_squeeze %dma_start3A_131 : memref<1x128xi32, #tpu.memory_space<vmem>> -> memref<128xi32, #tpu.memory_space<vmem>>
        %dma_start3A_133 = arith.constant 0 : i32
        %dma_start3A_134 = arith.constant 0 : i32
        %dma_start3A_135 = tpu.memref_slice %arg4[%dma_start3A_133, %dma_start3A_134] : memref<10000x128xf32, #tpu.memory_space<hbm>> -> memref<10000x128xf32, #tpu.memory_space<hbm>>
        tpu.enqueue_indirect_dma source(%dma_start3A_135 : memref<10000x128xf32, #tpu.memory_space<hbm>>) target(%arg15 : memref<128x128xf32, #tpu.memory_space<vmem>>) offsets(%dma_start3A_132 : memref<128xi32, #tpu.memory_space<vmem>>) semaphore(%arg18 : memref<!tpu.dma_semaphore, #tpu.memory_space<semaphore_mem>>)
        %mul3A_136 = arith.constant 2 : i32
        %mul3A_137 = arith.muli %scan3A_117, %mul3A_136 : i32
        %add3A_138 = arith.constant 1 : i32
        %add3A_139 = arith.addi %mul3A_137, %add3A_138 : i32
        %dma_wait3A_140 = arith.constant 0 : i32
        %dma_wait3A_141 = tpu.memref_slice %arg13[%add3A_139, %dma_wait3A_140] : memref<40x128xi32, #tpu.memory_space<vmem>> -> memref<1x128xi32, #tpu.memory_space<vmem>>
        %dma_wait3A_142 = tpu.memref_squeeze %dma_wait3A_141 : memref<1x128xi32, #tpu.memory_space<vmem>> -> memref<128xi32, #tpu.memory_space<vmem>>
        %dma_wait3A_143 = arith.constant 0 : i32
        %dma_wait3A_144 = arith.constant 0 : i32
        %dma_wait3A_145 = tpu.memref_slice %arg4[%dma_wait3A_143, %dma_wait3A_144] : memref<10000x128xf32, #tpu.memory_space<hbm>> -> memref<10000x128xf32, #tpu.memory_space<hbm>>
        tpu.wait_indirect_dma semaphore(%arg18 : memref<!tpu.dma_semaphore, #tpu.memory_space<semaphore_mem>>) src(%dma_wait3A_145 : memref<10000x128xf32, #tpu.memory_space<hbm>>) dst(%arg16 : memref<128x128xf32, #tpu.memory_space<vmem>>)
        "tpu.region"() ({
          %run_scoped3A_154 = tpu.sem_alloc : memref<!tpu.dma_semaphore, #tpu.memory_space<semaphore_mem>>
          %dma_start3A_155 = arith.constant 0 : i32
          %dma_start3A_156 = tpu.memref_slice %arg14[%add3A_139, %dma_start3A_155] : memref<40x128xi32, #tpu.memory_space<vmem>> -> memref<1x128xi32, #tpu.memory_space<vmem>>
          %dma_start3A_157 = tpu.memref_squeeze %dma_start3A_156 : memref<1x128xi32, #tpu.memory_space<vmem>> -> memref<128xi32, #tpu.memory_space<vmem>>
          %dma_start3A_158 = arith.constant 0 : i32
          %dma_start3A_159 = arith.constant 0 : i32
          %dma_start3A_160 = tpu.memref_slice %arg17[%dma_start3A_158, %dma_start3A_159] : memref<10240x128xf32, #tpu.memory_space<vmem_shared>> -> memref<10240x128xf32, #tpu.memory_space<vmem_shared>>
          tpu.enqueue_indirect_dma source(%arg16 : memref<128x128xf32, #tpu.memory_space<vmem>>) target(%dma_start3A_160 : memref<10240x128xf32, #tpu.memory_space<vmem_shared>>) offsets(%dma_start3A_157 : memref<128xi32, #tpu.memory_space<vmem>>) semaphore(%run_scoped3A_154 : memref<!tpu.dma_semaphore, #tpu.memory_space<semaphore_mem>>) {add = true}
          %dma_wait3A_161 = arith.constant 0 : i32
          %dma_wait3A_162 = tpu.memref_slice %arg14[%add3A_139, %dma_wait3A_161] : memref<40x128xi32, #tpu.memory_space<vmem>> -> memref<1x128xi32, #tpu.memory_space<vmem>>
          %dma_wait3A_163 = tpu.memref_squeeze %dma_wait3A_162 : memref<1x128xi32, #tpu.memory_space<vmem>> -> memref<128xi32, #tpu.memory_space<vmem>>
          %dma_wait3A_164 = arith.constant 0 : i32
          %dma_wait3A_165 = arith.constant 0 : i32
          %dma_wait3A_166 = tpu.memref_slice %arg17[%dma_wait3A_164, %dma_wait3A_165] : memref<10240x128xf32, #tpu.memory_space<vmem_shared>> -> memref<10240x128xf32, #tpu.memory_space<vmem_shared>>
          tpu.wait_indirect_dma semaphore(%run_scoped3A_154 : memref<!tpu.dma_semaphore, #tpu.memory_space<semaphore_mem>>) src(%arg16 : memref<128x128xf32, #tpu.memory_space<vmem>>) dst(%dma_wait3A_166 : memref<10240x128xf32, #tpu.memory_space<vmem_shared>>)
          tpu.yield
        }) : () -> ()
        %add3A_146 = arith.constant 2 : i32
        %add3A_147 = arith.addi %add3A_139, %add3A_146 : i32
        %dma_start3A_148 = arith.constant 0 : i32
        %dma_start3A_149 = tpu.memref_slice %arg13[%add3A_147, %dma_start3A_148] : memref<40x128xi32, #tpu.memory_space<vmem>> -> memref<1x128xi32, #tpu.memory_space<vmem>>
        %dma_start3A_150 = tpu.memref_squeeze %dma_start3A_149 : memref<1x128xi32, #tpu.memory_space<vmem>> -> memref<128xi32, #tpu.memory_space<vmem>>
        %dma_start3A_151 = arith.constant 0 : i32
        %dma_start3A_152 = arith.constant 0 : i32
        %dma_start3A_153 = tpu.memref_slice %arg4[%dma_start3A_151, %dma_start3A_152] : memref<10000x128xf32, #tpu.memory_space<hbm>> -> memref<10000x128xf32, #tpu.memory_space<hbm>>
        tpu.enqueue_indirect_dma source(%dma_start3A_153 : memref<10000x128xf32, #tpu.memory_space<hbm>>) target(%arg16 : memref<128x128xf32, #tpu.memory_space<vmem>>) offsets(%dma_start3A_150 : memref<128xi32, #tpu.memory_space<vmem>>) semaphore(%arg18 : memref<!tpu.dma_semaphore, #tpu.memory_space<semaphore_mem>>)
      }
      %scan3A_62 = arith.constant 19 : i32
      %dma_wait3A = arith.constant 38 : i32
      %dma_wait3A_63 = arith.constant 0 : i32
      %dma_wait3A_64 = tpu.memref_slice %arg13[%dma_wait3A, %dma_wait3A_63] : memref<40x128xi32, #tpu.memory_space<vmem>> -> memref<1x128xi32, #tpu.memory_space<vmem>>
      %dma_wait3A_65 = tpu.memref_squeeze %dma_wait3A_64 : memref<1x128xi32, #tpu.memory_space<vmem>> -> memref<128xi32, #tpu.memory_space<vmem>>
      %dma_wait3A_66 = arith.constant 0 : i32
      %dma_wait3A_67 = arith.constant 0 : i32
      %dma_wait3A_68 = tpu.memref_slice %arg4[%dma_wait3A_66, %dma_wait3A_67] : memref<10000x128xf32, #tpu.memory_space<hbm>> -> memref<10000x128xf32, #tpu.memory_space<hbm>>
      tpu.wait_indirect_dma semaphore(%arg18 : memref<!tpu.dma_semaphore, #tpu.memory_space<semaphore_mem>>) src(%dma_wait3A_68 : memref<10000x128xf32, #tpu.memory_space<hbm>>) dst(%arg15 : memref<128x128xf32, #tpu.memory_space<vmem>>)
      %run_scoped3A = arith.constant 38 : i32
      "tpu.region"() ({
        %run_scoped3A_117 = tpu.sem_alloc : memref<!tpu.dma_semaphore, #tpu.memory_space<semaphore_mem>>
        %dma_start3A_118 = arith.constant 0 : i32
        %dma_start3A_119 = tpu.memref_slice %arg14[%run_scoped3A, %dma_start3A_118] : memref<40x128xi32, #tpu.memory_space<vmem>> -> memref<1x128xi32, #tpu.memory_space<vmem>>
        %dma_start3A_120 = tpu.memref_squeeze %dma_start3A_119 : memref<1x128xi32, #tpu.memory_space<vmem>> -> memref<128xi32, #tpu.memory_space<vmem>>
        %dma_start3A_121 = arith.constant 0 : i32
        %dma_start3A_122 = arith.constant 0 : i32
        %dma_start3A_123 = tpu.memref_slice %arg17[%dma_start3A_121, %dma_start3A_122] : memref<10240x128xf32, #tpu.memory_space<vmem_shared>> -> memref<10240x128xf32, #tpu.memory_space<vmem_shared>>
        tpu.enqueue_indirect_dma source(%arg15 : memref<128x128xf32, #tpu.memory_space<vmem>>) target(%dma_start3A_123 : memref<10240x128xf32, #tpu.memory_space<vmem_shared>>) offsets(%dma_start3A_120 : memref<128xi32, #tpu.memory_space<vmem>>) semaphore(%run_scoped3A_117 : memref<!tpu.dma_semaphore, #tpu.memory_space<semaphore_mem>>) {add = true}
        %dma_wait3A_124 = arith.constant 0 : i32
        %dma_wait3A_125 = tpu.memref_slice %arg14[%run_scoped3A, %dma_wait3A_124] : memref<40x128xi32, #tpu.memory_space<vmem>> -> memref<1x128xi32, #tpu.memory_space<vmem>>
        %dma_wait3A_126 = tpu.memref_squeeze %dma_wait3A_125 : memref<1x128xi32, #tpu.memory_space<vmem>> -> memref<128xi32, #tpu.memory_space<vmem>>
        %dma_wait3A_127 = arith.constant 0 : i32
        %dma_wait3A_128 = arith.constant 0 : i32
        %dma_wait3A_129 = tpu.memref_slice %arg17[%dma_wait3A_127, %dma_wait3A_128] : memref<10240x128xf32, #tpu.memory_space<vmem_shared>> -> memref<10240x128xf32, #tpu.memory_space<vmem_shared>>
        tpu.wait_indirect_dma semaphore(%run_scoped3A_117 : memref<!tpu.dma_semaphore, #tpu.memory_space<semaphore_mem>>) src(%arg15 : memref<128x128xf32, #tpu.memory_space<vmem>>) dst(%dma_wait3A_129 : memref<10240x128xf32, #tpu.memory_space<vmem_shared>>)
        tpu.yield
      }) : () -> ()
      %dma_wait3A_69 = arith.constant 39 : i32
      %dma_wait3A_70 = arith.constant 0 : i32
      %dma_wait3A_71 = tpu.memref_slice %arg13[%dma_wait3A_69, %dma_wait3A_70] : memref<40x128xi32, #tpu.memory_space<vmem>> -> memref<1x128xi32, #tpu.memory_space<vmem>>
      %dma_wait3A_72 = tpu.memref_squeeze %dma_wait3A_71 : memref<1x128xi32, #tpu.memory_space<vmem>> -> memref<128xi32, #tpu.memory_space<vmem>>
      %dma_wait3A_73 = arith.constant 0 : i32
      %dma_wait3A_74 = arith.constant 0 : i32
      %dma_wait3A_75 = tpu.memref_slice %arg4[%dma_wait3A_73, %dma_wait3A_74] : memref<10000x128xf32, #tpu.memory_space<hbm>> -> memref<10000x128xf32, #tpu.memory_space<hbm>>
      tpu.wait_indirect_dma semaphore(%arg18 : memref<!tpu.dma_semaphore, #tpu.memory_space<semaphore_mem>>) src(%dma_wait3A_75 : memref<10000x128xf32, #tpu.memory_space<hbm>>) dst(%arg16 : memref<128x128xf32, #tpu.memory_space<vmem>>)
      %run_scoped3A_76 = arith.constant 39 : i32
      "tpu.region"() ({
        %run_scoped3A_117 = tpu.sem_alloc : memref<!tpu.dma_semaphore, #tpu.memory_space<semaphore_mem>>
        %dma_start3A_118 = arith.constant 0 : i32
        %dma_start3A_119 = tpu.memref_slice %arg14[%run_scoped3A_76, %dma_start3A_118] : memref<40x128xi32, #tpu.memory_space<vmem>> -> memref<1x128xi32, #tpu.memory_space<vmem>>
        %dma_start3A_120 = tpu.memref_squeeze %dma_start3A_119 : memref<1x128xi32, #tpu.memory_space<vmem>> -> memref<128xi32, #tpu.memory_space<vmem>>
        %dma_start3A_121 = arith.constant 0 : i32
        %dma_start3A_122 = arith.constant 0 : i32
        %dma_start3A_123 = tpu.memref_slice %arg17[%dma_start3A_121, %dma_start3A_122] : memref<10240x128xf32, #tpu.memory_space<vmem_shared>> -> memref<10240x128xf32, #tpu.memory_space<vmem_shared>>
        tpu.enqueue_indirect_dma source(%arg16 : memref<128x128xf32, #tpu.memory_space<vmem>>) target(%dma_start3A_123 : memref<10240x128xf32, #tpu.memory_space<vmem_shared>>) offsets(%dma_start3A_120 : memref<128xi32, #tpu.memory_space<vmem>>) semaphore(%run_scoped3A_117 : memref<!tpu.dma_semaphore, #tpu.memory_space<semaphore_mem>>) {add = true}
        %dma_wait3A_124 = arith.constant 0 : i32
        %dma_wait3A_125 = tpu.memref_slice %arg14[%run_scoped3A_76, %dma_wait3A_124] : memref<40x128xi32, #tpu.memory_space<vmem>> -> memref<1x128xi32, #tpu.memory_space<vmem>>
        %dma_wait3A_126 = tpu.memref_squeeze %dma_wait3A_125 : memref<1x128xi32, #tpu.memory_space<vmem>> -> memref<128xi32, #tpu.memory_space<vmem>>
        %dma_wait3A_127 = arith.constant 0 : i32
        %dma_wait3A_128 = arith.constant 0 : i32
        %dma_wait3A_129 = tpu.memref_slice %arg17[%dma_wait3A_127, %dma_wait3A_128] : memref<10240x128xf32, #tpu.memory_space<vmem_shared>> -> memref<10240x128xf32, #tpu.memory_space<vmem_shared>>
        tpu.wait_indirect_dma semaphore(%run_scoped3A_117 : memref<!tpu.dma_semaphore, #tpu.memory_space<semaphore_mem>>) src(%arg16 : memref<128x128xf32, #tpu.memory_space<vmem>>) dst(%dma_wait3A_129 : memref<10240x128xf32, #tpu.memory_space<vmem_shared>>)
        tpu.yield
      }) : () -> ()
      %mul3A_77 = arith.constant 80 : i32
      %mul3A_78 = arith.muli %arg1, %mul3A_77 : i32
      %add3A_79 = arith.constant 40 : i32
      %add3A_80 = arith.addi %mul3A_78, %add3A_79 : i32
      "tpu.region"() ({
        %run_scoped3A_117 = tpu.sem_alloc : memref<!tpu.dma_semaphore, #tpu.memory_space<semaphore_mem>>
        %dma_start3A_118 = arith.constant 0 : i32
        %dma_start3A_119 = tpu.memref_slice %arg6[%add3A_80, %dma_start3A_118] : memref<1280x128xi32, #tpu.memory_space<hbm>> -> memref<40x128xi32, #tpu.memory_space<hbm>>
        %dma_start3A_120 = arith.constant 0 : i32
        %dma_start3A_121 = tpu.memref_slice %arg6[%add3A_80, %dma_start3A_120] : memref<1280x128xi32, #tpu.memory_space<hbm>> -> memref<40x128xi32, #tpu.memory_space<hbm>>
        tpu.enqueue_dma source(%dma_start3A_121 : memref<40x128xi32, #tpu.memory_space<hbm>>) target(%arg13 : memref<40x128xi32, #tpu.memory_space<vmem>>) target_semaphore(%run_scoped3A_117 : memref<!tpu.dma_semaphore, #tpu.memory_space<semaphore_mem>>)
        %dma_wait3A_122 = arith.constant 0 : i32
        %dma_wait3A_123 = tpu.memref_slice %arg6[%add3A_80, %dma_wait3A_122] : memref<1280x128xi32, #tpu.memory_space<hbm>> -> memref<40x128xi32, #tpu.memory_space<hbm>>
        %dma_wait3A_124 = arith.constant 0 : i32
        %dma_wait3A_125 = tpu.memref_slice %arg6[%add3A_80, %dma_wait3A_124] : memref<1280x128xi32, #tpu.memory_space<hbm>> -> memref<40x128xi32, #tpu.memory_space<hbm>>
        tpu.wait_dma2 semaphore(%run_scoped3A_117 : memref<!tpu.dma_semaphore, #tpu.memory_space<semaphore_mem>>) src(%dma_wait3A_125 : memref<40x128xi32, #tpu.memory_space<hbm>>) dst(%arg13 : memref<40x128xi32, #tpu.memory_space<vmem>>)
        tpu.yield
      }) : () -> ()
      "tpu.region"() ({
        %run_scoped3A_117 = tpu.sem_alloc : memref<!tpu.dma_semaphore, #tpu.memory_space<semaphore_mem>>
        %dma_start3A_118 = arith.constant 0 : i32
        %dma_start3A_119 = tpu.memref_slice %arg7[%add3A_80, %dma_start3A_118] : memref<1280x128xi32, #tpu.memory_space<hbm>> -> memref<40x128xi32, #tpu.memory_space<hbm>>
        %dma_start3A_120 = arith.constant 0 : i32
        %dma_start3A_121 = tpu.memref_slice %arg7[%add3A_80, %dma_start3A_120] : memref<1280x128xi32, #tpu.memory_space<hbm>> -> memref<40x128xi32, #tpu.memory_space<hbm>>
        tpu.enqueue_dma source(%dma_start3A_121 : memref<40x128xi32, #tpu.memory_space<hbm>>) target(%arg14 : memref<40x128xi32, #tpu.memory_space<vmem>>) target_semaphore(%run_scoped3A_117 : memref<!tpu.dma_semaphore, #tpu.memory_space<semaphore_mem>>)
        %dma_wait3A_122 = arith.constant 0 : i32
        %dma_wait3A_123 = tpu.memref_slice %arg7[%add3A_80, %dma_wait3A_122] : memref<1280x128xi32, #tpu.memory_space<hbm>> -> memref<40x128xi32, #tpu.memory_space<hbm>>
        %dma_wait3A_124 = arith.constant 0 : i32
        %dma_wait3A_125 = tpu.memref_slice %arg7[%add3A_80, %dma_wait3A_124] : memref<1280x128xi32, #tpu.memory_space<hbm>> -> memref<40x128xi32, #tpu.memory_space<hbm>>
        tpu.wait_dma2 semaphore(%run_scoped3A_117 : memref<!tpu.dma_semaphore, #tpu.memory_space<semaphore_mem>>) src(%dma_wait3A_125 : memref<40x128xi32, #tpu.memory_space<hbm>>) dst(%arg14 : memref<40x128xi32, #tpu.memory_space<vmem>>)
        tpu.yield
      }) : () -> ()
      %dma_start3A_81 = arith.constant 0 : i32
      %dma_start3A_82 = arith.constant 0 : i32
      %dma_start3A_83 = tpu.memref_slice %arg13[%dma_start3A_81, %dma_start3A_82] : memref<40x128xi32, #tpu.memory_space<vmem>> -> memref<1x128xi32, #tpu.memory_space<vmem>>
      %dma_start3A_84 = tpu.memref_squeeze %dma_start3A_83 : memref<1x128xi32, #tpu.memory_space<vmem>> -> memref<128xi32, #tpu.memory_space<vmem>>
      %dma_start3A_85 = arith.constant 0 : i32
      %dma_start3A_86 = arith.constant 0 : i32
      %dma_start3A_87 = tpu.memref_slice %arg4[%dma_start3A_85, %dma_start3A_86] : memref<10000x128xf32, #tpu.memory_space<hbm>> -> memref<10000x128xf32, #tpu.memory_space<hbm>>
      tpu.enqueue_indirect_dma source(%dma_start3A_87 : memref<10000x128xf32, #tpu.memory_space<hbm>>) target(%arg15 : memref<128x128xf32, #tpu.memory_space<vmem>>) offsets(%dma_start3A_84 : memref<128xi32, #tpu.memory_space<vmem>>) semaphore(%arg18 : memref<!tpu.dma_semaphore, #tpu.memory_space<semaphore_mem>>)
      %dma_start3A_88 = arith.constant 1 : i32
      %dma_start3A_89 = arith.constant 0 : i32
      %dma_start3A_90 = tpu.memref_slice %arg13[%dma_start3A_88, %dma_start3A_89] : memref<40x128xi32, #tpu.memory_space<vmem>> -> memref<1x128xi32, #tpu.memory_space<vmem>>
      %dma_start3A_91 = tpu.memref_squeeze %dma_start3A_90 : memref<1x128xi32, #tpu.memory_space<vmem>> -> memref<128xi32, #tpu.memory_space<vmem>>
      %dma_start3A_92 = arith.constant 0 : i32
      %dma_start3A_93 = arith.constant 0 : i32
      %dma_start3A_94 = tpu.memref_slice %arg4[%dma_start3A_92, %dma_start3A_93] : memref<10000x128xf32, #tpu.memory_space<hbm>> -> memref<10000x128xf32, #tpu.memory_space<hbm>>
      tpu.enqueue_indirect_dma source(%dma_start3A_94 : memref<10000x128xf32, #tpu.memory_space<hbm>>) target(%arg16 : memref<128x128xf32, #tpu.memory_space<vmem>>) offsets(%dma_start3A_91 : memref<128xi32, #tpu.memory_space<vmem>>) semaphore(%arg18 : memref<!tpu.dma_semaphore, #tpu.memory_space<semaphore_mem>>)
      %scan3A_95 = arith.constant 0 : i32
      %scan3A_96 = arith.constant 0 : i32
      %scan3A_97 = arith.constant 19 : i32
      %scan3A_98 = arith.addi %scan3A_96, %scan3A_97 : i32
      %scan3A_99 = arith.constant 1 : i32
      scf.for %scan3A_117 = %scan3A_96 to %scan3A_98 step %scan3A_99  : i32 {
        %mul3A_118 = arith.constant 2 : i32
        %mul3A_119 = arith.muli %scan3A_117, %mul3A_118 : i32
        %add3A_120 = arith.constant 0 : i32
        %add3A_121 = arith.addi %mul3A_119, %add3A_120 : i32
        %dma_wait3A_122 = arith.constant 0 : i32
        %dma_wait3A_123 = tpu.memref_slice %arg13[%add3A_121, %dma_wait3A_122] : memref<40x128xi32, #tpu.memory_space<vmem>> -> memref<1x128xi32, #tpu.memory_space<vmem>>
        %dma_wait3A_124 = tpu.memref_squeeze %dma_wait3A_123 : memref<1x128xi32, #tpu.memory_space<vmem>> -> memref<128xi32, #tpu.memory_space<vmem>>
        %dma_wait3A_125 = arith.constant 0 : i32
        %dma_wait3A_126 = arith.constant 0 : i32
        %dma_wait3A_127 = tpu.memref_slice %arg4[%dma_wait3A_125, %dma_wait3A_126] : memref<10000x128xf32, #tpu.memory_space<hbm>> -> memref<10000x128xf32, #tpu.memory_space<hbm>>
        tpu.wait_indirect_dma semaphore(%arg18 : memref<!tpu.dma_semaphore, #tpu.memory_space<semaphore_mem>>) src(%dma_wait3A_127 : memref<10000x128xf32, #tpu.memory_space<hbm>>) dst(%arg15 : memref<128x128xf32, #tpu.memory_space<vmem>>)
        "tpu.region"() ({
          %run_scoped3A_154 = tpu.sem_alloc : memref<!tpu.dma_semaphore, #tpu.memory_space<semaphore_mem>>
          %dma_start3A_155 = arith.constant 0 : i32
          %dma_start3A_156 = tpu.memref_slice %arg14[%add3A_121, %dma_start3A_155] : memref<40x128xi32, #tpu.memory_space<vmem>> -> memref<1x128xi32, #tpu.memory_space<vmem>>
          %dma_start3A_157 = tpu.memref_squeeze %dma_start3A_156 : memref<1x128xi32, #tpu.memory_space<vmem>> -> memref<128xi32, #tpu.memory_space<vmem>>
          %dma_start3A_158 = arith.constant 0 : i32
          %dma_start3A_159 = arith.constant 0 : i32
          %dma_start3A_160 = tpu.memref_slice %arg17[%dma_start3A_158, %dma_start3A_159] : memref<10240x128xf32, #tpu.memory_space<vmem_shared>> -> memref<10240x128xf32, #tpu.memory_space<vmem_shared>>
          tpu.enqueue_indirect_dma source(%arg15 : memref<128x128xf32, #tpu.memory_space<vmem>>) target(%dma_start3A_160 : memref<10240x128xf32, #tpu.memory_space<vmem_shared>>) offsets(%dma_start3A_157 : memref<128xi32, #tpu.memory_space<vmem>>) semaphore(%run_scoped3A_154 : memref<!tpu.dma_semaphore, #tpu.memory_space<semaphore_mem>>) {add = true}
          %dma_wait3A_161 = arith.constant 0 : i32
          %dma_wait3A_162 = tpu.memref_slice %arg14[%add3A_121, %dma_wait3A_161] : memref<40x128xi32, #tpu.memory_space<vmem>> -> memref<1x128xi32, #tpu.memory_space<vmem>>
          %dma_wait3A_163 = tpu.memref_squeeze %dma_wait3A_162 : memref<1x128xi32, #tpu.memory_space<vmem>> -> memref<128xi32, #tpu.memory_space<vmem>>
          %dma_wait3A_164 = arith.constant 0 : i32
          %dma_wait3A_165 = arith.constant 0 : i32
          %dma_wait3A_166 = tpu.memref_slice %arg17[%dma_wait3A_164, %dma_wait3A_165] : memref<10240x128xf32, #tpu.memory_space<vmem_shared>> -> memref<10240x128xf32, #tpu.memory_space<vmem_shared>>
          tpu.wait_indirect_dma semaphore(%run_scoped3A_154 : memref<!tpu.dma_semaphore, #tpu.memory_space<semaphore_mem>>) src(%arg15 : memref<128x128xf32, #tpu.memory_space<vmem>>) dst(%dma_wait3A_166 : memref<10240x128xf32, #tpu.memory_space<vmem_shared>>)
          tpu.yield
        }) : () -> ()
        %add3A_128 = arith.constant 2 : i32
        %add3A_129 = arith.addi %add3A_121, %add3A_128 : i32
        %dma_start3A_130 = arith.constant 0 : i32
        %dma_start3A_131 = tpu.memref_slice %arg13[%add3A_129, %dma_start3A_130] : memref<40x128xi32, #tpu.memory_space<vmem>> -> memref<1x128xi32, #tpu.memory_space<vmem>>
        %dma_start3A_132 = tpu.memref_squeeze %dma_start3A_131 : memref<1x128xi32, #tpu.memory_space<vmem>> -> memref<128xi32, #tpu.memory_space<vmem>>
        %dma_start3A_133 = arith.constant 0 : i32
        %dma_start3A_134 = arith.constant 0 : i32
        %dma_start3A_135 = tpu.memref_slice %arg4[%dma_start3A_133, %dma_start3A_134] : memref<10000x128xf32, #tpu.memory_space<hbm>> -> memref<10000x128xf32, #tpu.memory_space<hbm>>
        tpu.enqueue_indirect_dma source(%dma_start3A_135 : memref<10000x128xf32, #tpu.memory_space<hbm>>) target(%arg15 : memref<128x128xf32, #tpu.memory_space<vmem>>) offsets(%dma_start3A_132 : memref<128xi32, #tpu.memory_space<vmem>>) semaphore(%arg18 : memref<!tpu.dma_semaphore, #tpu.memory_space<semaphore_mem>>)
        %mul3A_136 = arith.constant 2 : i32
        %mul3A_137 = arith.muli %scan3A_117, %mul3A_136 : i32
        %add3A_138 = arith.constant 1 : i32
        %add3A_139 = arith.addi %mul3A_137, %add3A_138 : i32
        %dma_wait3A_140 = arith.constant 0 : i32
        %dma_wait3A_141 = tpu.memref_slice %arg13[%add3A_139, %dma_wait3A_140] : memref<40x128xi32, #tpu.memory_space<vmem>> -> memref<1x128xi32, #tpu.memory_space<vmem>>
        %dma_wait3A_142 = tpu.memref_squeeze %dma_wait3A_141 : memref<1x128xi32, #tpu.memory_space<vmem>> -> memref<128xi32, #tpu.memory_space<vmem>>
        %dma_wait3A_143 = arith.constant 0 : i32
        %dma_wait3A_144 = arith.constant 0 : i32
        %dma_wait3A_145 = tpu.memref_slice %arg4[%dma_wait3A_143, %dma_wait3A_144] : memref<10000x128xf32, #tpu.memory_space<hbm>> -> memref<10000x128xf32, #tpu.memory_space<hbm>>
        tpu.wait_indirect_dma semaphore(%arg18 : memref<!tpu.dma_semaphore, #tpu.memory_space<semaphore_mem>>) src(%dma_wait3A_145 : memref<10000x128xf32, #tpu.memory_space<hbm>>) dst(%arg16 : memref<128x128xf32, #tpu.memory_space<vmem>>)
        "tpu.region"() ({
          %run_scoped3A_154 = tpu.sem_alloc : memref<!tpu.dma_semaphore, #tpu.memory_space<semaphore_mem>>
          %dma_start3A_155 = arith.constant 0 : i32
          %dma_start3A_156 = tpu.memref_slice %arg14[%add3A_139, %dma_start3A_155] : memref<40x128xi32, #tpu.memory_space<vmem>> -> memref<1x128xi32, #tpu.memory_space<vmem>>
          %dma_start3A_157 = tpu.memref_squeeze %dma_start3A_156 : memref<1x128xi32, #tpu.memory_space<vmem>> -> memref<128xi32, #tpu.memory_space<vmem>>
          %dma_start3A_158 = arith.constant 0 : i32
          %dma_start3A_159 = arith.constant 0 : i32
          %dma_start3A_160 = tpu.memref_slice %arg17[%dma_start3A_158, %dma_start3A_159] : memref<10240x128xf32, #tpu.memory_space<vmem_shared>> -> memref<10240x128xf32, #tpu.memory_space<vmem_shared>>
          tpu.enqueue_indirect_dma source(%arg16 : memref<128x128xf32, #tpu.memory_space<vmem>>) target(%dma_start3A_160 : memref<10240x128xf32, #tpu.memory_space<vmem_shared>>) offsets(%dma_start3A_157 : memref<128xi32, #tpu.memory_space<vmem>>) semaphore(%run_scoped3A_154 : memref<!tpu.dma_semaphore, #tpu.memory_space<semaphore_mem>>) {add = true}
          %dma_wait3A_161 = arith.constant 0 : i32
          %dma_wait3A_162 = tpu.memref_slice %arg14[%add3A_139, %dma_wait3A_161] : memref<40x128xi32, #tpu.memory_space<vmem>> -> memref<1x128xi32, #tpu.memory_space<vmem>>
          %dma_wait3A_163 = tpu.memref_squeeze %dma_wait3A_162 : memref<1x128xi32, #tpu.memory_space<vmem>> -> memref<128xi32, #tpu.memory_space<vmem>>
          %dma_wait3A_164 = arith.constant 0 : i32
          %dma_wait3A_165 = arith.constant 0 : i32
          %dma_wait3A_166 = tpu.memref_slice %arg17[%dma_wait3A_164, %dma_wait3A_165] : memref<10240x128xf32, #tpu.memory_space<vmem_shared>> -> memref<10240x128xf32, #tpu.memory_space<vmem_shared>>
          tpu.wait_indirect_dma semaphore(%run_scoped3A_154 : memref<!tpu.dma_semaphore, #tpu.memory_space<semaphore_mem>>) src(%arg16 : memref<128x128xf32, #tpu.memory_space<vmem>>) dst(%dma_wait3A_166 : memref<10240x128xf32, #tpu.memory_space<vmem_shared>>)
          tpu.yield
        }) : () -> ()
        %add3A_146 = arith.constant 2 : i32
        %add3A_147 = arith.addi %add3A_139, %add3A_146 : i32
        %dma_start3A_148 = arith.constant 0 : i32
        %dma_start3A_149 = tpu.memref_slice %arg13[%add3A_147, %dma_start3A_148] : memref<40x128xi32, #tpu.memory_space<vmem>> -> memref<1x128xi32, #tpu.memory_space<vmem>>
        %dma_start3A_150 = tpu.memref_squeeze %dma_start3A_149 : memref<1x128xi32, #tpu.memory_space<vmem>> -> memref<128xi32, #tpu.memory_space<vmem>>
        %dma_start3A_151 = arith.constant 0 : i32
        %dma_start3A_152 = arith.constant 0 : i32
        %dma_start3A_153 = tpu.memref_slice %arg4[%dma_start3A_151, %dma_start3A_152] : memref<10000x128xf32, #tpu.memory_space<hbm>> -> memref<10000x128xf32, #tpu.memory_space<hbm>>
        tpu.enqueue_indirect_dma source(%dma_start3A_153 : memref<10000x128xf32, #tpu.memory_space<hbm>>) target(%arg16 : memref<128x128xf32, #tpu.memory_space<vmem>>) offsets(%dma_start3A_150 : memref<128xi32, #tpu.memory_space<vmem>>) semaphore(%arg18 : memref<!tpu.dma_semaphore, #tpu.memory_space<semaphore_mem>>)
      }
      %scan3A_100 = arith.constant 19 : i32
      %dma_wait3A_101 = arith.constant 38 : i32
      %dma_wait3A_102 = arith.constant 0 : i32
      %dma_wait3A_103 = tpu.memref_slice %arg13[%dma_wait3A_101, %dma_wait3A_102] : memref<40x128xi32, #tpu.memory_space<vmem>> -> memref<1x128xi32, #tpu.memory_space<vmem>>
      %dma_wait3A_104 = tpu.memref_squeeze %dma_wait3A_103 : memref<1x128xi32, #tpu.memory_space<vmem>> -> memref<128xi32, #tpu.memory_space<vmem>>
      %dma_wait3A_105 = arith.constant 0 : i32
      %dma_wait3A_106 = arith.constant 0 : i32
      %dma_wait3A_107 = tpu.memref_slice %arg4[%dma_wait3A_105, %dma_wait3A_106] : memref<10000x128xf32, #tpu.memory_space<hbm>> -> memref<10000x128xf32, #tpu.memory_space<hbm>>
      tpu.wait_indirect_dma semaphore(%arg18 : memref<!tpu.dma_semaphore, #tpu.memory_space<semaphore_mem>>) src(%dma_wait3A_107 : memref<10000x128xf32, #tpu.memory_space<hbm>>) dst(%arg15 : memref<128x128xf32, #tpu.memory_space<vmem>>)
      %run_scoped3A_108 = arith.constant 38 : i32
      "tpu.region"() ({
        %run_scoped3A_117 = tpu.sem_alloc : memref<!tpu.dma_semaphore, #tpu.memory_space<semaphore_mem>>
        %dma_start3A_118 = arith.constant 0 : i32
        %dma_start3A_119 = tpu.memref_slice %arg14[%run_scoped3A_108, %dma_start3A_118] : memref<40x128xi32, #tpu.memory_space<vmem>> -> memref<1x128xi32, #tpu.memory_space<vmem>>
        %dma_start3A_120 = tpu.memref_squeeze %dma_start3A_119 : memref<1x128xi32, #tpu.memory_space<vmem>> -> memref<128xi32, #tpu.memory_space<vmem>>
        %dma_start3A_121 = arith.constant 0 : i32
        %dma_start3A_122 = arith.constant 0 : i32
        %dma_start3A_123 = tpu.memref_slice %arg17[%dma_start3A_121, %dma_start3A_122] : memref<10240x128xf32, #tpu.memory_space<vmem_shared>> -> memref<10240x128xf32, #tpu.memory_space<vmem_shared>>
        tpu.enqueue_indirect_dma source(%arg15 : memref<128x128xf32, #tpu.memory_space<vmem>>) target(%dma_start3A_123 : memref<10240x128xf32, #tpu.memory_space<vmem_shared>>) offsets(%dma_start3A_120 : memref<128xi32, #tpu.memory_space<vmem>>) semaphore(%run_scoped3A_117 : memref<!tpu.dma_semaphore, #tpu.memory_space<semaphore_mem>>) {add = true}
        %dma_wait3A_124 = arith.constant 0 : i32
        %dma_wait3A_125 = tpu.memref_slice %arg14[%run_scoped3A_108, %dma_wait3A_124] : memref<40x128xi32, #tpu.memory_space<vmem>> -> memref<1x128xi32, #tpu.memory_space<vmem>>
        %dma_wait3A_126 = tpu.memref_squeeze %dma_wait3A_125 : memref<1x128xi32, #tpu.memory_space<vmem>> -> memref<128xi32, #tpu.memory_space<vmem>>
        %dma_wait3A_127 = arith.constant 0 : i32
        %dma_wait3A_128 = arith.constant 0 : i32
        %dma_wait3A_129 = tpu.memref_slice %arg17[%dma_wait3A_127, %dma_wait3A_128] : memref<10240x128xf32, #tpu.memory_space<vmem_shared>> -> memref<10240x128xf32, #tpu.memory_space<vmem_shared>>
        tpu.wait_indirect_dma semaphore(%run_scoped3A_117 : memref<!tpu.dma_semaphore, #tpu.memory_space<semaphore_mem>>) src(%arg15 : memref<128x128xf32, #tpu.memory_space<vmem>>) dst(%dma_wait3A_129 : memref<10240x128xf32, #tpu.memory_space<vmem_shared>>)
        tpu.yield
      }) : () -> ()
      %dma_wait3A_109 = arith.constant 39 : i32
      %dma_wait3A_110 = arith.constant 0 : i32
      %dma_wait3A_111 = tpu.memref_slice %arg13[%dma_wait3A_109, %dma_wait3A_110] : memref<40x128xi32, #tpu.memory_space<vmem>> -> memref<1x128xi32, #tpu.memory_space<vmem>>
      %dma_wait3A_112 = tpu.memref_squeeze %dma_wait3A_111 : memref<1x128xi32, #tpu.memory_space<vmem>> -> memref<128xi32, #tpu.memory_space<vmem>>
      %dma_wait3A_113 = arith.constant 0 : i32
      %dma_wait3A_114 = arith.constant 0 : i32
      %dma_wait3A_115 = tpu.memref_slice %arg4[%dma_wait3A_113, %dma_wait3A_114] : memref<10000x128xf32, #tpu.memory_space<hbm>> -> memref<10000x128xf32, #tpu.memory_space<hbm>>
      tpu.wait_indirect_dma semaphore(%arg18 : memref<!tpu.dma_semaphore, #tpu.memory_space<semaphore_mem>>) src(%dma_wait3A_115 : memref<10000x128xf32, #tpu.memory_space<hbm>>) dst(%arg16 : memref<128x128xf32, #tpu.memory_space<vmem>>)
      %run_scoped3A_116 = arith.constant 39 : i32
      "tpu.region"() ({
        %run_scoped3A_117 = tpu.sem_alloc : memref<!tpu.dma_semaphore, #tpu.memory_space<semaphore_mem>>
        %dma_start3A_118 = arith.constant 0 : i32
        %dma_start3A_119 = tpu.memref_slice %arg14[%run_scoped3A_116, %dma_start3A_118] : memref<40x128xi32, #tpu.memory_space<vmem>> -> memref<1x128xi32, #tpu.memory_space<vmem>>
        %dma_start3A_120 = tpu.memref_squeeze %dma_start3A_119 : memref<1x128xi32, #tpu.memory_space<vmem>> -> memref<128xi32, #tpu.memory_space<vmem>>
        %dma_start3A_121 = arith.constant 0 : i32
        %dma_start3A_122 = arith.constant 0 : i32
        %dma_start3A_123 = tpu.memref_slice %arg17[%dma_start3A_121, %dma_start3A_122] : memref<10240x128xf32, #tpu.memory_space<vmem_shared>> -> memref<10240x128xf32, #tpu.memory_space<vmem_shared>>
        tpu.enqueue_indirect_dma source(%arg16 : memref<128x128xf32, #tpu.memory_space<vmem>>) target(%dma_start3A_123 : memref<10240x128xf32, #tpu.memory_space<vmem_shared>>) offsets(%dma_start3A_120 : memref<128xi32, #tpu.memory_space<vmem>>) semaphore(%run_scoped3A_117 : memref<!tpu.dma_semaphore, #tpu.memory_space<semaphore_mem>>) {add = true}
        %dma_wait3A_124 = arith.constant 0 : i32
        %dma_wait3A_125 = tpu.memref_slice %arg14[%run_scoped3A_116, %dma_wait3A_124] : memref<40x128xi32, #tpu.memory_space<vmem>> -> memref<1x128xi32, #tpu.memory_space<vmem>>
        %dma_wait3A_126 = tpu.memref_squeeze %dma_wait3A_125 : memref<1x128xi32, #tpu.memory_space<vmem>> -> memref<128xi32, #tpu.memory_space<vmem>>
        %dma_wait3A_127 = arith.constant 0 : i32
        %dma_wait3A_128 = arith.constant 0 : i32
        %dma_wait3A_129 = tpu.memref_slice %arg17[%dma_wait3A_127, %dma_wait3A_128] : memref<10240x128xf32, #tpu.memory_space<vmem_shared>> -> memref<10240x128xf32, #tpu.memory_space<vmem_shared>>
        tpu.wait_indirect_dma semaphore(%run_scoped3A_117 : memref<!tpu.dma_semaphore, #tpu.memory_space<semaphore_mem>>) src(%arg16 : memref<128x128xf32, #tpu.memory_space<vmem>>) dst(%dma_wait3A_129 : memref<10240x128xf32, #tpu.memory_space<vmem_shared>>)
        tpu.yield
      }) : () -> ()
    } else {
    }
    %barrier3A_8 = arith.constant 0 : index
    tpu.barrier barrier_id(%barrier3A_8)
    %eq3A_9 = arith.constant 0 : i32
    %eq3A_10 = arith.cmpi eq, %arg0, %eq3A_9 : i32
    %convert_element_type3A_11 = arith.extui %eq3A_10 : i1 to i32
    %cond3A_12 = arith.constant 0 : i32
    %cond3A_13 = arith.cmpi ne, %convert_element_type3A_11, %cond3A_12 : i32
    scf.if %cond3A_13 {
      "tpu.region"() ({
        %run_scoped3A = tpu.sem_alloc : memref<!tpu.dma_semaphore, #tpu.memory_space<semaphore_mem>>
        %dma_start3A = arith.constant 0 : i32
        %dma_start3A_42 = tpu.memref_slice %arg9[%mul3A_0, %dma_start3A] : memref<10240x128xf32, #tpu.memory_space<hbm>> -> memref<640x128xf32, #tpu.memory_space<hbm>>
        %dma_start3A_43 = arith.constant 0 : i32
        %dma_start3A_44 = tpu.memref_slice %arg17[%mul3A_0, %dma_start3A_43] : memref<10240x128xf32, #tpu.memory_space<vmem_shared>> -> memref<640x128xf32, #tpu.memory_space<vmem_shared>>
        tpu.enqueue_dma source(%dma_start3A_44 : memref<640x128xf32, #tpu.memory_space<vmem_shared>>) target(%dma_start3A_42 : memref<640x128xf32, #tpu.memory_space<hbm>>) target_semaphore(%run_scoped3A : memref<!tpu.dma_semaphore, #tpu.memory_space<semaphore_mem>>)
        %dma_wait3A = arith.constant 0 : i32
        %dma_wait3A_45 = tpu.memref_slice %arg9[%mul3A_0, %dma_wait3A] : memref<10240x128xf32, #tpu.memory_space<hbm>> -> memref<640x128xf32, #tpu.memory_space<hbm>>
        %dma_wait3A_46 = arith.constant 0 : i32
        %dma_wait3A_47 = tpu.memref_slice %arg17[%mul3A_0, %dma_wait3A_46] : memref<10240x128xf32, #tpu.memory_space<vmem_shared>> -> memref<640x128xf32, #tpu.memory_space<vmem_shared>>
        tpu.wait_dma2 semaphore(%run_scoped3A : memref<!tpu.dma_semaphore, #tpu.memory_space<semaphore_mem>>) src(%dma_wait3A_47 : memref<640x128xf32, #tpu.memory_space<vmem_shared>>) dst(%dma_wait3A_45 : memref<640x128xf32, #tpu.memory_space<hbm>>)
        tpu.yield
      }) : () -> ()
    } else {
    }
    %eq3A_14 = arith.constant 1 : i32
    %eq3A_15 = arith.cmpi eq, %arg0, %eq3A_14 : i32
    %convert_element_type3A_16 = arith.extui %eq3A_15 : i1 to i32
    %cond3A_17 = arith.constant 0 : i32
    %cond3A_18 = arith.cmpi ne, %convert_element_type3A_16, %cond3A_17 : i32
    scf.if %cond3A_18 {
      "tpu.region"() ({
        %run_scoped3A = tpu.sem_alloc : memref<!tpu.dma_semaphore, #tpu.memory_space<semaphore_mem>>
        %dma_start3A = arith.constant 0 : i32
        %dma_start3A_42 = tpu.memref_slice %arg11[%mul3A_0, %dma_start3A] : memref<10240x128xf32, #tpu.memory_space<hbm>> -> memref<640x128xf32, #tpu.memory_space<hbm>>
        %dma_start3A_43 = arith.constant 0 : i32
        %dma_start3A_44 = tpu.memref_slice %arg17[%mul3A_0, %dma_start3A_43] : memref<10240x128xf32, #tpu.memory_space<vmem_shared>> -> memref<640x128xf32, #tpu.memory_space<vmem_shared>>
        tpu.enqueue_dma source(%dma_start3A_44 : memref<640x128xf32, #tpu.memory_space<vmem_shared>>) target(%dma_start3A_42 : memref<640x128xf32, #tpu.memory_space<hbm>>) target_semaphore(%run_scoped3A : memref<!tpu.dma_semaphore, #tpu.memory_space<semaphore_mem>>)
        %dma_wait3A = arith.constant 0 : i32
        %dma_wait3A_45 = tpu.memref_slice %arg11[%mul3A_0, %dma_wait3A] : memref<10240x128xf32, #tpu.memory_space<hbm>> -> memref<640x128xf32, #tpu.memory_space<hbm>>
        %dma_wait3A_46 = arith.constant 0 : i32
        %dma_wait3A_47 = tpu.memref_slice %arg17[%mul3A_0, %dma_wait3A_46] : memref<10240x128xf32, #tpu.memory_space<vmem_shared>> -> memref<640x128xf32, #tpu.memory_space<vmem_shared>>
        tpu.wait_dma2 semaphore(%run_scoped3A : memref<!tpu.dma_semaphore, #tpu.memory_space<semaphore_mem>>) src(%dma_wait3A_47 : memref<640x128xf32, #tpu.memory_space<vmem_shared>>) dst(%dma_wait3A_45 : memref<640x128xf32, #tpu.memory_space<hbm>>)
        tpu.yield
      }) : () -> ()
    } else {
    }
    %barrier3A_19 = arith.constant 0 : index
    tpu.barrier barrier_id(%barrier3A_19)
    "tpu.region"() ({
      %run_scoped3A = tpu.sem_alloc : memref<!tpu.dma_semaphore, #tpu.memory_space<semaphore_mem>>
      %dma_start3A = arith.constant 0 : i32
      %dma_start3A_42 = tpu.memref_slice %arg17[%mul3A_0, %dma_start3A] : memref<10240x128xf32, #tpu.memory_space<vmem_shared>> -> memref<640x128xf32, #tpu.memory_space<vmem_shared>>
      %dma_start3A_43 = arith.constant 0 : i32
      %dma_start3A_44 = tpu.memref_slice %arg8[%mul3A_0, %dma_start3A_43] : memref<10240x128xf32, #tpu.memory_space<hbm>> -> memref<640x128xf32, #tpu.memory_space<hbm>>
      tpu.enqueue_dma source(%dma_start3A_44 : memref<640x128xf32, #tpu.memory_space<hbm>>) target(%dma_start3A_42 : memref<640x128xf32, #tpu.memory_space<vmem_shared>>) target_semaphore(%run_scoped3A : memref<!tpu.dma_semaphore, #tpu.memory_space<semaphore_mem>>)
      %dma_wait3A = arith.constant 0 : i32
      %dma_wait3A_45 = tpu.memref_slice %arg17[%mul3A_0, %dma_wait3A] : memref<10240x128xf32, #tpu.memory_space<vmem_shared>> -> memref<640x128xf32, #tpu.memory_space<vmem_shared>>
      %dma_wait3A_46 = arith.constant 0 : i32
      %dma_wait3A_47 = tpu.memref_slice %arg8[%mul3A_0, %dma_wait3A_46] : memref<10240x128xf32, #tpu.memory_space<hbm>> -> memref<640x128xf32, #tpu.memory_space<hbm>>
      tpu.wait_dma2 semaphore(%run_scoped3A : memref<!tpu.dma_semaphore, #tpu.memory_space<semaphore_mem>>) src(%dma_wait3A_47 : memref<640x128xf32, #tpu.memory_space<hbm>>) dst(%dma_wait3A_45 : memref<640x128xf32, #tpu.memory_space<vmem_shared>>)
      tpu.yield
    }) : () -> ()
    %barrier3A_20 = arith.constant 0 : index
    tpu.barrier barrier_id(%barrier3A_20)
    %eq3A_21 = arith.constant 0 : i32
    %eq3A_22 = arith.cmpi eq, %arg0, %eq3A_21 : i32
    %convert_element_type3A_23 = arith.extui %eq3A_22 : i1 to i32
    %cond3A_24 = arith.constant 0 : i32
    %cond3A_25 = arith.cmpi ne, %convert_element_type3A_23, %cond3A_24 : i32
    scf.if %cond3A_25 {
      %mul3A_42 = arith.constant 80 : i32
      %mul3A_43 = arith.muli %arg1, %mul3A_42 : i32
      %add3A = arith.constant 0 : i32
      %add3A_44 = arith.addi %mul3A_43, %add3A : i32
      "tpu.region"() ({
        %run_scoped3A_117 = tpu.sem_alloc : memref<!tpu.dma_semaphore, #tpu.memory_space<semaphore_mem>>
        %dma_start3A_118 = arith.constant 0 : i32
        %dma_start3A_119 = tpu.memref_slice %arg6[%add3A_44, %dma_start3A_118] : memref<1280x128xi32, #tpu.memory_space<hbm>> -> memref<40x128xi32, #tpu.memory_space<hbm>>
        %dma_start3A_120 = arith.constant 0 : i32
        %dma_start3A_121 = tpu.memref_slice %arg6[%add3A_44, %dma_start3A_120] : memref<1280x128xi32, #tpu.memory_space<hbm>> -> memref<40x128xi32, #tpu.memory_space<hbm>>
        tpu.enqueue_dma source(%dma_start3A_121 : memref<40x128xi32, #tpu.memory_space<hbm>>) target(%arg13 : memref<40x128xi32, #tpu.memory_space<vmem>>) target_semaphore(%run_scoped3A_117 : memref<!tpu.dma_semaphore, #tpu.memory_space<semaphore_mem>>)
        %dma_wait3A_122 = arith.constant 0 : i32
        %dma_wait3A_123 = tpu.memref_slice %arg6[%add3A_44, %dma_wait3A_122] : memref<1280x128xi32, #tpu.memory_space<hbm>> -> memref<40x128xi32, #tpu.memory_space<hbm>>
        %dma_wait3A_124 = arith.constant 0 : i32
        %dma_wait3A_125 = tpu.memref_slice %arg6[%add3A_44, %dma_wait3A_124] : memref<1280x128xi32, #tpu.memory_space<hbm>> -> memref<40x128xi32, #tpu.memory_space<hbm>>
        tpu.wait_dma2 semaphore(%run_scoped3A_117 : memref<!tpu.dma_semaphore, #tpu.memory_space<semaphore_mem>>) src(%dma_wait3A_125 : memref<40x128xi32, #tpu.memory_space<hbm>>) dst(%arg13 : memref<40x128xi32, #tpu.memory_space<vmem>>)
        tpu.yield
      }) : () -> ()
      "tpu.region"() ({
        %run_scoped3A_117 = tpu.sem_alloc : memref<!tpu.dma_semaphore, #tpu.memory_space<semaphore_mem>>
        %dma_start3A_118 = arith.constant 0 : i32
        %dma_start3A_119 = tpu.memref_slice %arg7[%add3A_44, %dma_start3A_118] : memref<1280x128xi32, #tpu.memory_space<hbm>> -> memref<40x128xi32, #tpu.memory_space<hbm>>
        %dma_start3A_120 = arith.constant 0 : i32
        %dma_start3A_121 = tpu.memref_slice %arg7[%add3A_44, %dma_start3A_120] : memref<1280x128xi32, #tpu.memory_space<hbm>> -> memref<40x128xi32, #tpu.memory_space<hbm>>
        tpu.enqueue_dma source(%dma_start3A_121 : memref<40x128xi32, #tpu.memory_space<hbm>>) target(%arg14 : memref<40x128xi32, #tpu.memory_space<vmem>>) target_semaphore(%run_scoped3A_117 : memref<!tpu.dma_semaphore, #tpu.memory_space<semaphore_mem>>)
        %dma_wait3A_122 = arith.constant 0 : i32
        %dma_wait3A_123 = tpu.memref_slice %arg7[%add3A_44, %dma_wait3A_122] : memref<1280x128xi32, #tpu.memory_space<hbm>> -> memref<40x128xi32, #tpu.memory_space<hbm>>
        %dma_wait3A_124 = arith.constant 0 : i32
        %dma_wait3A_125 = tpu.memref_slice %arg7[%add3A_44, %dma_wait3A_124] : memref<1280x128xi32, #tpu.memory_space<hbm>> -> memref<40x128xi32, #tpu.memory_space<hbm>>
        tpu.wait_dma2 semaphore(%run_scoped3A_117 : memref<!tpu.dma_semaphore, #tpu.memory_space<semaphore_mem>>) src(%dma_wait3A_125 : memref<40x128xi32, #tpu.memory_space<hbm>>) dst(%arg14 : memref<40x128xi32, #tpu.memory_space<vmem>>)
        tpu.yield
      }) : () -> ()
      %dma_start3A = arith.constant 0 : i32
      %dma_start3A_45 = arith.constant 0 : i32
      %dma_start3A_46 = tpu.memref_slice %arg13[%dma_start3A, %dma_start3A_45] : memref<40x128xi32, #tpu.memory_space<vmem>> -> memref<1x128xi32, #tpu.memory_space<vmem>>
      %dma_start3A_47 = tpu.memref_squeeze %dma_start3A_46 : memref<1x128xi32, #tpu.memory_space<vmem>> -> memref<128xi32, #tpu.memory_space<vmem>>
      %dma_start3A_48 = arith.constant 0 : i32
      %dma_start3A_49 = arith.constant 0 : i32
      %dma_start3A_50 = tpu.memref_slice %arg3[%dma_start3A_48, %dma_start3A_49] : memref<10000x128xf32, #tpu.memory_space<hbm>> -> memref<10000x128xf32, #tpu.memory_space<hbm>>
      tpu.enqueue_indirect_dma source(%dma_start3A_50 : memref<10000x128xf32, #tpu.memory_space<hbm>>) target(%arg15 : memref<128x128xf32, #tpu.memory_space<vmem>>) offsets(%dma_start3A_47 : memref<128xi32, #tpu.memory_space<vmem>>) semaphore(%arg18 : memref<!tpu.dma_semaphore, #tpu.memory_space<semaphore_mem>>)
      %dma_start3A_51 = arith.constant 1 : i32
      %dma_start3A_52 = arith.constant 0 : i32
      %dma_start3A_53 = tpu.memref_slice %arg13[%dma_start3A_51, %dma_start3A_52] : memref<40x128xi32, #tpu.memory_space<vmem>> -> memref<1x128xi32, #tpu.memory_space<vmem>>
      %dma_start3A_54 = tpu.memref_squeeze %dma_start3A_53 : memref<1x128xi32, #tpu.memory_space<vmem>> -> memref<128xi32, #tpu.memory_space<vmem>>
      %dma_start3A_55 = arith.constant 0 : i32
      %dma_start3A_56 = arith.constant 0 : i32
      %dma_start3A_57 = tpu.memref_slice %arg3[%dma_start3A_55, %dma_start3A_56] : memref<10000x128xf32, #tpu.memory_space<hbm>> -> memref<10000x128xf32, #tpu.memory_space<hbm>>
      tpu.enqueue_indirect_dma source(%dma_start3A_57 : memref<10000x128xf32, #tpu.memory_space<hbm>>) target(%arg16 : memref<128x128xf32, #tpu.memory_space<vmem>>) offsets(%dma_start3A_54 : memref<128xi32, #tpu.memory_space<vmem>>) semaphore(%arg18 : memref<!tpu.dma_semaphore, #tpu.memory_space<semaphore_mem>>)
      %scan3A = arith.constant 0 : i32
      %scan3A_58 = arith.constant 0 : i32
      %scan3A_59 = arith.constant 19 : i32
      %scan3A_60 = arith.addi %scan3A_58, %scan3A_59 : i32
      %scan3A_61 = arith.constant 1 : i32
      scf.for %scan3A_117 = %scan3A_58 to %scan3A_60 step %scan3A_61  : i32 {
        %mul3A_118 = arith.constant 2 : i32
        %mul3A_119 = arith.muli %scan3A_117, %mul3A_118 : i32
        %add3A_120 = arith.constant 0 : i32
        %add3A_121 = arith.addi %mul3A_119, %add3A_120 : i32
        %dma_wait3A_122 = arith.constant 0 : i32
        %dma_wait3A_123 = tpu.memref_slice %arg13[%add3A_121, %dma_wait3A_122] : memref<40x128xi32, #tpu.memory_space<vmem>> -> memref<1x128xi32, #tpu.memory_space<vmem>>
        %dma_wait3A_124 = tpu.memref_squeeze %dma_wait3A_123 : memref<1x128xi32, #tpu.memory_space<vmem>> -> memref<128xi32, #tpu.memory_space<vmem>>
        %dma_wait3A_125 = arith.constant 0 : i32
        %dma_wait3A_126 = arith.constant 0 : i32
        %dma_wait3A_127 = tpu.memref_slice %arg3[%dma_wait3A_125, %dma_wait3A_126] : memref<10000x128xf32, #tpu.memory_space<hbm>> -> memref<10000x128xf32, #tpu.memory_space<hbm>>
        tpu.wait_indirect_dma semaphore(%arg18 : memref<!tpu.dma_semaphore, #tpu.memory_space<semaphore_mem>>) src(%dma_wait3A_127 : memref<10000x128xf32, #tpu.memory_space<hbm>>) dst(%arg15 : memref<128x128xf32, #tpu.memory_space<vmem>>)
        "tpu.region"() ({
          %run_scoped3A_154 = tpu.sem_alloc : memref<!tpu.dma_semaphore, #tpu.memory_space<semaphore_mem>>
          %dma_start3A_155 = arith.constant 0 : i32
          %dma_start3A_156 = tpu.memref_slice %arg14[%add3A_121, %dma_start3A_155] : memref<40x128xi32, #tpu.memory_space<vmem>> -> memref<1x128xi32, #tpu.memory_space<vmem>>
          %dma_start3A_157 = tpu.memref_squeeze %dma_start3A_156 : memref<1x128xi32, #tpu.memory_space<vmem>> -> memref<128xi32, #tpu.memory_space<vmem>>
          %dma_start3A_158 = arith.constant 0 : i32
          %dma_start3A_159 = arith.constant 0 : i32
          %dma_start3A_160 = tpu.memref_slice %arg17[%dma_start3A_158, %dma_start3A_159] : memref<10240x128xf32, #tpu.memory_space<vmem_shared>> -> memref<10240x128xf32, #tpu.memory_space<vmem_shared>>
          tpu.enqueue_indirect_dma source(%arg15 : memref<128x128xf32, #tpu.memory_space<vmem>>) target(%dma_start3A_160 : memref<10240x128xf32, #tpu.memory_space<vmem_shared>>) offsets(%dma_start3A_157 : memref<128xi32, #tpu.memory_space<vmem>>) semaphore(%run_scoped3A_154 : memref<!tpu.dma_semaphore, #tpu.memory_space<semaphore_mem>>) {add = true}
          %dma_wait3A_161 = arith.constant 0 : i32
          %dma_wait3A_162 = tpu.memref_slice %arg14[%add3A_121, %dma_wait3A_161] : memref<40x128xi32, #tpu.memory_space<vmem>> -> memref<1x128xi32, #tpu.memory_space<vmem>>
          %dma_wait3A_163 = tpu.memref_squeeze %dma_wait3A_162 : memref<1x128xi32, #tpu.memory_space<vmem>> -> memref<128xi32, #tpu.memory_space<vmem>>
          %dma_wait3A_164 = arith.constant 0 : i32
          %dma_wait3A_165 = arith.constant 0 : i32
          %dma_wait3A_166 = tpu.memref_slice %arg17[%dma_wait3A_164, %dma_wait3A_165] : memref<10240x128xf32, #tpu.memory_space<vmem_shared>> -> memref<10240x128xf32, #tpu.memory_space<vmem_shared>>
          tpu.wait_indirect_dma semaphore(%run_scoped3A_154 : memref<!tpu.dma_semaphore, #tpu.memory_space<semaphore_mem>>) src(%arg15 : memref<128x128xf32, #tpu.memory_space<vmem>>) dst(%dma_wait3A_166 : memref<10240x128xf32, #tpu.memory_space<vmem_shared>>)
          tpu.yield
        }) : () -> ()
        %add3A_128 = arith.constant 2 : i32
        %add3A_129 = arith.addi %add3A_121, %add3A_128 : i32
        %dma_start3A_130 = arith.constant 0 : i32
        %dma_start3A_131 = tpu.memref_slice %arg13[%add3A_129, %dma_start3A_130] : memref<40x128xi32, #tpu.memory_space<vmem>> -> memref<1x128xi32, #tpu.memory_space<vmem>>
        %dma_start3A_132 = tpu.memref_squeeze %dma_start3A_131 : memref<1x128xi32, #tpu.memory_space<vmem>> -> memref<128xi32, #tpu.memory_space<vmem>>
        %dma_start3A_133 = arith.constant 0 : i32
        %dma_start3A_134 = arith.constant 0 : i32
        %dma_start3A_135 = tpu.memref_slice %arg3[%dma_start3A_133, %dma_start3A_134] : memref<10000x128xf32, #tpu.memory_space<hbm>> -> memref<10000x128xf32, #tpu.memory_space<hbm>>
        tpu.enqueue_indirect_dma source(%dma_start3A_135 : memref<10000x128xf32, #tpu.memory_space<hbm>>) target(%arg15 : memref<128x128xf32, #tpu.memory_space<vmem>>) offsets(%dma_start3A_132 : memref<128xi32, #tpu.memory_space<vmem>>) semaphore(%arg18 : memref<!tpu.dma_semaphore, #tpu.memory_space<semaphore_mem>>)
        %mul3A_136 = arith.constant 2 : i32
        %mul3A_137 = arith.muli %scan3A_117, %mul3A_136 : i32
        %add3A_138 = arith.constant 1 : i32
        %add3A_139 = arith.addi %mul3A_137, %add3A_138 : i32
        %dma_wait3A_140 = arith.constant 0 : i32
        %dma_wait3A_141 = tpu.memref_slice %arg13[%add3A_139, %dma_wait3A_140] : memref<40x128xi32, #tpu.memory_space<vmem>> -> memref<1x128xi32, #tpu.memory_space<vmem>>
        %dma_wait3A_142 = tpu.memref_squeeze %dma_wait3A_141 : memref<1x128xi32, #tpu.memory_space<vmem>> -> memref<128xi32, #tpu.memory_space<vmem>>
        %dma_wait3A_143 = arith.constant 0 : i32
        %dma_wait3A_144 = arith.constant 0 : i32
        %dma_wait3A_145 = tpu.memref_slice %arg3[%dma_wait3A_143, %dma_wait3A_144] : memref<10000x128xf32, #tpu.memory_space<hbm>> -> memref<10000x128xf32, #tpu.memory_space<hbm>>
        tpu.wait_indirect_dma semaphore(%arg18 : memref<!tpu.dma_semaphore, #tpu.memory_space<semaphore_mem>>) src(%dma_wait3A_145 : memref<10000x128xf32, #tpu.memory_space<hbm>>) dst(%arg16 : memref<128x128xf32, #tpu.memory_space<vmem>>)
        "tpu.region"() ({
          %run_scoped3A_154 = tpu.sem_alloc : memref<!tpu.dma_semaphore, #tpu.memory_space<semaphore_mem>>
          %dma_start3A_155 = arith.constant 0 : i32
          %dma_start3A_156 = tpu.memref_slice %arg14[%add3A_139, %dma_start3A_155] : memref<40x128xi32, #tpu.memory_space<vmem>> -> memref<1x128xi32, #tpu.memory_space<vmem>>
          %dma_start3A_157 = tpu.memref_squeeze %dma_start3A_156 : memref<1x128xi32, #tpu.memory_space<vmem>> -> memref<128xi32, #tpu.memory_space<vmem>>
          %dma_start3A_158 = arith.constant 0 : i32
          %dma_start3A_159 = arith.constant 0 : i32
          %dma_start3A_160 = tpu.memref_slice %arg17[%dma_start3A_158, %dma_start3A_159] : memref<10240x128xf32, #tpu.memory_space<vmem_shared>> -> memref<10240x128xf32, #tpu.memory_space<vmem_shared>>
          tpu.enqueue_indirect_dma source(%arg16 : memref<128x128xf32, #tpu.memory_space<vmem>>) target(%dma_start3A_160 : memref<10240x128xf32, #tpu.memory_space<vmem_shared>>) offsets(%dma_start3A_157 : memref<128xi32, #tpu.memory_space<vmem>>) semaphore(%run_scoped3A_154 : memref<!tpu.dma_semaphore, #tpu.memory_space<semaphore_mem>>) {add = true}
          %dma_wait3A_161 = arith.constant 0 : i32
          %dma_wait3A_162 = tpu.memref_slice %arg14[%add3A_139, %dma_wait3A_161] : memref<40x128xi32, #tpu.memory_space<vmem>> -> memref<1x128xi32, #tpu.memory_space<vmem>>
          %dma_wait3A_163 = tpu.memref_squeeze %dma_wait3A_162 : memref<1x128xi32, #tpu.memory_space<vmem>> -> memref<128xi32, #tpu.memory_space<vmem>>
          %dma_wait3A_164 = arith.constant 0 : i32
          %dma_wait3A_165 = arith.constant 0 : i32
          %dma_wait3A_166 = tpu.memref_slice %arg17[%dma_wait3A_164, %dma_wait3A_165] : memref<10240x128xf32, #tpu.memory_space<vmem_shared>> -> memref<10240x128xf32, #tpu.memory_space<vmem_shared>>
          tpu.wait_indirect_dma semaphore(%run_scoped3A_154 : memref<!tpu.dma_semaphore, #tpu.memory_space<semaphore_mem>>) src(%arg16 : memref<128x128xf32, #tpu.memory_space<vmem>>) dst(%dma_wait3A_166 : memref<10240x128xf32, #tpu.memory_space<vmem_shared>>)
          tpu.yield
        }) : () -> ()
        %add3A_146 = arith.constant 2 : i32
        %add3A_147 = arith.addi %add3A_139, %add3A_146 : i32
        %dma_start3A_148 = arith.constant 0 : i32
        %dma_start3A_149 = tpu.memref_slice %arg13[%add3A_147, %dma_start3A_148] : memref<40x128xi32, #tpu.memory_space<vmem>> -> memref<1x128xi32, #tpu.memory_space<vmem>>
        %dma_start3A_150 = tpu.memref_squeeze %dma_start3A_149 : memref<1x128xi32, #tpu.memory_space<vmem>> -> memref<128xi32, #tpu.memory_space<vmem>>
        %dma_start3A_151 = arith.constant 0 : i32
        %dma_start3A_152 = arith.constant 0 : i32
        %dma_start3A_153 = tpu.memref_slice %arg3[%dma_start3A_151, %dma_start3A_152] : memref<10000x128xf32, #tpu.memory_space<hbm>> -> memref<10000x128xf32, #tpu.memory_space<hbm>>
        tpu.enqueue_indirect_dma source(%dma_start3A_153 : memref<10000x128xf32, #tpu.memory_space<hbm>>) target(%arg16 : memref<128x128xf32, #tpu.memory_space<vmem>>) offsets(%dma_start3A_150 : memref<128xi32, #tpu.memory_space<vmem>>) semaphore(%arg18 : memref<!tpu.dma_semaphore, #tpu.memory_space<semaphore_mem>>)
      }
      %scan3A_62 = arith.constant 19 : i32
      %dma_wait3A = arith.constant 38 : i32
      %dma_wait3A_63 = arith.constant 0 : i32
      %dma_wait3A_64 = tpu.memref_slice %arg13[%dma_wait3A, %dma_wait3A_63] : memref<40x128xi32, #tpu.memory_space<vmem>> -> memref<1x128xi32, #tpu.memory_space<vmem>>
      %dma_wait3A_65 = tpu.memref_squeeze %dma_wait3A_64 : memref<1x128xi32, #tpu.memory_space<vmem>> -> memref<128xi32, #tpu.memory_space<vmem>>
      %dma_wait3A_66 = arith.constant 0 : i32
      %dma_wait3A_67 = arith.constant 0 : i32
      %dma_wait3A_68 = tpu.memref_slice %arg3[%dma_wait3A_66, %dma_wait3A_67] : memref<10000x128xf32, #tpu.memory_space<hbm>> -> memref<10000x128xf32, #tpu.memory_space<hbm>>
      tpu.wait_indirect_dma semaphore(%arg18 : memref<!tpu.dma_semaphore, #tpu.memory_space<semaphore_mem>>) src(%dma_wait3A_68 : memref<10000x128xf32, #tpu.memory_space<hbm>>) dst(%arg15 : memref<128x128xf32, #tpu.memory_space<vmem>>)
      %run_scoped3A = arith.constant 38 : i32
      "tpu.region"() ({
        %run_scoped3A_117 = tpu.sem_alloc : memref<!tpu.dma_semaphore, #tpu.memory_space<semaphore_mem>>
        %dma_start3A_118 = arith.constant 0 : i32
        %dma_start3A_119 = tpu.memref_slice %arg14[%run_scoped3A, %dma_start3A_118] : memref<40x128xi32, #tpu.memory_space<vmem>> -> memref<1x128xi32, #tpu.memory_space<vmem>>
        %dma_start3A_120 = tpu.memref_squeeze %dma_start3A_119 : memref<1x128xi32, #tpu.memory_space<vmem>> -> memref<128xi32, #tpu.memory_space<vmem>>
        %dma_start3A_121 = arith.constant 0 : i32
        %dma_start3A_122 = arith.constant 0 : i32
        %dma_start3A_123 = tpu.memref_slice %arg17[%dma_start3A_121, %dma_start3A_122] : memref<10240x128xf32, #tpu.memory_space<vmem_shared>> -> memref<10240x128xf32, #tpu.memory_space<vmem_shared>>
        tpu.enqueue_indirect_dma source(%arg15 : memref<128x128xf32, #tpu.memory_space<vmem>>) target(%dma_start3A_123 : memref<10240x128xf32, #tpu.memory_space<vmem_shared>>) offsets(%dma_start3A_120 : memref<128xi32, #tpu.memory_space<vmem>>) semaphore(%run_scoped3A_117 : memref<!tpu.dma_semaphore, #tpu.memory_space<semaphore_mem>>) {add = true}
        %dma_wait3A_124 = arith.constant 0 : i32
        %dma_wait3A_125 = tpu.memref_slice %arg14[%run_scoped3A, %dma_wait3A_124] : memref<40x128xi32, #tpu.memory_space<vmem>> -> memref<1x128xi32, #tpu.memory_space<vmem>>
        %dma_wait3A_126 = tpu.memref_squeeze %dma_wait3A_125 : memref<1x128xi32, #tpu.memory_space<vmem>> -> memref<128xi32, #tpu.memory_space<vmem>>
        %dma_wait3A_127 = arith.constant 0 : i32
        %dma_wait3A_128 = arith.constant 0 : i32
        %dma_wait3A_129 = tpu.memref_slice %arg17[%dma_wait3A_127, %dma_wait3A_128] : memref<10240x128xf32, #tpu.memory_space<vmem_shared>> -> memref<10240x128xf32, #tpu.memory_space<vmem_shared>>
        tpu.wait_indirect_dma semaphore(%run_scoped3A_117 : memref<!tpu.dma_semaphore, #tpu.memory_space<semaphore_mem>>) src(%arg15 : memref<128x128xf32, #tpu.memory_space<vmem>>) dst(%dma_wait3A_129 : memref<10240x128xf32, #tpu.memory_space<vmem_shared>>)
        tpu.yield
      }) : () -> ()
      %dma_wait3A_69 = arith.constant 39 : i32
      %dma_wait3A_70 = arith.constant 0 : i32
      %dma_wait3A_71 = tpu.memref_slice %arg13[%dma_wait3A_69, %dma_wait3A_70] : memref<40x128xi32, #tpu.memory_space<vmem>> -> memref<1x128xi32, #tpu.memory_space<vmem>>
      %dma_wait3A_72 = tpu.memref_squeeze %dma_wait3A_71 : memref<1x128xi32, #tpu.memory_space<vmem>> -> memref<128xi32, #tpu.memory_space<vmem>>
      %dma_wait3A_73 = arith.constant 0 : i32
      %dma_wait3A_74 = arith.constant 0 : i32
      %dma_wait3A_75 = tpu.memref_slice %arg3[%dma_wait3A_73, %dma_wait3A_74] : memref<10000x128xf32, #tpu.memory_space<hbm>> -> memref<10000x128xf32, #tpu.memory_space<hbm>>
      tpu.wait_indirect_dma semaphore(%arg18 : memref<!tpu.dma_semaphore, #tpu.memory_space<semaphore_mem>>) src(%dma_wait3A_75 : memref<10000x128xf32, #tpu.memory_space<hbm>>) dst(%arg16 : memref<128x128xf32, #tpu.memory_space<vmem>>)
      %run_scoped3A_76 = arith.constant 39 : i32
      "tpu.region"() ({
        %run_scoped3A_117 = tpu.sem_alloc : memref<!tpu.dma_semaphore, #tpu.memory_space<semaphore_mem>>
        %dma_start3A_118 = arith.constant 0 : i32
        %dma_start3A_119 = tpu.memref_slice %arg14[%run_scoped3A_76, %dma_start3A_118] : memref<40x128xi32, #tpu.memory_space<vmem>> -> memref<1x128xi32, #tpu.memory_space<vmem>>
        %dma_start3A_120 = tpu.memref_squeeze %dma_start3A_119 : memref<1x128xi32, #tpu.memory_space<vmem>> -> memref<128xi32, #tpu.memory_space<vmem>>
        %dma_start3A_121 = arith.constant 0 : i32
        %dma_start3A_122 = arith.constant 0 : i32
        %dma_start3A_123 = tpu.memref_slice %arg17[%dma_start3A_121, %dma_start3A_122] : memref<10240x128xf32, #tpu.memory_space<vmem_shared>> -> memref<10240x128xf32, #tpu.memory_space<vmem_shared>>
        tpu.enqueue_indirect_dma source(%arg16 : memref<128x128xf32, #tpu.memory_space<vmem>>) target(%dma_start3A_123 : memref<10240x128xf32, #tpu.memory_space<vmem_shared>>) offsets(%dma_start3A_120 : memref<128xi32, #tpu.memory_space<vmem>>) semaphore(%run_scoped3A_117 : memref<!tpu.dma_semaphore, #tpu.memory_space<semaphore_mem>>) {add = true}
        %dma_wait3A_124 = arith.constant 0 : i32
        %dma_wait3A_125 = tpu.memref_slice %arg14[%run_scoped3A_76, %dma_wait3A_124] : memref<40x128xi32, #tpu.memory_space<vmem>> -> memref<1x128xi32, #tpu.memory_space<vmem>>
        %dma_wait3A_126 = tpu.memref_squeeze %dma_wait3A_125 : memref<1x128xi32, #tpu.memory_space<vmem>> -> memref<128xi32, #tpu.memory_space<vmem>>
        %dma_wait3A_127 = arith.constant 0 : i32
        %dma_wait3A_128 = arith.constant 0 : i32
        %dma_wait3A_129 = tpu.memref_slice %arg17[%dma_wait3A_127, %dma_wait3A_128] : memref<10240x128xf32, #tpu.memory_space<vmem_shared>> -> memref<10240x128xf32, #tpu.memory_space<vmem_shared>>
        tpu.wait_indirect_dma semaphore(%run_scoped3A_117 : memref<!tpu.dma_semaphore, #tpu.memory_space<semaphore_mem>>) src(%arg16 : memref<128x128xf32, #tpu.memory_space<vmem>>) dst(%dma_wait3A_129 : memref<10240x128xf32, #tpu.memory_space<vmem_shared>>)
        tpu.yield
      }) : () -> ()
      %mul3A_77 = arith.constant 80 : i32
      %mul3A_78 = arith.muli %arg1, %mul3A_77 : i32
      %add3A_79 = arith.constant 40 : i32
      %add3A_80 = arith.addi %mul3A_78, %add3A_79 : i32
      "tpu.region"() ({
        %run_scoped3A_117 = tpu.sem_alloc : memref<!tpu.dma_semaphore, #tpu.memory_space<semaphore_mem>>
        %dma_start3A_118 = arith.constant 0 : i32
        %dma_start3A_119 = tpu.memref_slice %arg6[%add3A_80, %dma_start3A_118] : memref<1280x128xi32, #tpu.memory_space<hbm>> -> memref<40x128xi32, #tpu.memory_space<hbm>>
        %dma_start3A_120 = arith.constant 0 : i32
        %dma_start3A_121 = tpu.memref_slice %arg6[%add3A_80, %dma_start3A_120] : memref<1280x128xi32, #tpu.memory_space<hbm>> -> memref<40x128xi32, #tpu.memory_space<hbm>>
        tpu.enqueue_dma source(%dma_start3A_121 : memref<40x128xi32, #tpu.memory_space<hbm>>) target(%arg13 : memref<40x128xi32, #tpu.memory_space<vmem>>) target_semaphore(%run_scoped3A_117 : memref<!tpu.dma_semaphore, #tpu.memory_space<semaphore_mem>>)
        %dma_wait3A_122 = arith.constant 0 : i32
        %dma_wait3A_123 = tpu.memref_slice %arg6[%add3A_80, %dma_wait3A_122] : memref<1280x128xi32, #tpu.memory_space<hbm>> -> memref<40x128xi32, #tpu.memory_space<hbm>>
        %dma_wait3A_124 = arith.constant 0 : i32
        %dma_wait3A_125 = tpu.memref_slice %arg6[%add3A_80, %dma_wait3A_124] : memref<1280x128xi32, #tpu.memory_space<hbm>> -> memref<40x128xi32, #tpu.memory_space<hbm>>
        tpu.wait_dma2 semaphore(%run_scoped3A_117 : memref<!tpu.dma_semaphore, #tpu.memory_space<semaphore_mem>>) src(%dma_wait3A_125 : memref<40x128xi32, #tpu.memory_space<hbm>>) dst(%arg13 : memref<40x128xi32, #tpu.memory_space<vmem>>)
        tpu.yield
      }) : () -> ()
      "tpu.region"() ({
        %run_scoped3A_117 = tpu.sem_alloc : memref<!tpu.dma_semaphore, #tpu.memory_space<semaphore_mem>>
        %dma_start3A_118 = arith.constant 0 : i32
        %dma_start3A_119 = tpu.memref_slice %arg7[%add3A_80, %dma_start3A_118] : memref<1280x128xi32, #tpu.memory_space<hbm>> -> memref<40x128xi32, #tpu.memory_space<hbm>>
        %dma_start3A_120 = arith.constant 0 : i32
        %dma_start3A_121 = tpu.memref_slice %arg7[%add3A_80, %dma_start3A_120] : memref<1280x128xi32, #tpu.memory_space<hbm>> -> memref<40x128xi32, #tpu.memory_space<hbm>>
        tpu.enqueue_dma source(%dma_start3A_121 : memref<40x128xi32, #tpu.memory_space<hbm>>) target(%arg14 : memref<40x128xi32, #tpu.memory_space<vmem>>) target_semaphore(%run_scoped3A_117 : memref<!tpu.dma_semaphore, #tpu.memory_space<semaphore_mem>>)
        %dma_wait3A_122 = arith.constant 0 : i32
        %dma_wait3A_123 = tpu.memref_slice %arg7[%add3A_80, %dma_wait3A_122] : memref<1280x128xi32, #tpu.memory_space<hbm>> -> memref<40x128xi32, #tpu.memory_space<hbm>>
        %dma_wait3A_124 = arith.constant 0 : i32
        %dma_wait3A_125 = tpu.memref_slice %arg7[%add3A_80, %dma_wait3A_124] : memref<1280x128xi32, #tpu.memory_space<hbm>> -> memref<40x128xi32, #tpu.memory_space<hbm>>
        tpu.wait_dma2 semaphore(%run_scoped3A_117 : memref<!tpu.dma_semaphore, #tpu.memory_space<semaphore_mem>>) src(%dma_wait3A_125 : memref<40x128xi32, #tpu.memory_space<hbm>>) dst(%arg14 : memref<40x128xi32, #tpu.memory_space<vmem>>)
        tpu.yield
      }) : () -> ()
      %dma_start3A_81 = arith.constant 0 : i32
      %dma_start3A_82 = arith.constant 0 : i32
      %dma_start3A_83 = tpu.memref_slice %arg13[%dma_start3A_81, %dma_start3A_82] : memref<40x128xi32, #tpu.memory_space<vmem>> -> memref<1x128xi32, #tpu.memory_space<vmem>>
      %dma_start3A_84 = tpu.memref_squeeze %dma_start3A_83 : memref<1x128xi32, #tpu.memory_space<vmem>> -> memref<128xi32, #tpu.memory_space<vmem>>
      %dma_start3A_85 = arith.constant 0 : i32
      %dma_start3A_86 = arith.constant 0 : i32
      %dma_start3A_87 = tpu.memref_slice %arg3[%dma_start3A_85, %dma_start3A_86] : memref<10000x128xf32, #tpu.memory_space<hbm>> -> memref<10000x128xf32, #tpu.memory_space<hbm>>
      tpu.enqueue_indirect_dma source(%dma_start3A_87 : memref<10000x128xf32, #tpu.memory_space<hbm>>) target(%arg15 : memref<128x128xf32, #tpu.memory_space<vmem>>) offsets(%dma_start3A_84 : memref<128xi32, #tpu.memory_space<vmem>>) semaphore(%arg18 : memref<!tpu.dma_semaphore, #tpu.memory_space<semaphore_mem>>)
      %dma_start3A_88 = arith.constant 1 : i32
      %dma_start3A_89 = arith.constant 0 : i32
      %dma_start3A_90 = tpu.memref_slice %arg13[%dma_start3A_88, %dma_start3A_89] : memref<40x128xi32, #tpu.memory_space<vmem>> -> memref<1x128xi32, #tpu.memory_space<vmem>>
      %dma_start3A_91 = tpu.memref_squeeze %dma_start3A_90 : memref<1x128xi32, #tpu.memory_space<vmem>> -> memref<128xi32, #tpu.memory_space<vmem>>
      %dma_start3A_92 = arith.constant 0 : i32
      %dma_start3A_93 = arith.constant 0 : i32
      %dma_start3A_94 = tpu.memref_slice %arg3[%dma_start3A_92, %dma_start3A_93] : memref<10000x128xf32, #tpu.memory_space<hbm>> -> memref<10000x128xf32, #tpu.memory_space<hbm>>
      tpu.enqueue_indirect_dma source(%dma_start3A_94 : memref<10000x128xf32, #tpu.memory_space<hbm>>) target(%arg16 : memref<128x128xf32, #tpu.memory_space<vmem>>) offsets(%dma_start3A_91 : memref<128xi32, #tpu.memory_space<vmem>>) semaphore(%arg18 : memref<!tpu.dma_semaphore, #tpu.memory_space<semaphore_mem>>)
      %scan3A_95 = arith.constant 0 : i32
      %scan3A_96 = arith.constant 0 : i32
      %scan3A_97 = arith.constant 19 : i32
      %scan3A_98 = arith.addi %scan3A_96, %scan3A_97 : i32
      %scan3A_99 = arith.constant 1 : i32
      scf.for %scan3A_117 = %scan3A_96 to %scan3A_98 step %scan3A_99  : i32 {
        %mul3A_118 = arith.constant 2 : i32
        %mul3A_119 = arith.muli %scan3A_117, %mul3A_118 : i32
        %add3A_120 = arith.constant 0 : i32
        %add3A_121 = arith.addi %mul3A_119, %add3A_120 : i32
        %dma_wait3A_122 = arith.constant 0 : i32
        %dma_wait3A_123 = tpu.memref_slice %arg13[%add3A_121, %dma_wait3A_122] : memref<40x128xi32, #tpu.memory_space<vmem>> -> memref<1x128xi32, #tpu.memory_space<vmem>>
        %dma_wait3A_124 = tpu.memref_squeeze %dma_wait3A_123 : memref<1x128xi32, #tpu.memory_space<vmem>> -> memref<128xi32, #tpu.memory_space<vmem>>
        %dma_wait3A_125 = arith.constant 0 : i32
        %dma_wait3A_126 = arith.constant 0 : i32
        %dma_wait3A_127 = tpu.memref_slice %arg3[%dma_wait3A_125, %dma_wait3A_126] : memref<10000x128xf32, #tpu.memory_space<hbm>> -> memref<10000x128xf32, #tpu.memory_space<hbm>>
        tpu.wait_indirect_dma semaphore(%arg18 : memref<!tpu.dma_semaphore, #tpu.memory_space<semaphore_mem>>) src(%dma_wait3A_127 : memref<10000x128xf32, #tpu.memory_space<hbm>>) dst(%arg15 : memref<128x128xf32, #tpu.memory_space<vmem>>)
        "tpu.region"() ({
          %run_scoped3A_154 = tpu.sem_alloc : memref<!tpu.dma_semaphore, #tpu.memory_space<semaphore_mem>>
          %dma_start3A_155 = arith.constant 0 : i32
          %dma_start3A_156 = tpu.memref_slice %arg14[%add3A_121, %dma_start3A_155] : memref<40x128xi32, #tpu.memory_space<vmem>> -> memref<1x128xi32, #tpu.memory_space<vmem>>
          %dma_start3A_157 = tpu.memref_squeeze %dma_start3A_156 : memref<1x128xi32, #tpu.memory_space<vmem>> -> memref<128xi32, #tpu.memory_space<vmem>>
          %dma_start3A_158 = arith.constant 0 : i32
          %dma_start3A_159 = arith.constant 0 : i32
          %dma_start3A_160 = tpu.memref_slice %arg17[%dma_start3A_158, %dma_start3A_159] : memref<10240x128xf32, #tpu.memory_space<vmem_shared>> -> memref<10240x128xf32, #tpu.memory_space<vmem_shared>>
          tpu.enqueue_indirect_dma source(%arg15 : memref<128x128xf32, #tpu.memory_space<vmem>>) target(%dma_start3A_160 : memref<10240x128xf32, #tpu.memory_space<vmem_shared>>) offsets(%dma_start3A_157 : memref<128xi32, #tpu.memory_space<vmem>>) semaphore(%run_scoped3A_154 : memref<!tpu.dma_semaphore, #tpu.memory_space<semaphore_mem>>) {add = true}
          %dma_wait3A_161 = arith.constant 0 : i32
          %dma_wait3A_162 = tpu.memref_slice %arg14[%add3A_121, %dma_wait3A_161] : memref<40x128xi32, #tpu.memory_space<vmem>> -> memref<1x128xi32, #tpu.memory_space<vmem>>
          %dma_wait3A_163 = tpu.memref_squeeze %dma_wait3A_162 : memref<1x128xi32, #tpu.memory_space<vmem>> -> memref<128xi32, #tpu.memory_space<vmem>>
          %dma_wait3A_164 = arith.constant 0 : i32
          %dma_wait3A_165 = arith.constant 0 : i32
          %dma_wait3A_166 = tpu.memref_slice %arg17[%dma_wait3A_164, %dma_wait3A_165] : memref<10240x128xf32, #tpu.memory_space<vmem_shared>> -> memref<10240x128xf32, #tpu.memory_space<vmem_shared>>
          tpu.wait_indirect_dma semaphore(%run_scoped3A_154 : memref<!tpu.dma_semaphore, #tpu.memory_space<semaphore_mem>>) src(%arg15 : memref<128x128xf32, #tpu.memory_space<vmem>>) dst(%dma_wait3A_166 : memref<10240x128xf32, #tpu.memory_space<vmem_shared>>)
          tpu.yield
        }) : () -> ()
        %add3A_128 = arith.constant 2 : i32
        %add3A_129 = arith.addi %add3A_121, %add3A_128 : i32
        %dma_start3A_130 = arith.constant 0 : i32
        %dma_start3A_131 = tpu.memref_slice %arg13[%add3A_129, %dma_start3A_130] : memref<40x128xi32, #tpu.memory_space<vmem>> -> memref<1x128xi32, #tpu.memory_space<vmem>>
        %dma_start3A_132 = tpu.memref_squeeze %dma_start3A_131 : memref<1x128xi32, #tpu.memory_space<vmem>> -> memref<128xi32, #tpu.memory_space<vmem>>
        %dma_start3A_133 = arith.constant 0 : i32
        %dma_start3A_134 = arith.constant 0 : i32
        %dma_start3A_135 = tpu.memref_slice %arg3[%dma_start3A_133, %dma_start3A_134] : memref<10000x128xf32, #tpu.memory_space<hbm>> -> memref<10000x128xf32, #tpu.memory_space<hbm>>
        tpu.enqueue_indirect_dma source(%dma_start3A_135 : memref<10000x128xf32, #tpu.memory_space<hbm>>) target(%arg15 : memref<128x128xf32, #tpu.memory_space<vmem>>) offsets(%dma_start3A_132 : memref<128xi32, #tpu.memory_space<vmem>>) semaphore(%arg18 : memref<!tpu.dma_semaphore, #tpu.memory_space<semaphore_mem>>)
        %mul3A_136 = arith.constant 2 : i32
        %mul3A_137 = arith.muli %scan3A_117, %mul3A_136 : i32
        %add3A_138 = arith.constant 1 : i32
        %add3A_139 = arith.addi %mul3A_137, %add3A_138 : i32
        %dma_wait3A_140 = arith.constant 0 : i32
        %dma_wait3A_141 = tpu.memref_slice %arg13[%add3A_139, %dma_wait3A_140] : memref<40x128xi32, #tpu.memory_space<vmem>> -> memref<1x128xi32, #tpu.memory_space<vmem>>
        %dma_wait3A_142 = tpu.memref_squeeze %dma_wait3A_141 : memref<1x128xi32, #tpu.memory_space<vmem>> -> memref<128xi32, #tpu.memory_space<vmem>>
        %dma_wait3A_143 = arith.constant 0 : i32
        %dma_wait3A_144 = arith.constant 0 : i32
        %dma_wait3A_145 = tpu.memref_slice %arg3[%dma_wait3A_143, %dma_wait3A_144] : memref<10000x128xf32, #tpu.memory_space<hbm>> -> memref<10000x128xf32, #tpu.memory_space<hbm>>
        tpu.wait_indirect_dma semaphore(%arg18 : memref<!tpu.dma_semaphore, #tpu.memory_space<semaphore_mem>>) src(%dma_wait3A_145 : memref<10000x128xf32, #tpu.memory_space<hbm>>) dst(%arg16 : memref<128x128xf32, #tpu.memory_space<vmem>>)
        "tpu.region"() ({
          %run_scoped3A_154 = tpu.sem_alloc : memref<!tpu.dma_semaphore, #tpu.memory_space<semaphore_mem>>
          %dma_start3A_155 = arith.constant 0 : i32
          %dma_start3A_156 = tpu.memref_slice %arg14[%add3A_139, %dma_start3A_155] : memref<40x128xi32, #tpu.memory_space<vmem>> -> memref<1x128xi32, #tpu.memory_space<vmem>>
          %dma_start3A_157 = tpu.memref_squeeze %dma_start3A_156 : memref<1x128xi32, #tpu.memory_space<vmem>> -> memref<128xi32, #tpu.memory_space<vmem>>
          %dma_start3A_158 = arith.constant 0 : i32
          %dma_start3A_159 = arith.constant 0 : i32
          %dma_start3A_160 = tpu.memref_slice %arg17[%dma_start3A_158, %dma_start3A_159] : memref<10240x128xf32, #tpu.memory_space<vmem_shared>> -> memref<10240x128xf32, #tpu.memory_space<vmem_shared>>
          tpu.enqueue_indirect_dma source(%arg16 : memref<128x128xf32, #tpu.memory_space<vmem>>) target(%dma_start3A_160 : memref<10240x128xf32, #tpu.memory_space<vmem_shared>>) offsets(%dma_start3A_157 : memref<128xi32, #tpu.memory_space<vmem>>) semaphore(%run_scoped3A_154 : memref<!tpu.dma_semaphore, #tpu.memory_space<semaphore_mem>>) {add = true}
          %dma_wait3A_161 = arith.constant 0 : i32
          %dma_wait3A_162 = tpu.memref_slice %arg14[%add3A_139, %dma_wait3A_161] : memref<40x128xi32, #tpu.memory_space<vmem>> -> memref<1x128xi32, #tpu.memory_space<vmem>>
          %dma_wait3A_163 = tpu.memref_squeeze %dma_wait3A_162 : memref<1x128xi32, #tpu.memory_space<vmem>> -> memref<128xi32, #tpu.memory_space<vmem>>
          %dma_wait3A_164 = arith.constant 0 : i32
          %dma_wait3A_165 = arith.constant 0 : i32
          %dma_wait3A_166 = tpu.memref_slice %arg17[%dma_wait3A_164, %dma_wait3A_165] : memref<10240x128xf32, #tpu.memory_space<vmem_shared>> -> memref<10240x128xf32, #tpu.memory_space<vmem_shared>>
          tpu.wait_indirect_dma semaphore(%run_scoped3A_154 : memref<!tpu.dma_semaphore, #tpu.memory_space<semaphore_mem>>) src(%arg16 : memref<128x128xf32, #tpu.memory_space<vmem>>) dst(%dma_wait3A_166 : memref<10240x128xf32, #tpu.memory_space<vmem_shared>>)
          tpu.yield
        }) : () -> ()
        %add3A_146 = arith.constant 2 : i32
        %add3A_147 = arith.addi %add3A_139, %add3A_146 : i32
        %dma_start3A_148 = arith.constant 0 : i32
        %dma_start3A_149 = tpu.memref_slice %arg13[%add3A_147, %dma_start3A_148] : memref<40x128xi32, #tpu.memory_space<vmem>> -> memref<1x128xi32, #tpu.memory_space<vmem>>
        %dma_start3A_150 = tpu.memref_squeeze %dma_start3A_149 : memref<1x128xi32, #tpu.memory_space<vmem>> -> memref<128xi32, #tpu.memory_space<vmem>>
        %dma_start3A_151 = arith.constant 0 : i32
        %dma_start3A_152 = arith.constant 0 : i32
        %dma_start3A_153 = tpu.memref_slice %arg3[%dma_start3A_151, %dma_start3A_152] : memref<10000x128xf32, #tpu.memory_space<hbm>> -> memref<10000x128xf32, #tpu.memory_space<hbm>>
        tpu.enqueue_indirect_dma source(%dma_start3A_153 : memref<10000x128xf32, #tpu.memory_space<hbm>>) target(%arg16 : memref<128x128xf32, #tpu.memory_space<vmem>>) offsets(%dma_start3A_150 : memref<128xi32, #tpu.memory_space<vmem>>) semaphore(%arg18 : memref<!tpu.dma_semaphore, #tpu.memory_space<semaphore_mem>>)
      }
      %scan3A_100 = arith.constant 19 : i32
      %dma_wait3A_101 = arith.constant 38 : i32
      %dma_wait3A_102 = arith.constant 0 : i32
      %dma_wait3A_103 = tpu.memref_slice %arg13[%dma_wait3A_101, %dma_wait3A_102] : memref<40x128xi32, #tpu.memory_space<vmem>> -> memref<1x128xi32, #tpu.memory_space<vmem>>
      %dma_wait3A_104 = tpu.memref_squeeze %dma_wait3A_103 : memref<1x128xi32, #tpu.memory_space<vmem>> -> memref<128xi32, #tpu.memory_space<vmem>>
      %dma_wait3A_105 = arith.constant 0 : i32
      %dma_wait3A_106 = arith.constant 0 : i32
      %dma_wait3A_107 = tpu.memref_slice %arg3[%dma_wait3A_105, %dma_wait3A_106] : memref<10000x128xf32, #tpu.memory_space<hbm>> -> memref<10000x128xf32, #tpu.memory_space<hbm>>
      tpu.wait_indirect_dma semaphore(%arg18 : memref<!tpu.dma_semaphore, #tpu.memory_space<semaphore_mem>>) src(%dma_wait3A_107 : memref<10000x128xf32, #tpu.memory_space<hbm>>) dst(%arg15 : memref<128x128xf32, #tpu.memory_space<vmem>>)
      %run_scoped3A_108 = arith.constant 38 : i32
      "tpu.region"() ({
        %run_scoped3A_117 = tpu.sem_alloc : memref<!tpu.dma_semaphore, #tpu.memory_space<semaphore_mem>>
        %dma_start3A_118 = arith.constant 0 : i32
        %dma_start3A_119 = tpu.memref_slice %arg14[%run_scoped3A_108, %dma_start3A_118] : memref<40x128xi32, #tpu.memory_space<vmem>> -> memref<1x128xi32, #tpu.memory_space<vmem>>
        %dma_start3A_120 = tpu.memref_squeeze %dma_start3A_119 : memref<1x128xi32, #tpu.memory_space<vmem>> -> memref<128xi32, #tpu.memory_space<vmem>>
        %dma_start3A_121 = arith.constant 0 : i32
        %dma_start3A_122 = arith.constant 0 : i32
        %dma_start3A_123 = tpu.memref_slice %arg17[%dma_start3A_121, %dma_start3A_122] : memref<10240x128xf32, #tpu.memory_space<vmem_shared>> -> memref<10240x128xf32, #tpu.memory_space<vmem_shared>>
        tpu.enqueue_indirect_dma source(%arg15 : memref<128x128xf32, #tpu.memory_space<vmem>>) target(%dma_start3A_123 : memref<10240x128xf32, #tpu.memory_space<vmem_shared>>) offsets(%dma_start3A_120 : memref<128xi32, #tpu.memory_space<vmem>>) semaphore(%run_scoped3A_117 : memref<!tpu.dma_semaphore, #tpu.memory_space<semaphore_mem>>) {add = true}
        %dma_wait3A_124 = arith.constant 0 : i32
        %dma_wait3A_125 = tpu.memref_slice %arg14[%run_scoped3A_108, %dma_wait3A_124] : memref<40x128xi32, #tpu.memory_space<vmem>> -> memref<1x128xi32, #tpu.memory_space<vmem>>
        %dma_wait3A_126 = tpu.memref_squeeze %dma_wait3A_125 : memref<1x128xi32, #tpu.memory_space<vmem>> -> memref<128xi32, #tpu.memory_space<vmem>>
        %dma_wait3A_127 = arith.constant 0 : i32
        %dma_wait3A_128 = arith.constant 0 : i32
        %dma_wait3A_129 = tpu.memref_slice %arg17[%dma_wait3A_127, %dma_wait3A_128] : memref<10240x128xf32, #tpu.memory_space<vmem_shared>> -> memref<10240x128xf32, #tpu.memory_space<vmem_shared>>
        tpu.wait_indirect_dma semaphore(%run_scoped3A_117 : memref<!tpu.dma_semaphore, #tpu.memory_space<semaphore_mem>>) src(%arg15 : memref<128x128xf32, #tpu.memory_space<vmem>>) dst(%dma_wait3A_129 : memref<10240x128xf32, #tpu.memory_space<vmem_shared>>)
        tpu.yield
      }) : () -> ()
      %dma_wait3A_109 = arith.constant 39 : i32
      %dma_wait3A_110 = arith.constant 0 : i32
      %dma_wait3A_111 = tpu.memref_slice %arg13[%dma_wait3A_109, %dma_wait3A_110] : memref<40x128xi32, #tpu.memory_space<vmem>> -> memref<1x128xi32, #tpu.memory_space<vmem>>
      %dma_wait3A_112 = tpu.memref_squeeze %dma_wait3A_111 : memref<1x128xi32, #tpu.memory_space<vmem>> -> memref<128xi32, #tpu.memory_space<vmem>>
      %dma_wait3A_113 = arith.constant 0 : i32
      %dma_wait3A_114 = arith.constant 0 : i32
      %dma_wait3A_115 = tpu.memref_slice %arg3[%dma_wait3A_113, %dma_wait3A_114] : memref<10000x128xf32, #tpu.memory_space<hbm>> -> memref<10000x128xf32, #tpu.memory_space<hbm>>
      tpu.wait_indirect_dma semaphore(%arg18 : memref<!tpu.dma_semaphore, #tpu.memory_space<semaphore_mem>>) src(%dma_wait3A_115 : memref<10000x128xf32, #tpu.memory_space<hbm>>) dst(%arg16 : memref<128x128xf32, #tpu.memory_space<vmem>>)
      %run_scoped3A_116 = arith.constant 39 : i32
      "tpu.region"() ({
        %run_scoped3A_117 = tpu.sem_alloc : memref<!tpu.dma_semaphore, #tpu.memory_space<semaphore_mem>>
        %dma_start3A_118 = arith.constant 0 : i32
        %dma_start3A_119 = tpu.memref_slice %arg14[%run_scoped3A_116, %dma_start3A_118] : memref<40x128xi32, #tpu.memory_space<vmem>> -> memref<1x128xi32, #tpu.memory_space<vmem>>
        %dma_start3A_120 = tpu.memref_squeeze %dma_start3A_119 : memref<1x128xi32, #tpu.memory_space<vmem>> -> memref<128xi32, #tpu.memory_space<vmem>>
        %dma_start3A_121 = arith.constant 0 : i32
        %dma_start3A_122 = arith.constant 0 : i32
        %dma_start3A_123 = tpu.memref_slice %arg17[%dma_start3A_121, %dma_start3A_122] : memref<10240x128xf32, #tpu.memory_space<vmem_shared>> -> memref<10240x128xf32, #tpu.memory_space<vmem_shared>>
        tpu.enqueue_indirect_dma source(%arg16 : memref<128x128xf32, #tpu.memory_space<vmem>>) target(%dma_start3A_123 : memref<10240x128xf32, #tpu.memory_space<vmem_shared>>) offsets(%dma_start3A_120 : memref<128xi32, #tpu.memory_space<vmem>>) semaphore(%run_scoped3A_117 : memref<!tpu.dma_semaphore, #tpu.memory_space<semaphore_mem>>) {add = true}
        %dma_wait3A_124 = arith.constant 0 : i32
        %dma_wait3A_125 = tpu.memref_slice %arg14[%run_scoped3A_116, %dma_wait3A_124] : memref<40x128xi32, #tpu.memory_space<vmem>> -> memref<1x128xi32, #tpu.memory_space<vmem>>
        %dma_wait3A_126 = tpu.memref_squeeze %dma_wait3A_125 : memref<1x128xi32, #tpu.memory_space<vmem>> -> memref<128xi32, #tpu.memory_space<vmem>>
        %dma_wait3A_127 = arith.constant 0 : i32
        %dma_wait3A_128 = arith.constant 0 : i32
        %dma_wait3A_129 = tpu.memref_slice %arg17[%dma_wait3A_127, %dma_wait3A_128] : memref<10240x128xf32, #tpu.memory_space<vmem_shared>> -> memref<10240x128xf32, #tpu.memory_space<vmem_shared>>
        tpu.wait_indirect_dma semaphore(%run_scoped3A_117 : memref<!tpu.dma_semaphore, #tpu.memory_space<semaphore_mem>>) src(%arg16 : memref<128x128xf32, #tpu.memory_space<vmem>>) dst(%dma_wait3A_129 : memref<10240x128xf32, #tpu.memory_space<vmem_shared>>)
        tpu.yield
      }) : () -> ()
    } else {
    }
    %eq3A_26 = arith.constant 1 : i32
    %eq3A_27 = arith.cmpi eq, %arg0, %eq3A_26 : i32
    %convert_element_type3A_28 = arith.extui %eq3A_27 : i1 to i32
    %cond3A_29 = arith.constant 0 : i32
    %cond3A_30 = arith.cmpi ne, %convert_element_type3A_28, %cond3A_29 : i32
    scf.if %cond3A_30 {
      %mul3A_42 = arith.constant 80 : i32
      %mul3A_43 = arith.muli %arg1, %mul3A_42 : i32
      %add3A = arith.constant 0 : i32
      %add3A_44 = arith.addi %mul3A_43, %add3A : i32
      "tpu.region"() ({
        %run_scoped3A_117 = tpu.sem_alloc : memref<!tpu.dma_semaphore, #tpu.memory_space<semaphore_mem>>
        %dma_start3A_118 = arith.constant 0 : i32
        %dma_start3A_119 = tpu.memref_slice %arg6[%add3A_44, %dma_start3A_118] : memref<1280x128xi32, #tpu.memory_space<hbm>> -> memref<40x128xi32, #tpu.memory_space<hbm>>
        %dma_start3A_120 = arith.constant 0 : i32
        %dma_start3A_121 = tpu.memref_slice %arg6[%add3A_44, %dma_start3A_120] : memref<1280x128xi32, #tpu.memory_space<hbm>> -> memref<40x128xi32, #tpu.memory_space<hbm>>
        tpu.enqueue_dma source(%dma_start3A_121 : memref<40x128xi32, #tpu.memory_space<hbm>>) target(%arg13 : memref<40x128xi32, #tpu.memory_space<vmem>>) target_semaphore(%run_scoped3A_117 : memref<!tpu.dma_semaphore, #tpu.memory_space<semaphore_mem>>)
        %dma_wait3A_122 = arith.constant 0 : i32
        %dma_wait3A_123 = tpu.memref_slice %arg6[%add3A_44, %dma_wait3A_122] : memref<1280x128xi32, #tpu.memory_space<hbm>> -> memref<40x128xi32, #tpu.memory_space<hbm>>
        %dma_wait3A_124 = arith.constant 0 : i32
        %dma_wait3A_125 = tpu.memref_slice %arg6[%add3A_44, %dma_wait3A_124] : memref<1280x128xi32, #tpu.memory_space<hbm>> -> memref<40x128xi32, #tpu.memory_space<hbm>>
        tpu.wait_dma2 semaphore(%run_scoped3A_117 : memref<!tpu.dma_semaphore, #tpu.memory_space<semaphore_mem>>) src(%dma_wait3A_125 : memref<40x128xi32, #tpu.memory_space<hbm>>) dst(%arg13 : memref<40x128xi32, #tpu.memory_space<vmem>>)
        tpu.yield
      }) : () -> ()
      "tpu.region"() ({
        %run_scoped3A_117 = tpu.sem_alloc : memref<!tpu.dma_semaphore, #tpu.memory_space<semaphore_mem>>
        %dma_start3A_118 = arith.constant 0 : i32
        %dma_start3A_119 = tpu.memref_slice %arg7[%add3A_44, %dma_start3A_118] : memref<1280x128xi32, #tpu.memory_space<hbm>> -> memref<40x128xi32, #tpu.memory_space<hbm>>
        %dma_start3A_120 = arith.constant 0 : i32
        %dma_start3A_121 = tpu.memref_slice %arg7[%add3A_44, %dma_start3A_120] : memref<1280x128xi32, #tpu.memory_space<hbm>> -> memref<40x128xi32, #tpu.memory_space<hbm>>
        tpu.enqueue_dma source(%dma_start3A_121 : memref<40x128xi32, #tpu.memory_space<hbm>>) target(%arg14 : memref<40x128xi32, #tpu.memory_space<vmem>>) target_semaphore(%run_scoped3A_117 : memref<!tpu.dma_semaphore, #tpu.memory_space<semaphore_mem>>)
        %dma_wait3A_122 = arith.constant 0 : i32
        %dma_wait3A_123 = tpu.memref_slice %arg7[%add3A_44, %dma_wait3A_122] : memref<1280x128xi32, #tpu.memory_space<hbm>> -> memref<40x128xi32, #tpu.memory_space<hbm>>
        %dma_wait3A_124 = arith.constant 0 : i32
        %dma_wait3A_125 = tpu.memref_slice %arg7[%add3A_44, %dma_wait3A_124] : memref<1280x128xi32, #tpu.memory_space<hbm>> -> memref<40x128xi32, #tpu.memory_space<hbm>>
        tpu.wait_dma2 semaphore(%run_scoped3A_117 : memref<!tpu.dma_semaphore, #tpu.memory_space<semaphore_mem>>) src(%dma_wait3A_125 : memref<40x128xi32, #tpu.memory_space<hbm>>) dst(%arg14 : memref<40x128xi32, #tpu.memory_space<vmem>>)
        tpu.yield
      }) : () -> ()
      %dma_start3A = arith.constant 0 : i32
      %dma_start3A_45 = arith.constant 0 : i32
      %dma_start3A_46 = tpu.memref_slice %arg13[%dma_start3A, %dma_start3A_45] : memref<40x128xi32, #tpu.memory_space<vmem>> -> memref<1x128xi32, #tpu.memory_space<vmem>>
      %dma_start3A_47 = tpu.memref_squeeze %dma_start3A_46 : memref<1x128xi32, #tpu.memory_space<vmem>> -> memref<128xi32, #tpu.memory_space<vmem>>
      %dma_start3A_48 = arith.constant 0 : i32
      %dma_start3A_49 = arith.constant 0 : i32
      %dma_start3A_50 = tpu.memref_slice %arg5[%dma_start3A_48, %dma_start3A_49] : memref<10000x128xf32, #tpu.memory_space<hbm>> -> memref<10000x128xf32, #tpu.memory_space<hbm>>
      tpu.enqueue_indirect_dma source(%dma_start3A_50 : memref<10000x128xf32, #tpu.memory_space<hbm>>) target(%arg15 : memref<128x128xf32, #tpu.memory_space<vmem>>) offsets(%dma_start3A_47 : memref<128xi32, #tpu.memory_space<vmem>>) semaphore(%arg18 : memref<!tpu.dma_semaphore, #tpu.memory_space<semaphore_mem>>)
      %dma_start3A_51 = arith.constant 1 : i32
      %dma_start3A_52 = arith.constant 0 : i32
      %dma_start3A_53 = tpu.memref_slice %arg13[%dma_start3A_51, %dma_start3A_52] : memref<40x128xi32, #tpu.memory_space<vmem>> -> memref<1x128xi32, #tpu.memory_space<vmem>>
      %dma_start3A_54 = tpu.memref_squeeze %dma_start3A_53 : memref<1x128xi32, #tpu.memory_space<vmem>> -> memref<128xi32, #tpu.memory_space<vmem>>
      %dma_start3A_55 = arith.constant 0 : i32
      %dma_start3A_56 = arith.constant 0 : i32
      %dma_start3A_57 = tpu.memref_slice %arg5[%dma_start3A_55, %dma_start3A_56] : memref<10000x128xf32, #tpu.memory_space<hbm>> -> memref<10000x128xf32, #tpu.memory_space<hbm>>
      tpu.enqueue_indirect_dma source(%dma_start3A_57 : memref<10000x128xf32, #tpu.memory_space<hbm>>) target(%arg16 : memref<128x128xf32, #tpu.memory_space<vmem>>) offsets(%dma_start3A_54 : memref<128xi32, #tpu.memory_space<vmem>>) semaphore(%arg18 : memref<!tpu.dma_semaphore, #tpu.memory_space<semaphore_mem>>)
      %scan3A = arith.constant 0 : i32
      %scan3A_58 = arith.constant 0 : i32
      %scan3A_59 = arith.constant 19 : i32
      %scan3A_60 = arith.addi %scan3A_58, %scan3A_59 : i32
      %scan3A_61 = arith.constant 1 : i32
      scf.for %scan3A_117 = %scan3A_58 to %scan3A_60 step %scan3A_61  : i32 {
        %mul3A_118 = arith.constant 2 : i32
        %mul3A_119 = arith.muli %scan3A_117, %mul3A_118 : i32
        %add3A_120 = arith.constant 0 : i32
        %add3A_121 = arith.addi %mul3A_119, %add3A_120 : i32
        %dma_wait3A_122 = arith.constant 0 : i32
        %dma_wait3A_123 = tpu.memref_slice %arg13[%add3A_121, %dma_wait3A_122] : memref<40x128xi32, #tpu.memory_space<vmem>> -> memref<1x128xi32, #tpu.memory_space<vmem>>
        %dma_wait3A_124 = tpu.memref_squeeze %dma_wait3A_123 : memref<1x128xi32, #tpu.memory_space<vmem>> -> memref<128xi32, #tpu.memory_space<vmem>>
        %dma_wait3A_125 = arith.constant 0 : i32
        %dma_wait3A_126 = arith.constant 0 : i32
        %dma_wait3A_127 = tpu.memref_slice %arg5[%dma_wait3A_125, %dma_wait3A_126] : memref<10000x128xf32, #tpu.memory_space<hbm>> -> memref<10000x128xf32, #tpu.memory_space<hbm>>
        tpu.wait_indirect_dma semaphore(%arg18 : memref<!tpu.dma_semaphore, #tpu.memory_space<semaphore_mem>>) src(%dma_wait3A_127 : memref<10000x128xf32, #tpu.memory_space<hbm>>) dst(%arg15 : memref<128x128xf32, #tpu.memory_space<vmem>>)
        "tpu.region"() ({
          %run_scoped3A_154 = tpu.sem_alloc : memref<!tpu.dma_semaphore, #tpu.memory_space<semaphore_mem>>
          %dma_start3A_155 = arith.constant 0 : i32
          %dma_start3A_156 = tpu.memref_slice %arg14[%add3A_121, %dma_start3A_155] : memref<40x128xi32, #tpu.memory_space<vmem>> -> memref<1x128xi32, #tpu.memory_space<vmem>>
          %dma_start3A_157 = tpu.memref_squeeze %dma_start3A_156 : memref<1x128xi32, #tpu.memory_space<vmem>> -> memref<128xi32, #tpu.memory_space<vmem>>
          %dma_start3A_158 = arith.constant 0 : i32
          %dma_start3A_159 = arith.constant 0 : i32
          %dma_start3A_160 = tpu.memref_slice %arg17[%dma_start3A_158, %dma_start3A_159] : memref<10240x128xf32, #tpu.memory_space<vmem_shared>> -> memref<10240x128xf32, #tpu.memory_space<vmem_shared>>
          tpu.enqueue_indirect_dma source(%arg15 : memref<128x128xf32, #tpu.memory_space<vmem>>) target(%dma_start3A_160 : memref<10240x128xf32, #tpu.memory_space<vmem_shared>>) offsets(%dma_start3A_157 : memref<128xi32, #tpu.memory_space<vmem>>) semaphore(%run_scoped3A_154 : memref<!tpu.dma_semaphore, #tpu.memory_space<semaphore_mem>>) {add = true}
          %dma_wait3A_161 = arith.constant 0 : i32
          %dma_wait3A_162 = tpu.memref_slice %arg14[%add3A_121, %dma_wait3A_161] : memref<40x128xi32, #tpu.memory_space<vmem>> -> memref<1x128xi32, #tpu.memory_space<vmem>>
          %dma_wait3A_163 = tpu.memref_squeeze %dma_wait3A_162 : memref<1x128xi32, #tpu.memory_space<vmem>> -> memref<128xi32, #tpu.memory_space<vmem>>
          %dma_wait3A_164 = arith.constant 0 : i32
          %dma_wait3A_165 = arith.constant 0 : i32
          %dma_wait3A_166 = tpu.memref_slice %arg17[%dma_wait3A_164, %dma_wait3A_165] : memref<10240x128xf32, #tpu.memory_space<vmem_shared>> -> memref<10240x128xf32, #tpu.memory_space<vmem_shared>>
          tpu.wait_indirect_dma semaphore(%run_scoped3A_154 : memref<!tpu.dma_semaphore, #tpu.memory_space<semaphore_mem>>) src(%arg15 : memref<128x128xf32, #tpu.memory_space<vmem>>) dst(%dma_wait3A_166 : memref<10240x128xf32, #tpu.memory_space<vmem_shared>>)
          tpu.yield
        }) : () -> ()
        %add3A_128 = arith.constant 2 : i32
        %add3A_129 = arith.addi %add3A_121, %add3A_128 : i32
        %dma_start3A_130 = arith.constant 0 : i32
        %dma_start3A_131 = tpu.memref_slice %arg13[%add3A_129, %dma_start3A_130] : memref<40x128xi32, #tpu.memory_space<vmem>> -> memref<1x128xi32, #tpu.memory_space<vmem>>
        %dma_start3A_132 = tpu.memref_squeeze %dma_start3A_131 : memref<1x128xi32, #tpu.memory_space<vmem>> -> memref<128xi32, #tpu.memory_space<vmem>>
        %dma_start3A_133 = arith.constant 0 : i32
        %dma_start3A_134 = arith.constant 0 : i32
        %dma_start3A_135 = tpu.memref_slice %arg5[%dma_start3A_133, %dma_start3A_134] : memref<10000x128xf32, #tpu.memory_space<hbm>> -> memref<10000x128xf32, #tpu.memory_space<hbm>>
        tpu.enqueue_indirect_dma source(%dma_start3A_135 : memref<10000x128xf32, #tpu.memory_space<hbm>>) target(%arg15 : memref<128x128xf32, #tpu.memory_space<vmem>>) offsets(%dma_start3A_132 : memref<128xi32, #tpu.memory_space<vmem>>) semaphore(%arg18 : memref<!tpu.dma_semaphore, #tpu.memory_space<semaphore_mem>>)
        %mul3A_136 = arith.constant 2 : i32
        %mul3A_137 = arith.muli %scan3A_117, %mul3A_136 : i32
        %add3A_138 = arith.constant 1 : i32
        %add3A_139 = arith.addi %mul3A_137, %add3A_138 : i32
        %dma_wait3A_140 = arith.constant 0 : i32
        %dma_wait3A_141 = tpu.memref_slice %arg13[%add3A_139, %dma_wait3A_140] : memref<40x128xi32, #tpu.memory_space<vmem>> -> memref<1x128xi32, #tpu.memory_space<vmem>>
        %dma_wait3A_142 = tpu.memref_squeeze %dma_wait3A_141 : memref<1x128xi32, #tpu.memory_space<vmem>> -> memref<128xi32, #tpu.memory_space<vmem>>
        %dma_wait3A_143 = arith.constant 0 : i32
        %dma_wait3A_144 = arith.constant 0 : i32
        %dma_wait3A_145 = tpu.memref_slice %arg5[%dma_wait3A_143, %dma_wait3A_144] : memref<10000x128xf32, #tpu.memory_space<hbm>> -> memref<10000x128xf32, #tpu.memory_space<hbm>>
        tpu.wait_indirect_dma semaphore(%arg18 : memref<!tpu.dma_semaphore, #tpu.memory_space<semaphore_mem>>) src(%dma_wait3A_145 : memref<10000x128xf32, #tpu.memory_space<hbm>>) dst(%arg16 : memref<128x128xf32, #tpu.memory_space<vmem>>)
        "tpu.region"() ({
          %run_scoped3A_154 = tpu.sem_alloc : memref<!tpu.dma_semaphore, #tpu.memory_space<semaphore_mem>>
          %dma_start3A_155 = arith.constant 0 : i32
          %dma_start3A_156 = tpu.memref_slice %arg14[%add3A_139, %dma_start3A_155] : memref<40x128xi32, #tpu.memory_space<vmem>> -> memref<1x128xi32, #tpu.memory_space<vmem>>
          %dma_start3A_157 = tpu.memref_squeeze %dma_start3A_156 : memref<1x128xi32, #tpu.memory_space<vmem>> -> memref<128xi32, #tpu.memory_space<vmem>>
          %dma_start3A_158 = arith.constant 0 : i32
          %dma_start3A_159 = arith.constant 0 : i32
          %dma_start3A_160 = tpu.memref_slice %arg17[%dma_start3A_158, %dma_start3A_159] : memref<10240x128xf32, #tpu.memory_space<vmem_shared>> -> memref<10240x128xf32, #tpu.memory_space<vmem_shared>>
          tpu.enqueue_indirect_dma source(%arg16 : memref<128x128xf32, #tpu.memory_space<vmem>>) target(%dma_start3A_160 : memref<10240x128xf32, #tpu.memory_space<vmem_shared>>) offsets(%dma_start3A_157 : memref<128xi32, #tpu.memory_space<vmem>>) semaphore(%run_scoped3A_154 : memref<!tpu.dma_semaphore, #tpu.memory_space<semaphore_mem>>) {add = true}
          %dma_wait3A_161 = arith.constant 0 : i32
          %dma_wait3A_162 = tpu.memref_slice %arg14[%add3A_139, %dma_wait3A_161] : memref<40x128xi32, #tpu.memory_space<vmem>> -> memref<1x128xi32, #tpu.memory_space<vmem>>
          %dma_wait3A_163 = tpu.memref_squeeze %dma_wait3A_162 : memref<1x128xi32, #tpu.memory_space<vmem>> -> memref<128xi32, #tpu.memory_space<vmem>>
          %dma_wait3A_164 = arith.constant 0 : i32
          %dma_wait3A_165 = arith.constant 0 : i32
          %dma_wait3A_166 = tpu.memref_slice %arg17[%dma_wait3A_164, %dma_wait3A_165] : memref<10240x128xf32, #tpu.memory_space<vmem_shared>> -> memref<10240x128xf32, #tpu.memory_space<vmem_shared>>
          tpu.wait_indirect_dma semaphore(%run_scoped3A_154 : memref<!tpu.dma_semaphore, #tpu.memory_space<semaphore_mem>>) src(%arg16 : memref<128x128xf32, #tpu.memory_space<vmem>>) dst(%dma_wait3A_166 : memref<10240x128xf32, #tpu.memory_space<vmem_shared>>)
          tpu.yield
        }) : () -> ()
        %add3A_146 = arith.constant 2 : i32
        %add3A_147 = arith.addi %add3A_139, %add3A_146 : i32
        %dma_start3A_148 = arith.constant 0 : i32
        %dma_start3A_149 = tpu.memref_slice %arg13[%add3A_147, %dma_start3A_148] : memref<40x128xi32, #tpu.memory_space<vmem>> -> memref<1x128xi32, #tpu.memory_space<vmem>>
        %dma_start3A_150 = tpu.memref_squeeze %dma_start3A_149 : memref<1x128xi32, #tpu.memory_space<vmem>> -> memref<128xi32, #tpu.memory_space<vmem>>
        %dma_start3A_151 = arith.constant 0 : i32
        %dma_start3A_152 = arith.constant 0 : i32
        %dma_start3A_153 = tpu.memref_slice %arg5[%dma_start3A_151, %dma_start3A_152] : memref<10000x128xf32, #tpu.memory_space<hbm>> -> memref<10000x128xf32, #tpu.memory_space<hbm>>
        tpu.enqueue_indirect_dma source(%dma_start3A_153 : memref<10000x128xf32, #tpu.memory_space<hbm>>) target(%arg16 : memref<128x128xf32, #tpu.memory_space<vmem>>) offsets(%dma_start3A_150 : memref<128xi32, #tpu.memory_space<vmem>>) semaphore(%arg18 : memref<!tpu.dma_semaphore, #tpu.memory_space<semaphore_mem>>)
      }
      %scan3A_62 = arith.constant 19 : i32
      %dma_wait3A = arith.constant 38 : i32
      %dma_wait3A_63 = arith.constant 0 : i32
      %dma_wait3A_64 = tpu.memref_slice %arg13[%dma_wait3A, %dma_wait3A_63] : memref<40x128xi32, #tpu.memory_space<vmem>> -> memref<1x128xi32, #tpu.memory_space<vmem>>
      %dma_wait3A_65 = tpu.memref_squeeze %dma_wait3A_64 : memref<1x128xi32, #tpu.memory_space<vmem>> -> memref<128xi32, #tpu.memory_space<vmem>>
      %dma_wait3A_66 = arith.constant 0 : i32
      %dma_wait3A_67 = arith.constant 0 : i32
      %dma_wait3A_68 = tpu.memref_slice %arg5[%dma_wait3A_66, %dma_wait3A_67] : memref<10000x128xf32, #tpu.memory_space<hbm>> -> memref<10000x128xf32, #tpu.memory_space<hbm>>
      tpu.wait_indirect_dma semaphore(%arg18 : memref<!tpu.dma_semaphore, #tpu.memory_space<semaphore_mem>>) src(%dma_wait3A_68 : memref<10000x128xf32, #tpu.memory_space<hbm>>) dst(%arg15 : memref<128x128xf32, #tpu.memory_space<vmem>>)
      %run_scoped3A = arith.constant 38 : i32
      "tpu.region"() ({
        %run_scoped3A_117 = tpu.sem_alloc : memref<!tpu.dma_semaphore, #tpu.memory_space<semaphore_mem>>
        %dma_start3A_118 = arith.constant 0 : i32
        %dma_start3A_119 = tpu.memref_slice %arg14[%run_scoped3A, %dma_start3A_118] : memref<40x128xi32, #tpu.memory_space<vmem>> -> memref<1x128xi32, #tpu.memory_space<vmem>>
        %dma_start3A_120 = tpu.memref_squeeze %dma_start3A_119 : memref<1x128xi32, #tpu.memory_space<vmem>> -> memref<128xi32, #tpu.memory_space<vmem>>
        %dma_start3A_121 = arith.constant 0 : i32
        %dma_start3A_122 = arith.constant 0 : i32
        %dma_start3A_123 = tpu.memref_slice %arg17[%dma_start3A_121, %dma_start3A_122] : memref<10240x128xf32, #tpu.memory_space<vmem_shared>> -> memref<10240x128xf32, #tpu.memory_space<vmem_shared>>
        tpu.enqueue_indirect_dma source(%arg15 : memref<128x128xf32, #tpu.memory_space<vmem>>) target(%dma_start3A_123 : memref<10240x128xf32, #tpu.memory_space<vmem_shared>>) offsets(%dma_start3A_120 : memref<128xi32, #tpu.memory_space<vmem>>) semaphore(%run_scoped3A_117 : memref<!tpu.dma_semaphore, #tpu.memory_space<semaphore_mem>>) {add = true}
        %dma_wait3A_124 = arith.constant 0 : i32
        %dma_wait3A_125 = tpu.memref_slice %arg14[%run_scoped3A, %dma_wait3A_124] : memref<40x128xi32, #tpu.memory_space<vmem>> -> memref<1x128xi32, #tpu.memory_space<vmem>>
        %dma_wait3A_126 = tpu.memref_squeeze %dma_wait3A_125 : memref<1x128xi32, #tpu.memory_space<vmem>> -> memref<128xi32, #tpu.memory_space<vmem>>
        %dma_wait3A_127 = arith.constant 0 : i32
        %dma_wait3A_128 = arith.constant 0 : i32
        %dma_wait3A_129 = tpu.memref_slice %arg17[%dma_wait3A_127, %dma_wait3A_128] : memref<10240x128xf32, #tpu.memory_space<vmem_shared>> -> memref<10240x128xf32, #tpu.memory_space<vmem_shared>>
        tpu.wait_indirect_dma semaphore(%run_scoped3A_117 : memref<!tpu.dma_semaphore, #tpu.memory_space<semaphore_mem>>) src(%arg15 : memref<128x128xf32, #tpu.memory_space<vmem>>) dst(%dma_wait3A_129 : memref<10240x128xf32, #tpu.memory_space<vmem_shared>>)
        tpu.yield
      }) : () -> ()
      %dma_wait3A_69 = arith.constant 39 : i32
      %dma_wait3A_70 = arith.constant 0 : i32
      %dma_wait3A_71 = tpu.memref_slice %arg13[%dma_wait3A_69, %dma_wait3A_70] : memref<40x128xi32, #tpu.memory_space<vmem>> -> memref<1x128xi32, #tpu.memory_space<vmem>>
      %dma_wait3A_72 = tpu.memref_squeeze %dma_wait3A_71 : memref<1x128xi32, #tpu.memory_space<vmem>> -> memref<128xi32, #tpu.memory_space<vmem>>
      %dma_wait3A_73 = arith.constant 0 : i32
      %dma_wait3A_74 = arith.constant 0 : i32
      %dma_wait3A_75 = tpu.memref_slice %arg5[%dma_wait3A_73, %dma_wait3A_74] : memref<10000x128xf32, #tpu.memory_space<hbm>> -> memref<10000x128xf32, #tpu.memory_space<hbm>>
      tpu.wait_indirect_dma semaphore(%arg18 : memref<!tpu.dma_semaphore, #tpu.memory_space<semaphore_mem>>) src(%dma_wait3A_75 : memref<10000x128xf32, #tpu.memory_space<hbm>>) dst(%arg16 : memref<128x128xf32, #tpu.memory_space<vmem>>)
      %run_scoped3A_76 = arith.constant 39 : i32
      "tpu.region"() ({
        %run_scoped3A_117 = tpu.sem_alloc : memref<!tpu.dma_semaphore, #tpu.memory_space<semaphore_mem>>
        %dma_start3A_118 = arith.constant 0 : i32
        %dma_start3A_119 = tpu.memref_slice %arg14[%run_scoped3A_76, %dma_start3A_118] : memref<40x128xi32, #tpu.memory_space<vmem>> -> memref<1x128xi32, #tpu.memory_space<vmem>>
        %dma_start3A_120 = tpu.memref_squeeze %dma_start3A_119 : memref<1x128xi32, #tpu.memory_space<vmem>> -> memref<128xi32, #tpu.memory_space<vmem>>
        %dma_start3A_121 = arith.constant 0 : i32
        %dma_start3A_122 = arith.constant 0 : i32
        %dma_start3A_123 = tpu.memref_slice %arg17[%dma_start3A_121, %dma_start3A_122] : memref<10240x128xf32, #tpu.memory_space<vmem_shared>> -> memref<10240x128xf32, #tpu.memory_space<vmem_shared>>
        tpu.enqueue_indirect_dma source(%arg16 : memref<128x128xf32, #tpu.memory_space<vmem>>) target(%dma_start3A_123 : memref<10240x128xf32, #tpu.memory_space<vmem_shared>>) offsets(%dma_start3A_120 : memref<128xi32, #tpu.memory_space<vmem>>) semaphore(%run_scoped3A_117 : memref<!tpu.dma_semaphore, #tpu.memory_space<semaphore_mem>>) {add = true}
        %dma_wait3A_124 = arith.constant 0 : i32
        %dma_wait3A_125 = tpu.memref_slice %arg14[%run_scoped3A_76, %dma_wait3A_124] : memref<40x128xi32, #tpu.memory_space<vmem>> -> memref<1x128xi32, #tpu.memory_space<vmem>>
        %dma_wait3A_126 = tpu.memref_squeeze %dma_wait3A_125 : memref<1x128xi32, #tpu.memory_space<vmem>> -> memref<128xi32, #tpu.memory_space<vmem>>
        %dma_wait3A_127 = arith.constant 0 : i32
        %dma_wait3A_128 = arith.constant 0 : i32
        %dma_wait3A_129 = tpu.memref_slice %arg17[%dma_wait3A_127, %dma_wait3A_128] : memref<10240x128xf32, #tpu.memory_space<vmem_shared>> -> memref<10240x128xf32, #tpu.memory_space<vmem_shared>>
        tpu.wait_indirect_dma semaphore(%run_scoped3A_117 : memref<!tpu.dma_semaphore, #tpu.memory_space<semaphore_mem>>) src(%arg16 : memref<128x128xf32, #tpu.memory_space<vmem>>) dst(%dma_wait3A_129 : memref<10240x128xf32, #tpu.memory_space<vmem_shared>>)
        tpu.yield
      }) : () -> ()
      %mul3A_77 = arith.constant 80 : i32
      %mul3A_78 = arith.muli %arg1, %mul3A_77 : i32
      %add3A_79 = arith.constant 40 : i32
      %add3A_80 = arith.addi %mul3A_78, %add3A_79 : i32
      "tpu.region"() ({
        %run_scoped3A_117 = tpu.sem_alloc : memref<!tpu.dma_semaphore, #tpu.memory_space<semaphore_mem>>
        %dma_start3A_118 = arith.constant 0 : i32
        %dma_start3A_119 = tpu.memref_slice %arg6[%add3A_80, %dma_start3A_118] : memref<1280x128xi32, #tpu.memory_space<hbm>> -> memref<40x128xi32, #tpu.memory_space<hbm>>
        %dma_start3A_120 = arith.constant 0 : i32
        %dma_start3A_121 = tpu.memref_slice %arg6[%add3A_80, %dma_start3A_120] : memref<1280x128xi32, #tpu.memory_space<hbm>> -> memref<40x128xi32, #tpu.memory_space<hbm>>
        tpu.enqueue_dma source(%dma_start3A_121 : memref<40x128xi32, #tpu.memory_space<hbm>>) target(%arg13 : memref<40x128xi32, #tpu.memory_space<vmem>>) target_semaphore(%run_scoped3A_117 : memref<!tpu.dma_semaphore, #tpu.memory_space<semaphore_mem>>)
        %dma_wait3A_122 = arith.constant 0 : i32
        %dma_wait3A_123 = tpu.memref_slice %arg6[%add3A_80, %dma_wait3A_122] : memref<1280x128xi32, #tpu.memory_space<hbm>> -> memref<40x128xi32, #tpu.memory_space<hbm>>
        %dma_wait3A_124 = arith.constant 0 : i32
        %dma_wait3A_125 = tpu.memref_slice %arg6[%add3A_80, %dma_wait3A_124] : memref<1280x128xi32, #tpu.memory_space<hbm>> -> memref<40x128xi32, #tpu.memory_space<hbm>>
        tpu.wait_dma2 semaphore(%run_scoped3A_117 : memref<!tpu.dma_semaphore, #tpu.memory_space<semaphore_mem>>) src(%dma_wait3A_125 : memref<40x128xi32, #tpu.memory_space<hbm>>) dst(%arg13 : memref<40x128xi32, #tpu.memory_space<vmem>>)
        tpu.yield
      }) : () -> ()
      "tpu.region"() ({
        %run_scoped3A_117 = tpu.sem_alloc : memref<!tpu.dma_semaphore, #tpu.memory_space<semaphore_mem>>
        %dma_start3A_118 = arith.constant 0 : i32
        %dma_start3A_119 = tpu.memref_slice %arg7[%add3A_80, %dma_start3A_118] : memref<1280x128xi32, #tpu.memory_space<hbm>> -> memref<40x128xi32, #tpu.memory_space<hbm>>
        %dma_start3A_120 = arith.constant 0 : i32
        %dma_start3A_121 = tpu.memref_slice %arg7[%add3A_80, %dma_start3A_120] : memref<1280x128xi32, #tpu.memory_space<hbm>> -> memref<40x128xi32, #tpu.memory_space<hbm>>
        tpu.enqueue_dma source(%dma_start3A_121 : memref<40x128xi32, #tpu.memory_space<hbm>>) target(%arg14 : memref<40x128xi32, #tpu.memory_space<vmem>>) target_semaphore(%run_scoped3A_117 : memref<!tpu.dma_semaphore, #tpu.memory_space<semaphore_mem>>)
        %dma_wait3A_122 = arith.constant 0 : i32
        %dma_wait3A_123 = tpu.memref_slice %arg7[%add3A_80, %dma_wait3A_122] : memref<1280x128xi32, #tpu.memory_space<hbm>> -> memref<40x128xi32, #tpu.memory_space<hbm>>
        %dma_wait3A_124 = arith.constant 0 : i32
        %dma_wait3A_125 = tpu.memref_slice %arg7[%add3A_80, %dma_wait3A_124] : memref<1280x128xi32, #tpu.memory_space<hbm>> -> memref<40x128xi32, #tpu.memory_space<hbm>>
        tpu.wait_dma2 semaphore(%run_scoped3A_117 : memref<!tpu.dma_semaphore, #tpu.memory_space<semaphore_mem>>) src(%dma_wait3A_125 : memref<40x128xi32, #tpu.memory_space<hbm>>) dst(%arg14 : memref<40x128xi32, #tpu.memory_space<vmem>>)
        tpu.yield
      }) : () -> ()
      %dma_start3A_81 = arith.constant 0 : i32
      %dma_start3A_82 = arith.constant 0 : i32
      %dma_start3A_83 = tpu.memref_slice %arg13[%dma_start3A_81, %dma_start3A_82] : memref<40x128xi32, #tpu.memory_space<vmem>> -> memref<1x128xi32, #tpu.memory_space<vmem>>
      %dma_start3A_84 = tpu.memref_squeeze %dma_start3A_83 : memref<1x128xi32, #tpu.memory_space<vmem>> -> memref<128xi32, #tpu.memory_space<vmem>>
      %dma_start3A_85 = arith.constant 0 : i32
      %dma_start3A_86 = arith.constant 0 : i32
      %dma_start3A_87 = tpu.memref_slice %arg5[%dma_start3A_85, %dma_start3A_86] : memref<10000x128xf32, #tpu.memory_space<hbm>> -> memref<10000x128xf32, #tpu.memory_space<hbm>>
      tpu.enqueue_indirect_dma source(%dma_start3A_87 : memref<10000x128xf32, #tpu.memory_space<hbm>>) target(%arg15 : memref<128x128xf32, #tpu.memory_space<vmem>>) offsets(%dma_start3A_84 : memref<128xi32, #tpu.memory_space<vmem>>) semaphore(%arg18 : memref<!tpu.dma_semaphore, #tpu.memory_space<semaphore_mem>>)
      %dma_start3A_88 = arith.constant 1 : i32
      %dma_start3A_89 = arith.constant 0 : i32
      %dma_start3A_90 = tpu.memref_slice %arg13[%dma_start3A_88, %dma_start3A_89] : memref<40x128xi32, #tpu.memory_space<vmem>> -> memref<1x128xi32, #tpu.memory_space<vmem>>
      %dma_start3A_91 = tpu.memref_squeeze %dma_start3A_90 : memref<1x128xi32, #tpu.memory_space<vmem>> -> memref<128xi32, #tpu.memory_space<vmem>>
      %dma_start3A_92 = arith.constant 0 : i32
      %dma_start3A_93 = arith.constant 0 : i32
      %dma_start3A_94 = tpu.memref_slice %arg5[%dma_start3A_92, %dma_start3A_93] : memref<10000x128xf32, #tpu.memory_space<hbm>> -> memref<10000x128xf32, #tpu.memory_space<hbm>>
      tpu.enqueue_indirect_dma source(%dma_start3A_94 : memref<10000x128xf32, #tpu.memory_space<hbm>>) target(%arg16 : memref<128x128xf32, #tpu.memory_space<vmem>>) offsets(%dma_start3A_91 : memref<128xi32, #tpu.memory_space<vmem>>) semaphore(%arg18 : memref<!tpu.dma_semaphore, #tpu.memory_space<semaphore_mem>>)
      %scan3A_95 = arith.constant 0 : i32
      %scan3A_96 = arith.constant 0 : i32
      %scan3A_97 = arith.constant 19 : i32
      %scan3A_98 = arith.addi %scan3A_96, %scan3A_97 : i32
      %scan3A_99 = arith.constant 1 : i32
      scf.for %scan3A_117 = %scan3A_96 to %scan3A_98 step %scan3A_99  : i32 {
        %mul3A_118 = arith.constant 2 : i32
        %mul3A_119 = arith.muli %scan3A_117, %mul3A_118 : i32
        %add3A_120 = arith.constant 0 : i32
        %add3A_121 = arith.addi %mul3A_119, %add3A_120 : i32
        %dma_wait3A_122 = arith.constant 0 : i32
        %dma_wait3A_123 = tpu.memref_slice %arg13[%add3A_121, %dma_wait3A_122] : memref<40x128xi32, #tpu.memory_space<vmem>> -> memref<1x128xi32, #tpu.memory_space<vmem>>
        %dma_wait3A_124 = tpu.memref_squeeze %dma_wait3A_123 : memref<1x128xi32, #tpu.memory_space<vmem>> -> memref<128xi32, #tpu.memory_space<vmem>>
        %dma_wait3A_125 = arith.constant 0 : i32
        %dma_wait3A_126 = arith.constant 0 : i32
        %dma_wait3A_127 = tpu.memref_slice %arg5[%dma_wait3A_125, %dma_wait3A_126] : memref<10000x128xf32, #tpu.memory_space<hbm>> -> memref<10000x128xf32, #tpu.memory_space<hbm>>
        tpu.wait_indirect_dma semaphore(%arg18 : memref<!tpu.dma_semaphore, #tpu.memory_space<semaphore_mem>>) src(%dma_wait3A_127 : memref<10000x128xf32, #tpu.memory_space<hbm>>) dst(%arg15 : memref<128x128xf32, #tpu.memory_space<vmem>>)
        "tpu.region"() ({
          %run_scoped3A_154 = tpu.sem_alloc : memref<!tpu.dma_semaphore, #tpu.memory_space<semaphore_mem>>
          %dma_start3A_155 = arith.constant 0 : i32
          %dma_start3A_156 = tpu.memref_slice %arg14[%add3A_121, %dma_start3A_155] : memref<40x128xi32, #tpu.memory_space<vmem>> -> memref<1x128xi32, #tpu.memory_space<vmem>>
          %dma_start3A_157 = tpu.memref_squeeze %dma_start3A_156 : memref<1x128xi32, #tpu.memory_space<vmem>> -> memref<128xi32, #tpu.memory_space<vmem>>
          %dma_start3A_158 = arith.constant 0 : i32
          %dma_start3A_159 = arith.constant 0 : i32
          %dma_start3A_160 = tpu.memref_slice %arg17[%dma_start3A_158, %dma_start3A_159] : memref<10240x128xf32, #tpu.memory_space<vmem_shared>> -> memref<10240x128xf32, #tpu.memory_space<vmem_shared>>
          tpu.enqueue_indirect_dma source(%arg15 : memref<128x128xf32, #tpu.memory_space<vmem>>) target(%dma_start3A_160 : memref<10240x128xf32, #tpu.memory_space<vmem_shared>>) offsets(%dma_start3A_157 : memref<128xi32, #tpu.memory_space<vmem>>) semaphore(%run_scoped3A_154 : memref<!tpu.dma_semaphore, #tpu.memory_space<semaphore_mem>>) {add = true}
          %dma_wait3A_161 = arith.constant 0 : i32
          %dma_wait3A_162 = tpu.memref_slice %arg14[%add3A_121, %dma_wait3A_161] : memref<40x128xi32, #tpu.memory_space<vmem>> -> memref<1x128xi32, #tpu.memory_space<vmem>>
          %dma_wait3A_163 = tpu.memref_squeeze %dma_wait3A_162 : memref<1x128xi32, #tpu.memory_space<vmem>> -> memref<128xi32, #tpu.memory_space<vmem>>
          %dma_wait3A_164 = arith.constant 0 : i32
          %dma_wait3A_165 = arith.constant 0 : i32
          %dma_wait3A_166 = tpu.memref_slice %arg17[%dma_wait3A_164, %dma_wait3A_165] : memref<10240x128xf32, #tpu.memory_space<vmem_shared>> -> memref<10240x128xf32, #tpu.memory_space<vmem_shared>>
          tpu.wait_indirect_dma semaphore(%run_scoped3A_154 : memref<!tpu.dma_semaphore, #tpu.memory_space<semaphore_mem>>) src(%arg15 : memref<128x128xf32, #tpu.memory_space<vmem>>) dst(%dma_wait3A_166 : memref<10240x128xf32, #tpu.memory_space<vmem_shared>>)
          tpu.yield
        }) : () -> ()
        %add3A_128 = arith.constant 2 : i32
        %add3A_129 = arith.addi %add3A_121, %add3A_128 : i32
        %dma_start3A_130 = arith.constant 0 : i32
        %dma_start3A_131 = tpu.memref_slice %arg13[%add3A_129, %dma_start3A_130] : memref<40x128xi32, #tpu.memory_space<vmem>> -> memref<1x128xi32, #tpu.memory_space<vmem>>
        %dma_start3A_132 = tpu.memref_squeeze %dma_start3A_131 : memref<1x128xi32, #tpu.memory_space<vmem>> -> memref<128xi32, #tpu.memory_space<vmem>>
        %dma_start3A_133 = arith.constant 0 : i32
        %dma_start3A_134 = arith.constant 0 : i32
        %dma_start3A_135 = tpu.memref_slice %arg5[%dma_start3A_133, %dma_start3A_134] : memref<10000x128xf32, #tpu.memory_space<hbm>> -> memref<10000x128xf32, #tpu.memory_space<hbm>>
        tpu.enqueue_indirect_dma source(%dma_start3A_135 : memref<10000x128xf32, #tpu.memory_space<hbm>>) target(%arg15 : memref<128x128xf32, #tpu.memory_space<vmem>>) offsets(%dma_start3A_132 : memref<128xi32, #tpu.memory_space<vmem>>) semaphore(%arg18 : memref<!tpu.dma_semaphore, #tpu.memory_space<semaphore_mem>>)
        %mul3A_136 = arith.constant 2 : i32
        %mul3A_137 = arith.muli %scan3A_117, %mul3A_136 : i32
        %add3A_138 = arith.constant 1 : i32
        %add3A_139 = arith.addi %mul3A_137, %add3A_138 : i32
        %dma_wait3A_140 = arith.constant 0 : i32
        %dma_wait3A_141 = tpu.memref_slice %arg13[%add3A_139, %dma_wait3A_140] : memref<40x128xi32, #tpu.memory_space<vmem>> -> memref<1x128xi32, #tpu.memory_space<vmem>>
        %dma_wait3A_142 = tpu.memref_squeeze %dma_wait3A_141 : memref<1x128xi32, #tpu.memory_space<vmem>> -> memref<128xi32, #tpu.memory_space<vmem>>
        %dma_wait3A_143 = arith.constant 0 : i32
        %dma_wait3A_144 = arith.constant 0 : i32
        %dma_wait3A_145 = tpu.memref_slice %arg5[%dma_wait3A_143, %dma_wait3A_144] : memref<10000x128xf32, #tpu.memory_space<hbm>> -> memref<10000x128xf32, #tpu.memory_space<hbm>>
        tpu.wait_indirect_dma semaphore(%arg18 : memref<!tpu.dma_semaphore, #tpu.memory_space<semaphore_mem>>) src(%dma_wait3A_145 : memref<10000x128xf32, #tpu.memory_space<hbm>>) dst(%arg16 : memref<128x128xf32, #tpu.memory_space<vmem>>)
        "tpu.region"() ({
          %run_scoped3A_154 = tpu.sem_alloc : memref<!tpu.dma_semaphore, #tpu.memory_space<semaphore_mem>>
          %dma_start3A_155 = arith.constant 0 : i32
          %dma_start3A_156 = tpu.memref_slice %arg14[%add3A_139, %dma_start3A_155] : memref<40x128xi32, #tpu.memory_space<vmem>> -> memref<1x128xi32, #tpu.memory_space<vmem>>
          %dma_start3A_157 = tpu.memref_squeeze %dma_start3A_156 : memref<1x128xi32, #tpu.memory_space<vmem>> -> memref<128xi32, #tpu.memory_space<vmem>>
          %dma_start3A_158 = arith.constant 0 : i32
          %dma_start3A_159 = arith.constant 0 : i32
          %dma_start3A_160 = tpu.memref_slice %arg17[%dma_start3A_158, %dma_start3A_159] : memref<10240x128xf32, #tpu.memory_space<vmem_shared>> -> memref<10240x128xf32, #tpu.memory_space<vmem_shared>>
          tpu.enqueue_indirect_dma source(%arg16 : memref<128x128xf32, #tpu.memory_space<vmem>>) target(%dma_start3A_160 : memref<10240x128xf32, #tpu.memory_space<vmem_shared>>) offsets(%dma_start3A_157 : memref<128xi32, #tpu.memory_space<vmem>>) semaphore(%run_scoped3A_154 : memref<!tpu.dma_semaphore, #tpu.memory_space<semaphore_mem>>) {add = true}
          %dma_wait3A_161 = arith.constant 0 : i32
          %dma_wait3A_162 = tpu.memref_slice %arg14[%add3A_139, %dma_wait3A_161] : memref<40x128xi32, #tpu.memory_space<vmem>> -> memref<1x128xi32, #tpu.memory_space<vmem>>
          %dma_wait3A_163 = tpu.memref_squeeze %dma_wait3A_162 : memref<1x128xi32, #tpu.memory_space<vmem>> -> memref<128xi32, #tpu.memory_space<vmem>>
          %dma_wait3A_164 = arith.constant 0 : i32
          %dma_wait3A_165 = arith.constant 0 : i32
          %dma_wait3A_166 = tpu.memref_slice %arg17[%dma_wait3A_164, %dma_wait3A_165] : memref<10240x128xf32, #tpu.memory_space<vmem_shared>> -> memref<10240x128xf32, #tpu.memory_space<vmem_shared>>
          tpu.wait_indirect_dma semaphore(%run_scoped3A_154 : memref<!tpu.dma_semaphore, #tpu.memory_space<semaphore_mem>>) src(%arg16 : memref<128x128xf32, #tpu.memory_space<vmem>>) dst(%dma_wait3A_166 : memref<10240x128xf32, #tpu.memory_space<vmem_shared>>)
          tpu.yield
        }) : () -> ()
        %add3A_146 = arith.constant 2 : i32
        %add3A_147 = arith.addi %add3A_139, %add3A_146 : i32
        %dma_start3A_148 = arith.constant 0 : i32
        %dma_start3A_149 = tpu.memref_slice %arg13[%add3A_147, %dma_start3A_148] : memref<40x128xi32, #tpu.memory_space<vmem>> -> memref<1x128xi32, #tpu.memory_space<vmem>>
        %dma_start3A_150 = tpu.memref_squeeze %dma_start3A_149 : memref<1x128xi32, #tpu.memory_space<vmem>> -> memref<128xi32, #tpu.memory_space<vmem>>
        %dma_start3A_151 = arith.constant 0 : i32
        %dma_start3A_152 = arith.constant 0 : i32
        %dma_start3A_153 = tpu.memref_slice %arg5[%dma_start3A_151, %dma_start3A_152] : memref<10000x128xf32, #tpu.memory_space<hbm>> -> memref<10000x128xf32, #tpu.memory_space<hbm>>
        tpu.enqueue_indirect_dma source(%dma_start3A_153 : memref<10000x128xf32, #tpu.memory_space<hbm>>) target(%arg16 : memref<128x128xf32, #tpu.memory_space<vmem>>) offsets(%dma_start3A_150 : memref<128xi32, #tpu.memory_space<vmem>>) semaphore(%arg18 : memref<!tpu.dma_semaphore, #tpu.memory_space<semaphore_mem>>)
      }
      %scan3A_100 = arith.constant 19 : i32
      %dma_wait3A_101 = arith.constant 38 : i32
      %dma_wait3A_102 = arith.constant 0 : i32
      %dma_wait3A_103 = tpu.memref_slice %arg13[%dma_wait3A_101, %dma_wait3A_102] : memref<40x128xi32, #tpu.memory_space<vmem>> -> memref<1x128xi32, #tpu.memory_space<vmem>>
      %dma_wait3A_104 = tpu.memref_squeeze %dma_wait3A_103 : memref<1x128xi32, #tpu.memory_space<vmem>> -> memref<128xi32, #tpu.memory_space<vmem>>
      %dma_wait3A_105 = arith.constant 0 : i32
      %dma_wait3A_106 = arith.constant 0 : i32
      %dma_wait3A_107 = tpu.memref_slice %arg5[%dma_wait3A_105, %dma_wait3A_106] : memref<10000x128xf32, #tpu.memory_space<hbm>> -> memref<10000x128xf32, #tpu.memory_space<hbm>>
      tpu.wait_indirect_dma semaphore(%arg18 : memref<!tpu.dma_semaphore, #tpu.memory_space<semaphore_mem>>) src(%dma_wait3A_107 : memref<10000x128xf32, #tpu.memory_space<hbm>>) dst(%arg15 : memref<128x128xf32, #tpu.memory_space<vmem>>)
      %run_scoped3A_108 = arith.constant 38 : i32
      "tpu.region"() ({
        %run_scoped3A_117 = tpu.sem_alloc : memref<!tpu.dma_semaphore, #tpu.memory_space<semaphore_mem>>
        %dma_start3A_118 = arith.constant 0 : i32
        %dma_start3A_119 = tpu.memref_slice %arg14[%run_scoped3A_108, %dma_start3A_118] : memref<40x128xi32, #tpu.memory_space<vmem>> -> memref<1x128xi32, #tpu.memory_space<vmem>>
        %dma_start3A_120 = tpu.memref_squeeze %dma_start3A_119 : memref<1x128xi32, #tpu.memory_space<vmem>> -> memref<128xi32, #tpu.memory_space<vmem>>
        %dma_start3A_121 = arith.constant 0 : i32
        %dma_start3A_122 = arith.constant 0 : i32
        %dma_start3A_123 = tpu.memref_slice %arg17[%dma_start3A_121, %dma_start3A_122] : memref<10240x128xf32, #tpu.memory_space<vmem_shared>> -> memref<10240x128xf32, #tpu.memory_space<vmem_shared>>
        tpu.enqueue_indirect_dma source(%arg15 : memref<128x128xf32, #tpu.memory_space<vmem>>) target(%dma_start3A_123 : memref<10240x128xf32, #tpu.memory_space<vmem_shared>>) offsets(%dma_start3A_120 : memref<128xi32, #tpu.memory_space<vmem>>) semaphore(%run_scoped3A_117 : memref<!tpu.dma_semaphore, #tpu.memory_space<semaphore_mem>>) {add = true}
        %dma_wait3A_124 = arith.constant 0 : i32
        %dma_wait3A_125 = tpu.memref_slice %arg14[%run_scoped3A_108, %dma_wait3A_124] : memref<40x128xi32, #tpu.memory_space<vmem>> -> memref<1x128xi32, #tpu.memory_space<vmem>>
        %dma_wait3A_126 = tpu.memref_squeeze %dma_wait3A_125 : memref<1x128xi32, #tpu.memory_space<vmem>> -> memref<128xi32, #tpu.memory_space<vmem>>
        %dma_wait3A_127 = arith.constant 0 : i32
        %dma_wait3A_128 = arith.constant 0 : i32
        %dma_wait3A_129 = tpu.memref_slice %arg17[%dma_wait3A_127, %dma_wait3A_128] : memref<10240x128xf32, #tpu.memory_space<vmem_shared>> -> memref<10240x128xf32, #tpu.memory_space<vmem_shared>>
        tpu.wait_indirect_dma semaphore(%run_scoped3A_117 : memref<!tpu.dma_semaphore, #tpu.memory_space<semaphore_mem>>) src(%arg15 : memref<128x128xf32, #tpu.memory_space<vmem>>) dst(%dma_wait3A_129 : memref<10240x128xf32, #tpu.memory_space<vmem_shared>>)
        tpu.yield
      }) : () -> ()
      %dma_wait3A_109 = arith.constant 39 : i32
      %dma_wait3A_110 = arith.constant 0 : i32
      %dma_wait3A_111 = tpu.memref_slice %arg13[%dma_wait3A_109, %dma_wait3A_110] : memref<40x128xi32, #tpu.memory_space<vmem>> -> memref<1x128xi32, #tpu.memory_space<vmem>>
      %dma_wait3A_112 = tpu.memref_squeeze %dma_wait3A_111 : memref<1x128xi32, #tpu.memory_space<vmem>> -> memref<128xi32, #tpu.memory_space<vmem>>
      %dma_wait3A_113 = arith.constant 0 : i32
      %dma_wait3A_114 = arith.constant 0 : i32
      %dma_wait3A_115 = tpu.memref_slice %arg5[%dma_wait3A_113, %dma_wait3A_114] : memref<10000x128xf32, #tpu.memory_space<hbm>> -> memref<10000x128xf32, #tpu.memory_space<hbm>>
      tpu.wait_indirect_dma semaphore(%arg18 : memref<!tpu.dma_semaphore, #tpu.memory_space<semaphore_mem>>) src(%dma_wait3A_115 : memref<10000x128xf32, #tpu.memory_space<hbm>>) dst(%arg16 : memref<128x128xf32, #tpu.memory_space<vmem>>)
      %run_scoped3A_116 = arith.constant 39 : i32
      "tpu.region"() ({
        %run_scoped3A_117 = tpu.sem_alloc : memref<!tpu.dma_semaphore, #tpu.memory_space<semaphore_mem>>
        %dma_start3A_118 = arith.constant 0 : i32
        %dma_start3A_119 = tpu.memref_slice %arg14[%run_scoped3A_116, %dma_start3A_118] : memref<40x128xi32, #tpu.memory_space<vmem>> -> memref<1x128xi32, #tpu.memory_space<vmem>>
        %dma_start3A_120 = tpu.memref_squeeze %dma_start3A_119 : memref<1x128xi32, #tpu.memory_space<vmem>> -> memref<128xi32, #tpu.memory_space<vmem>>
        %dma_start3A_121 = arith.constant 0 : i32
        %dma_start3A_122 = arith.constant 0 : i32
        %dma_start3A_123 = tpu.memref_slice %arg17[%dma_start3A_121, %dma_start3A_122] : memref<10240x128xf32, #tpu.memory_space<vmem_shared>> -> memref<10240x128xf32, #tpu.memory_space<vmem_shared>>
        tpu.enqueue_indirect_dma source(%arg16 : memref<128x128xf32, #tpu.memory_space<vmem>>) target(%dma_start3A_123 : memref<10240x128xf32, #tpu.memory_space<vmem_shared>>) offsets(%dma_start3A_120 : memref<128xi32, #tpu.memory_space<vmem>>) semaphore(%run_scoped3A_117 : memref<!tpu.dma_semaphore, #tpu.memory_space<semaphore_mem>>) {add = true}
        %dma_wait3A_124 = arith.constant 0 : i32
        %dma_wait3A_125 = tpu.memref_slice %arg14[%run_scoped3A_116, %dma_wait3A_124] : memref<40x128xi32, #tpu.memory_space<vmem>> -> memref<1x128xi32, #tpu.memory_space<vmem>>
        %dma_wait3A_126 = tpu.memref_squeeze %dma_wait3A_125 : memref<1x128xi32, #tpu.memory_space<vmem>> -> memref<128xi32, #tpu.memory_space<vmem>>
        %dma_wait3A_127 = arith.constant 0 : i32
        %dma_wait3A_128 = arith.constant 0 : i32
        %dma_wait3A_129 = tpu.memref_slice %arg17[%dma_wait3A_127, %dma_wait3A_128] : memref<10240x128xf32, #tpu.memory_space<vmem_shared>> -> memref<10240x128xf32, #tpu.memory_space<vmem_shared>>
        tpu.wait_indirect_dma semaphore(%run_scoped3A_117 : memref<!tpu.dma_semaphore, #tpu.memory_space<semaphore_mem>>) src(%arg16 : memref<128x128xf32, #tpu.memory_space<vmem>>) dst(%dma_wait3A_129 : memref<10240x128xf32, #tpu.memory_space<vmem_shared>>)
        tpu.yield
      }) : () -> ()
    } else {
    }
    %barrier3A_31 = arith.constant 0 : index
    tpu.barrier barrier_id(%barrier3A_31)
    %eq3A_32 = arith.constant 0 : i32
    %eq3A_33 = arith.cmpi eq, %arg0, %eq3A_32 : i32
    %convert_element_type3A_34 = arith.extui %eq3A_33 : i1 to i32
    %cond3A_35 = arith.constant 0 : i32
    %cond3A_36 = arith.cmpi ne, %convert_element_type3A_34, %cond3A_35 : i32
    scf.if %cond3A_36 {
      "tpu.region"() ({
        %run_scoped3A = tpu.sem_alloc : memref<!tpu.dma_semaphore, #tpu.memory_space<semaphore_mem>>
        %dma_start3A = arith.constant 0 : i32
        %dma_start3A_42 = tpu.memref_slice %arg10[%mul3A_0, %dma_start3A] : memref<10240x128xf32, #tpu.memory_space<hbm>> -> memref<640x128xf32, #tpu.memory_space<hbm>>
        %dma_start3A_43 = arith.constant 0 : i32
        %dma_start3A_44 = tpu.memref_slice %arg17[%mul3A_0, %dma_start3A_43] : memref<10240x128xf32, #tpu.memory_space<vmem_shared>> -> memref<640x128xf32, #tpu.memory_space<vmem_shared>>
        tpu.enqueue_dma source(%dma_start3A_44 : memref<640x128xf32, #tpu.memory_space<vmem_shared>>) target(%dma_start3A_42 : memref<640x128xf32, #tpu.memory_space<hbm>>) target_semaphore(%run_scoped3A : memref<!tpu.dma_semaphore, #tpu.memory_space<semaphore_mem>>)
        %dma_wait3A = arith.constant 0 : i32
        %dma_wait3A_45 = tpu.memref_slice %arg10[%mul3A_0, %dma_wait3A] : memref<10240x128xf32, #tpu.memory_space<hbm>> -> memref<640x128xf32, #tpu.memory_space<hbm>>
        %dma_wait3A_46 = arith.constant 0 : i32
        %dma_wait3A_47 = tpu.memref_slice %arg17[%mul3A_0, %dma_wait3A_46] : memref<10240x128xf32, #tpu.memory_space<vmem_shared>> -> memref<640x128xf32, #tpu.memory_space<vmem_shared>>
        tpu.wait_dma2 semaphore(%run_scoped3A : memref<!tpu.dma_semaphore, #tpu.memory_space<semaphore_mem>>) src(%dma_wait3A_47 : memref<640x128xf32, #tpu.memory_space<vmem_shared>>) dst(%dma_wait3A_45 : memref<640x128xf32, #tpu.memory_space<hbm>>)
        tpu.yield
      }) : () -> ()
    } else {
    }
    %eq3A_37 = arith.constant 1 : i32
    %eq3A_38 = arith.cmpi eq, %arg0, %eq3A_37 : i32
    %convert_element_type3A_39 = arith.extui %eq3A_38 : i1 to i32
    %cond3A_40 = arith.constant 0 : i32
    %cond3A_41 = arith.cmpi ne, %convert_element_type3A_39, %cond3A_40 : i32
    scf.if %cond3A_41 {
      "tpu.region"() ({
        %run_scoped3A = tpu.sem_alloc : memref<!tpu.dma_semaphore, #tpu.memory_space<semaphore_mem>>
        %dma_start3A = arith.constant 0 : i32
        %dma_start3A_42 = tpu.memref_slice %arg12[%mul3A_0, %dma_start3A] : memref<10240x128xf32, #tpu.memory_space<hbm>> -> memref<640x128xf32, #tpu.memory_space<hbm>>
        %dma_start3A_43 = arith.constant 0 : i32
        %dma_start3A_44 = tpu.memref_slice %arg17[%mul3A_0, %dma_start3A_43] : memref<10240x128xf32, #tpu.memory_space<vmem_shared>> -> memref<640x128xf32, #tpu.memory_space<vmem_shared>>
        tpu.enqueue_dma source(%dma_start3A_44 : memref<640x128xf32, #tpu.memory_space<vmem_shared>>) target(%dma_start3A_42 : memref<640x128xf32, #tpu.memory_space<hbm>>) target_semaphore(%run_scoped3A : memref<!tpu.dma_semaphore, #tpu.memory_space<semaphore_mem>>)
        %dma_wait3A = arith.constant 0 : i32
        %dma_wait3A_45 = tpu.memref_slice %arg12[%mul3A_0, %dma_wait3A] : memref<10240x128xf32, #tpu.memory_space<hbm>> -> memref<640x128xf32, #tpu.memory_space<hbm>>
        %dma_wait3A_46 = arith.constant 0 : i32
        %dma_wait3A_47 = tpu.memref_slice %arg17[%mul3A_0, %dma_wait3A_46] : memref<10240x128xf32, #tpu.memory_space<vmem_shared>> -> memref<640x128xf32, #tpu.memory_space<vmem_shared>>
        tpu.wait_dma2 semaphore(%run_scoped3A : memref<!tpu.dma_semaphore, #tpu.memory_space<semaphore_mem>>) src(%dma_wait3A_47 : memref<640x128xf32, #tpu.memory_space<vmem_shared>>) dst(%dma_wait3A_45 : memref<640x128xf32, #tpu.memory_space<hbm>>)
        tpu.yield
      }) : () -> ()
    } else {
    }
    return
  }
}

module attributes {stable_mosaic.version = 14 : i64} {
  func.func @_scale_kernel(%arg0: i32, %arg1: memref<1000x256xf32, #tpu.memory_space<vmem>>, %arg2: memref<1000x128xf32, #tpu.memory_space<vmem>>, %arg3: memref<1000x128xf32, #tpu.memory_space<vmem>>, %arg4: memref<1000x128xf32, #tpu.memory_space<vmem>>, %arg5: memref<1000x128xf32, #tpu.memory_space<vmem>>) attributes {dimension_semantics = [#tpu.dimension_semantics<arbitrary>], iteration_bounds = array<i64: 10>, scalar_prefetch = 0 : i64, scratch_operands = 0 : i64, tpu.core_type = #tpu.core_type<tc>, window_params = [{transform_indices = @transform_0, window_bounds = array<i64: 1000, 256>}, {transform_indices = @transform_1, window_bounds = array<i64: 1000, 128>}, {transform_indices = @transform_2, window_bounds = array<i64: 1000, 128>}, {transform_indices = @transform_3, window_bounds = array<i64: 1000, 128>}, {transform_indices = @transform_4, window_bounds = array<i64: 1000, 128>}]} {
    %get3A = arith.constant 0 : index
    %get3A_0 = arith.constant 0 : index
    %get3A_1 = vector.load %arg2[%get3A, %get3A_0] : memref<1000x128xf32, #tpu.memory_space<vmem>>, vector<1000x1xf32>
    %get3A_2 = arith.constant 0 : index
    %get3A_3 = arith.constant 0 : index
    %get3A_4 = vector.load %arg3[%get3A_2, %get3A_3] : memref<1000x128xf32, #tpu.memory_space<vmem>>, vector<1000x1xf32>
    %add3A = arith.addf %get3A_1, %get3A_4 : vector<1000x1xf32>
    %add3A_5 = arith.constant 1.000000e+00 : f32
    %add3A_6 = vector.broadcast %add3A_5 : f32 to vector<1000x1xf32>
    %add3A_7 = arith.addf %add3A, %add3A_6 : vector<1000x1xf32>
    %rsqrt3A = math.rsqrt %add3A_7 : vector<1000x1xf32>
    %get3A_8 = arith.constant 0 : index
    %get3A_9 = arith.constant 0 : index
    %get3A_10 = vector.load %arg1[%get3A_8, %get3A_9] : memref<1000x256xf32, #tpu.memory_space<vmem>>, vector<1000x128xf32>
    %mul3A = vector.broadcast %rsqrt3A : vector<1000x1xf32> to vector<1000x128xf32>
    %mul3A_11 = arith.mulf %mul3A, %get3A_10 : vector<1000x128xf32>
    %swap3A = arith.constant 0 : index
    %swap3A_12 = arith.constant 0 : index
    %swap3A_13 = vector.load %arg4[%swap3A, %swap3A_12] : memref<1000x128xf32, #tpu.memory_space<vmem>>, vector<1000x128xf32>
    tpu.vector_store %arg4[%swap3A, %swap3A_12], %mul3A_11 {strides = array<i32>} : memref<1000x128xf32, #tpu.memory_space<vmem>>, vector<1000x128xf32>,
    %get3A_14 = arith.constant 0 : index
    %get3A_15 = arith.constant 128 : index
    %get3A_16 = vector.load %arg1[%get3A_14, %get3A_15] : memref<1000x256xf32, #tpu.memory_space<vmem>>, vector<1000x128xf32>
    %mul3A_17 = vector.broadcast %rsqrt3A : vector<1000x1xf32> to vector<1000x128xf32>
    %mul3A_18 = arith.mulf %mul3A_17, %get3A_16 : vector<1000x128xf32>
    %swap3A_19 = arith.constant 0 : index
    %swap3A_20 = arith.constant 0 : index
    %swap3A_21 = vector.load %arg5[%swap3A_19, %swap3A_20] : memref<1000x128xf32, #tpu.memory_space<vmem>>, vector<1000x128xf32>
    tpu.vector_store %arg5[%swap3A_19, %swap3A_20], %mul3A_18 {strides = array<i32>} : memref<1000x128xf32, #tpu.memory_space<vmem>>, vector<1000x128xf32>,
    return
  }
  func.func @transform_0(%arg0: i32) -> (i32, i32) {
    %c0_i32 = arith.constant 0 : i32
    %c0_i32_0 = arith.constant 0 : i32
    return %arg0, %c0_i32 : i32, i32
  }
  func.func @transform_1(%arg0: i32) -> (i32, i32) {
    %c0_i32 = arith.constant 0 : i32
    %c0_i32_0 = arith.constant 0 : i32
    return %arg0, %c0_i32 : i32, i32
  }
  func.func @transform_2(%arg0: i32) -> (i32, i32) {
    %c0_i32 = arith.constant 0 : i32
    %c0_i32_0 = arith.constant 0 : i32
    return %arg0, %c0_i32 : i32, i32
  }
  func.func @transform_3(%arg0: i32) -> (i32, i32) {
    %c0_i32 = arith.constant 0 : i32
    %c0_i32_0 = arith.constant 0 : i32
    return %arg0, %c0_i32 : i32, i32
  }
  func.func @transform_4(%arg0: i32) -> (i32, i32) {
    %c0_i32 = arith.constant 0 : i32
    %c0_i32_0 = arith.constant 0 : i32
    return %arg0, %c0_i32 : i32, i32
  }
}

module attributes {stable_mosaic.version = 14 : i64} {
  func.func @_hidden_kernel(%arg0: i32, %arg1: memref<1000x128xf32, #tpu.memory_space<vmem>>, %arg2: memref<1000x128xf32, #tpu.memory_space<vmem>>, %arg3: memref<1000x128xf32, #tpu.memory_space<vmem>>, %arg4: memref<1000x128xf32, #tpu.memory_space<vmem>>, %arg5: memref<1000x128xf32, #tpu.memory_space<vmem>>, %arg6: memref<1000x128xf32, #tpu.memory_space<vmem>>, %arg7: memref<256x512xf32, #tpu.memory_space<vmem>>, %arg8: memref<8x512xf32, #tpu.memory_space<vmem>>, %arg9: memref<1000x128xf32, #tpu.memory_space<vmem>>, %arg10: memref<1000x128xf32, #tpu.memory_space<vmem>>, %arg11: memref<1000x128xf32, #tpu.memory_space<vmem>>, %arg12: memref<1000x128xf32, #tpu.memory_space<vmem>>) attributes {dimension_semantics = [#tpu.dimension_semantics<arbitrary>], iteration_bounds = array<i64: 10>, scalar_prefetch = 0 : i64, scratch_operands = 0 : i64, tpu.core_type = #tpu.core_type<tc>, window_params = [{transform_indices = @transform_0, window_bounds = array<i64: 1000, 128>}, {transform_indices = @transform_1, window_bounds = array<i64: 1000, 128>}, {transform_indices = @transform_2, window_bounds = array<i64: 1000, 128>}, {transform_indices = @transform_3, window_bounds = array<i64: 1000, 128>}, {transform_indices = @transform_4, window_bounds = array<i64: 1000, 128>}, {transform_indices = @transform_5, window_bounds = array<i64: 1000, 128>}, {pipeline_mode = #tpu.pipeline_mode<synchronous>, transform_indices = @transform_6, window_bounds = array<i64: 256, 512>}, {pipeline_mode = #tpu.pipeline_mode<synchronous>, transform_indices = @transform_7, window_bounds = array<i64: 8, 512>}, {transform_indices = @transform_8, window_bounds = array<i64: 1000, 128>}, {transform_indices = @transform_9, window_bounds = array<i64: 1000, 128>}, {transform_indices = @transform_10, window_bounds = array<i64: 1000, 128>}, {transform_indices = @transform_11, window_bounds = array<i64: 1000, 128>}]} {
    %get3A = arith.constant 0 : index
    %get3A_0 = arith.constant 0 : index
    %get3A_1 = vector.load %arg5[%get3A, %get3A_0] : memref<1000x128xf32, #tpu.memory_space<vmem>>, vector<1000x1xf32>
    %get3A_2 = arith.constant 0 : index
    %get3A_3 = arith.constant 0 : index
    %get3A_4 = vector.load %arg6[%get3A_2, %get3A_3] : memref<1000x128xf32, #tpu.memory_space<vmem>>, vector<1000x1xf32>
    %add3A = arith.addf %get3A_1, %get3A_4 : vector<1000x1xf32>
    %add3A_5 = arith.constant 1.000000e+00 : f32
    %add3A_6 = vector.broadcast %add3A_5 : f32 to vector<1000x1xf32>
    %add3A_7 = arith.addf %add3A, %add3A_6 : vector<1000x1xf32>
    %rsqrt3A = math.rsqrt %add3A_7 : vector<1000x1xf32>
    %get3A_8 = arith.constant 0 : index
    %get3A_9 = arith.constant 0 : index
    %get3A_10 = vector.load %arg1[%get3A_8, %get3A_9] : memref<1000x128xf32, #tpu.memory_space<vmem>>, vector<1000x128xf32>
    %get3A_11 = arith.constant 0 : index
    %get3A_12 = arith.constant 0 : index
    %get3A_13 = vector.load %arg3[%get3A_11, %get3A_12] : memref<1000x128xf32, #tpu.memory_space<vmem>>, vector<1000x128xf32>
    %add3A_14 = arith.addf %get3A_10, %get3A_13 : vector<1000x128xf32>
    %mul3A = vector.broadcast %rsqrt3A : vector<1000x1xf32> to vector<1000x128xf32>
    %mul3A_15 = arith.mulf %mul3A, %add3A_14 : vector<1000x128xf32>
    %get3A_16 = arith.constant 0 : index
    %get3A_17 = arith.constant 0 : index
    %get3A_18 = vector.load %arg2[%get3A_16, %get3A_17] : memref<1000x128xf32, #tpu.memory_space<vmem>>, vector<1000x128xf32>
    %get3A_19 = arith.constant 0 : index
    %get3A_20 = arith.constant 0 : index
    %get3A_21 = vector.load %arg4[%get3A_19, %get3A_20] : memref<1000x128xf32, #tpu.memory_space<vmem>>, vector<1000x128xf32>
    %add3A_22 = arith.addf %get3A_18, %get3A_21 : vector<1000x128xf32>
    %mul3A_23 = vector.broadcast %rsqrt3A : vector<1000x1xf32> to vector<1000x128xf32>
    %mul3A_24 = arith.mulf %mul3A_23, %add3A_22 : vector<1000x128xf32>
    %concatenate3A = tpu.concatenate %mul3A_15, %mul3A_24 in 1 : vector<1000x128xf32>, vector<1000x128xf32> -> vector<1000x256xf32>
    %get3A_25 = arith.constant 0 : index
    %get3A_26 = arith.constant 0 : index
    %get3A_27 = vector.load %arg7[%get3A_25, %get3A_26] : memref<256x512xf32, #tpu.memory_space<vmem>>, vector<256x512xf32>
    %dot_general3A = arith.constant dense<0.000000e+00> : vector<1000x512xf32>
    %dot_general3A_28 = tpu.matmul %concatenate3A, %get3A_27, %dot_general3A {dimension_numbers = #tpu.dot_dimension_numbers<[1], [0], [0], [1], [0, 0, 1, 1], [], []>, transpose_lhs_hint = false} : vector<1000x256xf32>, vector<256x512xf32>, vector<1000x512xf32> -> vector<1000x512xf32>
    %get3A_29 = arith.constant 0 : index
    %get3A_30 = arith.constant 0 : index
    %get3A_31 = vector.load %arg8[%get3A_29, %get3A_30] : memref<8x512xf32, #tpu.memory_space<vmem>>, vector<1x512xf32>
    %add3A_32 = vector.broadcast %get3A_31 : vector<1x512xf32> to vector<1000x512xf32>
    %add3A_33 = arith.addf %dot_general3A_28, %add3A_32 : vector<1000x512xf32>
    %max3A = arith.constant 0.000000e+00 : f32
    %max3A_34 = vector.broadcast %max3A : f32 to vector<1000x512xf32>
    %max3A_35 = arith.maximumf %add3A_33, %max3A_34 : vector<1000x512xf32>
    %slice3A = vector.extract_strided_slice %max3A_35 {offsets = [0, 0], sizes = [1000, 128], strides = [1, 1]} : vector<1000x512xf32> to vector<1000x128xf32>
    %mul3A_36 = vector.broadcast %rsqrt3A : vector<1000x1xf32> to vector<1000x128xf32>
    %mul3A_37 = arith.mulf %mul3A_36, %slice3A : vector<1000x128xf32>
    %swap3A = arith.constant 0 : index
    %swap3A_38 = arith.constant 0 : index
    %swap3A_39 = vector.load %arg9[%swap3A, %swap3A_38] : memref<1000x128xf32, #tpu.memory_space<vmem>>, vector<1000x128xf32>
    tpu.vector_store %arg9[%swap3A, %swap3A_38], %mul3A_37 {strides = array<i32>} : memref<1000x128xf32, #tpu.memory_space<vmem>>, vector<1000x128xf32>,
    %slice3A_40 = vector.extract_strided_slice %max3A_35 {offsets = [0, 128], sizes = [1000, 128], strides = [1, 1]} : vector<1000x512xf32> to vector<1000x128xf32>
    %mul3A_41 = vector.broadcast %rsqrt3A : vector<1000x1xf32> to vector<1000x128xf32>
    %mul3A_42 = arith.mulf %mul3A_41, %slice3A_40 : vector<1000x128xf32>
    %swap3A_43 = arith.constant 0 : index
    %swap3A_44 = arith.constant 0 : index
    %swap3A_45 = vector.load %arg10[%swap3A_43, %swap3A_44] : memref<1000x128xf32, #tpu.memory_space<vmem>>, vector<1000x128xf32>
    tpu.vector_store %arg10[%swap3A_43, %swap3A_44], %mul3A_42 {strides = array<i32>} : memref<1000x128xf32, #tpu.memory_space<vmem>>, vector<1000x128xf32>,
    %slice3A_46 = vector.extract_strided_slice %max3A_35 {offsets = [0, 256], sizes = [1000, 128], strides = [1, 1]} : vector<1000x512xf32> to vector<1000x128xf32>
    %mul3A_47 = vector.broadcast %rsqrt3A : vector<1000x1xf32> to vector<1000x128xf32>
    %mul3A_48 = arith.mulf %mul3A_47, %slice3A_46 : vector<1000x128xf32>
    %swap3A_49 = arith.constant 0 : index
    %swap3A_50 = arith.constant 0 : index
    %swap3A_51 = vector.load %arg11[%swap3A_49, %swap3A_50] : memref<1000x128xf32, #tpu.memory_space<vmem>>, vector<1000x128xf32>
    tpu.vector_store %arg11[%swap3A_49, %swap3A_50], %mul3A_48 {strides = array<i32>} : memref<1000x128xf32, #tpu.memory_space<vmem>>, vector<1000x128xf32>,
    %slice3A_52 = vector.extract_strided_slice %max3A_35 {offsets = [0, 384], sizes = [1000, 128], strides = [1, 1]} : vector<1000x512xf32> to vector<1000x128xf32>
    %mul3A_53 = vector.broadcast %rsqrt3A : vector<1000x1xf32> to vector<1000x128xf32>
    %mul3A_54 = arith.mulf %mul3A_53, %slice3A_52 : vector<1000x128xf32>
    %swap3A_55 = arith.constant 0 : index
    %swap3A_56 = arith.constant 0 : index
    %swap3A_57 = vector.load %arg12[%swap3A_55, %swap3A_56] : memref<1000x128xf32, #tpu.memory_space<vmem>>, vector<1000x128xf32>
    tpu.vector_store %arg12[%swap3A_55, %swap3A_56], %mul3A_54 {strides = array<i32>} : memref<1000x128xf32, #tpu.memory_space<vmem>>, vector<1000x128xf32>,
    return
  }
  func.func @transform_0(%arg0: i32) -> (i32, i32) {
    %c0_i32 = arith.constant 0 : i32
    %c0_i32_0 = arith.constant 0 : i32
    return %arg0, %c0_i32 : i32, i32
  }
  func.func @transform_1(%arg0: i32) -> (i32, i32) {
    %c0_i32 = arith.constant 0 : i32
    %c0_i32_0 = arith.constant 0 : i32
    return %arg0, %c0_i32 : i32, i32
  }
  func.func @transform_2(%arg0: i32) -> (i32, i32) {
    %c0_i32 = arith.constant 0 : i32
    %c0_i32_0 = arith.constant 0 : i32
    return %arg0, %c0_i32 : i32, i32
  }
  func.func @transform_3(%arg0: i32) -> (i32, i32) {
    %c0_i32 = arith.constant 0 : i32
    %c0_i32_0 = arith.constant 0 : i32
    return %arg0, %c0_i32 : i32, i32
  }
  func.func @transform_4(%arg0: i32) -> (i32, i32) {
    %c0_i32 = arith.constant 0 : i32
    %c0_i32_0 = arith.constant 0 : i32
    return %arg0, %c0_i32 : i32, i32
  }
  func.func @transform_5(%arg0: i32) -> (i32, i32) {
    %c0_i32 = arith.constant 0 : i32
    %c0_i32_0 = arith.constant 0 : i32
    return %arg0, %c0_i32 : i32, i32
  }
  func.func @transform_6(%arg0: i32) -> (i32, i32) {
    %c0_i32 = arith.constant 0 : i32
    %c0_i32_0 = arith.constant 0 : i32
    %c0_i32_1 = arith.constant 0 : i32
    return %c0_i32, %c0_i32_0 : i32, i32
  }
  func.func @transform_7(%arg0: i32) -> (i32, i32) {
    %c0_i32 = arith.constant 0 : i32
    %c0_i32_0 = arith.constant 0 : i32
    %c0_i32_1 = arith.constant 0 : i32
    return %c0_i32, %c0_i32_0 : i32, i32
  }
  func.func @transform_8(%arg0: i32) -> (i32, i32) {
    %c0_i32 = arith.constant 0 : i32
    %c0_i32_0 = arith.constant 0 : i32
    return %arg0, %c0_i32 : i32, i32
  }
  func.func @transform_9(%arg0: i32) -> (i32, i32) {
    %c0_i32 = arith.constant 0 : i32
    %c0_i32_0 = arith.constant 0 : i32
    return %arg0, %c0_i32 : i32, i32
  }
  func.func @transform_10(%arg0: i32) -> (i32, i32) {
    %c0_i32 = arith.constant 0 : i32
    %c0_i32_0 = arith.constant 0 : i32
    return %arg0, %c0_i32 : i32, i32
  }
  func.func @transform_11(%arg0: i32) -> (i32, i32) {
    %c0_i32 = arith.constant 0 : i32
    %c0_i32_0 = arith.constant 0 : i32
    return %arg0, %c0_i32 : i32, i32
  }
}

module attributes {stable_mosaic.version = 14 : i64} {
  func.func @_head_kernel(%arg0: i32, %arg1: memref<1000x128xf32, #tpu.memory_space<vmem>>, %arg2: memref<1000x128xf32, #tpu.memory_space<vmem>>, %arg3: memref<1000x128xf32, #tpu.memory_space<vmem>>, %arg4: memref<1000x128xf32, #tpu.memory_space<vmem>>, %arg5: memref<1000x128xf32, #tpu.memory_space<vmem>>, %arg6: memref<1000x128xf32, #tpu.memory_space<vmem>>, %arg7: memref<1000x128xf32, #tpu.memory_space<vmem>>, %arg8: memref<1000x128xf32, #tpu.memory_space<vmem>>, %arg9: memref<1000x128xf32, #tpu.memory_space<vmem>>, %arg10: memref<1000x128xf32, #tpu.memory_space<vmem>>, %arg11: memref<512x512xf32, #tpu.memory_space<vmem>>, %arg12: memref<8x512xf32, #tpu.memory_space<vmem>>, %arg13: memref<1000x512xf32, #tpu.memory_space<vmem>>) attributes {dimension_semantics = [#tpu.dimension_semantics<arbitrary>], iteration_bounds = array<i64: 10>, scalar_prefetch = 0 : i64, scratch_operands = 0 : i64, tpu.core_type = #tpu.core_type<tc>, window_params = [{transform_indices = @transform_0, window_bounds = array<i64: 1000, 128>}, {transform_indices = @transform_1, window_bounds = array<i64: 1000, 128>}, {transform_indices = @transform_2, window_bounds = array<i64: 1000, 128>}, {transform_indices = @transform_3, window_bounds = array<i64: 1000, 128>}, {transform_indices = @transform_4, window_bounds = array<i64: 1000, 128>}, {transform_indices = @transform_5, window_bounds = array<i64: 1000, 128>}, {transform_indices = @transform_6, window_bounds = array<i64: 1000, 128>}, {transform_indices = @transform_7, window_bounds = array<i64: 1000, 128>}, {transform_indices = @transform_8, window_bounds = array<i64: 1000, 128>}, {transform_indices = @transform_9, window_bounds = array<i64: 1000, 128>}, {pipeline_mode = #tpu.pipeline_mode<synchronous>, transform_indices = @transform_10, window_bounds = array<i64: 512, 512>}, {pipeline_mode = #tpu.pipeline_mode<synchronous>, transform_indices = @transform_11, window_bounds = array<i64: 8, 512>}, {transform_indices = @transform_12, window_bounds = array<i64: 1000, 512>}]} {
    %get3A = arith.constant 0 : index
    %get3A_0 = arith.constant 0 : index
    %get3A_1 = vector.load %arg9[%get3A, %get3A_0] : memref<1000x128xf32, #tpu.memory_space<vmem>>, vector<1000x1xf32>
    %get3A_2 = arith.constant 0 : index
    %get3A_3 = arith.constant 0 : index
    %get3A_4 = vector.load %arg10[%get3A_2, %get3A_3] : memref<1000x128xf32, #tpu.memory_space<vmem>>, vector<1000x1xf32>
    %add3A = arith.addf %get3A_1, %get3A_4 : vector<1000x1xf32>
    %add3A_5 = arith.constant 1.000000e+00 : f32
    %add3A_6 = vector.broadcast %add3A_5 : f32 to vector<1000x1xf32>
    %add3A_7 = arith.addf %add3A, %add3A_6 : vector<1000x1xf32>
    %rsqrt3A = math.rsqrt %add3A_7 : vector<1000x1xf32>
    %get3A_8 = arith.constant 0 : index
    %get3A_9 = arith.constant 0 : index
    %get3A_10 = vector.load %arg1[%get3A_8, %get3A_9] : memref<1000x128xf32, #tpu.memory_space<vmem>>, vector<1000x128xf32>
    %get3A_11 = arith.constant 0 : index
    %get3A_12 = arith.constant 0 : index
    %get3A_13 = vector.load %arg5[%get3A_11, %get3A_12] : memref<1000x128xf32, #tpu.memory_space<vmem>>, vector<1000x128xf32>
    %add3A_14 = arith.addf %get3A_10, %get3A_13 : vector<1000x128xf32>
    %mul3A = vector.broadcast %rsqrt3A : vector<1000x1xf32> to vector<1000x128xf32>
    %mul3A_15 = arith.mulf %mul3A, %add3A_14 : vector<1000x128xf32>
    %get3A_16 = arith.constant 0 : index
    %get3A_17 = arith.constant 0 : index
    %get3A_18 = vector.load %arg2[%get3A_16, %get3A_17] : memref<1000x128xf32, #tpu.memory_space<vmem>>, vector<1000x128xf32>
    %get3A_19 = arith.constant 0 : index
    %get3A_20 = arith.constant 0 : index
    %get3A_21 = vector.load %arg6[%get3A_19, %get3A_20] : memref<1000x128xf32, #tpu.memory_space<vmem>>, vector<1000x128xf32>
    %add3A_22 = arith.addf %get3A_18, %get3A_21 : vector<1000x128xf32>
    %mul3A_23 = vector.broadcast %rsqrt3A : vector<1000x1xf32> to vector<1000x128xf32>
    %mul3A_24 = arith.mulf %mul3A_23, %add3A_22 : vector<1000x128xf32>
    %get3A_25 = arith.constant 0 : index
    %get3A_26 = arith.constant 0 : index
    %get3A_27 = vector.load %arg3[%get3A_25, %get3A_26] : memref<1000x128xf32, #tpu.memory_space<vmem>>, vector<1000x128xf32>
    %get3A_28 = arith.constant 0 : index
    %get3A_29 = arith.constant 0 : index
    %get3A_30 = vector.load %arg7[%get3A_28, %get3A_29] : memref<1000x128xf32, #tpu.memory_space<vmem>>, vector<1000x128xf32>
    %add3A_31 = arith.addf %get3A_27, %get3A_30 : vector<1000x128xf32>
    %mul3A_32 = vector.broadcast %rsqrt3A : vector<1000x1xf32> to vector<1000x128xf32>
    %mul3A_33 = arith.mulf %mul3A_32, %add3A_31 : vector<1000x128xf32>
    %get3A_34 = arith.constant 0 : index
    %get3A_35 = arith.constant 0 : index
    %get3A_36 = vector.load %arg4[%get3A_34, %get3A_35] : memref<1000x128xf32, #tpu.memory_space<vmem>>, vector<1000x128xf32>
    %get3A_37 = arith.constant 0 : index
    %get3A_38 = arith.constant 0 : index
    %get3A_39 = vector.load %arg8[%get3A_37, %get3A_38] : memref<1000x128xf32, #tpu.memory_space<vmem>>, vector<1000x128xf32>
    %add3A_40 = arith.addf %get3A_36, %get3A_39 : vector<1000x128xf32>
    %mul3A_41 = vector.broadcast %rsqrt3A : vector<1000x1xf32> to vector<1000x128xf32>
    %mul3A_42 = arith.mulf %mul3A_41, %add3A_40 : vector<1000x128xf32>
    %concatenate3A = tpu.concatenate %mul3A_15, %mul3A_24, %mul3A_33, %mul3A_42 in 1 : vector<1000x128xf32>, vector<1000x128xf32>, vector<1000x128xf32>, vector<1000x128xf32> -> vector<1000x512xf32>
    %get3A_43 = arith.constant 0 : index
    %get3A_44 = arith.constant 0 : index
    %get3A_45 = vector.load %arg11[%get3A_43, %get3A_44] : memref<512x512xf32, #tpu.memory_space<vmem>>, vector<512x512xf32>
    %dot_general3A = arith.constant dense<0.000000e+00> : vector<1000x512xf32>
    %dot_general3A_46 = tpu.matmul %concatenate3A, %get3A_45, %dot_general3A {dimension_numbers = #tpu.dot_dimension_numbers<[1], [0], [0], [1], [0, 0, 1, 1], [], []>, transpose_lhs_hint = false} : vector<1000x512xf32>, vector<512x512xf32>, vector<1000x512xf32> -> vector<1000x512xf32>
    %get3A_47 = arith.constant 0 : index
    %get3A_48 = arith.constant 0 : index
    %get3A_49 = vector.load %arg12[%get3A_47, %get3A_48] : memref<8x512xf32, #tpu.memory_space<vmem>>, vector<1x512xf32>
    %add3A_50 = vector.broadcast %get3A_49 : vector<1x512xf32> to vector<1000x512xf32>
    %add3A_51 = arith.addf %dot_general3A_46, %add3A_50 : vector<1000x512xf32>
    %swap3A = arith.constant 0 : index
    %swap3A_52 = arith.constant 0 : index
    %swap3A_53 = vector.load %arg13[%swap3A, %swap3A_52] : memref<1000x512xf32, #tpu.memory_space<vmem>>, vector<1000x512xf32>
    tpu.vector_store %arg13[%swap3A, %swap3A_52], %add3A_51 {strides = array<i32>} : memref<1000x512xf32, #tpu.memory_space<vmem>>, vector<1000x512xf32>,
    return
  }
  func.func @transform_0(%arg0: i32) -> (i32, i32) {
    %c0_i32 = arith.constant 0 : i32
    %c0_i32_0 = arith.constant 0 : i32
    return %arg0, %c0_i32 : i32, i32
  }
  func.func @transform_1(%arg0: i32) -> (i32, i32) {
    %c0_i32 = arith.constant 0 : i32
    %c0_i32_0 = arith.constant 0 : i32
    return %arg0, %c0_i32 : i32, i32
  }
  func.func @transform_2(%arg0: i32) -> (i32, i32) {
    %c0_i32 = arith.constant 0 : i32
    %c0_i32_0 = arith.constant 0 : i32
    return %arg0, %c0_i32 : i32, i32
  }
  func.func @transform_3(%arg0: i32) -> (i32, i32) {
    %c0_i32 = arith.constant 0 : i32
    %c0_i32_0 = arith.constant 0 : i32
    return %arg0, %c0_i32 : i32, i32
  }
  func.func @transform_4(%arg0: i32) -> (i32, i32) {
    %c0_i32 = arith.constant 0 : i32
    %c0_i32_0 = arith.constant 0 : i32
    return %arg0, %c0_i32 : i32, i32
  }
  func.func @transform_5(%arg0: i32) -> (i32, i32) {
    %c0_i32 = arith.constant 0 : i32
    %c0_i32_0 = arith.constant 0 : i32
    return %arg0, %c0_i32 : i32, i32
  }
  func.func @transform_6(%arg0: i32) -> (i32, i32) {
    %c0_i32 = arith.constant 0 : i32
    %c0_i32_0 = arith.constant 0 : i32
    return %arg0, %c0_i32 : i32, i32
  }
  func.func @transform_7(%arg0: i32) -> (i32, i32) {
    %c0_i32 = arith.constant 0 : i32
    %c0_i32_0 = arith.constant 0 : i32
    return %arg0, %c0_i32 : i32, i32
  }
  func.func @transform_8(%arg0: i32) -> (i32, i32) {
    %c0_i32 = arith.constant 0 : i32
    %c0_i32_0 = arith.constant 0 : i32
    return %arg0, %c0_i32 : i32, i32
  }
  func.func @transform_9(%arg0: i32) -> (i32, i32) {
    %c0_i32 = arith.constant 0 : i32
    %c0_i32_0 = arith.constant 0 : i32
    return %arg0, %c0_i32 : i32, i32
  }
  func.func @transform_10(%arg0: i32) -> (i32, i32) {
    %c0_i32 = arith.constant 0 : i32
    %c0_i32_0 = arith.constant 0 : i32
    %c0_i32_1 = arith.constant 0 : i32
    return %c0_i32, %c0_i32_0 : i32, i32
  }
  func.func @transform_11(%arg0: i32) -> (i32, i32) {
    %c0_i32 = arith.constant 0 : i32
    %c0_i32_0 = arith.constant 0 : i32
    %c0_i32_1 = arith.constant 0 : i32
    return %c0_i32, %c0_i32_0 : i32, i32
  }
  func.func @transform_12(%arg0: i32) -> (i32, i32) {
    %c0_i32 = arith.constant 0 : i32
    %c0_i32_0 = arith.constant 0 : i32
    return %arg0, %c0_i32 : i32, i32
  }
}

</mosaic_0001>

<sc_bundles>
// kernel: kernel.11.cloned.1.call-start
scs
__scs_entry_jumppad:
0x0: {  	(pc) =	sbr.rel $0x88, $3  }
0x1: {  	(tag) =	ssettag $0x0;
	lr =	simm.s32 $0x1  }
0x2: {  	[smem:$0x3F99] =	sst lr;
	_ =	strace $0xD0000000  }
0x3: {  	_ = 	snop  }
0x4: {  	_ = 	snop  }
0x5: {  	_ = 	snop  }
0x6: {  	_ = 	snop  }
0x7: {  	_ = 	snop  }
__scs_overlays_trampoline_lowered:
0x8: {  	[smem:$0x3FA8] =	sst s0  }
0x9: {  	[smem:$0x3FA9] =	sst s1  }
0xa: {  	[smem:$0x3FAA] =	sst s2  }
0xb: {  	[smem:$0x3FAB] =	sst s3  }
0xc: {  	[smem:$0x3FAC] =	sst s4  }
0xd: {  	[smem:$0x3FAD] =	sst s5  }
0xe: {  	[smem:$0x3FAE] =	sst s6  }
0xf: {  	[smem:$0x3FAF] =	sst s7  }
0x10: {  	[smem:$0x3FB0] =	sst s8  }
0x11: {  	[smem:$0x3FB1] =	sst s9;
	s0 =	simm.s32 @!p0 $0x0  }
0x12: {  	s1 =	sld [smem:$0x3F97];
	s0 =	simm.s32 @p0 $0x1  }
0x13: {  	[smem:$0x3FB2] =	sst s0;
	s0 =	simm.s32 @!p1 $0x0  }
0x14: {  	s2 =	sld [smem:$0x3F96];
	s0 =	simm.s32 @p1 $0x1  }
0x15: {  	[smem:$0x3FB3] =	sst s0;
	s0 =	simm.s32 @!p2 $0x0  }
0x16: {  	s3 =	sld [smem:$0x3FDB];
	s0 =	simm.s32 @p2 $0x1  }
0x17: {  	s4 =	simm.s32 $0x1BF5;
	[smem:$0x3FB5] =	sst s0  }
0x18: {  	s0 =	sld [smem:$0x3F98];
	_ =	swait.ge [sflag:s4], $0x0  }
0x19: {  	s7 =	sld [smem:$0x3F99]  }
0x1a: {  	s8 =	sadd.s32 $0xFFFFE003, lr  }
0x1b: {  	s9 =	sadd.s32 $0xFFFFFEF7, lr;
	s5 =	simm.s32 $0xFFFFFFFF;
	p2 =	slt.u32 s8, $0xFFFFF086  }
0x1c: {  	p1 =	slt.u32 s9, $0xF7A;
	s5 =	simm.s32 @!p2 $0x0  }
0x1d: {  	s5 =	simm.s32 @p1 $0x1;
	p0 =	seq.s32 s7, s2  }
0x1e: {  	s7 =	smul.u32 @!p0 $0xF7A, s2;
	p2 =	seq.s32 @!p0 s5, $0x0  }
0x1f: {  	s9 =	smul.u32 $0xF7A, s1;
	s8 =	simm.s32 @!p0 $0x1BF5;
	p2 =	por !p2, p0  }
0x20: {  	[sflag:s8] =	ssyncset.s32 @!p0 $0xFFFFF086;
	s6 =	sadd.s32 @!p0 s3, s7;
	s7 =	simm.s32 @!p0 $0x108  }
0x21: {  	s3 =	sadd.s32 s3, s9;
	s6 =	sadd.s32 @!p0 $0x88, s6;
	s7 =	simm.s32 @p2 $0x1082  }
0x22: {  	[simem:s7], [sflag:s8] =	dma.local @!p0 [hbm:s6], $0xF7A  }
0x23: {  	s9 =	sor.u32 $0xD0000000, s2;
	s6 =	simm.s32 $0x108;
	_ =	swait.ge @!p0 [sflag:s8], $0x0  }
0x24: {  	s3 =	sadd.s32 $0x88, s3;
	s6 =	simm.s32 @!p1 $0x1082;
	[sflag:s4] =	ssyncset.s32 $0xFFFFF086  }
0x25: {  	[simem:s6], [sflag:s4] =	dma.local [hbm:s3], $0xF7A  }
0x26: {  	[smem:$0x3F99] =	sst s1;
	(tag) =	ssettag s2;
	_ =	strace s9  }
0x27: {  	s1 =	sld [smem:$0x3FA9]  }
0x28: {  	s2 =	sld [smem:$0x3FAA]  }
0x29: {  	s4 =	sld [smem:$0x3FAC]  }
0x2a: {  	p0 =	seq.s32 s5, $0x0;
	s5 =	sld [smem:$0x3FAD]  }
0x2b: {  	s6 =	sld [smem:$0x3FAE]  }
0x2c: {  	s7 =	sld [smem:$0x3FAF]  }
0x2d: {  	s3 =	simm.s32 $0x108;
	s8 =	sld [smem:$0x3FB0]  }
0x2e: {  	s3 =	simm.s32 @!p0 $0x1082;
	s9 =	sld [smem:$0x3FB1]  }
0x2f: {  	lr =	sadd.s32 s0, s3;
	s0 =	sld [smem:$0x3FA8]  }
0x30: {  	s3 =	sld [smem:$0x3FAB]  }
0x31: {  	[smem:$0x3FB4] =	sst s10  }
0x32: {  	s10 =	sld [smem:$0x3FB2];
	_ =	sdelay $0x3  }
0x33: {  	p0 =	seq.s32 s10, $0x1;
	s10 =	sld [smem:$0x3FB4];
	_ =	sdelay $0x3  }
0x34: {  	[smem:$0x3FB4] =	sst s10  }
0x35: {  	s10 =	sld [smem:$0x3FB3];
	_ =	sdelay $0x3  }
0x36: {  	p1 =	seq.s32 s10, $0x1;
	s10 =	sld [smem:$0x3FB4];
	_ =	sdelay $0x3  }
0x37: {  	[smem:$0x3FB4] =	sst s10  }
0x38: {  	s10 =	sld [smem:$0x3FB5]  }
0x39: {  	_ = 	snop;
	(pc) =	sbr.ind lr, $3  }
0x3a: {  	_ = 	snop  }
0x3b: {  	_ = 	snop  }
0x3c: {  	p2 =	seq.s32 s10, $0x1;
	s10 =	sld [smem:$0x3FB4]  }
0x3d: {  	_ =	shalt  }
0x3e: {  	_ =	shalt  }
0x3f: {  	_ =	shalt  }
0x40: {  	_ =	shalt  }
0x41: {  	_ =	shalt  }
0x42: {  	_ =	shalt  }
0x43: {  	_ =	shalt  }
0x44: {  	_ =	shalt  }
0x45: {  	_ =	shalt  }
0x46: {  	_ =	shalt  }
0x47: {  	_ =	shalt  }
0x48: {  	_ =	shalt  }
0x49: {  	_ =	shalt  }
0x4a: {  	_ =	shalt  }
0x4b: {  	_ =	shalt  }
0x4c: {  	_ =	shalt  }
0x4d: {  	_ =	shalt  }
0x4e: {  	_ =	shalt  }
0x4f: {  	_ =	shalt  }
0x50: {  	_ =	shalt  }
0x51: {  	_ =	shalt  }
0x52: {  	_ =	shalt  }
0x53: {  	_ =	shalt  }
0x54: {  	_ =	shalt  }
0x55: {  	_ =	shalt  }
0x56: {  	_ =	shalt  }
0x57: {  	_ =	shalt  }
0x58: {  	_ =	shalt  }
0x59: {  	_ =	shalt  }
0x5a: {  	_ =	shalt  }
0x5b: {  	_ =	shalt  }
0x5c: {  	_ =	shalt  }
0x5d: {  	_ =	shalt  }
0x5e: {  	_ =	shalt  }
0x5f: {  	_ =	shalt  }
0x60: {  	_ =	shalt  }
0x61: {  	_ =	shalt  }
0x62: {  	_ =	shalt  }
0x63: {  	_ =	shalt  }
0x64: {  	_ =	shalt  }
0x65: {  	_ =	shalt  }
0x66: {  	_ =	shalt  }
0x67: {  	_ =	shalt  }
0x68: {  	_ =	shalt  }
0x69: {  	_ =	shalt  }
0x6a: {  	_ =	shalt  }
0x6b: {  	_ =	shalt  }
0x6c: {  	_ =	shalt  }
0x6d: {  	_ =	shalt  }
0x6e: {  	_ =	shalt  }
0x6f: {  	_ =	shalt  }
0x70: {  	_ =	shalt  }
0x71: {  	_ =	shalt  }
0x72: {  	_ =	shalt  }
0x73: {  	_ =	shalt  }
0x74: {  	_ =	shalt  }
0x75: {  	_ =	shalt  }
0x76: {  	_ =	shalt  }
0x77: {  	_ =	shalt  }
0x78: {  	_ =	shalt  }
0x79: {  	_ =	shalt  }
0x7a: {  	_ =	shalt  }
0x7b: {  	_ =	shalt  }
0x7c: {  	_ =	shalt  }
0x7d: {  	_ =	shalt  }
0x7e: {  	_ =	shalt  }
0x7f: {  	_ =	shalt  }
0x80: {  	_ =	shalt  }
0x81: {  	_ =	shalt  }
0x82: {  	_ =	shalt  }
0x83: {  	_ =	shalt  }
0x84: {  	_ =	shalt  }
0x85: {  	_ =	shalt  }
0x86: {  	_ =	shalt  }
0x87: {  	_ =	shalt  }
.Lfunc_end0:
.L_simem_size_0:
called_computation.1_lowered:
.L_overlay_start_0:
0x88: {  	s2 =	sld [smem:$0x3FD9]  }
0x89: {  	s3 =	sld [smem:$0x3FFE];
	_ =	sdelay $0x1  }
0x8a: {  	s1 =	srdreg.scid  }
0x8b: {  	s0 =	sand.u32 $0x1, s1  }
0x8c: {  	s14 =	sshll.u32 s0, $0xA;
	s2 =	sadd.s32 s3, s2  }
0x8d: {  	s2 =	sadd.s32 s2, s14  }
0x8e: {  	[smem:$0x3FC0] =	sst s2  }
0x8f: {  	_ = 	snop  }
0x90: {  	s2 =	sld [smem:$0x3FD0];
	_ =	sdelay $0x2  }
0x91: {  	s15 =	simm.s32 $0xA;
	s4 =	simm.s32 $0x10  }
0x92: {  	[smem:s4], [sflag:s15] =	dma.local [hbm:s2], $0x1  }
0x93: {  	_ =	swait.eq [sflag:s15], $0x1  }
0x94: {  	[sflag:s15] =	ssyncset.done $0x0  }
0x95: {  	[sflag:s15] =	ssyncadd.s32 $0xFFFFFFFF  }
0x96: {  	s16 =	sld [smem:$0x10];
	(tm) =	ssettm $0x1  }
0x97: {  	s17 =	sld [smem:$0x3FFB];
	_ =	sdelay $0x3  }
0x98: {  	_ =	strace s17  }
0x99: {  	s3 =	sld [smem:$0x3FFC];
	_ =	sdelay $0x3  }
0x9a: {  	_ =	strace s3  }
0x9b: {  	s3 =	sld [smem:$0x3FFD];
	_ =	sdelay $0x3  }
0x9c: {  	_ =	strace s3  }
0x9d: {  	_ =	strace $0x8FFFFFFF  }
0x9e: {  	s18 =	sld [smem:$0x3FDB];
	_ =	sdelay $0x1  }
0x9f: {  	s19 =	simm.s32 $_scs_section_size  }
0xa0: {  	s5 =	simm.s32 $_size__tile_overlayer_lowered;
	s6 =	simm.s32 $_tile_overlayer_lowered  }
0xa1: {  	s22 =	simm.s32 $0x1BFF;
	s21 =	sshll.u32 s6, $0x1;
	s3 =	sadd.s32 s19, s18  }
0xa2: {  	s7 =	simm.s32 $0x0;
	s20 =	sshll.u32 s5, $0x1;
	s5 =	sadd.s32 s21, s3  }
0xa3: {  	[timem:s7], [sflag:s22] =	dma.local [hbm:s5], s20  }
0xa4: {  	_ =	swait.ge [sflag:s22], s20  }
0xa5: {  	s4 =	ssub.s32 $0x0, s20;
	[sflag:s22] =	ssyncset.done $0x0  }
0xa6: {  	[sflag:s22] =	ssyncadd.s32 s4;
	_ =	sdelay $0x1  }
0xa7: {  	s23 =	simm.s32 $0x1B8B  }
0xa8: {  	_ =	swait.ge [sflag:s23], $0x1  }
0xa9: {  	[sflag:s23] =	ssyncset.done $0x0  }
0xaa: {  	s25 =	simm.s32 $0x1B8E;
	s24 =	sld [smem:$0x3FFE];
	[sflag:s23] =	ssyncadd.s32 $0xFFFFFFFF  }
0xab: {  	s26 =	simm.s32 $execute0_lowered;
	[smem:$0x3FD2] =	sst s25  }
0xac: {  	s5 =	sshll.u32 s26, $0x1;
	_ =	strace $0x80000049;
	[dreg:$0x1] =	wrdreg $0xFFFFFFFF  }
0xad: {  	s28 =	simm.s32 $_size_execute0_lowered;
	s3 =	sadd.s32 s3, s5;
	[dreg:$0x0] =	wrdreg $0x0  }
0xae: {  	s5 =	sshll.u32 s28, $0x1;
	[dreg:$0x2] =	wrdreg s3  }
0xaf: {  	[dreg:$0x3] =	wrdreg s5  }
0xb0: {  	[dreg:$0x4] =	wrdreg $0xC0  }
0xb1: {  	_ =	task [dreg:s7], $0x5FFFF  }
0xb2: {  	[dreg:$0x1] =	wrdreg $0xFFFFFFFF  }
0xb3: {  	[dreg:$0x0] =	wrdreg $0x60  }
0xb4: {  	[dreg:$0x2] =	wrdreg s24  }
0xb5: {  	[dreg:$0x3] =	wrdreg s16  }
0xb6: {  	[dreg:$0x4] =	wrdreg $0xA8000  }
0xb7: {  	[dreg:$0x5] =	wrdreg $0x9  }
0xb8: {  	_ =	task.clear_ibuf [dreg:s7], $0x6FFFF;
	_ =	strace $0x90000049  }
0xb9: {  	s29 =	simm.s32 $0x9;
	_ =	strace $0x8000004B  }
0xba: {  	_ =	swait.ge [sflag:s29], $0x1  }
0xbb: {  	[sflag:s29] =	ssyncadd.s32 $0xFFFFFFFF  }
0xbc: {  	_ =	strace $0x9000004B  }
0xbd: {  	_ =	sfence  }
0xbe: {  	s30 =	sld [smem:$0x0];
	_ =	sdelay $0x2  }
0xbf: {  	s31 =	sshll.u32 s1, $0xD;
	s1 =	sshrl.u32 s1, $0x2  }
0xc0: {  	s3 =	sand.u32 $0x4000, s31;
	s1 =	sadd.s32 s1, s30  }
0xc1: {  	s0 =	sor.u32 s3, s0;
	s1 =	sshll.u32 s1, $0x11  }
0xc2: {  	s0 =	sor.u32 s1, s0  }
0xc3: {  	s0 =	sadd.s32 $0x8F2B, s0  }
0xc4: {  	[sflag:s0] =	ssyncadd.remote.s32 $0x1  }
0xc5: {  	_ =	sfence.sel $0xFFFF  }
0xc6: {  	[dreg:$0x0] =	wrdreg $0xFFFFFFFF;
	(pc) =	sbr.abs _section_cstart, $3  }
0xc7: {  	[dreg:$0x1] =	wrdreg $0xFFFFFFFF  }
0xc8: {  	_ =	task.clear_ibuf [dreg:s7], $0x2FFFF;
	_ =	strace $0x9FFFFFFF  }
0xc9: {  	(tm) =	ssettm $0x7FFFFFFF  }
tec
execute0_lowered:
.L_overlay_start_1:
0x0: {  	(tag) =	ssettag $0x1  }
0x1: {  	s7 =	rddreg [dreg:$0x0]  }
0x2: {  	s9 =	rddreg [dreg:$0x1]  }
0x3: {  	s1 =	rddreg [dreg:$0x2]  }
0x4: {  	s0 =	rddreg [dreg:$0x3]  }
0x5: {  	s2 =	simm.s32 $0x0;
	s6 =	srdreg.scid;
	s3 =	stileid.u32  }
0x6: {  	s19 =	simm.s32 $0x80;
	s20 =	simm.s32 $0x2800;
	s21 =	simm.s32 $0x6800  }
0x7: {  	s22 =	simm.s32 $0x1;
	s23 =	simm.s32 $0x2700;
	s24 =	simm.s32 $0x2780  }
0x8: {  	s25 =	simm.s32 $0x0;
	[smem:$0x7FF] =	sst s2;
	s4 =	sadd.s32 $0x37200, s7  }
0x9: {  	s5 =	sadd.s32 $0x5E400, s7;
	s13 =	sadd.s32 $0x5200, s7;
	s14 =	sadd.s32 $0xA200, s7  }
0xa: {  	s16 =	sand.u32 $0x1, s6;
	s8 =	smul.u32 $0x50000, s3;
	s6 =	sadd.s32 $0x85600, s7  }
0xb: {  	s7 =	sadd.s32 $0xAD600, s7;
	s30 =	smul.u32 $0x500, s3;
	s31 =	sshll.u32 s3, $0x6  }
0xc: {  	_ =	strace $0x8000004A;
	s10 =	ssub.s32 $0x2, s16;
	p0 =	sne.s32 s16, $0x0  }
0xd: {  	s11 =	sshrl.u32 s10, $0x1;
	s12 =	sshrl.u32 s8, $0x2;
	s8 =	smul.u32 $0x2800, s3  }
.Ltmp0:
0xe: {  	s15 =	ssub.s32 s10, s11;
	s17 =	sadd.s32 s12, s1;
	(pc) =	sbr.rel .LBB2_1-.Ltmp0, $4  }
0xf: {  	s10 =	sor.u32 $0x1C02, s31;
	s11 =	sadd.s32 s13, s30;
	s12 =	sadd.s32 s14, s30  }
0x10: {  	s9 =	sadd.s32 s9, s8;
	s18 =	sshrl.u32 s8, $0x3;
	s15 =	smax.u32 s15, $0x1  }
0x11: {  	s16 =	sshrl.u32 s17, $0x3;
	s17 =	simm.s32 $0x2;
	s18 =	sadd.s32 $0x280, s18  }
0x12: {  	s13 =	sadd.s32 s13, s18;
	s14 =	sadd.s32 s14, s18;
	s18 =	simm.s32 $0x1400  }
.LBB2_11:
0x13: {  	[tilespmem:s21], [sflag:$0x1] =	stream.indirect.gather [hbm4b:s5+s19], $0x80, s28, s19, $0xb8;
	[tilespmem:$0x1E800] =	vst v63  }
0x14: {  	s26 =	smov.u32 s7  }
.LBB2_12:
0x15: {  	_ =	swait.ge [sflag:s22], $0x4000  }
0x16: {  	[sflag:s22] =	ssyncset.done $0x0  }
0x17: {  	[sflag:s22] =	ssyncadd.s32 $0xFFFFC000  }
0x18: {  	[spmem:s1] =	stream.indirect.scatter.add.f32 [tilespmem:s20], [sflag:$0x2], $0x80, s23, s19, $0xb8;
	[tilespmem:$0x1E800] =	vst v63  }
0x19: {  	_ =	swait.ge [sflag:s17], $0x4000  }
0x1a: {  	[sflag:s17] =	ssyncset.done $0x0  }
0x1b: {  	[sflag:s17] =	ssyncadd.s32 $0xFFFFC000  }
0x1c: {  	_ =	swait.ge [sflag:s22], $0x4000  }
0x1d: {  	[sflag:s22] =	ssyncset.done $0x0  }
0x1e: {  	[sflag:s22] =	ssyncadd.s32 $0xFFFFC000  }
0x1f: {  	[spmem:s1] =	stream.indirect.scatter.add.f32 [tilespmem:s21], [sflag:$0x2], $0x80, s24, s19, $0xb8;
	[tilespmem:$0x1E800] =	vst v63  }
0x20: {  	_ =	swait.ge [sflag:s17], $0x4000  }
0x21: {  	s25 =	sadd.s32 $0x1, s25;
	[sflag:s17] =	ssyncset.done $0x0  }
0x22: {  	p1 =	sne.s32 s25, s15;
	[sflag:s17] =	ssyncadd.s32 $0xFFFFC000  }
.Ltmp1:
0x23: {  	s26 =	sadd.s32 s26, s8;
	[bflag:$0x0] =	sbarrier.arrive $0xFFFF;
	(pc) =	sbr.rel @!p1 .LBB2_13-.Ltmp1, $4  }
0x24: {  	[hbm:s26], [sflag:s10] =	dma.local [spmem:s16], $0x2800  }
0x25: {  	_ =	swait.ge [sflag:s17], $0x2800  }
0x26: {  	[sflag:s17] =	ssyncset.done $0x0  }
0x27: {  	[sflag:s17] =	ssyncadd.s32 $0xFFFFD800  }
.LBB2_1:
0x28: {  	[spmem:s16], [sflag:s10] =	dma.local [hbm:s9], $0x2800  }
0x29: {  	_ =	swait.ge [sflag:s17], $0x2800  }
0x2a: {  	[sflag:s17] =	ssyncset.done $0x0  }
0x2b: {  	[sflag:s17] =	ssyncadd.s32 $0xFFFFD800  }
0x2c: {  	[bflag:$0x0] =	sbarrier.arrive $0xFFFF  }
0x2d: {  	[tilespmem:s2], [sflag:$0x2] =	stream.linear.gather [hbm4b:s11+s2], $0x1400, $0x38;
	[tilespmem:$0x1E800] =	vst v63  }
0x2e: {  	_ =	swait.ge [sflag:s17], $0x1400  }
0x2f: {  	[sflag:s17] =	ssyncset.done $0x0  }
.Ltmp2:
0x30: {  	[sflag:s17] =	ssyncadd.s32 $0xFFFFEC00;
	(pc) =	sbr.rel @p0 .LBB2_7-.Ltmp2, $4  }
0x31: {  	[tilespmem:s18], [sflag:$0x2] =	stream.linear.gather [hbm4b:s12+s2], $0x1400, $0x38;
	[tilespmem:$0x1E800] =	vst v63  }
0x32: {  	_ =	swait.ge [sflag:s17], $0x1400  }
0x33: {  	[sflag:s17] =	ssyncset.done $0x0  }
0x34: {  	s26 =	simm.s32 $0x0;
	[sflag:s17] =	ssyncadd.s32 $0xFFFFEC00  }
0x35: {  	[tilespmem:s20], [sflag:$0x1] =	stream.indirect.gather [hbm4b:s4+s19], $0x80, s26, s19, $0xb8;
	[tilespmem:$0x1E800] =	vst v63  }
0x36: {  	_ = 	snop  }
0x37: {  	[tilespmem:s21], [sflag:$0x1] =	stream.indirect.gather [hbm4b:s4+s19], $0x80, s19, s19, $0xb8;
	[tilespmem:$0x1E800] =	vst v63  }
0x38: {  	_ =	swait.ge [sflag:s22], $0x4000  }
0x39: {  	[sflag:s22] =	ssyncset.done $0x0  }
0x3a: {  	s29 =	simm.s32 $0x1400;
	[sflag:s22] =	ssyncadd.s32 $0xFFFFC000  }
0x3b: {  	[spmem:s1] =	stream.indirect.scatter.add.f32 [tilespmem:s20], [sflag:$0x2], $0x80, s29, s19, $0xb8;
	[tilespmem:$0x1E800] =	vst v63  }
0x3c: {  	_ =	swait.ge [sflag:s17], $0x4000  }
0x3d: {  	[sflag:s17] =	ssyncset.done $0x0  }
0x3e: {  	s30 =	simm.s32 $0x100;
	[sflag:s17] =	ssyncadd.s32 $0xFFFFC000  }
0x3f: {  	[tilespmem:s20], [sflag:$0x1] =	stream.indirect.gather [hbm4b:s4+s19], $0x80, s30, s19, $0xb8;
	[tilespmem:$0x1E800] =	vst v63  }
0x40: {  	_ =	swait.ge [sflag:s22], $0x4000  }
0x41: {  	[sflag:s22] =	ssyncset.done $0x0  }
0x42: {  	s31 =	simm.s32 $0x1480;
	[sflag:s22] =	ssyncadd.s32 $0xFFFFC000  }
0x43: {  	[spmem:s1] =	stream.indirect.scatter.add.f32 [tilespmem:s21], [sflag:$0x2], $0x80, s31, s19, $0xb8;
	[tilespmem:$0x1E800] =	vst v63  }
0x44: {  	_ =	swait.ge [sflag:s17], $0x4000  }
0x45: {  	[sflag:s17] =	ssyncset.done $0x0  }
0x46: {  	s26 =	simm.s32 $0x400;
	s28 =	simm.s32 $0x180;
	[sflag:s17] =	ssyncadd.s32 $0xFFFFC000  }
.LBB2_3:
0x47: {  	[tilespmem:s21], [sflag:$0x1] =	stream.indirect.gather [hbm4b:s4+s19], $0x80, s28, s19, $0xb8;
	[tilespmem:$0x1E800] =	vst v63  }
0x48: {  	s28 =	smov.u32 s26  }
0x49: {  	p1 =	sne.s32 s26, $0x4800;
	s26 =	sadd.s32 $0x400, s26;
	_ =	swait.ge [sflag:s22], $0x4000  }
0x4a: {  	s28 =	sshra.s32 s28, $0x2;
	[sflag:s22] =	ssyncset.done $0x0  }
0x4b: {  	s29 =	sadd.s32 $0x1400, s28;
	[sflag:s22] =	ssyncadd.s32 $0xFFFFC000  }
0x4c: {  	[spmem:s1] =	stream.indirect.scatter.add.f32 [tilespmem:s20], [sflag:$0x2], $0x80, s29, s19, $0xb8;
	[tilespmem:$0x1E800] =	vst v63  }
0x4d: {  	_ =	swait.ge [sflag:s17], $0x4000  }
0x4e: {  	[sflag:s17] =	ssyncset.done $0x0  }
0x4f: {  	s29 =	sadd.s32 $0x100, s28;
	[sflag:s17] =	ssyncadd.s32 $0xFFFFC000  }
0x50: {  	[tilespmem:s20], [sflag:$0x1] =	stream.indirect.gather [hbm4b:s4+s19], $0x80, s29, s19, $0xb8;
	[tilespmem:$0x1E800] =	vst v63  }
0x51: {  	_ =	swait.ge [sflag:s22], $0x4000  }
0x52: {  	[sflag:s22] =	ssyncset.done $0x0  }
.Ltmp3:
0x53: {  	s29 =	sadd.s32 $0x1480, s28;
	[sflag:s22] =	ssyncadd.s32 $0xFFFFC000;
	(pc) =	sbr.rel @p1 .LBB2_3-.Ltmp3, $4  }
0x54: {  	[spmem:s1] =	stream.indirect.scatter.add.f32 [tilespmem:s21], [sflag:$0x2], $0x80, s29, s19, $0xb8;
	[tilespmem:$0x1E800] =	vst v63  }
0x55: {  	_ =	swait.ge [sflag:s17], $0x4000  }
0x56: {  	[sflag:s17] =	ssyncset.done $0x0  }
0x57: {  	s28 =	sadd.s32 $0x180, s28;
	[sflag:s17] =	ssyncadd.s32 $0xFFFFC000  }
0x58: {  	[tilespmem:s21], [sflag:$0x1] =	stream.indirect.gather [hbm4b:s4+s19], $0x80, s28, s19, $0xb8;
	[tilespmem:$0x1E800] =	vst v63  }
0x59: {  	_ =	swait.ge [sflag:s22], $0x4000  }
0x5a: {  	[sflag:s22] =	ssyncset.done $0x0  }
0x5b: {  	[sflag:s22] =	ssyncadd.s32 $0xFFFFC000  }
0x5c: {  	[spmem:s1] =	stream.indirect.scatter.add.f32 [tilespmem:s20], [sflag:$0x2], $0x80, s23, s19, $0xb8;
	[tilespmem:$0x1E800] =	vst v63  }
0x5d: {  	_ =	swait.ge [sflag:s17], $0x4000  }
0x5e: {  	[sflag:s17] =	ssyncset.done $0x0  }
0x5f: {  	[sflag:s17] =	ssyncadd.s32 $0xFFFFC000  }
0x60: {  	_ =	swait.ge [sflag:s22], $0x4000  }
0x61: {  	[sflag:s22] =	ssyncset.done $0x0  }
0x62: {  	[sflag:s22] =	ssyncadd.s32 $0xFFFFC000  }
0x63: {  	[spmem:s1] =	stream.indirect.scatter.add.f32 [tilespmem:s21], [sflag:$0x2], $0x80, s24, s19, $0xb8;
	[tilespmem:$0x1E800] =	vst v63  }
0x64: {  	_ =	swait.ge [sflag:s17], $0x4000  }
0x65: {  	[sflag:s17] =	ssyncset.done $0x0  }
0x66: {  	s26 =	simm.s32 $0x0;
	[sflag:s17] =	ssyncadd.s32 $0xFFFFC000  }
0x67: {  	[tilespmem:s26], [sflag:$0x2] =	stream.linear.gather [hbm4b:s13+s26], $0x1400, $0x38;
	[tilespmem:$0x1E800] =	vst v63  }
0x68: {  	_ =	swait.ge [sflag:s17], $0x1400  }
0x69: {  	[sflag:s17] =	ssyncset.done $0x0  }
0x6a: {  	[sflag:s17] =	ssyncadd.s32 $0xFFFFEC00  }
0x6b: {  	[tilespmem:s18], [sflag:$0x2] =	stream.linear.gather [hbm4b:s14+s26], $0x1400, $0x38;
	[tilespmem:$0x1E800] =	vst v63  }
0x6c: {  	_ =	swait.ge [sflag:s17], $0x1400  }
0x6d: {  	[sflag:s17] =	ssyncset.done $0x0  }
0x6e: {  	[sflag:s17] =	ssyncadd.s32 $0xFFFFEC00  }
0x6f: {  	[tilespmem:s20], [sflag:$0x1] =	stream.indirect.gather [hbm4b:s4+s19], $0x80, s26, s19, $0xb8;
	[tilespmem:$0x1E800] =	vst v63  }
0x70: {  	_ = 	snop  }
0x71: {  	[tilespmem:s21], [sflag:$0x1] =	stream.indirect.gather [hbm4b:s4+s19], $0x80, s19, s19, $0xb8;
	[tilespmem:$0x1E800] =	vst v63  }
0x72: {  	_ =	swait.ge [sflag:s22], $0x4000  }
0x73: {  	[sflag:s22] =	ssyncset.done $0x0  }
0x74: {  	s29 =	simm.s32 $0x1400;
	[sflag:s22] =	ssyncadd.s32 $0xFFFFC000  }
0x75: {  	[spmem:s1] =	stream.indirect.scatter.add.f32 [tilespmem:s20], [sflag:$0x2], $0x80, s29, s19, $0xb8;
	[tilespmem:$0x1E800] =	vst v63  }
0x76: {  	_ =	swait.ge [sflag:s17], $0x4000  }
0x77: {  	[sflag:s17] =	ssyncset.done $0x0  }
0x78: {  	s30 =	simm.s32 $0x100;
	[sflag:s17] =	ssyncadd.s32 $0xFFFFC000  }
0x79: {  	[tilespmem:s20], [sflag:$0x1] =	stream.indirect.gather [hbm4b:s4+s19], $0x80, s30, s19, $0xb8;
	[tilespmem:$0x1E800] =	vst v63  }
0x7a: {  	_ =	swait.ge [sflag:s22], $0x4000  }
0x7b: {  	[sflag:s22] =	ssyncset.done $0x0  }
0x7c: {  	s31 =	simm.s32 $0x1480;
	[sflag:s22] =	ssyncadd.s32 $0xFFFFC000  }
0x7d: {  	[spmem:s1] =	stream.indirect.scatter.add.f32 [tilespmem:s21], [sflag:$0x2], $0x80, s31, s19, $0xb8;
	[tilespmem:$0x1E800] =	vst v63  }
0x7e: {  	_ =	swait.ge [sflag:s17], $0x4000  }
0x7f: {  	[sflag:s17] =	ssyncset.done $0x0  }
0x80: {  	s28 =	simm.s32 $0x180;
	s26 =	simm.s32 $0x400;
	[sflag:s17] =	ssyncadd.s32 $0xFFFFC000  }
.LBB2_5:
0x81: {  	[tilespmem:s21], [sflag:$0x1] =	stream.indirect.gather [hbm4b:s4+s19], $0x80, s28, s19, $0xb8;
	[tilespmem:$0x1E800] =	vst v63  }
0x82: {  	s28 =	smov.u32 s26  }
0x83: {  	p1 =	seq.s32 s26, $0x4800;
	s26 =	sadd.s32 $0x400, s26;
	_ =	swait.ge [sflag:s22], $0x4000  }
0x84: {  	s28 =	sshra.s32 s28, $0x2;
	[sflag:s22] =	ssyncset.done $0x0  }
0x85: {  	s29 =	sadd.s32 $0x1400, s28;
	[sflag:s22] =	ssyncadd.s32 $0xFFFFC000  }
0x86: {  	[spmem:s1] =	stream.indirect.scatter.add.f32 [tilespmem:s20], [sflag:$0x2], $0x80, s29, s19, $0xb8;
	[tilespmem:$0x1E800] =	vst v63  }
0x87: {  	_ =	swait.ge [sflag:s17], $0x4000  }
0x88: {  	[sflag:s17] =	ssyncset.done $0x0  }
0x89: {  	s29 =	sadd.s32 $0x100, s28;
	[sflag:s17] =	ssyncadd.s32 $0xFFFFC000  }
0x8a: {  	[tilespmem:s20], [sflag:$0x1] =	stream.indirect.gather [hbm4b:s4+s19], $0x80, s29, s19, $0xb8;
	[tilespmem:$0x1E800] =	vst v63  }
0x8b: {  	_ =	swait.ge [sflag:s22], $0x4000  }
0x8c: {  	[sflag:s22] =	ssyncset.done $0x0  }
.Ltmp4:
0x8d: {  	s29 =	sadd.s32 $0x1480, s28;
	[sflag:s22] =	ssyncadd.s32 $0xFFFFC000;
	(pc) =	sbr.rel @!p1 .LBB2_5-.Ltmp4, $4  }
0x8e: {  	[spmem:s1] =	stream.indirect.scatter.add.f32 [tilespmem:s21], [sflag:$0x2], $0x80, s29, s19, $0xb8;
	[tilespmem:$0x1E800] =	vst v63  }
0x8f: {  	_ =	swait.ge [sflag:s17], $0x4000  }
0x90: {  	[sflag:s17] =	ssyncset.done $0x0  }
0x91: {  	s28 =	sadd.s32 $0x180, s28;
	[sflag:s17] =	ssyncadd.s32 $0xFFFFC000  }
.Ltmp5:
0x92: {  	(pc) =	sbr.rel .LBB2_12-.Ltmp5, $3  }
0x93: {  	_ =	sdelay $0x1  }
0x94: {  	[tilespmem:s21], [sflag:$0x1] =	stream.indirect.gather [hbm4b:s4+s19], $0x80, s28, s19, $0xb8;
	[tilespmem:$0x1E800] =	vst v63  }
0x95: {  	s26 =	smov.u32 s6  }
.LBB2_7:
0x96: {  	[tilespmem:s20], [sflag:$0x1] =	stream.indirect.gather [hbm4b:s5+s19], $0x80, s26, s19, $0xb8;
	[tilespmem:$0x1E800] =	vst v63  }
0x97: {  	_ = 	snop  }
0x98: {  	[tilespmem:s21], [sflag:$0x1] =	stream.indirect.gather [hbm4b:s5+s19], $0x80, s19, s19, $0xb8;
	[tilespmem:$0x1E800] =	vst v63  }
0x99: {  	_ =	swait.ge [sflag:s22], $0x4000  }
0x9a: {  	[sflag:s22] =	ssyncset.done $0x0  }
0x9b: {  	s29 =	simm.s32 $0x1400;
	[sflag:s22] =	ssyncadd.s32 $0xFFFFC000  }
0x9c: {  	[spmem:s1] =	stream.indirect.scatter.add.f32 [tilespmem:s20], [sflag:$0x2], $0x80, s29, s19, $0xb8;
	[tilespmem:$0x1E800] =	vst v63  }
0x9d: {  	_ =	swait.ge [sflag:s17], $0x4000  }
0x9e: {  	[sflag:s17] =	ssyncset.done $0x0  }
0x9f: {  	s30 =	simm.s32 $0x100;
	[sflag:s17] =	ssyncadd.s32 $0xFFFFC000  }
0xa0: {  	[tilespmem:s20], [sflag:$0x1] =	stream.indirect.gather [hbm4b:s5+s19], $0x80, s30, s19, $0xb8;
	[tilespmem:$0x1E800] =	vst v63  }
0xa1: {  	_ =	swait.ge [sflag:s22], $0x4000  }
0xa2: {  	[sflag:s22] =	ssyncset.done $0x0  }
0xa3: {  	s31 =	simm.s32 $0x1480;
	[sflag:s22] =	ssyncadd.s32 $0xFFFFC000  }
0xa4: {  	[spmem:s1] =	stream.indirect.scatter.add.f32 [tilespmem:s21], [sflag:$0x2], $0x80, s31, s19, $0xb8;
	[tilespmem:$0x1E800] =	vst v63  }
0xa5: {  	_ =	swait.ge [sflag:s17], $0x4000  }
0xa6: {  	[sflag:s17] =	ssyncset.done $0x0  }
0xa7: {  	s26 =	simm.s32 $0x400;
	s28 =	simm.s32 $0x180;
	[sflag:s17] =	ssyncadd.s32 $0xFFFFC000  }
.LBB2_8:
0xa8: {  	[tilespmem:s21], [sflag:$0x1] =	stream.indirect.gather [hbm4b:s5+s19], $0x80, s28, s19, $0xb8;
	[tilespmem:$0x1E800] =	vst v63  }
0xa9: {  	s28 =	smov.u32 s26  }
0xaa: {  	p1 =	sne.s32 s26, $0x4800;
	s26 =	sadd.s32 $0x400, s26;
	_ =	swait.ge [sflag:s22], $0x4000  }
0xab: {  	s28 =	sshra.s32 s28, $0x2;
	[sflag:s22] =	ssyncset.done $0x0  }
0xac: {  	s29 =	sadd.s32 $0x1400, s28;
	[sflag:s22] =	ssyncadd.s32 $0xFFFFC000  }
0xad: {  	[spmem:s1] =	stream.indirect.scatter.add.f32 [tilespmem:s20], [sflag:$0x2], $0x80, s29, s19, $0xb8;
	[tilespmem:$0x1E800] =	vst v63  }
0xae: {  	_ =	swait.ge [sflag:s17], $0x4000  }
0xaf: {  	[sflag:s17] =	ssyncset.done $0x0  }
0xb0: {  	s29 =	sadd.s32 $0x100, s28;
	[sflag:s17] =	ssyncadd.s32 $0xFFFFC000  }
0xb1: {  	[tilespmem:s20], [sflag:$0x1] =	stream.indirect.gather [hbm4b:s5+s19], $0x80, s29, s19, $0xb8;
	[tilespmem:$0x1E800] =	vst v63  }
0xb2: {  	_ =	swait.ge [sflag:s22], $0x4000  }
0xb3: {  	[sflag:s22] =	ssyncset.done $0x0  }
.Ltmp6:
0xb4: {  	s29 =	sadd.s32 $0x1480, s28;
	[sflag:s22] =	ssyncadd.s32 $0xFFFFC000;
	(pc) =	sbr.rel @p1 .LBB2_8-.Ltmp6, $4  }
0xb5: {  	[spmem:s1] =	stream.indirect.scatter.add.f32 [tilespmem:s21], [sflag:$0x2], $0x80, s29, s19, $0xb8;
	[tilespmem:$0x1E800] =	vst v63  }
0xb6: {  	_ =	swait.ge [sflag:s17], $0x4000  }
0xb7: {  	[sflag:s17] =	ssyncset.done $0x0  }
0xb8: {  	s28 =	sadd.s32 $0x180, s28;
	[sflag:s17] =	ssyncadd.s32 $0xFFFFC000  }
0xb9: {  	[tilespmem:s21], [sflag:$0x1] =	stream.indirect.gather [hbm4b:s5+s19], $0x80, s28, s19, $0xb8;
	[tilespmem:$0x1E800] =	vst v63  }
0xba: {  	_ =	swait.ge [sflag:s22], $0x4000  }
0xbb: {  	[sflag:s22] =	ssyncset.done $0x0  }
0xbc: {  	[sflag:s22] =	ssyncadd.s32 $0xFFFFC000  }
0xbd: {  	[spmem:s1] =	stream.indirect.scatter.add.f32 [tilespmem:s20], [sflag:$0x2], $0x80, s23, s19, $0xb8;
	[tilespmem:$0x1E800] =	vst v63  }
0xbe: {  	_ =	swait.ge [sflag:s17], $0x4000  }
0xbf: {  	[sflag:s17] =	ssyncset.done $0x0  }
0xc0: {  	[sflag:s17] =	ssyncadd.s32 $0xFFFFC000  }
0xc1: {  	_ =	swait.ge [sflag:s22], $0x4000  }
0xc2: {  	[sflag:s22] =	ssyncset.done $0x0  }
0xc3: {  	[sflag:s22] =	ssyncadd.s32 $0xFFFFC000  }
0xc4: {  	[spmem:s1] =	stream.indirect.scatter.add.f32 [tilespmem:s21], [sflag:$0x2], $0x80, s24, s19, $0xb8;
	[tilespmem:$0x1E800] =	vst v63  }
0xc5: {  	_ =	swait.ge [sflag:s17], $0x4000  }
0xc6: {  	[sflag:s17] =	ssyncset.done $0x0  }
0xc7: {  	s26 =	simm.s32 $0x0;
	[sflag:s17] =	ssyncadd.s32 $0xFFFFC000  }
0xc8: {  	[tilespmem:s26], [sflag:$0x2] =	stream.linear.gather [hbm4b:s13+s26], $0x1400, $0x38;
	[tilespmem:$0x1E800] =	vst v63  }
0xc9: {  	_ =	swait.ge [sflag:s17], $0x1400  }
0xca: {  	[sflag:s17] =	ssyncset.done $0x0  }
0xcb: {  	[sflag:s17] =	ssyncadd.s32 $0xFFFFEC00  }
0xcc: {  	[tilespmem:s18], [sflag:$0x2] =	stream.linear.gather [hbm4b:s14+s26], $0x1400, $0x38;
	[tilespmem:$0x1E800] =	vst v63  }
0xcd: {  	_ =	swait.ge [sflag:s17], $0x1400  }
0xce: {  	[sflag:s17] =	ssyncset.done $0x0  }
0xcf: {  	[sflag:s17] =	ssyncadd.s32 $0xFFFFEC00  }
0xd0: {  	[tilespmem:s20], [sflag:$0x1] =	stream.indirect.gather [hbm4b:s5+s19], $0x80, s26, s19, $0xb8;
	[tilespmem:$0x1E800] =	vst v63  }
0xd1: {  	_ = 	snop  }
0xd2: {  	[tilespmem:s21], [sflag:$0x1] =	stream.indirect.gather [hbm4b:s5+s19], $0x80, s19, s19, $0xb8;
	[tilespmem:$0x1E800] =	vst v63  }
0xd3: {  	_ =	swait.ge [sflag:s22], $0x4000  }
0xd4: {  	[sflag:s22] =	ssyncset.done $0x0  }
0xd5: {  	s29 =	simm.s32 $0x1400;
	[sflag:s22] =	ssyncadd.s32 $0xFFFFC000  }
0xd6: {  	[spmem:s1] =	stream.indirect.scatter.add.f32 [tilespmem:s20], [sflag:$0x2], $0x80, s29, s19, $0xb8;
	[tilespmem:$0x1E800] =	vst v63  }
0xd7: {  	_ =	swait.ge [sflag:s17], $0x4000  }
0xd8: {  	[sflag:s17] =	ssyncset.done $0x0  }
0xd9: {  	s30 =	simm.s32 $0x100;
	[sflag:s17] =	ssyncadd.s32 $0xFFFFC000  }
0xda: {  	[tilespmem:s20], [sflag:$0x1] =	stream.indirect.gather [hbm4b:s5+s19], $0x80, s30, s19, $0xb8;
	[tilespmem:$0x1E800] =	vst v63  }
0xdb: {  	_ =	swait.ge [sflag:s22], $0x4000  }
0xdc: {  	[sflag:s22] =	ssyncset.done $0x0  }
0xdd: {  	s31 =	simm.s32 $0x1480;
	[sflag:s22] =	ssyncadd.s32 $0xFFFFC000  }
0xde: {  	[spmem:s1] =	stream.indirect.scatter.add.f32 [tilespmem:s21], [sflag:$0x2], $0x80, s31, s19, $0xb8;
	[tilespmem:$0x1E800] =	vst v63  }
0xdf: {  	_ =	swait.ge [sflag:s17], $0x4000  }
0xe0: {  	[sflag:s17] =	ssyncset.done $0x0  }
0xe1: {  	s28 =	simm.s32 $0x180;
	s26 =	simm.s32 $0x400;
	[sflag:s17] =	ssyncadd.s32 $0xFFFFC000  }
.LBB2_10:
0xe2: {  	[tilespmem:s21], [sflag:$0x1] =	stream.indirect.gather [hbm4b:s5+s19], $0x80, s28, s19, $0xb8;
	[tilespmem:$0x1E800] =	vst v63  }
0xe3: {  	s28 =	smov.u32 s26  }
0xe4: {  	p1 =	sne.s32 s26, $0x4800;
	s26 =	sadd.s32 $0x400, s26;
	_ =	swait.ge [sflag:s22], $0x4000  }
0xe5: {  	s28 =	sshra.s32 s28, $0x2;
	[sflag:s22] =	ssyncset.done $0x0  }
0xe6: {  	s29 =	sadd.s32 $0x1400, s28;
	[sflag:s22] =	ssyncadd.s32 $0xFFFFC000  }
0xe7: {  	[spmem:s1] =	stream.indirect.scatter.add.f32 [tilespmem:s20], [sflag:$0x2], $0x80, s29, s19, $0xb8;
	[tilespmem:$0x1E800] =	vst v63  }
0xe8: {  	_ =	swait.ge [sflag:s17], $0x4000  }
0xe9: {  	[sflag:s17] =	ssyncset.done $0x0  }
0xea: {  	s29 =	sadd.s32 $0x100, s28;
	[sflag:s17] =	ssyncadd.s32 $0xFFFFC000  }
0xeb: {  	[tilespmem:s20], [sflag:$0x1] =	stream.indirect.gather [hbm4b:s5+s19], $0x80, s29, s19, $0xb8;
	[tilespmem:$0x1E800] =	vst v63  }
0xec: {  	_ =	swait.ge [sflag:s22], $0x4000  }
0xed: {  	[sflag:s22] =	ssyncset.done $0x0  }
.Ltmp7:
0xee: {  	s29 =	sadd.s32 $0x1480, s28;
	[sflag:s22] =	ssyncadd.s32 $0xFFFFC000;
	(pc) =	sbr.rel @p1 .LBB2_10-.Ltmp7, $4  }
0xef: {  	[spmem:s1] =	stream.indirect.scatter.add.f32 [tilespmem:s21], [sflag:$0x2], $0x80, s29, s19, $0xb8;
	[tilespmem:$0x1E800] =	vst v63  }
0xf0: {  	_ =	swait.ge [sflag:s17], $0x4000  }
0xf1: {  	[sflag:s17] =	ssyncset.done $0x0  }
0xf2: {  	s28 =	sadd.s32 $0x180, s28;
	[sflag:s17] =	ssyncadd.s32 $0xFFFFC000  }
.Ltmp8:
0xf3: {  	_ = 	snop;
	(pc) =	sbr.rel .LBB2_11-.Ltmp8, $1  }
0xf4: {  	_ =	sdelay $0x3  }
.LBB2_13:
0xf5: {  	_ =	sfence.sel $0x180000  }
0xf6: {  	[bflag:$0x0] =	sbarrier.arrive $0xFFFF  }
0xf7: {  	p0 =	sne.s32 s3, $0x0;
	_ =	strace $0x9000004A  }
0xf8: {  	s0 =	sadd.s32 @!p0 $0x100000, s0;
	[bflag:$0x2] =	sbarrier.arrive $0xFFFF  }
0xf9: {  	[sflag:s0] =	ssyncadd.tile.s32 @!p0 $0x1;
	_ =	shalt  }
.Lfunc_end2:
_tile_overlayer_lowered:
.L_overlay_start_2:
0xfa: {  	(tag) =	ssettag $0x2  }
0xfb: {  	s0 =	rddreg [dreg:$0x0];
	s2 =	stileid.u32  }
0xfc: {  	s1 =	rddreg [dreg:$0x1];
	p0 =	sne.s32 s2, $0x0  }
0xfd: {  	s3 =	rddreg [dreg:$0x2];
	[bflag:$0x3] =	sbarrier.arrive $0xFFFF;
	s2 =	simm.s32 @!p0 $0x1C02  }
0xfe: {  	[timem:s3], [sflag:s2] =	dma.local @!p0 [hbm:s0], s1  }
0xff: {  	s0 =	simm.s32 @!p0 $0x2  }
0x100: {  	_ =	swait.ge @!p0 [sflag:s0], s1  }
0x101: {  	s1 =	ssub.s32 @!p0 $0x0, s1;
	[sflag:s0] =	ssyncset.done @!p0 $0x0  }
0x102: {  	[sflag:s0] =	ssyncadd.s32 @!p0 s1  }
0x103: {  	[bflag:$0x3] =	sbarrier.arrive $0xFFFF  }
0x104: {  	_ =	shalt  }

// kernel: kernel.14.cloned.1.call-start
scs
__scs_entry_jumppad:
0x0: {  	(pc) =	sbr.rel $0x88, $3  }
0x1: {  	(tag) =	ssettag $0x0;
	lr =	simm.s32 $0x1  }
0x2: {  	[smem:$0x3F99] =	sst lr;
	_ =	strace $0xD0000000  }
0x3: {  	_ = 	snop  }
0x4: {  	_ = 	snop  }
0x5: {  	_ = 	snop  }
0x6: {  	_ = 	snop  }
0x7: {  	_ = 	snop  }
__scs_overlays_trampoline_lowered:
0x8: {  	[smem:$0x3FA8] =	sst s0  }
0x9: {  	[smem:$0x3FA9] =	sst s1  }
0xa: {  	[smem:$0x3FAA] =	sst s2  }
0xb: {  	[smem:$0x3FAB] =	sst s3  }
0xc: {  	[smem:$0x3FAC] =	sst s4  }
0xd: {  	[smem:$0x3FAD] =	sst s5  }
0xe: {  	[smem:$0x3FAE] =	sst s6  }
0xf: {  	[smem:$0x3FAF] =	sst s7  }
0x10: {  	[smem:$0x3FB0] =	sst s8  }
0x11: {  	[smem:$0x3FB1] =	sst s9;
	s0 =	simm.s32 @!p0 $0x0  }
0x12: {  	s1 =	sld [smem:$0x3F97];
	s0 =	simm.s32 @p0 $0x1  }
0x13: {  	[smem:$0x3FB2] =	sst s0;
	s0 =	simm.s32 @!p1 $0x0  }
0x14: {  	s2 =	sld [smem:$0x3F96];
	s0 =	simm.s32 @p1 $0x1  }
0x15: {  	[smem:$0x3FB3] =	sst s0;
	s0 =	simm.s32 @!p2 $0x0  }
0x16: {  	s3 =	sld [smem:$0x3FDB];
	s0 =	simm.s32 @p2 $0x1  }
0x17: {  	s4 =	simm.s32 $0x1BF5;
	[smem:$0x3FB5] =	sst s0  }
0x18: {  	s0 =	sld [smem:$0x3F98];
	_ =	swait.ge [sflag:s4], $0x0  }
0x19: {  	s7 =	sld [smem:$0x3F99]  }
0x1a: {  	s8 =	sadd.s32 $0xFFFFE003, lr  }
0x1b: {  	s9 =	sadd.s32 $0xFFFFFEF7, lr;
	s5 =	simm.s32 $0xFFFFFFFF;
	p2 =	slt.u32 s8, $0xFFFFF086  }
0x1c: {  	p1 =	slt.u32 s9, $0xF7A;
	s5 =	simm.s32 @!p2 $0x0  }
0x1d: {  	s5 =	simm.s32 @p1 $0x1;
	p0 =	seq.s32 s7, s2  }
0x1e: {  	s7 =	smul.u32 @!p0 $0xF7A, s2;
	p2 =	seq.s32 @!p0 s5, $0x0  }
0x1f: {  	s9 =	smul.u32 $0xF7A, s1;
	s8 =	simm.s32 @!p0 $0x1BF5;
	p2 =	por !p2, p0  }
0x20: {  	[sflag:s8] =	ssyncset.s32 @!p0 $0xFFFFF086;
	s6 =	sadd.s32 @!p0 s3, s7;
	s7 =	simm.s32 @!p0 $0x108  }
0x21: {  	s3 =	sadd.s32 s3, s9;
	s6 =	sadd.s32 @!p0 $0x88, s6;
	s7 =	simm.s32 @p2 $0x1082  }
0x22: {  	[simem:s7], [sflag:s8] =	dma.local @!p0 [hbm:s6], $0xF7A  }
0x23: {  	s9 =	sor.u32 $0xD0000000, s2;
	s6 =	simm.s32 $0x108;
	_ =	swait.ge @!p0 [sflag:s8], $0x0  }
0x24: {  	s3 =	sadd.s32 $0x88, s3;
	s6 =	simm.s32 @!p1 $0x1082;
	[sflag:s4] =	ssyncset.s32 $0xFFFFF086  }
0x25: {  	[simem:s6], [sflag:s4] =	dma.local [hbm:s3], $0xF7A  }
0x26: {  	[smem:$0x3F99] =	sst s1;
	(tag) =	ssettag s2;
	_ =	strace s9  }
0x27: {  	s1 =	sld [smem:$0x3FA9]  }
0x28: {  	s2 =	sld [smem:$0x3FAA]  }
0x29: {  	s4 =	sld [smem:$0x3FAC]  }
0x2a: {  	p0 =	seq.s32 s5, $0x0;
	s5 =	sld [smem:$0x3FAD]  }
0x2b: {  	s6 =	sld [smem:$0x3FAE]  }
0x2c: {  	s7 =	sld [smem:$0x3FAF]  }
0x2d: {  	s3 =	simm.s32 $0x108;
	s8 =	sld [smem:$0x3FB0]  }
0x2e: {  	s3 =	simm.s32 @!p0 $0x1082;
	s9 =	sld [smem:$0x3FB1]  }
0x2f: {  	lr =	sadd.s32 s0, s3;
	s0 =	sld [smem:$0x3FA8]  }
0x30: {  	s3 =	sld [smem:$0x3FAB]  }
0x31: {  	[smem:$0x3FB4] =	sst s10  }
0x32: {  	s10 =	sld [smem:$0x3FB2];
	_ =	sdelay $0x3  }
0x33: {  	p0 =	seq.s32 s10, $0x1;
	s10 =	sld [smem:$0x3FB4];
	_ =	sdelay $0x3  }
0x34: {  	[smem:$0x3FB4] =	sst s10  }
0x35: {  	s10 =	sld [smem:$0x3FB3];
	_ =	sdelay $0x3  }
0x36: {  	p1 =	seq.s32 s10, $0x1;
	s10 =	sld [smem:$0x3FB4];
	_ =	sdelay $0x3  }
0x37: {  	[smem:$0x3FB4] =	sst s10  }
0x38: {  	s10 =	sld [smem:$0x3FB5]  }
0x39: {  	_ = 	snop;
	(pc) =	sbr.ind lr, $3  }
0x3a: {  	_ = 	snop  }
0x3b: {  	_ = 	snop  }
0x3c: {  	p2 =	seq.s32 s10, $0x1;
	s10 =	sld [smem:$0x3FB4]  }
0x3d: {  	_ =	shalt  }
0x3e: {  	_ =	shalt  }
0x3f: {  	_ =	shalt  }
0x40: {  	_ =	shalt  }
0x41: {  	_ =	shalt  }
0x42: {  	_ =	shalt  }
0x43: {  	_ =	shalt  }
0x44: {  	_ =	shalt  }
0x45: {  	_ =	shalt  }
0x46: {  	_ =	shalt  }
0x47: {  	_ =	shalt  }
0x48: {  	_ =	shalt  }
0x49: {  	_ =	shalt  }
0x4a: {  	_ =	shalt  }
0x4b: {  	_ =	shalt  }
0x4c: {  	_ =	shalt  }
0x4d: {  	_ =	shalt  }
0x4e: {  	_ =	shalt  }
0x4f: {  	_ =	shalt  }
0x50: {  	_ =	shalt  }
0x51: {  	_ =	shalt  }
0x52: {  	_ =	shalt  }
0x53: {  	_ =	shalt  }
0x54: {  	_ =	shalt  }
0x55: {  	_ =	shalt  }
0x56: {  	_ =	shalt  }
0x57: {  	_ =	shalt  }
0x58: {  	_ =	shalt  }
0x59: {  	_ =	shalt  }
0x5a: {  	_ =	shalt  }
0x5b: {  	_ =	shalt  }
0x5c: {  	_ =	shalt  }
0x5d: {  	_ =	shalt  }
0x5e: {  	_ =	shalt  }
0x5f: {  	_ =	shalt  }
0x60: {  	_ =	shalt  }
0x61: {  	_ =	shalt  }
0x62: {  	_ =	shalt  }
0x63: {  	_ =	shalt  }
0x64: {  	_ =	shalt  }
0x65: {  	_ =	shalt  }
0x66: {  	_ =	shalt  }
0x67: {  	_ =	shalt  }
0x68: {  	_ =	shalt  }
0x69: {  	_ =	shalt  }
0x6a: {  	_ =	shalt  }
0x6b: {  	_ =	shalt  }
0x6c: {  	_ =	shalt  }
0x6d: {  	_ =	shalt  }
0x6e: {  	_ =	shalt  }
0x6f: {  	_ =	shalt  }
0x70: {  	_ =	shalt  }
0x71: {  	_ =	shalt  }
0x72: {  	_ =	shalt  }
0x73: {  	_ =	shalt  }
0x74: {  	_ =	shalt  }
0x75: {  	_ =	shalt  }
0x76: {  	_ =	shalt  }
0x77: {  	_ =	shalt  }
0x78: {  	_ =	shalt  }
0x79: {  	_ =	shalt  }
0x7a: {  	_ =	shalt  }
0x7b: {  	_ =	shalt  }
0x7c: {  	_ =	shalt  }
0x7d: {  	_ =	shalt  }
0x7e: {  	_ =	shalt  }
0x7f: {  	_ =	shalt  }
0x80: {  	_ =	shalt  }
0x81: {  	_ =	shalt  }
0x82: {  	_ =	shalt  }
0x83: {  	_ =	shalt  }
0x84: {  	_ =	shalt  }
0x85: {  	_ =	shalt  }
0x86: {  	_ =	shalt  }
0x87: {  	_ =	shalt  }
.Lfunc_end0:
.L_simem_size_0:
called_computation.2_lowered:
.L_overlay_start_0:
0x88: {  	s2 =	sld [smem:$0x3FD9]  }
0x89: {  	s3 =	sld [smem:$0x3FFE];
	_ =	sdelay $0x1  }
0x8a: {  	s1 =	srdreg.scid  }
0x8b: {  	s0 =	sand.u32 $0x1, s1  }
0x8c: {  	s14 =	sshll.u32 s0, $0xA;
	s2 =	sadd.s32 s3, s2  }
0x8d: {  	s2 =	sadd.s32 s2, s14  }
0x8e: {  	[smem:$0x3FC0] =	sst s2  }
0x8f: {  	_ = 	snop  }
0x90: {  	s2 =	sld [smem:$0x3FD0];
	_ =	sdelay $0x2  }
0x91: {  	s15 =	simm.s32 $0xA;
	s4 =	simm.s32 $0x10  }
0x92: {  	[smem:s4], [sflag:s15] =	dma.local [hbm:s2], $0x1  }
0x93: {  	_ =	swait.eq [sflag:s15], $0x1  }
0x94: {  	[sflag:s15] =	ssyncset.done $0x0  }
0x95: {  	[sflag:s15] =	ssyncadd.s32 $0xFFFFFFFF  }
0x96: {  	s16 =	sld [smem:$0x10];
	(tm) =	ssettm $0x1  }
0x97: {  	s17 =	sld [smem:$0x3FFB];
	_ =	sdelay $0x3  }
0x98: {  	_ =	strace s17  }
0x99: {  	s3 =	sld [smem:$0x3FFC];
	_ =	sdelay $0x3  }
0x9a: {  	_ =	strace s3  }
0x9b: {  	s3 =	sld [smem:$0x3FFD];
	_ =	sdelay $0x3  }
0x9c: {  	_ =	strace s3  }
0x9d: {  	_ =	strace $0x8FFFFFFF  }
0x9e: {  	s18 =	sld [smem:$0x3FDB];
	_ =	sdelay $0x1  }
0x9f: {  	s19 =	simm.s32 $_scs_section_size  }
0xa0: {  	s5 =	simm.s32 $_size__tile_overlayer_lowered;
	s6 =	simm.s32 $_tile_overlayer_lowered  }
0xa1: {  	s22 =	simm.s32 $0x1BFF;
	s21 =	sshll.u32 s6, $0x1;
	s3 =	sadd.s32 s19, s18  }
0xa2: {  	s7 =	simm.s32 $0x0;
	s20 =	sshll.u32 s5, $0x1;
	s5 =	sadd.s32 s21, s3  }
0xa3: {  	[timem:s7], [sflag:s22] =	dma.local [hbm:s5], s20  }
0xa4: {  	_ =	swait.ge [sflag:s22], s20  }
0xa5: {  	s4 =	ssub.s32 $0x0, s20;
	[sflag:s22] =	ssyncset.done $0x0  }
0xa6: {  	[sflag:s22] =	ssyncadd.s32 s4;
	_ =	sdelay $0x1  }
0xa7: {  	s23 =	simm.s32 $0x1B8B  }
0xa8: {  	_ =	swait.ge [sflag:s23], $0x1  }
0xa9: {  	[sflag:s23] =	ssyncset.done $0x0  }
0xaa: {  	s25 =	simm.s32 $0x1B8E;
	s24 =	sld [smem:$0x3FFE];
	[sflag:s23] =	ssyncadd.s32 $0xFFFFFFFF  }
0xab: {  	s26 =	simm.s32 $execute0_lowered;
	[smem:$0x3FD2] =	sst s25  }
0xac: {  	s5 =	sshll.u32 s26, $0x1;
	_ =	strace $0x8000004C;
	[dreg:$0x1] =	wrdreg $0xFFFFFFFF  }
0xad: {  	s28 =	simm.s32 $_size_execute0_lowered;
	s3 =	sadd.s32 s3, s5;
	[dreg:$0x0] =	wrdreg $0x0  }
0xae: {  	s5 =	sshll.u32 s28, $0x1;
	[dreg:$0x2] =	wrdreg s3  }
0xaf: {  	[dreg:$0x3] =	wrdreg s5  }
0xb0: {  	[dreg:$0x4] =	wrdreg $0xC0  }
0xb1: {  	_ =	task [dreg:s7], $0x5FFFF  }
0xb2: {  	[dreg:$0x1] =	wrdreg $0xFFFFFFFF  }
0xb3: {  	[dreg:$0x0] =	wrdreg $0x60  }
0xb4: {  	[dreg:$0x2] =	wrdreg s24  }
0xb5: {  	[dreg:$0x3] =	wrdreg s16  }
0xb6: {  	[dreg:$0x4] =	wrdreg $0xA8000  }
0xb7: {  	[dreg:$0x5] =	wrdreg $0x9  }
0xb8: {  	_ =	task.clear_ibuf [dreg:s7], $0x6FFFF;
	_ =	strace $0x9000004C  }
0xb9: {  	s29 =	simm.s32 $0x9;
	_ =	strace $0x8000004E  }
0xba: {  	_ =	swait.ge [sflag:s29], $0x1  }
0xbb: {  	[sflag:s29] =	ssyncadd.s32 $0xFFFFFFFF  }
0xbc: {  	_ =	strace $0x9000004E  }
0xbd: {  	_ =	sfence  }
0xbe: {  	s30 =	sld [smem:$0x0];
	_ =	sdelay $0x2  }
0xbf: {  	s31 =	sshll.u32 s1, $0xD;
	s1 =	sshrl.u32 s1, $0x2  }
0xc0: {  	s3 =	sand.u32 $0x4000, s31;
	s1 =	sadd.s32 s1, s30  }
0xc1: {  	s0 =	sor.u32 s3, s0;
	s1 =	sshll.u32 s1, $0x11  }
0xc2: {  	s0 =	sor.u32 s1, s0  }
0xc3: {  	s0 =	sadd.s32 $0x8F2B, s0  }
0xc4: {  	[sflag:s0] =	ssyncadd.remote.s32 $0x1  }
0xc5: {  	_ =	sfence.sel $0xFFFF  }
0xc6: {  	[dreg:$0x0] =	wrdreg $0xFFFFFFFF;
	(pc) =	sbr.abs _section_cstart, $3  }
0xc7: {  	[dreg:$0x1] =	wrdreg $0xFFFFFFFF  }
0xc8: {  	_ =	task.clear_ibuf [dreg:s7], $0x2FFFF;
	_ =	strace $0x9FFFFFFF  }
0xc9: {  	(tm) =	ssettm $0x7FFFFFFF  }
tec
execute0_lowered:
.L_overlay_start_1:
0x0: {  	(tag) =	ssettag $0x1  }
0x1: {  	s0 =	rddreg [dreg:$0x0]  }
0x2: {  	s13 =	rddreg [dreg:$0x1]  }
0x3: {  	s1 =	rddreg [dreg:$0x2];
	s2 =	simm.s32 $0x0  }
0x4: {  	s10 =	srdreg.scid;
	s7 =	stileid.u32;
	s22 =	simm.s32 $0x1400  }
0x5: {  	s23 =	simm.s32 $0x80;
	s24 =	simm.s32 $0x2800;
	s25 =	simm.s32 $0x6800  }
0x6: {  	s28 =	simm.s32 $0x2700;
	s29 =	simm.s32 $0x2780;
	s30 =	simm.s32 $0x0  }
0x7: {  	[smem:$0x7FF] =	sst s2;
	s3 =	sadd.s32 $0x37200, s0;
	s4 =	sadd.s32 $0x5E400, s0  }
0x8: {  	s5 =	sadd.s32 $0x85600, s0;
	s6 =	sadd.s32 $0xAC800, s0;
	s17 =	sadd.s32 $0x5200, s0  }
0x9: {  	s18 =	sadd.s32 $0xA200, s0;
	s8 =	sadd.s32 $0xD3A00, s0;
	s9 =	sadd.s32 $0xFBA00, s0  }
0xa: {  	s20 =	sand.u32 $0x1, s10;
	s12 =	smul.u32 $0x50000, s7;
	s10 =	sadd.s32 $0x123A00, s0  }
0xb: {  	s11 =	sadd.s32 $0x14BA00, s0;
	s16 =	smul.u32 $0x500, s7;
	s31 =	sshll.u32 s7, $0x6  }
0xc: {  	_ =	strace $0x8000004D;
	s26 =	ssub.s32 $0x2, s20;
	p0 =	sne.s32 s20, $0x0  }
0xd: {  	s14 =	sshrl.u32 s26, $0x1;
	s15 =	sshrl.u32 s12, $0x2;
	s12 =	smul.u32 $0x2800, s7  }
.Ltmp0:
0xe: {  	s0 =	ssub.s32 s26, s14;
	s21 =	sadd.s32 s15, s1;
	(pc) =	sbr.rel .LBB2_1-.Ltmp0, $4  }
0xf: {  	s14 =	sor.u32 $0x1C02, s31;
	s15 =	sadd.s32 s17, s16;
	s16 =	sadd.s32 s18, s16  }
0x10: {  	s26 =	simm.s32 $0x1;
	s13 =	sadd.s32 s13, s12;
	s19 =	sshrl.u32 s12, $0x3  }
0x11: {  	s20 =	sshrl.u32 s21, $0x3;
	s21 =	simm.s32 $0x2;
	s19 =	sadd.s32 $0x280, s19  }
0x12: {  	s17 =	sadd.s32 s17, s19;
	s18 =	sadd.s32 s18, s19;
	s19 =	smax.u32 s0, $0x1  }
.LBB2_22:
0x13: {  	[tilespmem:s25], [sflag:$0x1] =	stream.indirect.gather [hbm4b:s6+s23], $0x80, s0, s23, $0xb8;
	[tilespmem:$0x1E800] =	vst v63  }
0x14: {  	s31 =	smov.u32 s11  }
.LBB2_23:
0x15: {  	_ =	swait.ge [sflag:s26], $0x4000  }
0x16: {  	[sflag:s26] =	ssyncset.done $0x0  }
0x17: {  	[sflag:s26] =	ssyncadd.s32 $0xFFFFC000  }
0x18: {  	[spmem:s1] =	stream.indirect.scatter.add.f32 [tilespmem:s24], [sflag:$0x2], $0x80, s28, s23, $0xb8;
	[tilespmem:$0x1E800] =	vst v63  }
0x19: {  	_ =	swait.ge [sflag:s21], $0x4000  }
0x1a: {  	[sflag:s21] =	ssyncset.done $0x0  }
0x1b: {  	[sflag:s21] =	ssyncadd.s32 $0xFFFFC000  }
0x1c: {  	_ =	swait.ge [sflag:s26], $0x4000  }
0x1d: {  	[sflag:s26] =	ssyncset.done $0x0  }
0x1e: {  	[sflag:s26] =	ssyncadd.s32 $0xFFFFC000  }
0x1f: {  	[spmem:s1] =	stream.indirect.scatter.add.f32 [tilespmem:s25], [sflag:$0x2], $0x80, s29, s23, $0xb8;
	[tilespmem:$0x1E800] =	vst v63  }
0x20: {  	_ =	swait.ge [sflag:s21], $0x4000  }
0x21: {  	s30 =	sadd.s32 $0x1, s30;
	[sflag:s21] =	ssyncset.done $0x0  }
0x22: {  	p1 =	sne.s32 s30, s19;
	[sflag:s21] =	ssyncadd.s32 $0xFFFFC000  }
.Ltmp1:
0x23: {  	s0 =	sadd.s32 s31, s12;
	[bflag:$0x0] =	sbarrier.arrive $0xFFFF;
	(pc) =	sbr.rel @!p1 .LBB2_24-.Ltmp1, $4  }
0x24: {  	[hbm:s0], [sflag:s14] =	dma.local [spmem:s20], $0x2800  }
0x25: {  	_ =	swait.ge [sflag:s21], $0x2800  }
0x26: {  	[sflag:s21] =	ssyncset.done $0x0  }
0x27: {  	[sflag:s21] =	ssyncadd.s32 $0xFFFFD800  }
.LBB2_1:
0x28: {  	[spmem:s20], [sflag:s14] =	dma.local [hbm:s13], $0x2800  }
0x29: {  	_ =	swait.ge [sflag:s21], $0x2800  }
0x2a: {  	[sflag:s21] =	ssyncset.done $0x0  }
0x2b: {  	[sflag:s21] =	ssyncadd.s32 $0xFFFFD800  }
0x2c: {  	[bflag:$0x0] =	sbarrier.arrive $0xFFFF  }
0x2d: {  	[tilespmem:s2], [sflag:$0x2] =	stream.linear.gather [hbm4b:s15+s2], $0x1400, $0x38;
	[tilespmem:$0x1E800] =	vst v63  }
0x2e: {  	_ =	swait.ge [sflag:s21], $0x1400  }
0x2f: {  	[sflag:s21] =	ssyncset.done $0x0  }
.Ltmp2:
0x30: {  	[sflag:s21] =	ssyncadd.s32 $0xFFFFEC00;
	(pc) =	sbr.rel @p0 .LBB2_7-.Ltmp2, $4  }
0x31: {  	[tilespmem:s22], [sflag:$0x2] =	stream.linear.gather [hbm4b:s16+s2], $0x1400, $0x38;
	[tilespmem:$0x1E800] =	vst v63  }
0x32: {  	_ =	swait.ge [sflag:s21], $0x1400  }
0x33: {  	[sflag:s21] =	ssyncset.done $0x0  }
0x34: {  	s0 =	simm.s32 $0x0;
	[sflag:s21] =	ssyncadd.s32 $0xFFFFEC00  }
0x35: {  	[tilespmem:s24], [sflag:$0x1] =	stream.indirect.gather [hbm4b:s3+s23], $0x80, s0, s23, $0xb8;
	[tilespmem:$0x1E800] =	vst v63  }
0x36: {  	_ = 	snop  }
0x37: {  	[tilespmem:s25], [sflag:$0x1] =	stream.indirect.gather [hbm4b:s3+s23], $0x80, s23, s23, $0xb8;
	[tilespmem:$0x1E800] =	vst v63  }
0x38: {  	_ =	swait.ge [sflag:s26], $0x4000  }
0x39: {  	[sflag:s26] =	ssyncset.done $0x0  }
0x3a: {  	s7 =	simm.s32 $0x1400;
	[sflag:s26] =	ssyncadd.s32 $0xFFFFC000  }
0x3b: {  	[spmem:s1] =	stream.indirect.scatter.add.f32 [tilespmem:s24], [sflag:$0x2], $0x80, s7, s23, $0xb8;
	[tilespmem:$0x1E800] =	vst v63  }
0x3c: {  	_ =	swait.ge [sflag:s21], $0x4000  }
0x3d: {  	[sflag:s21] =	ssyncset.done $0x0  }
0x3e: {  	s7 =	simm.s32 $0x100;
	[sflag:s21] =	ssyncadd.s32 $0xFFFFC000  }
0x3f: {  	[tilespmem:s24], [sflag:$0x1] =	stream.indirect.gather [hbm4b:s3+s23], $0x80, s7, s23, $0xb8;
	[tilespmem:$0x1E800] =	vst v63  }
0x40: {  	_ =	swait.ge [sflag:s26], $0x4000  }
0x41: {  	[sflag:s26] =	ssyncset.done $0x0  }
0x42: {  	s7 =	simm.s32 $0x1480;
	[sflag:s26] =	ssyncadd.s32 $0xFFFFC000  }
0x43: {  	[spmem:s1] =	stream.indirect.scatter.add.f32 [tilespmem:s25], [sflag:$0x2], $0x80, s7, s23, $0xb8;
	[tilespmem:$0x1E800] =	vst v63  }
0x44: {  	_ =	swait.ge [sflag:s21], $0x4000  }
0x45: {  	[sflag:s21] =	ssyncset.done $0x0  }
0x46: {  	s31 =	simm.s32 $0x400;
	s0 =	simm.s32 $0x180;
	[sflag:s21] =	ssyncadd.s32 $0xFFFFC000  }
.LBB2_3:
0x47: {  	[tilespmem:s25], [sflag:$0x1] =	stream.indirect.gather [hbm4b:s3+s23], $0x80, s0, s23, $0xb8;
	[tilespmem:$0x1E800] =	vst v63  }
0x48: {  	s0 =	smov.u32 s31  }
0x49: {  	p1 =	sne.s32 s31, $0x4800;
	s31 =	sadd.s32 $0x400, s31;
	_ =	swait.ge [sflag:s26], $0x4000  }
0x4a: {  	s0 =	sshra.s32 s0, $0x2;
	[sflag:s26] =	ssyncset.done $0x0  }
0x4b: {  	s7 =	sadd.s32 $0x1400, s0;
	[sflag:s26] =	ssyncadd.s32 $0xFFFFC000  }
0x4c: {  	[spmem:s1] =	stream.indirect.scatter.add.f32 [tilespmem:s24], [sflag:$0x2], $0x80, s7, s23, $0xb8;
	[tilespmem:$0x1E800] =	vst v63  }
0x4d: {  	_ =	swait.ge [sflag:s21], $0x4000  }
0x4e: {  	[sflag:s21] =	ssyncset.done $0x0  }
0x4f: {  	s7 =	sadd.s32 $0x100, s0;
	[sflag:s21] =	ssyncadd.s32 $0xFFFFC000  }
0x50: {  	[tilespmem:s24], [sflag:$0x1] =	stream.indirect.gather [hbm4b:s3+s23], $0x80, s7, s23, $0xb8;
	[tilespmem:$0x1E800] =	vst v63  }
0x51: {  	_ =	swait.ge [sflag:s26], $0x4000  }
0x52: {  	[sflag:s26] =	ssyncset.done $0x0  }
.Ltmp3:
0x53: {  	s7 =	sadd.s32 $0x1480, s0;
	[sflag:s26] =	ssyncadd.s32 $0xFFFFC000;
	(pc) =	sbr.rel @p1 .LBB2_3-.Ltmp3, $4  }
0x54: {  	[spmem:s1] =	stream.indirect.scatter.add.f32 [tilespmem:s25], [sflag:$0x2], $0x80, s7, s23, $0xb8;
	[tilespmem:$0x1E800] =	vst v63  }
0x55: {  	_ =	swait.ge [sflag:s21], $0x4000  }
0x56: {  	[sflag:s21] =	ssyncset.done $0x0  }
0x57: {  	s0 =	sadd.s32 $0x180, s0;
	[sflag:s21] =	ssyncadd.s32 $0xFFFFC000  }
0x58: {  	[tilespmem:s25], [sflag:$0x1] =	stream.indirect.gather [hbm4b:s3+s23], $0x80, s0, s23, $0xb8;
	[tilespmem:$0x1E800] =	vst v63  }
0x59: {  	_ =	swait.ge [sflag:s26], $0x4000  }
0x5a: {  	[sflag:s26] =	ssyncset.done $0x0  }
0x5b: {  	[sflag:s26] =	ssyncadd.s32 $0xFFFFC000  }
0x5c: {  	[spmem:s1] =	stream.indirect.scatter.add.f32 [tilespmem:s24], [sflag:$0x2], $0x80, s28, s23, $0xb8;
	[tilespmem:$0x1E800] =	vst v63  }
0x5d: {  	_ =	swait.ge [sflag:s21], $0x4000  }
0x5e: {  	[sflag:s21] =	ssyncset.done $0x0  }
0x5f: {  	[sflag:s21] =	ssyncadd.s32 $0xFFFFC000  }
0x60: {  	_ =	swait.ge [sflag:s26], $0x4000  }
0x61: {  	[sflag:s26] =	ssyncset.done $0x0  }
0x62: {  	[sflag:s26] =	ssyncadd.s32 $0xFFFFC000  }
0x63: {  	[spmem:s1] =	stream.indirect.scatter.add.f32 [tilespmem:s25], [sflag:$0x2], $0x80, s29, s23, $0xb8;
	[tilespmem:$0x1E800] =	vst v63  }
0x64: {  	_ =	swait.ge [sflag:s21], $0x4000  }
0x65: {  	[sflag:s21] =	ssyncset.done $0x0  }
0x66: {  	s7 =	simm.s32 $0x0;
	[sflag:s21] =	ssyncadd.s32 $0xFFFFC000  }
0x67: {  	[tilespmem:s7], [sflag:$0x2] =	stream.linear.gather [hbm4b:s17+s7], $0x1400, $0x38;
	[tilespmem:$0x1E800] =	vst v63  }
0x68: {  	_ =	swait.ge [sflag:s21], $0x1400  }
0x69: {  	[sflag:s21] =	ssyncset.done $0x0  }
0x6a: {  	[sflag:s21] =	ssyncadd.s32 $0xFFFFEC00  }
0x6b: {  	[tilespmem:s22], [sflag:$0x2] =	stream.linear.gather [hbm4b:s18+s7], $0x1400, $0x38;
	[tilespmem:$0x1E800] =	vst v63  }
0x6c: {  	_ =	swait.ge [sflag:s21], $0x1400  }
0x6d: {  	[sflag:s21] =	ssyncset.done $0x0  }
0x6e: {  	[sflag:s21] =	ssyncadd.s32 $0xFFFFEC00  }
0x6f: {  	[tilespmem:s24], [sflag:$0x1] =	stream.indirect.gather [hbm4b:s3+s23], $0x80, s7, s23, $0xb8;
	[tilespmem:$0x1E800] =	vst v63  }
0x70: {  	_ = 	snop  }
0x71: {  	[tilespmem:s25], [sflag:$0x1] =	stream.indirect.gather [hbm4b:s3+s23], $0x80, s23, s23, $0xb8;
	[tilespmem:$0x1E800] =	vst v63  }
0x72: {  	_ =	swait.ge [sflag:s26], $0x4000  }
0x73: {  	[sflag:s26] =	ssyncset.done $0x0  }
0x74: {  	s7 =	simm.s32 $0x1400;
	[sflag:s26] =	ssyncadd.s32 $0xFFFFC000  }
0x75: {  	[spmem:s1] =	stream.indirect.scatter.add.f32 [tilespmem:s24], [sflag:$0x2], $0x80, s7, s23, $0xb8;
	[tilespmem:$0x1E800] =	vst v63  }
0x76: {  	_ =	swait.ge [sflag:s21], $0x4000  }
0x77: {  	[sflag:s21] =	ssyncset.done $0x0  }
0x78: {  	s7 =	simm.s32 $0x100;
	[sflag:s21] =	ssyncadd.s32 $0xFFFFC000  }
0x79: {  	[tilespmem:s24], [sflag:$0x1] =	stream.indirect.gather [hbm4b:s3+s23], $0x80, s7, s23, $0xb8;
	[tilespmem:$0x1E800] =	vst v63  }
0x7a: {  	_ =	swait.ge [sflag:s26], $0x4000  }
0x7b: {  	[sflag:s26] =	ssyncset.done $0x0  }
0x7c: {  	s7 =	simm.s32 $0x1480;
	[sflag:s26] =	ssyncadd.s32 $0xFFFFC000  }
0x7d: {  	[spmem:s1] =	stream.indirect.scatter.add.f32 [tilespmem:s25], [sflag:$0x2], $0x80, s7, s23, $0xb8;
	[tilespmem:$0x1E800] =	vst v63  }
0x7e: {  	_ =	swait.ge [sflag:s21], $0x4000  }
0x7f: {  	[sflag:s21] =	ssyncset.done $0x0  }
0x80: {  	s31 =	simm.s32 $0x400;
	s0 =	simm.s32 $0x180;
	[sflag:s21] =	ssyncadd.s32 $0xFFFFC000  }
.LBB2_5:
0x81: {  	[tilespmem:s25], [sflag:$0x1] =	stream.indirect.gather [hbm4b:s3+s23], $0x80, s0, s23, $0xb8;
	[tilespmem:$0x1E800] =	vst v63  }
0x82: {  	s0 =	smov.u32 s31  }
0x83: {  	p1 =	seq.s32 s31, $0x4800;
	s31 =	sadd.s32 $0x400, s31;
	_ =	swait.ge [sflag:s26], $0x4000  }
0x84: {  	s0 =	sshra.s32 s0, $0x2;
	[sflag:s26] =	ssyncset.done $0x0  }
0x85: {  	s7 =	sadd.s32 $0x1400, s0;
	[sflag:s26] =	ssyncadd.s32 $0xFFFFC000  }
0x86: {  	[spmem:s1] =	stream.indirect.scatter.add.f32 [tilespmem:s24], [sflag:$0x2], $0x80, s7, s23, $0xb8;
	[tilespmem:$0x1E800] =	vst v63  }
0x87: {  	_ =	swait.ge [sflag:s21], $0x4000  }
0x88: {  	[sflag:s21] =	ssyncset.done $0x0  }
0x89: {  	s7 =	sadd.s32 $0x100, s0;
	[sflag:s21] =	ssyncadd.s32 $0xFFFFC000  }
0x8a: {  	[tilespmem:s24], [sflag:$0x1] =	stream.indirect.gather [hbm4b:s3+s23], $0x80, s7, s23, $0xb8;
	[tilespmem:$0x1E800] =	vst v63  }
0x8b: {  	_ =	swait.ge [sflag:s26], $0x4000  }
0x8c: {  	[sflag:s26] =	ssyncset.done $0x0  }
.Ltmp4:
0x8d: {  	s7 =	sadd.s32 $0x1480, s0;
	[sflag:s26] =	ssyncadd.s32 $0xFFFFC000;
	(pc) =	sbr.rel @!p1 .LBB2_5-.Ltmp4, $4  }
0x8e: {  	[spmem:s1] =	stream.indirect.scatter.add.f32 [tilespmem:s25], [sflag:$0x2], $0x80, s7, s23, $0xb8;
	[tilespmem:$0x1E800] =	vst v63  }
0x8f: {  	_ =	swait.ge [sflag:s21], $0x4000  }
0x90: {  	[sflag:s21] =	ssyncset.done $0x0  }
0x91: {  	s0 =	sadd.s32 $0x180, s0;
	[sflag:s21] =	ssyncadd.s32 $0xFFFFC000  }
.Ltmp5:
0x92: {  	(pc) =	sbr.rel .LBB2_12-.Ltmp5, $3  }
0x93: {  	_ =	sdelay $0x1  }
0x94: {  	[tilespmem:s25], [sflag:$0x1] =	stream.indirect.gather [hbm4b:s3+s23], $0x80, s0, s23, $0xb8;
	[tilespmem:$0x1E800] =	vst v63  }
0x95: {  	s31 =	smov.u32 s8  }
.LBB2_7:
0x96: {  	[tilespmem:s24], [sflag:$0x1] =	stream.indirect.gather [hbm4b:s5+s23], $0x80, s0, s23, $0xb8;
	[tilespmem:$0x1E800] =	vst v63  }
0x97: {  	_ = 	snop  }
0x98: {  	[tilespmem:s25], [sflag:$0x1] =	stream.indirect.gather [hbm4b:s5+s23], $0x80, s23, s23, $0xb8;
	[tilespmem:$0x1E800] =	vst v63  }
0x99: {  	_ =	swait.ge [sflag:s26], $0x4000  }
0x9a: {  	[sflag:s26] =	ssyncset.done $0x0  }
0x9b: {  	s7 =	simm.s32 $0x1400;
	[sflag:s26] =	ssyncadd.s32 $0xFFFFC000  }
0x9c: {  	[spmem:s1] =	stream.indirect.scatter.add.f32 [tilespmem:s24], [sflag:$0x2], $0x80, s7, s23, $0xb8;
	[tilespmem:$0x1E800] =	vst v63  }
0x9d: {  	_ =	swait.ge [sflag:s21], $0x4000  }
0x9e: {  	[sflag:s21] =	ssyncset.done $0x0  }
0x9f: {  	s7 =	simm.s32 $0x100;
	[sflag:s21] =	ssyncadd.s32 $0xFFFFC000  }
0xa0: {  	[tilespmem:s24], [sflag:$0x1] =	stream.indirect.gather [hbm4b:s5+s23], $0x80, s7, s23, $0xb8;
	[tilespmem:$0x1E800] =	vst v63  }
0xa1: {  	_ =	swait.ge [sflag:s26], $0x4000  }
0xa2: {  	[sflag:s26] =	ssyncset.done $0x0  }
0xa3: {  	s7 =	simm.s32 $0x1480;
	[sflag:s26] =	ssyncadd.s32 $0xFFFFC000  }
0xa4: {  	[spmem:s1] =	stream.indirect.scatter.add.f32 [tilespmem:s25], [sflag:$0x2], $0x80, s7, s23, $0xb8;
	[tilespmem:$0x1E800] =	vst v63  }
0xa5: {  	_ =	swait.ge [sflag:s21], $0x4000  }
0xa6: {  	[sflag:s21] =	ssyncset.done $0x0  }
0xa7: {  	s31 =	simm.s32 $0x400;
	s0 =	simm.s32 $0x180;
	[sflag:s21] =	ssyncadd.s32 $0xFFFFC000  }
.LBB2_8:
0xa8: {  	[tilespmem:s25], [sflag:$0x1] =	stream.indirect.gather [hbm4b:s5+s23], $0x80, s0, s23, $0xb8;
	[tilespmem:$0x1E800] =	vst v63  }
0xa9: {  	s0 =	smov.u32 s31  }
0xaa: {  	p1 =	sne.s32 s31, $0x4800;
	s31 =	sadd.s32 $0x400, s31;
	_ =	swait.ge [sflag:s26], $0x4000  }
0xab: {  	s0 =	sshra.s32 s0, $0x2;
	[sflag:s26] =	ssyncset.done $0x0  }
0xac: {  	s7 =	sadd.s32 $0x1400, s0;
	[sflag:s26] =	ssyncadd.s32 $0xFFFFC000  }
0xad: {  	[spmem:s1] =	stream.indirect.scatter.add.f32 [tilespmem:s24], [sflag:$0x2], $0x80, s7, s23, $0xb8;
	[tilespmem:$0x1E800] =	vst v63  }
0xae: {  	_ =	swait.ge [sflag:s21], $0x4000  }
0xaf: {  	[sflag:s21] =	ssyncset.done $0x0  }
0xb0: {  	s7 =	sadd.s32 $0x100, s0;
	[sflag:s21] =	ssyncadd.s32 $0xFFFFC000  }
0xb1: {  	[tilespmem:s24], [sflag:$0x1] =	stream.indirect.gather [hbm4b:s5+s23], $0x80, s7, s23, $0xb8;
	[tilespmem:$0x1E800] =	vst v63  }
0xb2: {  	_ =	swait.ge [sflag:s26], $0x4000  }
0xb3: {  	[sflag:s26] =	ssyncset.done $0x0  }
.Ltmp6:
0xb4: {  	s7 =	sadd.s32 $0x1480, s0;
	[sflag:s26] =	ssyncadd.s32 $0xFFFFC000;
	(pc) =	sbr.rel @p1 .LBB2_8-.Ltmp6, $4  }
0xb5: {  	[spmem:s1] =	stream.indirect.scatter.add.f32 [tilespmem:s25], [sflag:$0x2], $0x80, s7, s23, $0xb8;
	[tilespmem:$0x1E800] =	vst v63  }
0xb6: {  	_ =	swait.ge [sflag:s21], $0x4000  }
0xb7: {  	[sflag:s21] =	ssyncset.done $0x0  }
0xb8: {  	s0 =	sadd.s32 $0x180, s0;
	[sflag:s21] =	ssyncadd.s32 $0xFFFFC000  }
0xb9: {  	[tilespmem:s25], [sflag:$0x1] =	stream.indirect.gather [hbm4b:s5+s23], $0x80, s0, s23, $0xb8;
	[tilespmem:$0x1E800] =	vst v63  }
0xba: {  	_ =	swait.ge [sflag:s26], $0x4000  }
0xbb: {  	[sflag:s26] =	ssyncset.done $0x0  }
0xbc: {  	[sflag:s26] =	ssyncadd.s32 $0xFFFFC000  }
0xbd: {  	[spmem:s1] =	stream.indirect.scatter.add.f32 [tilespmem:s24], [sflag:$0x2], $0x80, s28, s23, $0xb8;
	[tilespmem:$0x1E800] =	vst v63  }
0xbe: {  	_ =	swait.ge [sflag:s21], $0x4000  }
0xbf: {  	[sflag:s21] =	ssyncset.done $0x0  }
0xc0: {  	[sflag:s21] =	ssyncadd.s32 $0xFFFFC000  }
0xc1: {  	_ =	swait.ge [sflag:s26], $0x4000  }
0xc2: {  	[sflag:s26] =	ssyncset.done $0x0  }
0xc3: {  	[sflag:s26] =	ssyncadd.s32 $0xFFFFC000  }
0xc4: {  	[spmem:s1] =	stream.indirect.scatter.add.f32 [tilespmem:s25], [sflag:$0x2], $0x80, s29, s23, $0xb8;
	[tilespmem:$0x1E800] =	vst v63  }
0xc5: {  	_ =	swait.ge [sflag:s21], $0x4000  }
0xc6: {  	[sflag:s21] =	ssyncset.done $0x0  }
0xc7: {  	s7 =	simm.s32 $0x0;
	[sflag:s21] =	ssyncadd.s32 $0xFFFFC000  }
0xc8: {  	[tilespmem:s7], [sflag:$0x2] =	stream.linear.gather [hbm4b:s17+s7], $0x1400, $0x38;
	[tilespmem:$0x1E800] =	vst v63  }
0xc9: {  	_ =	swait.ge [sflag:s21], $0x1400  }
0xca: {  	[sflag:s21] =	ssyncset.done $0x0  }
0xcb: {  	[sflag:s21] =	ssyncadd.s32 $0xFFFFEC00  }
0xcc: {  	[tilespmem:s22], [sflag:$0x2] =	stream.linear.gather [hbm4b:s18+s7], $0x1400, $0x38;
	[tilespmem:$0x1E800] =	vst v63  }
0xcd: {  	_ =	swait.ge [sflag:s21], $0x1400  }
0xce: {  	[sflag:s21] =	ssyncset.done $0x0  }
0xcf: {  	[sflag:s21] =	ssyncadd.s32 $0xFFFFEC00  }
0xd0: {  	[tilespmem:s24], [sflag:$0x1] =	stream.indirect.gather [hbm4b:s5+s23], $0x80, s7, s23, $0xb8;
	[tilespmem:$0x1E800] =	vst v63  }
0xd1: {  	_ = 	snop  }
0xd2: {  	[tilespmem:s25], [sflag:$0x1] =	stream.indirect.gather [hbm4b:s5+s23], $0x80, s23, s23, $0xb8;
	[tilespmem:$0x1E800] =	vst v63  }
0xd3: {  	_ =	swait.ge [sflag:s26], $0x4000  }
0xd4: {  	[sflag:s26] =	ssyncset.done $0x0  }
0xd5: {  	s7 =	simm.s32 $0x1400;
	[sflag:s26] =	ssyncadd.s32 $0xFFFFC000  }
0xd6: {  	[spmem:s1] =	stream.indirect.scatter.add.f32 [tilespmem:s24], [sflag:$0x2], $0x80, s7, s23, $0xb8;
	[tilespmem:$0x1E800] =	vst v63  }
0xd7: {  	_ =	swait.ge [sflag:s21], $0x4000  }
0xd8: {  	[sflag:s21] =	ssyncset.done $0x0  }
0xd9: {  	s7 =	simm.s32 $0x100;
	[sflag:s21] =	ssyncadd.s32 $0xFFFFC000  }
0xda: {  	[tilespmem:s24], [sflag:$0x1] =	stream.indirect.gather [hbm4b:s5+s23], $0x80, s7, s23, $0xb8;
	[tilespmem:$0x1E800] =	vst v63  }
0xdb: {  	_ =	swait.ge [sflag:s26], $0x4000  }
0xdc: {  	[sflag:s26] =	ssyncset.done $0x0  }
0xdd: {  	s7 =	simm.s32 $0x1480;
	[sflag:s26] =	ssyncadd.s32 $0xFFFFC000  }
0xde: {  	[spmem:s1] =	stream.indirect.scatter.add.f32 [tilespmem:s25], [sflag:$0x2], $0x80, s7, s23, $0xb8;
	[tilespmem:$0x1E800] =	vst v63  }
0xdf: {  	_ =	swait.ge [sflag:s21], $0x4000  }
0xe0: {  	[sflag:s21] =	ssyncset.done $0x0  }
0xe1: {  	s31 =	simm.s32 $0x400;
	s0 =	simm.s32 $0x180;
	[sflag:s21] =	ssyncadd.s32 $0xFFFFC000  }
.LBB2_10:
0xe2: {  	[tilespmem:s25], [sflag:$0x1] =	stream.indirect.gather [hbm4b:s5+s23], $0x80, s0, s23, $0xb8;
	[tilespmem:$0x1E800] =	vst v63  }
0xe3: {  	s0 =	smov.u32 s31  }
0xe4: {  	p1 =	sne.s32 s31, $0x4800;
	s31 =	sadd.s32 $0x400, s31;
	_ =	swait.ge [sflag:s26], $0x4000  }
0xe5: {  	s0 =	sshra.s32 s0, $0x2;
	[sflag:s26] =	ssyncset.done $0x0  }
0xe6: {  	s7 =	sadd.s32 $0x1400, s0;
	[sflag:s26] =	ssyncadd.s32 $0xFFFFC000  }
0xe7: {  	[spmem:s1] =	stream.indirect.scatter.add.f32 [tilespmem:s24], [sflag:$0x2], $0x80, s7, s23, $0xb8;
	[tilespmem:$0x1E800] =	vst v63  }
0xe8: {  	_ =	swait.ge [sflag:s21], $0x4000  }
0xe9: {  	[sflag:s21] =	ssyncset.done $0x0  }
0xea: {  	s7 =	sadd.s32 $0x100, s0;
	[sflag:s21] =	ssyncadd.s32 $0xFFFFC000  }
0xeb: {  	[tilespmem:s24], [sflag:$0x1] =	stream.indirect.gather [hbm4b:s5+s23], $0x80, s7, s23, $0xb8;
	[tilespmem:$0x1E800] =	vst v63  }
0xec: {  	_ =	swait.ge [sflag:s26], $0x4000  }
0xed: {  	[sflag:s26] =	ssyncset.done $0x0  }
.Ltmp7:
0xee: {  	s7 =	sadd.s32 $0x1480, s0;
	[sflag:s26] =	ssyncadd.s32 $0xFFFFC000;
	(pc) =	sbr.rel @p1 .LBB2_10-.Ltmp7, $4  }
0xef: {  	[spmem:s1] =	stream.indirect.scatter.add.f32 [tilespmem:s25], [sflag:$0x2], $0x80, s7, s23, $0xb8;
	[tilespmem:$0x1E800] =	vst v63  }
0xf0: {  	_ =	swait.ge [sflag:s21], $0x4000  }
0xf1: {  	[sflag:s21] =	ssyncset.done $0x0  }
0xf2: {  	s0 =	sadd.s32 $0x180, s0;
	[sflag:s21] =	ssyncadd.s32 $0xFFFFC000  }
0xf3: {  	[tilespmem:s25], [sflag:$0x1] =	stream.indirect.gather [hbm4b:s5+s23], $0x80, s0, s23, $0xb8;
	[tilespmem:$0x1E800] =	vst v63  }
0xf4: {  	s31 =	smov.u32 s10  }
.LBB2_12:
0xf5: {  	_ =	swait.ge [sflag:s26], $0x4000  }
0xf6: {  	[sflag:s26] =	ssyncset.done $0x0  }
0xf7: {  	[sflag:s26] =	ssyncadd.s32 $0xFFFFC000  }
0xf8: {  	[spmem:s1] =	stream.indirect.scatter.add.f32 [tilespmem:s24], [sflag:$0x2], $0x80, s28, s23, $0xb8;
	[tilespmem:$0x1E800] =	vst v63  }
0xf9: {  	_ =	swait.ge [sflag:s21], $0x4000  }
0xfa: {  	[sflag:s21] =	ssyncset.done $0x0  }
0xfb: {  	[sflag:s21] =	ssyncadd.s32 $0xFFFFC000  }
0xfc: {  	_ =	swait.ge [sflag:s26], $0x4000  }
0xfd: {  	[sflag:s26] =	ssyncset.done $0x0  }
0xfe: {  	[sflag:s26] =	ssyncadd.s32 $0xFFFFC000  }
0xff: {  	[spmem:s1] =	stream.indirect.scatter.add.f32 [tilespmem:s25], [sflag:$0x2], $0x80, s29, s23, $0xb8;
	[tilespmem:$0x1E800] =	vst v63  }
0x100: {  	_ =	swait.ge [sflag:s21], $0x4000  }
0x101: {  	[sflag:s21] =	ssyncset.done $0x0  }
0x102: {  	[sflag:s21] =	ssyncadd.s32 $0xFFFFC000  }
0x103: {  	s0 =	sadd.s32 s31, s12;
	[bflag:$0x0] =	sbarrier.arrive $0xFFFF  }
0x104: {  	[hbm:s0], [sflag:s14] =	dma.local [spmem:s20], $0x2800  }
0x105: {  	_ =	swait.ge [sflag:s21], $0x2800  }
0x106: {  	[sflag:s21] =	ssyncset.done $0x0  }
0x107: {  	[sflag:s21] =	ssyncadd.s32 $0xFFFFD800  }
0x108: {  	[bflag:$0x0] =	sbarrier.arrive $0xFFFF  }
0x109: {  	[spmem:s20], [sflag:s14] =	dma.local [hbm:s13], $0x2800  }
0x10a: {  	_ =	swait.ge [sflag:s21], $0x2800  }
0x10b: {  	[sflag:s21] =	ssyncset.done $0x0  }
0x10c: {  	[sflag:s21] =	ssyncadd.s32 $0xFFFFD800  }
0x10d: {  	[bflag:$0x0] =	sbarrier.arrive $0xFFFF  }
0x10e: {  	[tilespmem:s2], [sflag:$0x2] =	stream.linear.gather [hbm4b:s15+s2], $0x1400, $0x38;
	[tilespmem:$0x1E800] =	vst v63  }
0x10f: {  	_ =	swait.ge [sflag:s21], $0x1400  }
0x110: {  	[sflag:s21] =	ssyncset.done $0x0  }
.Ltmp8:
0x111: {  	[sflag:s21] =	ssyncadd.s32 $0xFFFFEC00;
	(pc) =	sbr.rel @p0 .LBB2_18-.Ltmp8, $4  }
0x112: {  	[tilespmem:s22], [sflag:$0x2] =	stream.linear.gather [hbm4b:s16+s2], $0x1400, $0x38;
	[tilespmem:$0x1E800] =	vst v63  }
0x113: {  	_ =	swait.ge [sflag:s21], $0x1400  }
0x114: {  	[sflag:s21] =	ssyncset.done $0x0  }
0x115: {  	s0 =	simm.s32 $0x0;
	[sflag:s21] =	ssyncadd.s32 $0xFFFFEC00  }
0x116: {  	[tilespmem:s24], [sflag:$0x1] =	stream.indirect.gather [hbm4b:s4+s23], $0x80, s0, s23, $0xb8;
	[tilespmem:$0x1E800] =	vst v63  }
0x117: {  	_ = 	snop  }
0x118: {  	[tilespmem:s25], [sflag:$0x1] =	stream.indirect.gather [hbm4b:s4+s23], $0x80, s23, s23, $0xb8;
	[tilespmem:$0x1E800] =	vst v63  }
0x119: {  	_ =	swait.ge [sflag:s26], $0x4000  }
0x11a: {  	[sflag:s26] =	ssyncset.done $0x0  }
0x11b: {  	s7 =	simm.s32 $0x1400;
	[sflag:s26] =	ssyncadd.s32 $0xFFFFC000  }
0x11c: {  	[spmem:s1] =	stream.indirect.scatter.add.f32 [tilespmem:s24], [sflag:$0x2], $0x80, s7, s23, $0xb8;
	[tilespmem:$0x1E800] =	vst v63  }
0x11d: {  	_ =	swait.ge [sflag:s21], $0x4000  }
0x11e: {  	[sflag:s21] =	ssyncset.done $0x0  }
0x11f: {  	s7 =	simm.s32 $0x100;
	[sflag:s21] =	ssyncadd.s32 $0xFFFFC000  }
0x120: {  	[tilespmem:s24], [sflag:$0x1] =	stream.indirect.gather [hbm4b:s4+s23], $0x80, s7, s23, $0xb8;
	[tilespmem:$0x1E800] =	vst v63  }
0x121: {  	_ =	swait.ge [sflag:s26], $0x4000  }
0x122: {  	[sflag:s26] =	ssyncset.done $0x0  }
0x123: {  	s7 =	simm.s32 $0x1480;
	[sflag:s26] =	ssyncadd.s32 $0xFFFFC000  }
0x124: {  	[spmem:s1] =	stream.indirect.scatter.add.f32 [tilespmem:s25], [sflag:$0x2], $0x80, s7, s23, $0xb8;
	[tilespmem:$0x1E800] =	vst v63  }
0x125: {  	_ =	swait.ge [sflag:s21], $0x4000  }
0x126: {  	[sflag:s21] =	ssyncset.done $0x0  }
0x127: {  	s31 =	simm.s32 $0x400;
	s0 =	simm.s32 $0x180;
	[sflag:s21] =	ssyncadd.s32 $0xFFFFC000  }
.LBB2_14:
0x128: {  	[tilespmem:s25], [sflag:$0x1] =	stream.indirect.gather [hbm4b:s4+s23], $0x80, s0, s23, $0xb8;
	[tilespmem:$0x1E800] =	vst v63  }
0x129: {  	s0 =	smov.u32 s31  }
0x12a: {  	p1 =	sne.s32 s31, $0x4800;
	s31 =	sadd.s32 $0x400, s31;
	_ =	swait.ge [sflag:s26], $0x4000  }
0x12b: {  	s0 =	sshra.s32 s0, $0x2;
	[sflag:s26] =	ssyncset.done $0x0  }
0x12c: {  	s7 =	sadd.s32 $0x1400, s0;
	[sflag:s26] =	ssyncadd.s32 $0xFFFFC000  }
0x12d: {  	[spmem:s1] =	stream.indirect.scatter.add.f32 [tilespmem:s24], [sflag:$0x2], $0x80, s7, s23, $0xb8;
	[tilespmem:$0x1E800] =	vst v63  }
0x12e: {  	_ =	swait.ge [sflag:s21], $0x4000  }
0x12f: {  	[sflag:s21] =	ssyncset.done $0x0  }
0x130: {  	s7 =	sadd.s32 $0x100, s0;
	[sflag:s21] =	ssyncadd.s32 $0xFFFFC000  }
0x131: {  	[tilespmem:s24], [sflag:$0x1] =	stream.indirect.gather [hbm4b:s4+s23], $0x80, s7, s23, $0xb8;
	[tilespmem:$0x1E800] =	vst v63  }
0x132: {  	_ =	swait.ge [sflag:s26], $0x4000  }
0x133: {  	[sflag:s26] =	ssyncset.done $0x0  }
.Ltmp9:
0x134: {  	s7 =	sadd.s32 $0x1480, s0;
	[sflag:s26] =	ssyncadd.s32 $0xFFFFC000;
	(pc) =	sbr.rel @p1 .LBB2_14-.Ltmp9, $4  }
0x135: {  	[spmem:s1] =	stream.indirect.scatter.add.f32 [tilespmem:s25], [sflag:$0x2], $0x80, s7, s23, $0xb8;
	[tilespmem:$0x1E800] =	vst v63  }
0x136: {  	_ =	swait.ge [sflag:s21], $0x4000  }
0x137: {  	[sflag:s21] =	ssyncset.done $0x0  }
0x138: {  	s0 =	sadd.s32 $0x180, s0;
	[sflag:s21] =	ssyncadd.s32 $0xFFFFC000  }
0x139: {  	[tilespmem:s25], [sflag:$0x1] =	stream.indirect.gather [hbm4b:s4+s23], $0x80, s0, s23, $0xb8;
	[tilespmem:$0x1E800] =	vst v63  }
0x13a: {  	_ =	swait.ge [sflag:s26], $0x4000  }
0x13b: {  	[sflag:s26] =	ssyncset.done $0x0  }
0x13c: {  	[sflag:s26] =	ssyncadd.s32 $0xFFFFC000  }
0x13d: {  	[spmem:s1] =	stream.indirect.scatter.add.f32 [tilespmem:s24], [sflag:$0x2], $0x80, s28, s23, $0xb8;
	[tilespmem:$0x1E800] =	vst v63  }
0x13e: {  	_ =	swait.ge [sflag:s21], $0x4000  }
0x13f: {  	[sflag:s21] =	ssyncset.done $0x0  }
0x140: {  	[sflag:s21] =	ssyncadd.s32 $0xFFFFC000  }
0x141: {  	_ =	swait.ge [sflag:s26], $0x4000  }
0x142: {  	[sflag:s26] =	ssyncset.done $0x0  }
0x143: {  	[sflag:s26] =	ssyncadd.s32 $0xFFFFC000  }
0x144: {  	[spmem:s1] =	stream.indirect.scatter.add.f32 [tilespmem:s25], [sflag:$0x2], $0x80, s29, s23, $0xb8;
	[tilespmem:$0x1E800] =	vst v63  }
0x145: {  	_ =	swait.ge [sflag:s21], $0x4000  }
0x146: {  	[sflag:s21] =	ssyncset.done $0x0  }
0x147: {  	s7 =	simm.s32 $0x0;
	[sflag:s21] =	ssyncadd.s32 $0xFFFFC000  }
0x148: {  	[tilespmem:s7], [sflag:$0x2] =	stream.linear.gather [hbm4b:s17+s7], $0x1400, $0x38;
	[tilespmem:$0x1E800] =	vst v63  }
0x149: {  	_ =	swait.ge [sflag:s21], $0x1400  }
0x14a: {  	[sflag:s21] =	ssyncset.done $0x0  }
0x14b: {  	[sflag:s21] =	ssyncadd.s32 $0xFFFFEC00  }
0x14c: {  	[tilespmem:s22], [sflag:$0x2] =	stream.linear.gather [hbm4b:s18+s7], $0x1400, $0x38;
	[tilespmem:$0x1E800] =	vst v63  }
0x14d: {  	_ =	swait.ge [sflag:s21], $0x1400  }
0x14e: {  	[sflag:s21] =	ssyncset.done $0x0  }
0x14f: {  	[sflag:s21] =	ssyncadd.s32 $0xFFFFEC00  }
0x150: {  	[tilespmem:s24], [sflag:$0x1] =	stream.indirect.gather [hbm4b:s4+s23], $0x80, s7, s23, $0xb8;
	[tilespmem:$0x1E800] =	vst v63  }
0x151: {  	_ = 	snop  }
0x152: {  	[tilespmem:s25], [sflag:$0x1] =	stream.indirect.gather [hbm4b:s4+s23], $0x80, s23, s23, $0xb8;
	[tilespmem:$0x1E800] =	vst v63  }
0x153: {  	_ =	swait.ge [sflag:s26], $0x4000  }
0x154: {  	[sflag:s26] =	ssyncset.done $0x0  }
0x155: {  	s7 =	simm.s32 $0x1400;
	[sflag:s26] =	ssyncadd.s32 $0xFFFFC000  }
0x156: {  	[spmem:s1] =	stream.indirect.scatter.add.f32 [tilespmem:s24], [sflag:$0x2], $0x80, s7, s23, $0xb8;
	[tilespmem:$0x1E800] =	vst v63  }
0x157: {  	_ =	swait.ge [sflag:s21], $0x4000  }
0x158: {  	[sflag:s21] =	ssyncset.done $0x0  }
0x159: {  	s7 =	simm.s32 $0x100;
	[sflag:s21] =	ssyncadd.s32 $0xFFFFC000  }
0x15a: {  	[tilespmem:s24], [sflag:$0x1] =	stream.indirect.gather [hbm4b:s4+s23], $0x80, s7, s23, $0xb8;
	[tilespmem:$0x1E800] =	vst v63  }
0x15b: {  	_ =	swait.ge [sflag:s26], $0x4000  }
0x15c: {  	[sflag:s26] =	ssyncset.done $0x0  }
0x15d: {  	s7 =	simm.s32 $0x1480;
	[sflag:s26] =	ssyncadd.s32 $0xFFFFC000  }
0x15e: {  	[spmem:s1] =	stream.indirect.scatter.add.f32 [tilespmem:s25], [sflag:$0x2], $0x80, s7, s23, $0xb8;
	[tilespmem:$0x1E800] =	vst v63  }
0x15f: {  	_ =	swait.ge [sflag:s21], $0x4000  }
0x160: {  	[sflag:s21] =	ssyncset.done $0x0  }
0x161: {  	s31 =	simm.s32 $0x400;
	s0 =	simm.s32 $0x180;
	[sflag:s21] =	ssyncadd.s32 $0xFFFFC000  }
.LBB2_16:
0x162: {  	[tilespmem:s25], [sflag:$0x1] =	stream.indirect.gather [hbm4b:s4+s23], $0x80, s0, s23, $0xb8;
	[tilespmem:$0x1E800] =	vst v63  }
0x163: {  	s0 =	smov.u32 s31  }
0x164: {  	p1 =	seq.s32 s31, $0x4800;
	s31 =	sadd.s32 $0x400, s31;
	_ =	swait.ge [sflag:s26], $0x4000  }
0x165: {  	s0 =	sshra.s32 s0, $0x2;
	[sflag:s26] =	ssyncset.done $0x0  }
0x166: {  	s7 =	sadd.s32 $0x1400, s0;
	[sflag:s26] =	ssyncadd.s32 $0xFFFFC000  }
0x167: {  	[spmem:s1] =	stream.indirect.scatter.add.f32 [tilespmem:s24], [sflag:$0x2], $0x80, s7, s23, $0xb8;
	[tilespmem:$0x1E800] =	vst v63  }
0x168: {  	_ =	swait.ge [sflag:s21], $0x4000  }
0x169: {  	[sflag:s21] =	ssyncset.done $0x0  }
0x16a: {  	s7 =	sadd.s32 $0x100, s0;
	[sflag:s21] =	ssyncadd.s32 $0xFFFFC000  }
0x16b: {  	[tilespmem:s24], [sflag:$0x1] =	stream.indirect.gather [hbm4b:s4+s23], $0x80, s7, s23, $0xb8;
	[tilespmem:$0x1E800] =	vst v63  }
0x16c: {  	_ =	swait.ge [sflag:s26], $0x4000  }
0x16d: {  	[sflag:s26] =	ssyncset.done $0x0  }
.Ltmp10:
0x16e: {  	s7 =	sadd.s32 $0x1480, s0;
	[sflag:s26] =	ssyncadd.s32 $0xFFFFC000;
	(pc) =	sbr.rel @!p1 .LBB2_16-.Ltmp10, $4  }
0x16f: {  	[spmem:s1] =	stream.indirect.scatter.add.f32 [tilespmem:s25], [sflag:$0x2], $0x80, s7, s23, $0xb8;
	[tilespmem:$0x1E800] =	vst v63  }
0x170: {  	_ =	swait.ge [sflag:s21], $0x4000  }
0x171: {  	[sflag:s21] =	ssyncset.done $0x0  }
0x172: {  	s0 =	sadd.s32 $0x180, s0;
	[sflag:s21] =	ssyncadd.s32 $0xFFFFC000  }
.Ltmp11:
0x173: {  	(pc) =	sbr.rel .LBB2_23-.Ltmp11, $3  }
0x174: {  	_ =	sdelay $0x1  }
0x175: {  	[tilespmem:s25], [sflag:$0x1] =	stream.indirect.gather [hbm4b:s4+s23], $0x80, s0, s23, $0xb8;
	[tilespmem:$0x1E800] =	vst v63  }
0x176: {  	s31 =	smov.u32 s9  }
.LBB2_18:
0x177: {  	[tilespmem:s24], [sflag:$0x1] =	stream.indirect.gather [hbm4b:s6+s23], $0x80, s0, s23, $0xb8;
	[tilespmem:$0x1E800] =	vst v63  }
0x178: {  	_ = 	snop  }
0x179: {  	[tilespmem:s25], [sflag:$0x1] =	stream.indirect.gather [hbm4b:s6+s23], $0x80, s23, s23, $0xb8;
	[tilespmem:$0x1E800] =	vst v63  }
0x17a: {  	_ =	swait.ge [sflag:s26], $0x4000  }
0x17b: {  	[sflag:s26] =	ssyncset.done $0x0  }
0x17c: {  	s7 =	simm.s32 $0x1400;
	[sflag:s26] =	ssyncadd.s32 $0xFFFFC000  }
0x17d: {  	[spmem:s1] =	stream.indirect.scatter.add.f32 [tilespmem:s24], [sflag:$0x2], $0x80, s7, s23, $0xb8;
	[tilespmem:$0x1E800] =	vst v63  }
0x17e: {  	_ =	swait.ge [sflag:s21], $0x4000  }
0x17f: {  	[sflag:s21] =	ssyncset.done $0x0  }
0x180: {  	s7 =	simm.s32 $0x100;
	[sflag:s21] =	ssyncadd.s32 $0xFFFFC000  }
0x181: {  	[tilespmem:s24], [sflag:$0x1] =	stream.indirect.gather [hbm4b:s6+s23], $0x80, s7, s23, $0xb8;
	[tilespmem:$0x1E800] =	vst v63  }
0x182: {  	_ =	swait.ge [sflag:s26], $0x4000  }
0x183: {  	[sflag:s26] =	ssyncset.done $0x0  }
0x184: {  	s7 =	simm.s32 $0x1480;
	[sflag:s26] =	ssyncadd.s32 $0xFFFFC000  }
0x185: {  	[spmem:s1] =	stream.indirect.scatter.add.f32 [tilespmem:s25], [sflag:$0x2], $0x80, s7, s23, $0xb8;
	[tilespmem:$0x1E800] =	vst v63  }
0x186: {  	_ =	swait.ge [sflag:s21], $0x4000  }
0x187: {  	[sflag:s21] =	ssyncset.done $0x0  }
0x188: {  	s31 =	simm.s32 $0x400;
	s0 =	simm.s32 $0x180;
	[sflag:s21] =	ssyncadd.s32 $0xFFFFC000  }
.LBB2_19:
0x189: {  	[tilespmem:s25], [sflag:$0x1] =	stream.indirect.gather [hbm4b:s6+s23], $0x80, s0, s23, $0xb8;
	[tilespmem:$0x1E800] =	vst v63  }
0x18a: {  	s0 =	smov.u32 s31  }
0x18b: {  	p1 =	sne.s32 s31, $0x4800;
	s31 =	sadd.s32 $0x400, s31;
	_ =	swait.ge [sflag:s26], $0x4000  }
0x18c: {  	s0 =	sshra.s32 s0, $0x2;
	[sflag:s26] =	ssyncset.done $0x0  }
0x18d: {  	s7 =	sadd.s32 $0x1400, s0;
	[sflag:s26] =	ssyncadd.s32 $0xFFFFC000  }
0x18e: {  	[spmem:s1] =	stream.indirect.scatter.add.f32 [tilespmem:s24], [sflag:$0x2], $0x80, s7, s23, $0xb8;
	[tilespmem:$0x1E800] =	vst v63  }
0x18f: {  	_ =	swait.ge [sflag:s21], $0x4000  }
0x190: {  	[sflag:s21] =	ssyncset.done $0x0  }
0x191: {  	s7 =	sadd.s32 $0x100, s0;
	[sflag:s21] =	ssyncadd.s32 $0xFFFFC000  }
0x192: {  	[tilespmem:s24], [sflag:$0x1] =	stream.indirect.gather [hbm4b:s6+s23], $0x80, s7, s23, $0xb8;
	[tilespmem:$0x1E800] =	vst v63  }
0x193: {  	_ =	swait.ge [sflag:s26], $0x4000  }
0x194: {  	[sflag:s26] =	ssyncset.done $0x0  }
.Ltmp12:
0x195: {  	s7 =	sadd.s32 $0x1480, s0;
	[sflag:s26] =	ssyncadd.s32 $0xFFFFC000;
	(pc) =	sbr.rel @p1 .LBB2_19-.Ltmp12, $4  }
0x196: {  	[spmem:s1] =	stream.indirect.scatter.add.f32 [tilespmem:s25], [sflag:$0x2], $0x80, s7, s23, $0xb8;
	[tilespmem:$0x1E800] =	vst v63  }
0x197: {  	_ =	swait.ge [sflag:s21], $0x4000  }
0x198: {  	[sflag:s21] =	ssyncset.done $0x0  }
0x199: {  	s0 =	sadd.s32 $0x180, s0;
	[sflag:s21] =	ssyncadd.s32 $0xFFFFC000  }
0x19a: {  	[tilespmem:s25], [sflag:$0x1] =	stream.indirect.gather [hbm4b:s6+s23], $0x80, s0, s23, $0xb8;
	[tilespmem:$0x1E800] =	vst v63  }
0x19b: {  	_ =	swait.ge [sflag:s26], $0x4000  }
0x19c: {  	[sflag:s26] =	ssyncset.done $0x0  }
0x19d: {  	[sflag:s26] =	ssyncadd.s32 $0xFFFFC000  }
0x19e: {  	[spmem:s1] =	stream.indirect.scatter.add.f32 [tilespmem:s24], [sflag:$0x2], $0x80, s28, s23, $0xb8;
	[tilespmem:$0x1E800] =	vst v63  }
0x19f: {  	_ =	swait.ge [sflag:s21], $0x4000  }
0x1a0: {  	[sflag:s21] =	ssyncset.done $0x0  }
0x1a1: {  	[sflag:s21] =	ssyncadd.s32 $0xFFFFC000  }
0x1a2: {  	_ =	swait.ge [sflag:s26], $0x4000  }
0x1a3: {  	[sflag:s26] =	ssyncset.done $0x0  }
0x1a4: {  	[sflag:s26] =	ssyncadd.s32 $0xFFFFC000  }
0x1a5: {  	[spmem:s1] =	stream.indirect.scatter.add.f32 [tilespmem:s25], [sflag:$0x2], $0x80, s29, s23, $0xb8;
	[tilespmem:$0x1E800] =	vst v63  }
0x1a6: {  	_ =	swait.ge [sflag:s21], $0x4000  }
0x1a7: {  	[sflag:s21] =	ssyncset.done $0x0  }
0x1a8: {  	s7 =	simm.s32 $0x0;
	[sflag:s21] =	ssyncadd.s32 $0xFFFFC000  }
0x1a9: {  	[tilespmem:s7], [sflag:$0x2] =	stream.linear.gather [hbm4b:s17+s7], $0x1400, $0x38;
	[tilespmem:$0x1E800] =	vst v63  }
0x1aa: {  	_ =	swait.ge [sflag:s21], $0x1400  }
0x1ab: {  	[sflag:s21] =	ssyncset.done $0x0  }
0x1ac: {  	[sflag:s21] =	ssyncadd.s32 $0xFFFFEC00  }
0x1ad: {  	[tilespmem:s22], [sflag:$0x2] =	stream.linear.gather [hbm4b:s18+s7], $0x1400, $0x38;
	[tilespmem:$0x1E800] =	vst v63  }
0x1ae: {  	_ =	swait.ge [sflag:s21], $0x1400  }
0x1af: {  	[sflag:s21] =	ssyncset.done $0x0  }
0x1b0: {  	[sflag:s21] =	ssyncadd.s32 $0xFFFFEC00  }
0x1b1: {  	[tilespmem:s24], [sflag:$0x1] =	stream.indirect.gather [hbm4b:s6+s23], $0x80, s7, s23, $0xb8;
	[tilespmem:$0x1E800] =	vst v63  }
0x1b2: {  	_ = 	snop  }
0x1b3: {  	[tilespmem:s25], [sflag:$0x1] =	stream.indirect.gather [hbm4b:s6+s23], $0x80, s23, s23, $0xb8;
	[tilespmem:$0x1E800] =	vst v63  }
0x1b4: {  	_ =	swait.ge [sflag:s26], $0x4000  }
0x1b5: {  	[sflag:s26] =	ssyncset.done $0x0  }
0x1b6: {  	s7 =	simm.s32 $0x1400;
	[sflag:s26] =	ssyncadd.s32 $0xFFFFC000  }
0x1b7: {  	[spmem:s1] =	stream.indirect.scatter.add.f32 [tilespmem:s24], [sflag:$0x2], $0x80, s7, s23, $0xb8;
	[tilespmem:$0x1E800] =	vst v63  }
0x1b8: {  	_ =	swait.ge [sflag:s21], $0x4000  }
0x1b9: {  	[sflag:s21] =	ssyncset.done $0x0  }
0x1ba: {  	s7 =	simm.s32 $0x100;
	[sflag:s21] =	ssyncadd.s32 $0xFFFFC000  }
0x1bb: {  	[tilespmem:s24], [sflag:$0x1] =	stream.indirect.gather [hbm4b:s6+s23], $0x80, s7, s23, $0xb8;
	[tilespmem:$0x1E800] =	vst v63  }
0x1bc: {  	_ =	swait.ge [sflag:s26], $0x4000  }
0x1bd: {  	[sflag:s26] =	ssyncset.done $0x0  }
0x1be: {  	s7 =	simm.s32 $0x1480;
	[sflag:s26] =	ssyncadd.s32 $0xFFFFC000  }
0x1bf: {  	[spmem:s1] =	stream.indirect.scatter.add.f32 [tilespmem:s25], [sflag:$0x2], $0x80, s7, s23, $0xb8;
	[tilespmem:$0x1E800] =	vst v63  }
0x1c0: {  	_ =	swait.ge [sflag:s21], $0x4000  }
0x1c1: {  	[sflag:s21] =	ssyncset.done $0x0  }
0x1c2: {  	s31 =	simm.s32 $0x400;
	s0 =	simm.s32 $0x180;
	[sflag:s21] =	ssyncadd.s32 $0xFFFFC000  }
.LBB2_21:
0x1c3: {  	[tilespmem:s25], [sflag:$0x1] =	stream.indirect.gather [hbm4b:s6+s23], $0x80, s0, s23, $0xb8;
	[tilespmem:$0x1E800] =	vst v63  }
0x1c4: {  	s0 =	smov.u32 s31  }
0x1c5: {  	p1 =	sne.s32 s31, $0x4800;
	s31 =	sadd.s32 $0x400, s31;
	_ =	swait.ge [sflag:s26], $0x4000  }
0x1c6: {  	s0 =	sshra.s32 s0, $0x2;
	[sflag:s26] =	ssyncset.done $0x0  }
0x1c7: {  	s7 =	sadd.s32 $0x1400, s0;
	[sflag:s26] =	ssyncadd.s32 $0xFFFFC000  }
0x1c8: {  	[spmem:s1] =	stream.indirect.scatter.add.f32 [tilespmem:s24], [sflag:$0x2], $0x80, s7, s23, $0xb8;
	[tilespmem:$0x1E800] =	vst v63  }
0x1c9: {  	_ =	swait.ge [sflag:s21], $0x4000  }
0x1ca: {  	[sflag:s21] =	ssyncset.done $0x0  }
0x1cb: {  	s7 =	sadd.s32 $0x100, s0;
	[sflag:s21] =	ssyncadd.s32 $0xFFFFC000  }
0x1cc: {  	[tilespmem:s24], [sflag:$0x1] =	stream.indirect.gather [hbm4b:s6+s23], $0x80, s7, s23, $0xb8;
	[tilespmem:$0x1E800] =	vst v63  }
0x1cd: {  	_ =	swait.ge [sflag:s26], $0x4000  }
0x1ce: {  	[sflag:s26] =	ssyncset.done $0x0  }
.Ltmp13:
0x1cf: {  	s7 =	sadd.s32 $0x1480, s0;
	[sflag:s26] =	ssyncadd.s32 $0xFFFFC000;
	(pc) =	sbr.rel @p1 .LBB2_21-.Ltmp13, $4  }
0x1d0: {  	[spmem:s1] =	stream.indirect.scatter.add.f32 [tilespmem:s25], [sflag:$0x2], $0x80, s7, s23, $0xb8;
	[tilespmem:$0x1E800] =	vst v63  }
0x1d1: {  	_ =	swait.ge [sflag:s21], $0x4000  }
0x1d2: {  	[sflag:s21] =	ssyncset.done $0x0  }
0x1d3: {  	s0 =	sadd.s32 $0x180, s0;
	[sflag:s21] =	ssyncadd.s32 $0xFFFFC000  }
.Ltmp14:
0x1d4: {  	_ = 	snop;
	(pc) =	sbr.rel .LBB2_22-.Ltmp14, $1  }
0x1d5: {  	_ =	sdelay $0x3  }
.LBB2_24:
0x1d6: {  	_ =	sfence.sel $0x180000  }
0x1d7: {  	[bflag:$0x0] =	sbarrier.arrive $0xFFFF  }
0x1d8: {  	_ =	strace $0x9000004D  }
0x1d9: {  	s0 =	stileid.u32;
	[bflag:$0x2] =	sbarrier.arrive $0xFFFF  }
0x1da: {  	p0 =	sne.s32 s0, $0x0;
	s0 =	rddreg [dreg:$0x3]  }
0x1db: {  	s0 =	sadd.s32 @!p0 $0x100000, s0  }
0x1dc: {  	[sflag:s0] =	ssyncadd.tile.s32 @!p0 $0x1;
	_ =	shalt  }
.Lfunc_end2:
_tile_overlayer_lowered:
.L_overlay_start_2:
0x1dd: {  	(tag) =	ssettag $0x2  }
0x1de: {  	s0 =	rddreg [dreg:$0x0];
	s2 =	stileid.u32  }
0x1df: {  	s1 =	rddreg [dreg:$0x1];
	p0 =	sne.s32 s2, $0x0  }
0x1e0: {  	s3 =	rddreg [dreg:$0x2];
	[bflag:$0x3] =	sbarrier.arrive $0xFFFF;
	s2 =	simm.s32 @!p0 $0x1C02  }
0x1e1: {  	[timem:s3], [sflag:s2] =	dma.local @!p0 [hbm:s0], s1  }
0x1e2: {  	s0 =	simm.s32 @!p0 $0x2  }
0x1e3: {  	_ =	swait.ge @!p0 [sflag:s0], s1  }
0x1e4: {  	s1 =	ssub.s32 @!p0 $0x0, s1;
	[sflag:s0] =	ssyncset.done @!p0 $0x0  }
0x1e5: {  	[sflag:s0] =	ssyncadd.s32 @!p0 s1  }
0x1e6: {  	[bflag:$0x3] =	sbarrier.arrive $0xFFFF  }
0x1e7: {  	_ =	shalt  }

// kernel: kernel.8.cloned.1.call-start
scs
__scs_entry_jumppad:
0x0: {  	(pc) =	sbr.rel $0x88, $3  }
0x1: {  	(tag) =	ssettag $0x0;
	lr =	simm.s32 $0x1  }
0x2: {  	[smem:$0x3F99] =	sst lr;
	_ =	strace $0xD0000000  }
0x3: {  	_ = 	snop  }
0x4: {  	_ = 	snop  }
0x5: {  	_ = 	snop  }
0x6: {  	_ = 	snop  }
0x7: {  	_ = 	snop  }
__scs_overlays_trampoline_lowered:
0x8: {  	[smem:$0x3FA8] =	sst s0  }
0x9: {  	[smem:$0x3FA9] =	sst s1  }
0xa: {  	[smem:$0x3FAA] =	sst s2  }
0xb: {  	[smem:$0x3FAB] =	sst s3  }
0xc: {  	[smem:$0x3FAC] =	sst s4  }
0xd: {  	[smem:$0x3FAD] =	sst s5  }
0xe: {  	[smem:$0x3FAE] =	sst s6  }
0xf: {  	[smem:$0x3FAF] =	sst s7  }
0x10: {  	[smem:$0x3FB0] =	sst s8  }
0x11: {  	[smem:$0x3FB1] =	sst s9;
	s0 =	simm.s32 @!p0 $0x0  }
0x12: {  	s1 =	sld [smem:$0x3F97];
	s0 =	simm.s32 @p0 $0x1  }
0x13: {  	[smem:$0x3FB2] =	sst s0;
	s0 =	simm.s32 @!p1 $0x0  }
0x14: {  	s2 =	sld [smem:$0x3F96];
	s0 =	simm.s32 @p1 $0x1  }
0x15: {  	[smem:$0x3FB3] =	sst s0;
	s0 =	simm.s32 @!p2 $0x0  }
0x16: {  	s3 =	sld [smem:$0x3FDB];
	s0 =	simm.s32 @p2 $0x1  }
0x17: {  	s4 =	simm.s32 $0x1BF5;
	[smem:$0x3FB5] =	sst s0  }
0x18: {  	s0 =	sld [smem:$0x3F98];
	_ =	swait.ge [sflag:s4], $0x0  }
0x19: {  	s7 =	sld [smem:$0x3F99]  }
0x1a: {  	s8 =	sadd.s32 $0xFFFFE003, lr  }
0x1b: {  	s9 =	sadd.s32 $0xFFFFFEF7, lr;
	s5 =	simm.s32 $0xFFFFFFFF;
	p2 =	slt.u32 s8, $0xFFFFF086  }
0x1c: {  	p1 =	slt.u32 s9, $0xF7A;
	s5 =	simm.s32 @!p2 $0x0  }
0x1d: {  	s5 =	simm.s32 @p1 $0x1;
	p0 =	seq.s32 s7, s2  }
0x1e: {  	s7 =	smul.u32 @!p0 $0xF7A, s2;
	p2 =	seq.s32 @!p0 s5, $0x0  }
0x1f: {  	s9 =	smul.u32 $0xF7A, s1;
	s8 =	simm.s32 @!p0 $0x1BF5;
	p2 =	por !p2, p0  }
0x20: {  	[sflag:s8] =	ssyncset.s32 @!p0 $0xFFFFF086;
	s6 =	sadd.s32 @!p0 s3, s7;
	s7 =	simm.s32 @!p0 $0x108  }
0x21: {  	s3 =	sadd.s32 s3, s9;
	s6 =	sadd.s32 @!p0 $0x88, s6;
	s7 =	simm.s32 @p2 $0x1082  }
0x22: {  	[simem:s7], [sflag:s8] =	dma.local @!p0 [hbm:s6], $0xF7A  }
0x23: {  	s9 =	sor.u32 $0xD0000000, s2;
	s6 =	simm.s32 $0x108;
	_ =	swait.ge @!p0 [sflag:s8], $0x0  }
0x24: {  	s3 =	sadd.s32 $0x88, s3;
	s6 =	simm.s32 @!p1 $0x1082;
	[sflag:s4] =	ssyncset.s32 $0xFFFFF086  }
0x25: {  	[simem:s6], [sflag:s4] =	dma.local [hbm:s3], $0xF7A  }
0x26: {  	[smem:$0x3F99] =	sst s1;
	(tag) =	ssettag s2;
	_ =	strace s9  }
0x27: {  	s1 =	sld [smem:$0x3FA9]  }
0x28: {  	s2 =	sld [smem:$0x3FAA]  }
0x29: {  	s4 =	sld [smem:$0x3FAC]  }
0x2a: {  	p0 =	seq.s32 s5, $0x0;
	s5 =	sld [smem:$0x3FAD]  }
0x2b: {  	s6 =	sld [smem:$0x3FAE]  }
0x2c: {  	s7 =	sld [smem:$0x3FAF]  }
0x2d: {  	s3 =	simm.s32 $0x108;
	s8 =	sld [smem:$0x3FB0]  }
0x2e: {  	s3 =	simm.s32 @!p0 $0x1082;
	s9 =	sld [smem:$0x3FB1]  }
0x2f: {  	lr =	sadd.s32 s0, s3;
	s0 =	sld [smem:$0x3FA8]  }
0x30: {  	s3 =	sld [smem:$0x3FAB]  }
0x31: {  	[smem:$0x3FB4] =	sst s10  }
0x32: {  	s10 =	sld [smem:$0x3FB2];
	_ =	sdelay $0x3  }
0x33: {  	p0 =	seq.s32 s10, $0x1;
	s10 =	sld [smem:$0x3FB4];
	_ =	sdelay $0x3  }
0x34: {  	[smem:$0x3FB4] =	sst s10  }
0x35: {  	s10 =	sld [smem:$0x3FB3];
	_ =	sdelay $0x3  }
0x36: {  	p1 =	seq.s32 s10, $0x1;
	s10 =	sld [smem:$0x3FB4];
	_ =	sdelay $0x3  }
0x37: {  	[smem:$0x3FB4] =	sst s10  }
0x38: {  	s10 =	sld [smem:$0x3FB5]  }
0x39: {  	_ = 	snop;
	(pc) =	sbr.ind lr, $3  }
0x3a: {  	_ = 	snop  }
0x3b: {  	_ = 	snop  }
0x3c: {  	p2 =	seq.s32 s10, $0x1;
	s10 =	sld [smem:$0x3FB4]  }
0x3d: {  	_ =	shalt  }
0x3e: {  	_ =	shalt  }
0x3f: {  	_ =	shalt  }
0x40: {  	_ =	shalt  }
0x41: {  	_ =	shalt  }
0x42: {  	_ =	shalt  }
0x43: {  	_ =	shalt  }
0x44: {  	_ =	shalt  }
0x45: {  	_ =	shalt  }
0x46: {  	_ =	shalt  }
0x47: {  	_ =	shalt  }
0x48: {  	_ =	shalt  }
0x49: {  	_ =	shalt  }
0x4a: {  	_ =	shalt  }
0x4b: {  	_ =	shalt  }
0x4c: {  	_ =	shalt  }
0x4d: {  	_ =	shalt  }
0x4e: {  	_ =	shalt  }
0x4f: {  	_ =	shalt  }
0x50: {  	_ =	shalt  }
0x51: {  	_ =	shalt  }
0x52: {  	_ =	shalt  }
0x53: {  	_ =	shalt  }
0x54: {  	_ =	shalt  }
0x55: {  	_ =	shalt  }
0x56: {  	_ =	shalt  }
0x57: {  	_ =	shalt  }
0x58: {  	_ =	shalt  }
0x59: {  	_ =	shalt  }
0x5a: {  	_ =	shalt  }
0x5b: {  	_ =	shalt  }
0x5c: {  	_ =	shalt  }
0x5d: {  	_ =	shalt  }
0x5e: {  	_ =	shalt  }
0x5f: {  	_ =	shalt  }
0x60: {  	_ =	shalt  }
0x61: {  	_ =	shalt  }
0x62: {  	_ =	shalt  }
0x63: {  	_ =	shalt  }
0x64: {  	_ =	shalt  }
0x65: {  	_ =	shalt  }
0x66: {  	_ =	shalt  }
0x67: {  	_ =	shalt  }
0x68: {  	_ =	shalt  }
0x69: {  	_ =	shalt  }
0x6a: {  	_ =	shalt  }
0x6b: {  	_ =	shalt  }
0x6c: {  	_ =	shalt  }
0x6d: {  	_ =	shalt  }
0x6e: {  	_ =	shalt  }
0x6f: {  	_ =	shalt  }
0x70: {  	_ =	shalt  }
0x71: {  	_ =	shalt  }
0x72: {  	_ =	shalt  }
0x73: {  	_ =	shalt  }
0x74: {  	_ =	shalt  }
0x75: {  	_ =	shalt  }
0x76: {  	_ =	shalt  }
0x77: {  	_ =	shalt  }
0x78: {  	_ =	shalt  }
0x79: {  	_ =	shalt  }
0x7a: {  	_ =	shalt  }
0x7b: {  	_ =	shalt  }
0x7c: {  	_ =	shalt  }
0x7d: {  	_ =	shalt  }
0x7e: {  	_ =	shalt  }
0x7f: {  	_ =	shalt  }
0x80: {  	_ =	shalt  }
0x81: {  	_ =	shalt  }
0x82: {  	_ =	shalt  }
0x83: {  	_ =	shalt  }
0x84: {  	_ =	shalt  }
0x85: {  	_ =	shalt  }
0x86: {  	_ =	shalt  }
0x87: {  	_ =	shalt  }
.Lfunc_end0:
.L_simem_size_0:
called_computation_lowered:
.L_overlay_start_0:
0x88: {  	s2 =	sld [smem:$0x3FD9]  }
0x89: {  	s3 =	sld [smem:$0x3FFE];
	_ =	sdelay $0x1  }
0x8a: {  	s1 =	srdreg.scid  }
0x8b: {  	s0 =	sand.u32 $0x1, s1  }
0x8c: {  	s14 =	sshll.u32 s0, $0xA;
	s2 =	sadd.s32 s3, s2  }
0x8d: {  	s2 =	sadd.s32 s2, s14  }
0x8e: {  	[smem:$0x3FC0] =	sst s2  }
0x8f: {  	_ = 	snop  }
0x90: {  	s2 =	sld [smem:$0x3FD0];
	_ =	sdelay $0x2  }
0x91: {  	s15 =	simm.s32 $0xA;
	s4 =	simm.s32 $0x10  }
0x92: {  	[smem:s4], [sflag:s15] =	dma.local [hbm:s2], $0x1  }
0x93: {  	_ =	swait.eq [sflag:s15], $0x1  }
0x94: {  	[sflag:s15] =	ssyncset.done $0x0  }
0x95: {  	s16 =	sld [smem:$0x10];
	[sflag:s15] =	ssyncadd.s32 $0xFFFFFFFF  }
0x96: {  	s17 =	sld [smem:$0x11];
	(tm) =	ssettm $0x1  }
0x97: {  	s18 =	sld [smem:$0x3FFB];
	_ =	sdelay $0x3  }
0x98: {  	_ =	strace s18  }
0x99: {  	s4 =	sld [smem:$0x3FFC];
	_ =	sdelay $0x3  }
0x9a: {  	_ =	strace s4  }
0x9b: {  	s4 =	sld [smem:$0x3FFD];
	_ =	sdelay $0x3  }
0x9c: {  	_ =	strace s4  }
0x9d: {  	_ =	strace $0x8FFFFFFF  }
0x9e: {  	s19 =	sld [smem:$0x3FDB];
	_ =	sdelay $0x1  }
0x9f: {  	s5 =	simm.s32 $_scs_section_size  }
0xa0: {  	s6 =	simm.s32 $_size__tile_overlayer_lowered;
	s7 =	simm.s32 $_tile_overlayer_lowered  }
0xa1: {  	s22 =	simm.s32 $0x1BFF;
	s21 =	sshll.u32 s7, $0x1;
	s4 =	sadd.s32 s5, s19  }
0xa2: {  	s8 =	simm.s32 $0x0;
	s20 =	sshll.u32 s6, $0x1;
	s6 =	sadd.s32 s21, s4  }
0xa3: {  	[timem:s8], [sflag:s22] =	dma.local [hbm:s6], s20  }
0xa4: {  	_ =	swait.ge [sflag:s22], s20  }
0xa5: {  	s5 =	ssub.s32 $0x0, s20;
	[sflag:s22] =	ssyncset.done $0x0  }
0xa6: {  	[sflag:s22] =	ssyncadd.s32 s5;
	_ =	sdelay $0x1  }
0xa7: {  	s23 =	simm.s32 $0x1B8B  }
0xa8: {  	_ =	swait.ge [sflag:s23], $0x1  }
0xa9: {  	[sflag:s23] =	ssyncset.done $0x0  }
0xaa: {  	s25 =	simm.s32 $0x1B8E;
	s24 =	sld [smem:$0x3FFE];
	[sflag:s23] =	ssyncadd.s32 $0xFFFFFFFF  }
0xab: {  	s26 =	simm.s32 $execute0_lowered;
	[smem:$0x3FD2] =	sst s25  }
0xac: {  	s6 =	sshll.u32 s26, $0x1;
	_ =	strace $0x80000046;
	[dreg:$0x1] =	wrdreg $0xFFFFFFFF  }
0xad: {  	s28 =	simm.s32 $_size_execute0_lowered;
	s4 =	sadd.s32 s4, s6;
	[dreg:$0x0] =	wrdreg $0x0  }
0xae: {  	s6 =	sshll.u32 s28, $0x1;
	[dreg:$0x2] =	wrdreg s4  }
0xaf: {  	[dreg:$0x3] =	wrdreg s6  }
0xb0: {  	[dreg:$0x4] =	wrdreg $0xC0  }
0xb1: {  	_ =	task [dreg:s8], $0x5FFFF  }
0xb2: {  	[dreg:$0x1] =	wrdreg $0xFFFFFFFF  }
0xb3: {  	[dreg:$0x0] =	wrdreg $0x60  }
0xb4: {  	[dreg:$0x2] =	wrdreg s24  }
0xb5: {  	[dreg:$0x3] =	wrdreg s17  }
0xb6: {  	[dreg:$0x4] =	wrdreg s16  }
0xb7: {  	[dreg:$0x5] =	wrdreg $0x54000  }
0xb8: {  	[dreg:$0x6] =	wrdreg $0x9  }
0xb9: {  	_ =	task.clear_ibuf [dreg:s8], $0x7FFFF;
	_ =	strace $0x90000046  }
0xba: {  	s29 =	simm.s32 $0x9;
	_ =	strace $0x80000048  }
0xbb: {  	_ =	swait.ge [sflag:s29], $0x1  }
0xbc: {  	[sflag:s29] =	ssyncadd.s32 $0xFFFFFFFF  }
0xbd: {  	_ =	strace $0x90000048  }
0xbe: {  	_ =	sfence  }
0xbf: {  	s30 =	sld [smem:$0x0];
	_ =	sdelay $0x2  }
0xc0: {  	s31 =	sshll.u32 s1, $0xD;
	s1 =	sshrl.u32 s1, $0x2  }
0xc1: {  	s3 =	sand.u32 $0x4000, s31;
	s1 =	sadd.s32 s1, s30  }
0xc2: {  	s0 =	sor.u32 s3, s0;
	s1 =	sshll.u32 s1, $0x11  }
0xc3: {  	s0 =	sor.u32 s1, s0  }
0xc4: {  	s0 =	sadd.s32 $0x8F2B, s0  }
0xc5: {  	[sflag:s0] =	ssyncadd.remote.s32 $0x1  }
0xc6: {  	_ =	sfence.sel $0xFFFF  }
0xc7: {  	[dreg:$0x0] =	wrdreg $0xFFFFFFFF;
	(pc) =	sbr.abs _section_cstart, $3  }
0xc8: {  	[dreg:$0x1] =	wrdreg $0xFFFFFFFF  }
0xc9: {  	_ =	task.clear_ibuf [dreg:s8], $0x2FFFF;
	_ =	strace $0x9FFFFFFF  }
0xca: {  	(tm) =	ssettm $0x7FFFFFFF  }
0xcb: {  	_ =	shalt  }
tec
execute0_lowered:
.L_overlay_start_1:
0x0: {  	(tag) =	ssettag $0x1  }
0x1: {  	s5 =	rddreg [dreg:$0x0]  }
0x2: {  	s0 =	rddreg [dreg:$0x1]  }
0x3: {  	s1 =	srdreg.scid;
	s6 =	rddreg [dreg:$0x2]  }
0x4: {  	s3 =	rddreg [dreg:$0x3];
	s2 =	stileid.u32  }
0x5: {  	s4 =	simm.s32 $0x0;
	s7 =	sand.u32 $0x1, s1;
	s1 =	rddreg [dreg:$0x4]  }
0x6: {  	s12 =	simm.s32 $0x80;
	[smem:$0x7FF] =	sst s4;
	s9 =	smul.u32 $0x50000, s2  }
0x7: {  	s13 =	smul.u32 $0x2800, s2;
	s31 =	sshll.u32 s2, $0x6;
	s8 =	sshll.u32 s7, $0x4  }
0x8: {  	_ =	strace $0x80000047;
	s10 =	smul.u32 $0x28000, s7;
	s7 =	ssub.s32 $0x2, s7  }
0x9: {  	s8 =	sor.u32 s2, s8;
	s11 =	sshrl.u32 s7, $0x1;
	s9 =	sshrl.u32 s9, $0x2  }
0xa: {  	s8 =	smul.u32 $0x280, s8;
	s10 =	sadd.s32 s10, s5;
	s7 =	ssub.s32 s7, s11  }
0xb: {  	s30 =	sadd.s32 s9, s3;
	s9 =	simm.s32 $0x1;
	s14 =	sadd.s32 $0xF200, s10  }
0xc: {  	s7 =	smax.u32 s7, $0x1;
	s10 =	sor.u32 $0x1C01, s31;
	s11 =	sshrl.u32 s30, $0x3  }
0xd: {  	s8 =	sadd.s32 s8, s5;
	s5 =	sadd.s32 s6, s13;
	s13 =	sadd.s32 s13, s14  }
0xe: {  	s14 =	simm.s32 $0x0;
	s6 =	sadd.s32 $0xA200, s8;
	s8 =	simm.s32 $0x1400  }
.LBB2_1:
0xf: {  	[tilespmem:s8], [sflag:$0x1] =	stream.linear.gather [hbm4b:s0+s4], $0x4000, $0x38;
	[tilespmem:$0x19400] =	vst v63  }
0x10: {  	_ =	swait.ge [sflag:s9], $0x4000  }
0x11: {  	[sflag:s9] =	ssyncset.done $0x0  }
0x12: {  	[sflag:s9] =	ssyncadd.s32 $0xFFFFC000  }
0x13: {  	[spmem:s11], [sflag:s10] =	dma.local [hbm:s5], $0x2800  }
0x14: {  	_ =	swait.ge [sflag:s9], $0x2800  }
0x15: {  	[sflag:s9] =	ssyncset.done $0x0  }
0x16: {  	[sflag:s9] =	ssyncadd.s32 $0xFFFFD800  }
0x17: {  	[tilespmem:s4], [sflag:$0x1] =	stream.linear.gather [hbm4b:s6+s4], $0x1400, $0x38;
	[tilespmem:$0x19400] =	vst v63  }
0x18: {  	_ =	swait.ge [sflag:s9], $0x1400  }
0x19: {  	[sflag:s9] =	ssyncset.done $0x0  }
0x1a: {  	[sflag:s9] =	ssyncadd.s32 $0xFFFFEC00  }
0x1b: {  	s15 =	simm.s32 $0x0;
	[bflag:$0x0] =	sbarrier.arrive $0xFFFF  }
0x1c: {  	[spmem:s3] =	stream.indirect.scatter.add.f32 [tilespmem:s8], [sflag:$0x1], $0x80, s15, s12, $0xb8;
	[tilespmem:$0x19400] =	vst v63  }
0x1d: {  	_ =	swait.ge [sflag:s9], $0x4000  }
0x1e: {  	s15 =	simm.s32 $0x200;
	[sflag:s9] =	ssyncset.done $0x0  }
.LBB2_2:
0x1f: {  	s16 =	sshra.s32 s15, $0x2;
	[sflag:s9] =	ssyncadd.s32 $0xFFFFC000;
	p0 =	sne.s32 s15, $0x4E00  }
0x20: {  	[spmem:s3] =	stream.indirect.scatter.add.f32 [tilespmem:s8], [sflag:$0x1], $0x80, s16, s12, $0xb8;
	[tilespmem:$0x19400] =	vst v63  }
.Ltmp0:
0x21: {  	_ = 	snop;
	(pc) =	sbr.rel @p0 .LBB2_2-.Ltmp0, $4  }
0x22: {  	_ = 	snop  }
0x23: {  	s15 =	sadd.s32 $0x200, s15  }
0x24: {  	_ =	swait.ge [sflag:s9], $0x4000  }
0x25: {  	[sflag:s9] =	ssyncset.done $0x0  }
0x26: {  	s14 =	sadd.s32 $0x1, s14  }
0x27: {  	[sflag:s9] =	ssyncadd.s32 $0xFFFFC000;
	p0 =	sne.s32 s14, s7  }
.Ltmp1:
0x28: {  	[bflag:$0x0] =	sbarrier.arrive $0xFFFF;
	(pc) =	sbr.rel @p0 .LBB2_1-.Ltmp1, $4  }
0x29: {  	[hbm:s13], [sflag:s10] =	dma.local [spmem:s11], $0x2800  }
0x2a: {  	_ =	swait.ge [sflag:s9], $0x2800  }
0x2b: {  	[sflag:s9] =	ssyncset.done $0x0  }
0x2c: {  	[sflag:s9] =	ssyncadd.s32 $0xFFFFD800  }
0x2d: {  	_ =	sfence.sel $0x180000  }
0x2e: {  	[bflag:$0x0] =	sbarrier.arrive $0xFFFF  }
0x2f: {  	p0 =	sne.s32 s2, $0x0;
	_ =	strace $0x90000047  }
0x30: {  	s0 =	sadd.s32 @!p0 $0x100000, s1;
	[bflag:$0x2] =	sbarrier.arrive $0xFFFF  }
0x31: {  	[sflag:s0] =	ssyncadd.tile.s32 @!p0 $0x1;
	_ =	shalt  }
.Lfunc_end2:
_tile_overlayer_lowered:
.L_overlay_start_2:
0x32: {  	(tag) =	ssettag $0x2  }
0x33: {  	s0 =	rddreg [dreg:$0x0];
	s2 =	stileid.u32  }
0x34: {  	s1 =	rddreg [dreg:$0x1];
	p0 =	sne.s32 s2, $0x0  }
0x35: {  	s3 =	rddreg [dreg:$0x2];
	[bflag:$0x3] =	sbarrier.arrive $0xFFFF;
	s2 =	simm.s32 @!p0 $0x1C01  }
0x36: {  	[timem:s3], [sflag:s2] =	dma.local @!p0 [hbm:s0], s1  }
0x37: {  	s0 =	simm.s32 @!p0 $0x1  }
0x38: {  	_ =	swait.ge @!p0 [sflag:s0], s1  }
0x39: {  	s1 =	ssub.s32 @!p0 $0x0, s1;
	[sflag:s0] =	ssyncset.done @!p0 $0x0  }
0x3a: {  	[sflag:s0] =	ssyncadd.s32 @!p0 s1  }
0x3b: {  	[bflag:$0x3] =	sbarrier.arrive $0xFFFF  }
0x3c: {  	_ =	shalt  }

</sc_bundles>
